<compile_context>
chip_gen: v7x
topology: tpu7x:2x2x1
jax: 0.10.2.dev20260603
libtpu: 0.0.44.dev20260713+nightly
codegen_flags: <defaults>
</compile_context>

<pallas_src>
import functools

import jax
import jax.numpy as jnp
from jax import lax
from jax.experimental import pallas as pl
from jax.experimental.pallas import tpu as pltpu
from jax.experimental.pallas import tpu_sc as plsc

N = 10000
R = 10240
E = 160000
NG = 64
CW = 128
BLK = 512
NB = R // BLK
EB = 128
NBT = 80
STRIPE = R // 16



def _deg_body(dst_hbm, deg_hbm, accum, zb, ones_v, idx_v, idx8_v):
    cid = lax.axis_index("c")
    sid = lax.axis_index("s")
    z16 = jnp.zeros((16,), jnp.float32)
    o16 = jnp.ones((16,), jnp.float32)
    for q in range(STRIPE // 16):
        zb[pl.ds(16 * q, 16)] = z16
    for q in range(EB // 16):
        ones_v[pl.ds(16 * q, 16)] = o16
    sbase = pl.multiple_of(sid * STRIPE, STRIPE)
    pltpu.sync_copy(zb, accum.at[pl.ds(sbase, STRIPE)])
    plsc.subcore_barrier()
    ebase = cid * (E // 2) + sid * (E // 32)

    def eloop(k, carry):
        off = pl.multiple_of(ebase + k * EB, 8)
        pltpu.sync_copy(dst_hbm.at[pl.ds(off, EB)], idx_v)
        pltpu.sync_copy(ones_v, accum.at[idx_v], add=True)
        return carry

    lax.fori_loop(0, 39, eloop, 0)
    offt = pl.multiple_of(ebase + 4992, 8)
    pltpu.sync_copy(dst_hbm.at[pl.ds(offt, 8)], idx8_v)
    pltpu.sync_copy(ones_v.at[pl.ds(0, 8)], accum.at[idx8_v], add=True)
    plsc.subcore_barrier()
    pltpu.sync_copy(accum.at[pl.ds(sbase, STRIPE)],
                    deg_hbm.at[pl.ds(cid * R + sbase, STRIPE)])


@functools.cache
def _get_deg():
    return pl.kernel(
        _deg_body,
        out_type=jax.ShapeDtypeStruct((2 * R,), jnp.float32),
        mesh=plsc.VectorSubcoreMesh(
            core_axis_name="c", subcore_axis_name="s",
            num_cores=2, num_subcores=16),
        scratch_types=[
            pltpu.VMEM_SHARED((R,), jnp.float32),
            pltpu.VMEM((STRIPE,), jnp.float32),
            pltpu.VMEM((EB,), jnp.float32),
            pltpu.VMEM((EB,), jnp.int32),
            pltpu.VMEM((8,), jnp.int32),
        ],
    )


def _deg_call(dst):
    return _get_deg()(dst)


@functools.cache
def _make_scatter(n_chunks):
    cpc = n_chunks // 2
    epc = E // 16

    def body(hh_hbm, srcoff_hbm, dst_hbm, out_hbm,
             accum, zb, isrc, idst, rows, isrct, idstt, rowst, sem):
        cid = lax.axis_index("c")
        sid = lax.axis_index("s")
        z16 = jnp.zeros((16,), jnp.float32)
        for r in range(16):
            for q in range(8):
                zb[r, pl.ds(16 * q, 16)] = z16
        sbase = pl.multiple_of(sid * STRIPE, STRIPE)
        dbase = pl.multiple_of(sid * epc, 8)
        for j in range(cpc):
            chunk = cid * cpc + j
            rowbase = pl.multiple_of(chunk * R, R)

            def zloop(k, carry):
                pltpu.sync_copy(zb, accum.at[pl.ds(sbase + k * 16, 16)])
                return carry

            lax.fori_loop(0, STRIPE // 16, zloop, 0)
            plsc.subcore_barrier()
            ebase = chunk * E + sid * epc

            def eloop(k, carry):
                off = pl.multiple_of(ebase + k * EB, 8)
                doff = pl.multiple_of(dbase + k * EB, 8)
                pltpu.sync_copy(srcoff_hbm.at[pl.ds(off, EB)], isrc)
                pltpu.sync_copy(dst_hbm.at[pl.ds(doff, EB)], idst)
                pltpu.async_copy(hh_hbm.at[isrc], rows, sem).wait()
                pltpu.sync_copy(rows, accum.at[idst], add=True)
                return carry

            lax.fori_loop(0, epc // EB, eloop, 0)
            offt = pl.multiple_of(ebase + (epc // EB) * EB, 8)
            dofft = pl.multiple_of(dbase + (epc // EB) * EB, 8)
            pltpu.sync_copy(srcoff_hbm.at[pl.ds(offt, 16)], isrct)
            pltpu.sync_copy(dst_hbm.at[pl.ds(dofft, 16)], idstt)
            pltpu.async_copy(hh_hbm.at[isrct], rowst, sem).wait()
            pltpu.sync_copy(rowst, accum.at[idstt], add=True)
            plsc.subcore_barrier()
            pltpu.sync_copy(accum.at[pl.ds(sbase, STRIPE)],
                            out_hbm.at[pl.ds(rowbase + sbase, STRIPE)])
            if j + 1 < cpc:
                plsc.subcore_barrier()

    return pl.kernel(
        body,
        out_type=jax.ShapeDtypeStruct((n_chunks * R, CW), jnp.float32),
        mesh=plsc.VectorSubcoreMesh(core_axis_name="c", subcore_axis_name="s",
                                    num_cores=2, num_subcores=16),
        scratch_types=[
            pltpu.VMEM_SHARED((R, CW), jnp.float32),
            pltpu.VMEM((16, CW), jnp.float32),
            pltpu.VMEM((EB,), jnp.int32),
            pltpu.VMEM((EB,), jnp.int32),
            pltpu.VMEM((EB, CW), jnp.float32),
            pltpu.VMEM((16,), jnp.int32),
            pltpu.VMEM((16,), jnp.int32),
            pltpu.VMEM((16, CW), jnp.float32),
            pltpu.SemaphoreType.DMA,
        ],
    )


def _scatter_call(hh, srcoff, dst, n_chunks):
    return _make_scatter(n_chunks)(hh, srcoff, dst)



def _k1_body(x_ref, w_ref, d0_ref, d1_ref, hh_ref, dis_ref):
    dis = lax.rsqrt(d0_ref[...] + d1_ref[...] + 1.0)
    t = jnp.dot(x_ref[...], w_ref[...], preferred_element_type=jnp.float32)
    hh_ref[...] = t * dis
    dis_ref[...] = dis


def _k1_call(xp, W1t, deg0, deg1):
    nc = 256 // CW
    return pl.pallas_call(
        _k1_body,
        grid=(NB, nc),
        in_specs=[
            pl.BlockSpec((BLK, 128), lambda i, c: (i, 0)),
            pl.BlockSpec((128, CW), lambda i, c: (c, 0)),
            pl.BlockSpec((BLK, 1), lambda i, c: (i, 0)),
            pl.BlockSpec((BLK, 1), lambda i, c: (i, 0)),
        ],
        out_specs=[
            pl.BlockSpec((BLK, CW), lambda i, c: (c * NB + i, 0)),
            pl.BlockSpec((BLK, 1), lambda i, c: (i, 0)),
        ],
        out_shape=[
            jax.ShapeDtypeStruct((nc * R, CW), jnp.float32),
            jax.ShapeDtypeStruct((R, 1), jnp.float32),
        ],
    )(xp, W1t, deg0, deg1)


def _k23_body(n_in, *refs):
    s_refs = refs[:n_in]
    h_refs = refs[n_in:2 * n_in]
    dis_ref, b_ref, w_ref, out_ref = refs[2 * n_in:]
    dis = dis_ref[...]
    scat = jnp.concatenate(
        [s_refs[k][...] + h_refs[k][...] for k in range(n_in)], axis=1)
    z = jnp.maximum(dis * scat + b_ref[...], 0.0)
    t = jnp.dot(z, w_ref[...], preferred_element_type=jnp.float32)
    out_ref[...] = t * dis


def _k23_call(s, hh, dis, b, Wt, n_out, n_in):
    in_specs = []
    for k in range(n_in):
        in_specs.append(
            pl.BlockSpec((BLK, CW), functools.partial(
                lambda i, c, kk: (kk * NB + i, 0), kk=k)))
    for k in range(n_in):
        in_specs.append(
            pl.BlockSpec((BLK, CW), functools.partial(
                lambda i, c, kk: (kk * NB + i, 0), kk=k)))
    in_specs += [
        pl.BlockSpec((BLK, 1), lambda i, c: (i, 0)),
        pl.BlockSpec((1, n_in * CW), lambda i, c: (0, 0)),
        pl.BlockSpec((n_in * CW, CW), lambda i, c: (c, 0)),
    ]
    args = [s] * n_in + [hh] * n_in + [dis, b, Wt]
    return pl.pallas_call(
        functools.partial(_k23_body, n_in),
        grid=(NB, n_out),
        in_specs=in_specs,
        out_specs=pl.BlockSpec((BLK, CW), lambda i, c: (c * NB + i, 0)),
        out_shape=jax.ShapeDtypeStruct((n_out * R, CW), jnp.float32),
    )(*args)


def _k4_body(*refs):
    nch = 512 // CW
    s_refs = refs[:nch]
    h_refs = refs[nch:2 * nch]
    dis_ref, b_ref, bat_ref, wl_ref, bl_ref = refs[2 * nch:2 * nch + 5]
    out_ref = refs[2 * nch + 5]
    sums_ref, cnts_ref = refs[2 * nch + 6:]
    i = pl.program_id(0)

    @pl.when(i == 0)
    def _():
        sums_ref[...] = jnp.zeros_like(sums_ref)
        cnts_ref[...] = jnp.zeros_like(cnts_ref)

    dis = dis_ref[...]
    g = dis * jnp.concatenate(
        [s_refs[k][...] + h_refs[k][...] for k in range(nch)], axis=1)
    g = g + b_ref[...]
    bid = bat_ref[...]
    iota = lax.broadcasted_iota(jnp.int32, (NG, BLK), 0)
    ind = (iota == bid).astype(jnp.float32)
    sums_ref[...] += jnp.dot(ind, g, preferred_element_type=jnp.float32)
    cnts_ref[...] += jnp.broadcast_to(
        jnp.sum(ind, axis=1, keepdims=True), (NG, 128))

    @pl.when(i == NB - 1)
    def _():
        pooled = sums_ref[...] / jnp.maximum(cnts_ref[:, 0:1], 1.0)
        out_ref[...] = jnp.dot(
            pooled, wl_ref[...], preferred_element_type=jnp.float32) + bl_ref[...]


def _k4_call(s3, hh3, dis, b3, batch_p, Wl, bl):
    nch = 512 // CW
    in_specs = []
    for k in range(nch):
        in_specs.append(
            pl.BlockSpec((BLK, CW), functools.partial(
                lambda i, kk: (kk * NB + i, 0), kk=k)))
    for k in range(nch):
        in_specs.append(
            pl.BlockSpec((BLK, CW), functools.partial(
                lambda i, kk: (kk * NB + i, 0), kk=k)))
    in_specs += [
        pl.BlockSpec((BLK, 1), lambda i: (i, 0)),
        pl.BlockSpec((1, 512), lambda i: (0, 0)),
        pl.BlockSpec((1, BLK), lambda i: (0, i)),
        pl.BlockSpec((512, 16), lambda i: (0, 0)),
        pl.BlockSpec((1, 16), lambda i: (0, 0)),
    ]
    args = [s3] * nch + [hh3] * nch + [dis, b3, batch_p, Wl, bl]
    return pl.pallas_call(
        _k4_body,
        grid=(NB,),
        in_specs=in_specs,
        out_specs=pl.BlockSpec((NG, 16), lambda i: (0, 0)),
        out_shape=jax.ShapeDtypeStruct((NG, 16), jnp.float32),
        scratch_shapes=[
            pltpu.VMEM((NG, 512), jnp.float32),
            pltpu.VMEM((NG, 128), jnp.float32),
        ],
    )(*args)



def kernel(x, edge_index, batch, W1, b1, W2, b2, W3, b3, Wl, bl):
    src = edge_index[0]
    dst = edge_index[1]
    deg_tall = _deg_call(dst)
    deg0 = deg_tall[:R].reshape(R, 1)
    deg1 = deg_tall[R:].reshape(R, 1)
    xp = jnp.pad(x, ((0, R - N), (0, 0)))
    batch_p = jnp.pad(batch, (0, R - N), constant_values=NG).reshape(1, R)
    off2 = (jnp.arange(2, dtype=jnp.int32) * R)[:, None]
    off4 = (jnp.arange(4, dtype=jnp.int32) * R)[:, None]
    src2 = (src[None, :] + off2).reshape(-1)
    src4 = (src[None, :] + off4).reshape(-1)

    def wtall(W):
        fi, fo = W.shape
        return W.reshape(fi, fo // CW, CW).transpose(1, 0, 2).reshape(-1, CW)

    hh1, dis = _k1_call(xp, wtall(W1), deg0, deg1)
    s1 = _scatter_call(hh1, src2, dst, 256 // CW)
    hh2 = _k23_call(s1, hh1, dis, b1.reshape(1, -1), wtall(W2),
                    512 // CW, n_in=256 // CW)
    s2 = _scatter_call(hh2, src4, dst, 512 // CW)
    hh3 = _k23_call(s2, hh2, dis, b2.reshape(1, -1), wtall(W3),
                    512 // CW, n_in=512 // CW)
    s3 = _scatter_call(hh3, src4, dst, 512 // CW)
    return _k4_call(s3, hh3, dis, b3.reshape(1, -1), batch_p, Wl, bl.reshape(1, -1))

# --- scband reference (transcript-rebuilt; emitter-appended) ---
"""Pipeline reference for scband-simple-gcnmodel-1683627180174 (READ-ONLY COPY).

The authoritative reference and input builder live on the scoring server;
editing this copy changes nothing except your own understanding.
"""

import jax, jax.numpy as jnp
import numpy as np

N_NODES = 10000
N_EDGES = 160000
D_IN = 128
D_H1 = 256
D_H2 = 512
D_OUT = 16
NUM_GRAPHS = 64


def _glorot(key, fan_in, fan_out):
    s = jnp.sqrt(2.0 / (fan_in + fan_out))
    return jax.random.normal(key, (fan_in, fan_out), dtype=jnp.float32) * s


def setup_inputs(seed: int = 0) -> dict:
    key = jax.random.key(seed)
    ks = jax.random.split(key, 12)
    x = jax.random.normal(ks[0], (N_NODES, D_IN), dtype=jnp.float32)
    edge_index = jax.random.randint(ks[1], (2, N_EDGES), 0, N_NODES, dtype=jnp.int32)
    batch = jnp.sort(jax.random.randint(ks[2], (N_NODES,), 0, NUM_GRAPHS, dtype=jnp.int32))
    W1 = _glorot(ks[3], D_IN, D_H1)
    b1 = jnp.zeros((D_H1,), dtype=jnp.float32)
    W2 = _glorot(ks[4], D_H1, D_H2)
    b2 = jnp.zeros((D_H2,), dtype=jnp.float32)
    W3 = _glorot(ks[5], D_H2, D_H2)
    b3 = jnp.zeros((D_H2,), dtype=jnp.float32)
    Wl = _glorot(ks[6], D_H2, D_OUT)
    bl = jnp.zeros((D_OUT,), dtype=jnp.float32)
    return {"x": x, "edge_index": edge_index, "batch": batch,
            "W1": W1, "b1": b1, "W2": W2, "b2": b2,
            "W3": W3, "b3": b3, "Wl": Wl, "bl": bl}


def _gcn_conv(x, edge_index, W, b):
    # torch_geometric GCNConv: add self-loops, symmetric deg^{-1/2} normalization,
    # message = norm * (x W)[src], aggregate = scatter-add by dst, then + bias.
    N = x.shape[0]
    loops = jnp.arange(N, dtype=edge_index.dtype)
    src = jnp.concatenate([edge_index[0], loops])
    dst = jnp.concatenate([edge_index[1], loops])
    h = x @ W
    deg = jax.ops.segment_sum(jnp.ones_like(src, dtype=h.dtype), dst, num_segments=N)
    dis = jnp.where(deg > 0, jax.lax.rsqrt(jnp.maximum(deg, 1e-12)), 0.0)
    norm = dis[src] * dis[dst]
    msgs = h[src] * norm[:, None]
    out = jax.ops.segment_sum(msgs, dst, num_segments=N)
    return out + b


def reference(x, edge_index, batch, W1, b1, W2, b2, W3, b3, Wl, bl):
    h = jax.nn.relu(_gcn_conv(x, edge_index, W1, b1))
    h = jax.nn.relu(_gcn_conv(h, edge_index, W2, b2))
    h = _gcn_conv(h, edge_index, W3, b3)
    # global_mean_pool over batch segment ids
    sums = jax.ops.segment_sum(h, batch, num_segments=NUM_GRAPHS)
    counts = jax.ops.segment_sum(jnp.ones((h.shape[0],), dtype=h.dtype), batch, num_segments=NUM_GRAPHS)
    pooled = sums / jnp.maximum(counts, 1.0)[:, None]
    return pooled @ Wl + bl

if __name__ == "__main__":
    import jax
    _d = setup_inputs()
    print(jax.jit(kernel)(*tuple(_d.values())))

</pallas_src>

<mosaic_0001>
#map = affine_map<(d0, d1) -> (0)>
module attributes {stable_mosaic.version = 14 : i64} {
  func.func @_deg_body(%arg0: i32, %arg1: i32, %arg2: memref<160000xi32, #tpu.memory_space<hbm>>, %arg3: memref<20480xf32, #tpu.memory_space<hbm>>, %arg4: memref<10240xf32, #tpu.memory_space<vmem_shared>>, %arg5: memref<640xf32, #tpu.memory_space<vmem>>, %arg6: memref<128xf32, #tpu.memory_space<vmem>>, %arg7: memref<128xi32, #tpu.memory_space<vmem>>, %arg8: memref<8xi32, #tpu.memory_space<vmem>>) attributes {dimension_semantics = [#tpu.dimension_semantics<core_parallel>, #tpu.dimension_semantics<subcore_parallel>], iteration_bounds = array<i64: 2, 16>, scalar_prefetch = 0 : i64, scratch_operands = 5 : i64, tpu.core_type = #tpu.core_type<sc_vector_subcore>, window_params = [{transform_indices = #map}, {transform_indices = #map}]} {
    %broadcast_in_dim3A = arith.constant 0.000000e+00 : f32
    %broadcast_in_dim3A_0 = vector.broadcast %broadcast_in_dim3A : f32 to vector<16xf32>
    %broadcast_in_dim3A_1 = arith.constant 1.000000e+00 : f32
    %broadcast_in_dim3A_2 = vector.broadcast %broadcast_in_dim3A_1 : f32 to vector<16xf32>
    %swap3A = arith.constant 0 : index
    %swap3A_3 = tpu.vector_load %arg5[%swap3A] {strides = array<i32>} : memref<640xf32, #tpu.memory_space<vmem>>, vector<16xf32>,
    %swap3A_4 = vector.shape_cast %swap3A_3 : vector<16xf32> to vector<16xf32>
    %swap3A_5 = vector.shape_cast %broadcast_in_dim3A_0 : vector<16xf32> to vector<16xf32>
    tpu.vector_store %arg5[%swap3A], %swap3A_5 {strides = array<i32>} : memref<640xf32, #tpu.memory_space<vmem>>, vector<16xf32>,
    %swap3A_6 = arith.constant 16 : index
    %swap3A_7 = tpu.vector_load %arg5[%swap3A_6] {strides = array<i32>} : memref<640xf32, #tpu.memory_space<vmem>>, vector<16xf32>,
    %swap3A_8 = vector.shape_cast %swap3A_7 : vector<16xf32> to vector<16xf32>
    %swap3A_9 = vector.shape_cast %broadcast_in_dim3A_0 : vector<16xf32> to vector<16xf32>
    tpu.vector_store %arg5[%swap3A_6], %swap3A_9 {strides = array<i32>} : memref<640xf32, #tpu.memory_space<vmem>>, vector<16xf32>,
    %swap3A_10 = arith.constant 32 : index
    %swap3A_11 = tpu.vector_load %arg5[%swap3A_10] {strides = array<i32>} : memref<640xf32, #tpu.memory_space<vmem>>, vector<16xf32>,
    %swap3A_12 = vector.shape_cast %swap3A_11 : vector<16xf32> to vector<16xf32>
    %swap3A_13 = vector.shape_cast %broadcast_in_dim3A_0 : vector<16xf32> to vector<16xf32>
    tpu.vector_store %arg5[%swap3A_10], %swap3A_13 {strides = array<i32>} : memref<640xf32, #tpu.memory_space<vmem>>, vector<16xf32>,
    %swap3A_14 = arith.constant 48 : index
    %swap3A_15 = tpu.vector_load %arg5[%swap3A_14] {strides = array<i32>} : memref<640xf32, #tpu.memory_space<vmem>>, vector<16xf32>,
    %swap3A_16 = vector.shape_cast %swap3A_15 : vector<16xf32> to vector<16xf32>
    %swap3A_17 = vector.shape_cast %broadcast_in_dim3A_0 : vector<16xf32> to vector<16xf32>
    tpu.vector_store %arg5[%swap3A_14], %swap3A_17 {strides = array<i32>} : memref<640xf32, #tpu.memory_space<vmem>>, vector<16xf32>,
    %swap3A_18 = arith.constant 64 : index
    %swap3A_19 = tpu.vector_load %arg5[%swap3A_18] {strides = array<i32>} : memref<640xf32, #tpu.memory_space<vmem>>, vector<16xf32>,
    %swap3A_20 = vector.shape_cast %swap3A_19 : vector<16xf32> to vector<16xf32>
    %swap3A_21 = vector.shape_cast %broadcast_in_dim3A_0 : vector<16xf32> to vector<16xf32>
    tpu.vector_store %arg5[%swap3A_18], %swap3A_21 {strides = array<i32>} : memref<640xf32, #tpu.memory_space<vmem>>, vector<16xf32>,
    %swap3A_22 = arith.constant 80 : index
    %swap3A_23 = tpu.vector_load %arg5[%swap3A_22] {strides = array<i32>} : memref<640xf32, #tpu.memory_space<vmem>>, vector<16xf32>,
    %swap3A_24 = vector.shape_cast %swap3A_23 : vector<16xf32> to vector<16xf32>
    %swap3A_25 = vector.shape_cast %broadcast_in_dim3A_0 : vector<16xf32> to vector<16xf32>
    tpu.vector_store %arg5[%swap3A_22], %swap3A_25 {strides = array<i32>} : memref<640xf32, #tpu.memory_space<vmem>>, vector<16xf32>,
    %swap3A_26 = arith.constant 96 : index
    %swap3A_27 = tpu.vector_load %arg5[%swap3A_26] {strides = array<i32>} : memref<640xf32, #tpu.memory_space<vmem>>, vector<16xf32>,
    %swap3A_28 = vector.shape_cast %swap3A_27 : vector<16xf32> to vector<16xf32>
    %swap3A_29 = vector.shape_cast %broadcast_in_dim3A_0 : vector<16xf32> to vector<16xf32>
    tpu.vector_store %arg5[%swap3A_26], %swap3A_29 {strides = array<i32>} : memref<640xf32, #tpu.memory_space<vmem>>, vector<16xf32>,
    %swap3A_30 = arith.constant 112 : index
    %swap3A_31 = tpu.vector_load %arg5[%swap3A_30] {strides = array<i32>} : memref<640xf32, #tpu.memory_space<vmem>>, vector<16xf32>,
    %swap3A_32 = vector.shape_cast %swap3A_31 : vector<16xf32> to vector<16xf32>
    %swap3A_33 = vector.shape_cast %broadcast_in_dim3A_0 : vector<16xf32> to vector<16xf32>
    tpu.vector_store %arg5[%swap3A_30], %swap3A_33 {strides = array<i32>} : memref<640xf32, #tpu.memory_space<vmem>>, vector<16xf32>,
    %swap3A_34 = arith.constant 128 : index
    %swap3A_35 = tpu.vector_load %arg5[%swap3A_34] {strides = array<i32>} : memref<640xf32, #tpu.memory_space<vmem>>, vector<16xf32>,
    %swap3A_36 = vector.shape_cast %swap3A_35 : vector<16xf32> to vector<16xf32>
    %swap3A_37 = vector.shape_cast %broadcast_in_dim3A_0 : vector<16xf32> to vector<16xf32>
    tpu.vector_store %arg5[%swap3A_34], %swap3A_37 {strides = array<i32>} : memref<640xf32, #tpu.memory_space<vmem>>, vector<16xf32>,
    %swap3A_38 = arith.constant 144 : index
    %swap3A_39 = tpu.vector_load %arg5[%swap3A_38] {strides = array<i32>} : memref<640xf32, #tpu.memory_space<vmem>>, vector<16xf32>,
    %swap3A_40 = vector.shape_cast %swap3A_39 : vector<16xf32> to vector<16xf32>
    %swap3A_41 = vector.shape_cast %broadcast_in_dim3A_0 : vector<16xf32> to vector<16xf32>
    tpu.vector_store %arg5[%swap3A_38], %swap3A_41 {strides = array<i32>} : memref<640xf32, #tpu.memory_space<vmem>>, vector<16xf32>,
    %swap3A_42 = arith.constant 160 : index
    %swap3A_43 = tpu.vector_load %arg5[%swap3A_42] {strides = array<i32>} : memref<640xf32, #tpu.memory_space<vmem>>, vector<16xf32>,
    %swap3A_44 = vector.shape_cast %swap3A_43 : vector<16xf32> to vector<16xf32>
    %swap3A_45 = vector.shape_cast %broadcast_in_dim3A_0 : vector<16xf32> to vector<16xf32>
    tpu.vector_store %arg5[%swap3A_42], %swap3A_45 {strides = array<i32>} : memref<640xf32, #tpu.memory_space<vmem>>, vector<16xf32>,
    %swap3A_46 = arith.constant 176 : index
    %swap3A_47 = tpu.vector_load %arg5[%swap3A_46] {strides = array<i32>} : memref<640xf32, #tpu.memory_space<vmem>>, vector<16xf32>,
    %swap3A_48 = vector.shape_cast %swap3A_47 : vector<16xf32> to vector<16xf32>
    %swap3A_49 = vector.shape_cast %broadcast_in_dim3A_0 : vector<16xf32> to vector<16xf32>
    tpu.vector_store %arg5[%swap3A_46], %swap3A_49 {strides = array<i32>} : memref<640xf32, #tpu.memory_space<vmem>>, vector<16xf32>,
    %swap3A_50 = arith.constant 192 : index
    %swap3A_51 = tpu.vector_load %arg5[%swap3A_50] {strides = array<i32>} : memref<640xf32, #tpu.memory_space<vmem>>, vector<16xf32>,
    %swap3A_52 = vector.shape_cast %swap3A_51 : vector<16xf32> to vector<16xf32>
    %swap3A_53 = vector.shape_cast %broadcast_in_dim3A_0 : vector<16xf32> to vector<16xf32>
    tpu.vector_store %arg5[%swap3A_50], %swap3A_53 {strides = array<i32>} : memref<640xf32, #tpu.memory_space<vmem>>, vector<16xf32>,
    %swap3A_54 = arith.constant 208 : index
    %swap3A_55 = tpu.vector_load %arg5[%swap3A_54] {strides = array<i32>} : memref<640xf32, #tpu.memory_space<vmem>>, vector<16xf32>,
    %swap3A_56 = vector.shape_cast %swap3A_55 : vector<16xf32> to vector<16xf32>
    %swap3A_57 = vector.shape_cast %broadcast_in_dim3A_0 : vector<16xf32> to vector<16xf32>
    tpu.vector_store %arg5[%swap3A_54], %swap3A_57 {strides = array<i32>} : memref<640xf32, #tpu.memory_space<vmem>>, vector<16xf32>,
    %swap3A_58 = arith.constant 224 : index
    %swap3A_59 = tpu.vector_load %arg5[%swap3A_58] {strides = array<i32>} : memref<640xf32, #tpu.memory_space<vmem>>, vector<16xf32>,
    %swap3A_60 = vector.shape_cast %swap3A_59 : vector<16xf32> to vector<16xf32>
    %swap3A_61 = vector.shape_cast %broadcast_in_dim3A_0 : vector<16xf32> to vector<16xf32>
    tpu.vector_store %arg5[%swap3A_58], %swap3A_61 {strides = array<i32>} : memref<640xf32, #tpu.memory_space<vmem>>, vector<16xf32>,
    %swap3A_62 = arith.constant 240 : index
    %swap3A_63 = tpu.vector_load %arg5[%swap3A_62] {strides = array<i32>} : memref<640xf32, #tpu.memory_space<vmem>>, vector<16xf32>,
    %swap3A_64 = vector.shape_cast %swap3A_63 : vector<16xf32> to vector<16xf32>
    %swap3A_65 = vector.shape_cast %broadcast_in_dim3A_0 : vector<16xf32> to vector<16xf32>
    tpu.vector_store %arg5[%swap3A_62], %swap3A_65 {strides = array<i32>} : memref<640xf32, #tpu.memory_space<vmem>>, vector<16xf32>,
    %swap3A_66 = arith.constant 256 : index
    %swap3A_67 = tpu.vector_load %arg5[%swap3A_66] {strides = array<i32>} : memref<640xf32, #tpu.memory_space<vmem>>, vector<16xf32>,
    %swap3A_68 = vector.shape_cast %swap3A_67 : vector<16xf32> to vector<16xf32>
    %swap3A_69 = vector.shape_cast %broadcast_in_dim3A_0 : vector<16xf32> to vector<16xf32>
    tpu.vector_store %arg5[%swap3A_66], %swap3A_69 {strides = array<i32>} : memref<640xf32, #tpu.memory_space<vmem>>, vector<16xf32>,
    %swap3A_70 = arith.constant 272 : index
    %swap3A_71 = tpu.vector_load %arg5[%swap3A_70] {strides = array<i32>} : memref<640xf32, #tpu.memory_space<vmem>>, vector<16xf32>,
    %swap3A_72 = vector.shape_cast %swap3A_71 : vector<16xf32> to vector<16xf32>
    %swap3A_73 = vector.shape_cast %broadcast_in_dim3A_0 : vector<16xf32> to vector<16xf32>
    tpu.vector_store %arg5[%swap3A_70], %swap3A_73 {strides = array<i32>} : memref<640xf32, #tpu.memory_space<vmem>>, vector<16xf32>,
    %swap3A_74 = arith.constant 288 : index
    %swap3A_75 = tpu.vector_load %arg5[%swap3A_74] {strides = array<i32>} : memref<640xf32, #tpu.memory_space<vmem>>, vector<16xf32>,
    %swap3A_76 = vector.shape_cast %swap3A_75 : vector<16xf32> to vector<16xf32>
    %swap3A_77 = vector.shape_cast %broadcast_in_dim3A_0 : vector<16xf32> to vector<16xf32>
    tpu.vector_store %arg5[%swap3A_74], %swap3A_77 {strides = array<i32>} : memref<640xf32, #tpu.memory_space<vmem>>, vector<16xf32>,
    %swap3A_78 = arith.constant 304 : index
    %swap3A_79 = tpu.vector_load %arg5[%swap3A_78] {strides = array<i32>} : memref<640xf32, #tpu.memory_space<vmem>>, vector<16xf32>,
    %swap3A_80 = vector.shape_cast %swap3A_79 : vector<16xf32> to vector<16xf32>
    %swap3A_81 = vector.shape_cast %broadcast_in_dim3A_0 : vector<16xf32> to vector<16xf32>
    tpu.vector_store %arg5[%swap3A_78], %swap3A_81 {strides = array<i32>} : memref<640xf32, #tpu.memory_space<vmem>>, vector<16xf32>,
    %swap3A_82 = arith.constant 320 : index
    %swap3A_83 = tpu.vector_load %arg5[%swap3A_82] {strides = array<i32>} : memref<640xf32, #tpu.memory_space<vmem>>, vector<16xf32>,
    %swap3A_84 = vector.shape_cast %swap3A_83 : vector<16xf32> to vector<16xf32>
    %swap3A_85 = vector.shape_cast %broadcast_in_dim3A_0 : vector<16xf32> to vector<16xf32>
    tpu.vector_store %arg5[%swap3A_82], %swap3A_85 {strides = array<i32>} : memref<640xf32, #tpu.memory_space<vmem>>, vector<16xf32>,
    %swap3A_86 = arith.constant 336 : index
    %swap3A_87 = tpu.vector_load %arg5[%swap3A_86] {strides = array<i32>} : memref<640xf32, #tpu.memory_space<vmem>>, vector<16xf32>,
    %swap3A_88 = vector.shape_cast %swap3A_87 : vector<16xf32> to vector<16xf32>
    %swap3A_89 = vector.shape_cast %broadcast_in_dim3A_0 : vector<16xf32> to vector<16xf32>
    tpu.vector_store %arg5[%swap3A_86], %swap3A_89 {strides = array<i32>} : memref<640xf32, #tpu.memory_space<vmem>>, vector<16xf32>,
    %swap3A_90 = arith.constant 352 : index
    %swap3A_91 = tpu.vector_load %arg5[%swap3A_90] {strides = array<i32>} : memref<640xf32, #tpu.memory_space<vmem>>, vector<16xf32>,
    %swap3A_92 = vector.shape_cast %swap3A_91 : vector<16xf32> to vector<16xf32>
    %swap3A_93 = vector.shape_cast %broadcast_in_dim3A_0 : vector<16xf32> to vector<16xf32>
    tpu.vector_store %arg5[%swap3A_90], %swap3A_93 {strides = array<i32>} : memref<640xf32, #tpu.memory_space<vmem>>, vector<16xf32>,
    %swap3A_94 = arith.constant 368 : index
    %swap3A_95 = tpu.vector_load %arg5[%swap3A_94] {strides = array<i32>} : memref<640xf32, #tpu.memory_space<vmem>>, vector<16xf32>,
    %swap3A_96 = vector.shape_cast %swap3A_95 : vector<16xf32> to vector<16xf32>
    %swap3A_97 = vector.shape_cast %broadcast_in_dim3A_0 : vector<16xf32> to vector<16xf32>
    tpu.vector_store %arg5[%swap3A_94], %swap3A_97 {strides = array<i32>} : memref<640xf32, #tpu.memory_space<vmem>>, vector<16xf32>,
    %swap3A_98 = arith.constant 384 : index
    %swap3A_99 = tpu.vector_load %arg5[%swap3A_98] {strides = array<i32>} : memref<640xf32, #tpu.memory_space<vmem>>, vector<16xf32>,
    %swap3A_100 = vector.shape_cast %swap3A_99 : vector<16xf32> to vector<16xf32>
    %swap3A_101 = vector.shape_cast %broadcast_in_dim3A_0 : vector<16xf32> to vector<16xf32>
    tpu.vector_store %arg5[%swap3A_98], %swap3A_101 {strides = array<i32>} : memref<640xf32, #tpu.memory_space<vmem>>, vector<16xf32>,
    %swap3A_102 = arith.constant 400 : index
    %swap3A_103 = tpu.vector_load %arg5[%swap3A_102] {strides = array<i32>} : memref<640xf32, #tpu.memory_space<vmem>>, vector<16xf32>,
    %swap3A_104 = vector.shape_cast %swap3A_103 : vector<16xf32> to vector<16xf32>
    %swap3A_105 = vector.shape_cast %broadcast_in_dim3A_0 : vector<16xf32> to vector<16xf32>
    tpu.vector_store %arg5[%swap3A_102], %swap3A_105 {strides = array<i32>} : memref<640xf32, #tpu.memory_space<vmem>>, vector<16xf32>,
    %swap3A_106 = arith.constant 416 : index
    %swap3A_107 = tpu.vector_load %arg5[%swap3A_106] {strides = array<i32>} : memref<640xf32, #tpu.memory_space<vmem>>, vector<16xf32>,
    %swap3A_108 = vector.shape_cast %swap3A_107 : vector<16xf32> to vector<16xf32>
    %swap3A_109 = vector.shape_cast %broadcast_in_dim3A_0 : vector<16xf32> to vector<16xf32>
    tpu.vector_store %arg5[%swap3A_106], %swap3A_109 {strides = array<i32>} : memref<640xf32, #tpu.memory_space<vmem>>, vector<16xf32>,
    %swap3A_110 = arith.constant 432 : index
    %swap3A_111 = tpu.vector_load %arg5[%swap3A_110] {strides = array<i32>} : memref<640xf32, #tpu.memory_space<vmem>>, vector<16xf32>,
    %swap3A_112 = vector.shape_cast %swap3A_111 : vector<16xf32> to vector<16xf32>
    %swap3A_113 = vector.shape_cast %broadcast_in_dim3A_0 : vector<16xf32> to vector<16xf32>
    tpu.vector_store %arg5[%swap3A_110], %swap3A_113 {strides = array<i32>} : memref<640xf32, #tpu.memory_space<vmem>>, vector<16xf32>,
    %swap3A_114 = arith.constant 448 : index
    %swap3A_115 = tpu.vector_load %arg5[%swap3A_114] {strides = array<i32>} : memref<640xf32, #tpu.memory_space<vmem>>, vector<16xf32>,
    %swap3A_116 = vector.shape_cast %swap3A_115 : vector<16xf32> to vector<16xf32>
    %swap3A_117 = vector.shape_cast %broadcast_in_dim3A_0 : vector<16xf32> to vector<16xf32>
    tpu.vector_store %arg5[%swap3A_114], %swap3A_117 {strides = array<i32>} : memref<640xf32, #tpu.memory_space<vmem>>, vector<16xf32>,
    %swap3A_118 = arith.constant 464 : index
    %swap3A_119 = tpu.vector_load %arg5[%swap3A_118] {strides = array<i32>} : memref<640xf32, #tpu.memory_space<vmem>>, vector<16xf32>,
    %swap3A_120 = vector.shape_cast %swap3A_119 : vector<16xf32> to vector<16xf32>
    %swap3A_121 = vector.shape_cast %broadcast_in_dim3A_0 : vector<16xf32> to vector<16xf32>
    tpu.vector_store %arg5[%swap3A_118], %swap3A_121 {strides = array<i32>} : memref<640xf32, #tpu.memory_space<vmem>>, vector<16xf32>,
    %swap3A_122 = arith.constant 480 : index
    %swap3A_123 = tpu.vector_load %arg5[%swap3A_122] {strides = array<i32>} : memref<640xf32, #tpu.memory_space<vmem>>, vector<16xf32>,
    %swap3A_124 = vector.shape_cast %swap3A_123 : vector<16xf32> to vector<16xf32>
    %swap3A_125 = vector.shape_cast %broadcast_in_dim3A_0 : vector<16xf32> to vector<16xf32>
    tpu.vector_store %arg5[%swap3A_122], %swap3A_125 {strides = array<i32>} : memref<640xf32, #tpu.memory_space<vmem>>, vector<16xf32>,
    %swap3A_126 = arith.constant 496 : index
    %swap3A_127 = tpu.vector_load %arg5[%swap3A_126] {strides = array<i32>} : memref<640xf32, #tpu.memory_space<vmem>>, vector<16xf32>,
    %swap3A_128 = vector.shape_cast %swap3A_127 : vector<16xf32> to vector<16xf32>
    %swap3A_129 = vector.shape_cast %broadcast_in_dim3A_0 : vector<16xf32> to vector<16xf32>
    tpu.vector_store %arg5[%swap3A_126], %swap3A_129 {strides = array<i32>} : memref<640xf32, #tpu.memory_space<vmem>>, vector<16xf32>,
    %swap3A_130 = arith.constant 512 : index
    %swap3A_131 = tpu.vector_load %arg5[%swap3A_130] {strides = array<i32>} : memref<640xf32, #tpu.memory_space<vmem>>, vector<16xf32>,
    %swap3A_132 = vector.shape_cast %swap3A_131 : vector<16xf32> to vector<16xf32>
    %swap3A_133 = vector.shape_cast %broadcast_in_dim3A_0 : vector<16xf32> to vector<16xf32>
    tpu.vector_store %arg5[%swap3A_130], %swap3A_133 {strides = array<i32>} : memref<640xf32, #tpu.memory_space<vmem>>, vector<16xf32>,
    %swap3A_134 = arith.constant 528 : index
    %swap3A_135 = tpu.vector_load %arg5[%swap3A_134] {strides = array<i32>} : memref<640xf32, #tpu.memory_space<vmem>>, vector<16xf32>,
    %swap3A_136 = vector.shape_cast %swap3A_135 : vector<16xf32> to vector<16xf32>
    %swap3A_137 = vector.shape_cast %broadcast_in_dim3A_0 : vector<16xf32> to vector<16xf32>
    tpu.vector_store %arg5[%swap3A_134], %swap3A_137 {strides = array<i32>} : memref<640xf32, #tpu.memory_space<vmem>>, vector<16xf32>,
    %swap3A_138 = arith.constant 544 : index
    %swap3A_139 = tpu.vector_load %arg5[%swap3A_138] {strides = array<i32>} : memref<640xf32, #tpu.memory_space<vmem>>, vector<16xf32>,
    %swap3A_140 = vector.shape_cast %swap3A_139 : vector<16xf32> to vector<16xf32>
    %swap3A_141 = vector.shape_cast %broadcast_in_dim3A_0 : vector<16xf32> to vector<16xf32>
    tpu.vector_store %arg5[%swap3A_138], %swap3A_141 {strides = array<i32>} : memref<640xf32, #tpu.memory_space<vmem>>, vector<16xf32>,
    %swap3A_142 = arith.constant 560 : index
    %swap3A_143 = tpu.vector_load %arg5[%swap3A_142] {strides = array<i32>} : memref<640xf32, #tpu.memory_space<vmem>>, vector<16xf32>,
    %swap3A_144 = vector.shape_cast %swap3A_143 : vector<16xf32> to vector<16xf32>
    %swap3A_145 = vector.shape_cast %broadcast_in_dim3A_0 : vector<16xf32> to vector<16xf32>
    tpu.vector_store %arg5[%swap3A_142], %swap3A_145 {strides = array<i32>} : memref<640xf32, #tpu.memory_space<vmem>>, vector<16xf32>,
    %swap3A_146 = arith.constant 576 : index
    %swap3A_147 = tpu.vector_load %arg5[%swap3A_146] {strides = array<i32>} : memref<640xf32, #tpu.memory_space<vmem>>, vector<16xf32>,
    %swap3A_148 = vector.shape_cast %swap3A_147 : vector<16xf32> to vector<16xf32>
    %swap3A_149 = vector.shape_cast %broadcast_in_dim3A_0 : vector<16xf32> to vector<16xf32>
    tpu.vector_store %arg5[%swap3A_146], %swap3A_149 {strides = array<i32>} : memref<640xf32, #tpu.memory_space<vmem>>, vector<16xf32>,
    %swap3A_150 = arith.constant 592 : index
    %swap3A_151 = tpu.vector_load %arg5[%swap3A_150] {strides = array<i32>} : memref<640xf32, #tpu.memory_space<vmem>>, vector<16xf32>,
    %swap3A_152 = vector.shape_cast %swap3A_151 : vector<16xf32> to vector<16xf32>
    %swap3A_153 = vector.shape_cast %broadcast_in_dim3A_0 : vector<16xf32> to vector<16xf32>
    tpu.vector_store %arg5[%swap3A_150], %swap3A_153 {strides = array<i32>} : memref<640xf32, #tpu.memory_space<vmem>>, vector<16xf32>,
    %swap3A_154 = arith.constant 608 : index
    %swap3A_155 = tpu.vector_load %arg5[%swap3A_154] {strides = array<i32>} : memref<640xf32, #tpu.memory_space<vmem>>, vector<16xf32>,
    %swap3A_156 = vector.shape_cast %swap3A_155 : vector<16xf32> to vector<16xf32>
    %swap3A_157 = vector.shape_cast %broadcast_in_dim3A_0 : vector<16xf32> to vector<16xf32>
    tpu.vector_store %arg5[%swap3A_154], %swap3A_157 {strides = array<i32>} : memref<640xf32, #tpu.memory_space<vmem>>, vector<16xf32>,
    %swap3A_158 = arith.constant 624 : index
    %swap3A_159 = tpu.vector_load %arg5[%swap3A_158] {strides = array<i32>} : memref<640xf32, #tpu.memory_space<vmem>>, vector<16xf32>,
    %swap3A_160 = vector.shape_cast %swap3A_159 : vector<16xf32> to vector<16xf32>
    %swap3A_161 = vector.shape_cast %broadcast_in_dim3A_0 : vector<16xf32> to vector<16xf32>
    tpu.vector_store %arg5[%swap3A_158], %swap3A_161 {strides = array<i32>} : memref<640xf32, #tpu.memory_space<vmem>>, vector<16xf32>,
    %swap3A_162 = arith.constant 0 : index
    %swap3A_163 = tpu.vector_load %arg6[%swap3A_162] {strides = array<i32>} : memref<128xf32, #tpu.memory_space<vmem>>, vector<16xf32>,
    %swap3A_164 = vector.shape_cast %swap3A_163 : vector<16xf32> to vector<16xf32>
    %swap3A_165 = vector.shape_cast %broadcast_in_dim3A_2 : vector<16xf32> to vector<16xf32>
    tpu.vector_store %arg6[%swap3A_162], %swap3A_165 {strides = array<i32>} : memref<128xf32, #tpu.memory_space<vmem>>, vector<16xf32>,
    %swap3A_166 = arith.constant 16 : index
    %swap3A_167 = tpu.vector_load %arg6[%swap3A_166] {strides = array<i32>} : memref<128xf32, #tpu.memory_space<vmem>>, vector<16xf32>,
    %swap3A_168 = vector.shape_cast %swap3A_167 : vector<16xf32> to vector<16xf32>
    %swap3A_169 = vector.shape_cast %broadcast_in_dim3A_2 : vector<16xf32> to vector<16xf32>
    tpu.vector_store %arg6[%swap3A_166], %swap3A_169 {strides = array<i32>} : memref<128xf32, #tpu.memory_space<vmem>>, vector<16xf32>,
    %swap3A_170 = arith.constant 32 : index
    %swap3A_171 = tpu.vector_load %arg6[%swap3A_170] {strides = array<i32>} : memref<128xf32, #tpu.memory_space<vmem>>, vector<16xf32>,
    %swap3A_172 = vector.shape_cast %swap3A_171 : vector<16xf32> to vector<16xf32>
    %swap3A_173 = vector.shape_cast %broadcast_in_dim3A_2 : vector<16xf32> to vector<16xf32>
    tpu.vector_store %arg6[%swap3A_170], %swap3A_173 {strides = array<i32>} : memref<128xf32, #tpu.memory_space<vmem>>, vector<16xf32>,
    %swap3A_174 = arith.constant 48 : index
    %swap3A_175 = tpu.vector_load %arg6[%swap3A_174] {strides = array<i32>} : memref<128xf32, #tpu.memory_space<vmem>>, vector<16xf32>,
    %swap3A_176 = vector.shape_cast %swap3A_175 : vector<16xf32> to vector<16xf32>
    %swap3A_177 = vector.shape_cast %broadcast_in_dim3A_2 : vector<16xf32> to vector<16xf32>
    tpu.vector_store %arg6[%swap3A_174], %swap3A_177 {strides = array<i32>} : memref<128xf32, #tpu.memory_space<vmem>>, vector<16xf32>,
    %swap3A_178 = arith.constant 64 : index
    %swap3A_179 = tpu.vector_load %arg6[%swap3A_178] {strides = array<i32>} : memref<128xf32, #tpu.memory_space<vmem>>, vector<16xf32>,
    %swap3A_180 = vector.shape_cast %swap3A_179 : vector<16xf32> to vector<16xf32>
    %swap3A_181 = vector.shape_cast %broadcast_in_dim3A_2 : vector<16xf32> to vector<16xf32>
    tpu.vector_store %arg6[%swap3A_178], %swap3A_181 {strides = array<i32>} : memref<128xf32, #tpu.memory_space<vmem>>, vector<16xf32>,
    %swap3A_182 = arith.constant 80 : index
    %swap3A_183 = tpu.vector_load %arg6[%swap3A_182] {strides = array<i32>} : memref<128xf32, #tpu.memory_space<vmem>>, vector<16xf32>,
    %swap3A_184 = vector.shape_cast %swap3A_183 : vector<16xf32> to vector<16xf32>
    %swap3A_185 = vector.shape_cast %broadcast_in_dim3A_2 : vector<16xf32> to vector<16xf32>
    tpu.vector_store %arg6[%swap3A_182], %swap3A_185 {strides = array<i32>} : memref<128xf32, #tpu.memory_space<vmem>>, vector<16xf32>,
    %swap3A_186 = arith.constant 96 : index
    %swap3A_187 = tpu.vector_load %arg6[%swap3A_186] {strides = array<i32>} : memref<128xf32, #tpu.memory_space<vmem>>, vector<16xf32>,
    %swap3A_188 = vector.shape_cast %swap3A_187 : vector<16xf32> to vector<16xf32>
    %swap3A_189 = vector.shape_cast %broadcast_in_dim3A_2 : vector<16xf32> to vector<16xf32>
    tpu.vector_store %arg6[%swap3A_186], %swap3A_189 {strides = array<i32>} : memref<128xf32, #tpu.memory_space<vmem>>, vector<16xf32>,
    %swap3A_190 = arith.constant 112 : index
    %swap3A_191 = tpu.vector_load %arg6[%swap3A_190] {strides = array<i32>} : memref<128xf32, #tpu.memory_space<vmem>>, vector<16xf32>,
    %swap3A_192 = vector.shape_cast %swap3A_191 : vector<16xf32> to vector<16xf32>
    %swap3A_193 = vector.shape_cast %broadcast_in_dim3A_2 : vector<16xf32> to vector<16xf32>
    tpu.vector_store %arg6[%swap3A_190], %swap3A_193 {strides = array<i32>} : memref<128xf32, #tpu.memory_space<vmem>>, vector<16xf32>,
    %mul3A = arith.constant 640 : i32
    %mul3A_194 = arith.muli %arg1, %mul3A : i32
    %multiple_of3A = tpu.assume_multiple %mul3A_194, 640 : i32
    "tpu.region"() ({
      %run_scoped3A = tpu.sem_alloc : memref<!tpu.dma_semaphore, #tpu.memory_space<semaphore_mem>>
      %dma_start3A = tpu.memref_slice %arg4[%multiple_of3A] : memref<10240xf32, #tpu.memory_space<vmem_shared>> -> memref<640xf32, #tpu.memory_space<vmem_shared>>
      %dma_start3A_211 = tpu.memref_slice %arg4[%multiple_of3A] : memref<10240xf32, #tpu.memory_space<vmem_shared>> -> memref<640xf32, #tpu.memory_space<vmem_shared>>
      tpu.enqueue_dma source(%arg5 : memref<640xf32, #tpu.memory_space<vmem>>) target(%dma_start3A_211 : memref<640xf32, #tpu.memory_space<vmem_shared>>) target_semaphore(%run_scoped3A : memref<!tpu.dma_semaphore, #tpu.memory_space<semaphore_mem>>)
      %dma_wait3A = tpu.memref_slice %arg4[%multiple_of3A] : memref<10240xf32, #tpu.memory_space<vmem_shared>> -> memref<640xf32, #tpu.memory_space<vmem_shared>>
      %dma_wait3A_212 = tpu.memref_slice %arg4[%multiple_of3A] : memref<10240xf32, #tpu.memory_space<vmem_shared>> -> memref<640xf32, #tpu.memory_space<vmem_shared>>
      tpu.wait_dma2 semaphore(%run_scoped3A : memref<!tpu.dma_semaphore, #tpu.memory_space<semaphore_mem>>) src(%arg5 : memref<640xf32, #tpu.memory_space<vmem>>) dst(%dma_wait3A_212 : memref<640xf32, #tpu.memory_space<vmem_shared>>)
      tpu.yield
    }) : () -> ()
    %barrier3A = arith.constant 0 : index
    tpu.barrier barrier_id(%barrier3A)
    %mul3A_195 = arith.constant 80000 : i32
    %mul3A_196 = arith.muli %arg0, %mul3A_195 : i32
    %mul3A_197 = arith.constant 5000 : i32
    %mul3A_198 = arith.muli %arg1, %mul3A_197 : i32
    %add3A = arith.addi %mul3A_196, %mul3A_198 : i32
    %scan3A = arith.constant 0 : i32
    %scan3A_199 = arith.constant 0 : i32
    %scan3A_200 = arith.constant 39 : i32
    %scan3A_201 = arith.addi %scan3A_199, %scan3A_200 : i32
    %scan3A_202 = arith.constant 1 : i32
    scf.for %scan3A_211 = %scan3A_199 to %scan3A_201 step %scan3A_202  : i32 {
      %mul3A_212 = arith.constant 128 : i32
      %mul3A_213 = arith.muli %scan3A_211, %mul3A_212 : i32
      %add3A_214 = arith.addi %add3A, %mul3A_213 : i32
      %multiple_of3A_215 = tpu.assume_multiple %add3A_214, 8 : i32
      "tpu.region"() ({
        %run_scoped3A = tpu.sem_alloc : memref<!tpu.dma_semaphore, #tpu.memory_space<semaphore_mem>>
        %dma_start3A = tpu.memref_slice %arg2[%multiple_of3A_215] : memref<160000xi32, #tpu.memory_space<hbm>> -> memref<128xi32, #tpu.memory_space<hbm>>
        %dma_start3A_216 = tpu.memref_slice %arg2[%multiple_of3A_215] : memref<160000xi32, #tpu.memory_space<hbm>> -> memref<128xi32, #tpu.memory_space<hbm>>
        tpu.enqueue_dma source(%dma_start3A_216 : memref<128xi32, #tpu.memory_space<hbm>>) target(%arg7 : memref<128xi32, #tpu.memory_space<vmem>>) target_semaphore(%run_scoped3A : memref<!tpu.dma_semaphore, #tpu.memory_space<semaphore_mem>>)
        %dma_wait3A = tpu.memref_slice %arg2[%multiple_of3A_215] : memref<160000xi32, #tpu.memory_space<hbm>> -> memref<128xi32, #tpu.memory_space<hbm>>
        %dma_wait3A_217 = tpu.memref_slice %arg2[%multiple_of3A_215] : memref<160000xi32, #tpu.memory_space<hbm>> -> memref<128xi32, #tpu.memory_space<hbm>>
        tpu.wait_dma2 semaphore(%run_scoped3A : memref<!tpu.dma_semaphore, #tpu.memory_space<semaphore_mem>>) src(%dma_wait3A_217 : memref<128xi32, #tpu.memory_space<hbm>>) dst(%arg7 : memref<128xi32, #tpu.memory_space<vmem>>)
        tpu.yield
      }) : () -> ()
      "tpu.region"() ({
        %run_scoped3A = tpu.sem_alloc : memref<!tpu.dma_semaphore, #tpu.memory_space<semaphore_mem>>
        %dma_start3A = arith.constant 0 : i32
        %dma_start3A_216 = tpu.memref_slice %arg4[%dma_start3A] : memref<10240xf32, #tpu.memory_space<vmem_shared>> -> memref<10240xf32, #tpu.memory_space<vmem_shared>>
        tpu.enqueue_indirect_dma source(%arg6 : memref<128xf32, #tpu.memory_space<vmem>>) target(%dma_start3A_216 : memref<10240xf32, #tpu.memory_space<vmem_shared>>) offsets(%arg7 : memref<128xi32, #tpu.memory_space<vmem>>) semaphore(%run_scoped3A : memref<!tpu.dma_semaphore, #tpu.memory_space<semaphore_mem>>) {add = true}
        %dma_wait3A = arith.constant 0 : i32
        %dma_wait3A_217 = tpu.memref_slice %arg4[%dma_wait3A] : memref<10240xf32, #tpu.memory_space<vmem_shared>> -> memref<10240xf32, #tpu.memory_space<vmem_shared>>
        tpu.wait_indirect_dma semaphore(%run_scoped3A : memref<!tpu.dma_semaphore, #tpu.memory_space<semaphore_mem>>) src(%arg6 : memref<128xf32, #tpu.memory_space<vmem>>) dst(%dma_wait3A_217 : memref<10240xf32, #tpu.memory_space<vmem_shared>>)
        tpu.yield
      }) : () -> ()
    }
    %scan3A_203 = arith.constant 39 : i32
    %add3A_204 = arith.constant 4992 : i32
    %add3A_205 = arith.addi %add3A, %add3A_204 : i32
    %multiple_of3A_206 = tpu.assume_multiple %add3A_205, 8 : i32
    "tpu.region"() ({
      %run_scoped3A = tpu.sem_alloc : memref<!tpu.dma_semaphore, #tpu.memory_space<semaphore_mem>>
      %dma_start3A = tpu.memref_slice %arg2[%multiple_of3A_206] : memref<160000xi32, #tpu.memory_space<hbm>> -> memref<8xi32, #tpu.memory_space<hbm>>
      %dma_start3A_211 = tpu.memref_slice %arg2[%multiple_of3A_206] : memref<160000xi32, #tpu.memory_space<hbm>> -> memref<8xi32, #tpu.memory_space<hbm>>
      tpu.enqueue_dma source(%dma_start3A_211 : memref<8xi32, #tpu.memory_space<hbm>>) target(%arg8 : memref<8xi32, #tpu.memory_space<vmem>>) target_semaphore(%run_scoped3A : memref<!tpu.dma_semaphore, #tpu.memory_space<semaphore_mem>>)
      %dma_wait3A = tpu.memref_slice %arg2[%multiple_of3A_206] : memref<160000xi32, #tpu.memory_space<hbm>> -> memref<8xi32, #tpu.memory_space<hbm>>
      %dma_wait3A_212 = tpu.memref_slice %arg2[%multiple_of3A_206] : memref<160000xi32, #tpu.memory_space<hbm>> -> memref<8xi32, #tpu.memory_space<hbm>>
      tpu.wait_dma2 semaphore(%run_scoped3A : memref<!tpu.dma_semaphore, #tpu.memory_space<semaphore_mem>>) src(%dma_wait3A_212 : memref<8xi32, #tpu.memory_space<hbm>>) dst(%arg8 : memref<8xi32, #tpu.memory_space<vmem>>)
      tpu.yield
    }) : () -> ()
    "tpu.region"() ({
      %run_scoped3A = tpu.sem_alloc : memref<!tpu.dma_semaphore, #tpu.memory_space<semaphore_mem>>
      %dma_start3A = arith.constant 0 : i32
      %dma_start3A_211 = tpu.memref_slice %arg6[%dma_start3A] : memref<128xf32, #tpu.memory_space<vmem>> -> memref<8xf32, #tpu.memory_space<vmem>>
      %dma_start3A_212 = arith.constant 0 : i32
      %dma_start3A_213 = tpu.memref_slice %arg4[%dma_start3A_212] : memref<10240xf32, #tpu.memory_space<vmem_shared>> -> memref<10240xf32, #tpu.memory_space<vmem_shared>>
      tpu.enqueue_indirect_dma source(%dma_start3A_211 : memref<8xf32, #tpu.memory_space<vmem>>) target(%dma_start3A_213 : memref<10240xf32, #tpu.memory_space<vmem_shared>>) offsets(%arg8 : memref<8xi32, #tpu.memory_space<vmem>>) semaphore(%run_scoped3A : memref<!tpu.dma_semaphore, #tpu.memory_space<semaphore_mem>>) {add = true}
      %dma_wait3A = arith.constant 0 : i32
      %dma_wait3A_214 = tpu.memref_slice %arg6[%dma_wait3A] : memref<128xf32, #tpu.memory_space<vmem>> -> memref<8xf32, #tpu.memory_space<vmem>>
      %dma_wait3A_215 = arith.constant 0 : i32
      %dma_wait3A_216 = tpu.memref_slice %arg4[%dma_wait3A_215] : memref<10240xf32, #tpu.memory_space<vmem_shared>> -> memref<10240xf32, #tpu.memory_space<vmem_shared>>
      tpu.wait_indirect_dma semaphore(%run_scoped3A : memref<!tpu.dma_semaphore, #tpu.memory_space<semaphore_mem>>) src(%dma_wait3A_214 : memref<8xf32, #tpu.memory_space<vmem>>) dst(%dma_wait3A_216 : memref<10240xf32, #tpu.memory_space<vmem_shared>>)
      tpu.yield
    }) : () -> ()
    %barrier3A_207 = arith.constant 0 : index
    tpu.barrier barrier_id(%barrier3A_207)
    %mul3A_208 = arith.constant 10240 : i32
    %mul3A_209 = arith.muli %arg0, %mul3A_208 : i32
    %add3A_210 = arith.addi %mul3A_209, %multiple_of3A : i32
    "tpu.region"() ({
      %run_scoped3A = tpu.sem_alloc : memref<!tpu.dma_semaphore, #tpu.memory_space<semaphore_mem>>
      %dma_start3A = tpu.memref_slice %arg3[%add3A_210] : memref<20480xf32, #tpu.memory_space<hbm>> -> memref<640xf32, #tpu.memory_space<hbm>>
      %dma_start3A_211 = tpu.memref_slice %arg4[%multiple_of3A] : memref<10240xf32, #tpu.memory_space<vmem_shared>> -> memref<640xf32, #tpu.memory_space<vmem_shared>>
      tpu.enqueue_dma source(%dma_start3A_211 : memref<640xf32, #tpu.memory_space<vmem_shared>>) target(%dma_start3A : memref<640xf32, #tpu.memory_space<hbm>>) target_semaphore(%run_scoped3A : memref<!tpu.dma_semaphore, #tpu.memory_space<semaphore_mem>>)
      %dma_wait3A = tpu.memref_slice %arg3[%add3A_210] : memref<20480xf32, #tpu.memory_space<hbm>> -> memref<640xf32, #tpu.memory_space<hbm>>
      %dma_wait3A_212 = tpu.memref_slice %arg4[%multiple_of3A] : memref<10240xf32, #tpu.memory_space<vmem_shared>> -> memref<640xf32, #tpu.memory_space<vmem_shared>>
      tpu.wait_dma2 semaphore(%run_scoped3A : memref<!tpu.dma_semaphore, #tpu.memory_space<semaphore_mem>>) src(%dma_wait3A_212 : memref<640xf32, #tpu.memory_space<vmem_shared>>) dst(%dma_wait3A : memref<640xf32, #tpu.memory_space<hbm>>)
      tpu.yield
    }) : () -> ()
    return
  }
}

#map = affine_map<(d0, d1) -> (0, 0)>
#map1 = affine_map<(d0, d1) -> (0)>
module attributes {stable_mosaic.version = 14 : i64} {
  func.func @body(%arg0: i32, %arg1: i32, %arg2: memref<40960x128xf32, #tpu.memory_space<hbm>>, %arg3: memref<640000xi32, #tpu.memory_space<hbm>>, %arg4: memref<160000xi32, #tpu.memory_space<hbm>>, %arg5: memref<40960x128xf32, #tpu.memory_space<hbm>>, %arg6: memref<10240x128xf32, #tpu.memory_space<vmem_shared>>, %arg7: memref<16x128xf32, #tpu.memory_space<vmem>>, %arg8: memref<128xi32, #tpu.memory_space<vmem>>, %arg9: memref<128xi32, #tpu.memory_space<vmem>>, %arg10: memref<128x128xf32, #tpu.memory_space<vmem>>, %arg11: memref<16xi32, #tpu.memory_space<vmem>>, %arg12: memref<16xi32, #tpu.memory_space<vmem>>, %arg13: memref<16x128xf32, #tpu.memory_space<vmem>>, %arg14: memref<!tpu.dma_semaphore, #tpu.memory_space<semaphore_mem>>) attributes {dimension_semantics = [#tpu.dimension_semantics<core_parallel>, #tpu.dimension_semantics<subcore_parallel>], iteration_bounds = array<i64: 2, 16>, scalar_prefetch = 0 : i64, scratch_operands = 9 : i64, tpu.core_type = #tpu.core_type<sc_vector_subcore>, window_params = [{transform_indices = #map}, {transform_indices = #map1}, {transform_indices = #map1}, {transform_indices = #map}]} {
    %broadcast_in_dim3A = arith.constant 0.000000e+00 : f32
    %broadcast_in_dim3A_0 = vector.broadcast %broadcast_in_dim3A : f32 to vector<16xf32>
    %swap3A = arith.constant 0 : i32
    %swap3A_1 = arith.index_cast %swap3A : i32 to index
    %swap3A_2 = arith.constant 0 : index
    %swap3A_3 = tpu.vector_load %arg7[%swap3A_1, %swap3A_2] {strides = array<i32>} : memref<16x128xf32, #tpu.memory_space<vmem>>, vector<1x16xf32>,
    %swap3A_4 = vector.shape_cast %swap3A_3 : vector<1x16xf32> to vector<16xf32>
    %swap3A_5 = vector.shape_cast %broadcast_in_dim3A_0 : vector<16xf32> to vector<1x16xf32>
    tpu.vector_store %arg7[%swap3A_1, %swap3A_2], %swap3A_5 {strides = array<i32>} : memref<16x128xf32, #tpu.memory_space<vmem>>, vector<1x16xf32>,
    %swap3A_6 = arith.constant 0 : i32
    %swap3A_7 = arith.index_cast %swap3A_6 : i32 to index
    %swap3A_8 = arith.constant 16 : index
    %swap3A_9 = tpu.vector_load %arg7[%swap3A_7, %swap3A_8] {strides = array<i32>} : memref<16x128xf32, #tpu.memory_space<vmem>>, vector<1x16xf32>,
    %swap3A_10 = vector.shape_cast %swap3A_9 : vector<1x16xf32> to vector<16xf32>
    %swap3A_11 = vector.shape_cast %broadcast_in_dim3A_0 : vector<16xf32> to vector<1x16xf32>
    tpu.vector_store %arg7[%swap3A_7, %swap3A_8], %swap3A_11 {strides = array<i32>} : memref<16x128xf32, #tpu.memory_space<vmem>>, vector<1x16xf32>,
    %swap3A_12 = arith.constant 0 : i32
    %swap3A_13 = arith.index_cast %swap3A_12 : i32 to index
    %swap3A_14 = arith.constant 32 : index
    %swap3A_15 = tpu.vector_load %arg7[%swap3A_13, %swap3A_14] {strides = array<i32>} : memref<16x128xf32, #tpu.memory_space<vmem>>, vector<1x16xf32>,
    %swap3A_16 = vector.shape_cast %swap3A_15 : vector<1x16xf32> to vector<16xf32>
    %swap3A_17 = vector.shape_cast %broadcast_in_dim3A_0 : vector<16xf32> to vector<1x16xf32>
    tpu.vector_store %arg7[%swap3A_13, %swap3A_14], %swap3A_17 {strides = array<i32>} : memref<16x128xf32, #tpu.memory_space<vmem>>, vector<1x16xf32>,
    %swap3A_18 = arith.constant 0 : i32
    %swap3A_19 = arith.index_cast %swap3A_18 : i32 to index
    %swap3A_20 = arith.constant 48 : index
    %swap3A_21 = tpu.vector_load %arg7[%swap3A_19, %swap3A_20] {strides = array<i32>} : memref<16x128xf32, #tpu.memory_space<vmem>>, vector<1x16xf32>,
    %swap3A_22 = vector.shape_cast %swap3A_21 : vector<1x16xf32> to vector<16xf32>
    %swap3A_23 = vector.shape_cast %broadcast_in_dim3A_0 : vector<16xf32> to vector<1x16xf32>
    tpu.vector_store %arg7[%swap3A_19, %swap3A_20], %swap3A_23 {strides = array<i32>} : memref<16x128xf32, #tpu.memory_space<vmem>>, vector<1x16xf32>,
    %swap3A_24 = arith.constant 0 : i32
    %swap3A_25 = arith.index_cast %swap3A_24 : i32 to index
    %swap3A_26 = arith.constant 64 : index
    %swap3A_27 = tpu.vector_load %arg7[%swap3A_25, %swap3A_26] {strides = array<i32>} : memref<16x128xf32, #tpu.memory_space<vmem>>, vector<1x16xf32>,
    %swap3A_28 = vector.shape_cast %swap3A_27 : vector<1x16xf32> to vector<16xf32>
    %swap3A_29 = vector.shape_cast %broadcast_in_dim3A_0 : vector<16xf32> to vector<1x16xf32>
    tpu.vector_store %arg7[%swap3A_25, %swap3A_26], %swap3A_29 {strides = array<i32>} : memref<16x128xf32, #tpu.memory_space<vmem>>, vector<1x16xf32>,
    %swap3A_30 = arith.constant 0 : i32
    %swap3A_31 = arith.index_cast %swap3A_30 : i32 to index
    %swap3A_32 = arith.constant 80 : index
    %swap3A_33 = tpu.vector_load %arg7[%swap3A_31, %swap3A_32] {strides = array<i32>} : memref<16x128xf32, #tpu.memory_space<vmem>>, vector<1x16xf32>,
    %swap3A_34 = vector.shape_cast %swap3A_33 : vector<1x16xf32> to vector<16xf32>
    %swap3A_35 = vector.shape_cast %broadcast_in_dim3A_0 : vector<16xf32> to vector<1x16xf32>
    tpu.vector_store %arg7[%swap3A_31, %swap3A_32], %swap3A_35 {strides = array<i32>} : memref<16x128xf32, #tpu.memory_space<vmem>>, vector<1x16xf32>,
    %swap3A_36 = arith.constant 0 : i32
    %swap3A_37 = arith.index_cast %swap3A_36 : i32 to index
    %swap3A_38 = arith.constant 96 : index
    %swap3A_39 = tpu.vector_load %arg7[%swap3A_37, %swap3A_38] {strides = array<i32>} : memref<16x128xf32, #tpu.memory_space<vmem>>, vector<1x16xf32>,
    %swap3A_40 = vector.shape_cast %swap3A_39 : vector<1x16xf32> to vector<16xf32>
    %swap3A_41 = vector.shape_cast %broadcast_in_dim3A_0 : vector<16xf32> to vector<1x16xf32>
    tpu.vector_store %arg7[%swap3A_37, %swap3A_38], %swap3A_41 {strides = array<i32>} : memref<16x128xf32, #tpu.memory_space<vmem>>, vector<1x16xf32>,
    %swap3A_42 = arith.constant 0 : i32
    %swap3A_43 = arith.index_cast %swap3A_42 : i32 to index
    %swap3A_44 = arith.constant 112 : index
    %swap3A_45 = tpu.vector_load %arg7[%swap3A_43, %swap3A_44] {strides = array<i32>} : memref<16x128xf32, #tpu.memory_space<vmem>>, vector<1x16xf32>,
    %swap3A_46 = vector.shape_cast %swap3A_45 : vector<1x16xf32> to vector<16xf32>
    %swap3A_47 = vector.shape_cast %broadcast_in_dim3A_0 : vector<16xf32> to vector<1x16xf32>
    tpu.vector_store %arg7[%swap3A_43, %swap3A_44], %swap3A_47 {strides = array<i32>} : memref<16x128xf32, #tpu.memory_space<vmem>>, vector<1x16xf32>,
    %swap3A_48 = arith.constant 1 : i32
    %swap3A_49 = arith.index_cast %swap3A_48 : i32 to index
    %swap3A_50 = arith.constant 0 : index
    %swap3A_51 = tpu.vector_load %arg7[%swap3A_49, %swap3A_50] {strides = array<i32>} : memref<16x128xf32, #tpu.memory_space<vmem>>, vector<1x16xf32>,
    %swap3A_52 = vector.shape_cast %swap3A_51 : vector<1x16xf32> to vector<16xf32>
    %swap3A_53 = vector.shape_cast %broadcast_in_dim3A_0 : vector<16xf32> to vector<1x16xf32>
    tpu.vector_store %arg7[%swap3A_49, %swap3A_50], %swap3A_53 {strides = array<i32>} : memref<16x128xf32, #tpu.memory_space<vmem>>, vector<1x16xf32>,
    %swap3A_54 = arith.constant 1 : i32
    %swap3A_55 = arith.index_cast %swap3A_54 : i32 to index
    %swap3A_56 = arith.constant 16 : index
    %swap3A_57 = tpu.vector_load %arg7[%swap3A_55, %swap3A_56] {strides = array<i32>} : memref<16x128xf32, #tpu.memory_space<vmem>>, vector<1x16xf32>,
    %swap3A_58 = vector.shape_cast %swap3A_57 : vector<1x16xf32> to vector<16xf32>
    %swap3A_59 = vector.shape_cast %broadcast_in_dim3A_0 : vector<16xf32> to vector<1x16xf32>
    tpu.vector_store %arg7[%swap3A_55, %swap3A_56], %swap3A_59 {strides = array<i32>} : memref<16x128xf32, #tpu.memory_space<vmem>>, vector<1x16xf32>,
    %swap3A_60 = arith.constant 1 : i32
    %swap3A_61 = arith.index_cast %swap3A_60 : i32 to index
    %swap3A_62 = arith.constant 32 : index
    %swap3A_63 = tpu.vector_load %arg7[%swap3A_61, %swap3A_62] {strides = array<i32>} : memref<16x128xf32, #tpu.memory_space<vmem>>, vector<1x16xf32>,
    %swap3A_64 = vector.shape_cast %swap3A_63 : vector<1x16xf32> to vector<16xf32>
    %swap3A_65 = vector.shape_cast %broadcast_in_dim3A_0 : vector<16xf32> to vector<1x16xf32>
    tpu.vector_store %arg7[%swap3A_61, %swap3A_62], %swap3A_65 {strides = array<i32>} : memref<16x128xf32, #tpu.memory_space<vmem>>, vector<1x16xf32>,
    %swap3A_66 = arith.constant 1 : i32
    %swap3A_67 = arith.index_cast %swap3A_66 : i32 to index
    %swap3A_68 = arith.constant 48 : index
    %swap3A_69 = tpu.vector_load %arg7[%swap3A_67, %swap3A_68] {strides = array<i32>} : memref<16x128xf32, #tpu.memory_space<vmem>>, vector<1x16xf32>,
    %swap3A_70 = vector.shape_cast %swap3A_69 : vector<1x16xf32> to vector<16xf32>
    %swap3A_71 = vector.shape_cast %broadcast_in_dim3A_0 : vector<16xf32> to vector<1x16xf32>
    tpu.vector_store %arg7[%swap3A_67, %swap3A_68], %swap3A_71 {strides = array<i32>} : memref<16x128xf32, #tpu.memory_space<vmem>>, vector<1x16xf32>,
    %swap3A_72 = arith.constant 1 : i32
    %swap3A_73 = arith.index_cast %swap3A_72 : i32 to index
    %swap3A_74 = arith.constant 64 : index
    %swap3A_75 = tpu.vector_load %arg7[%swap3A_73, %swap3A_74] {strides = array<i32>} : memref<16x128xf32, #tpu.memory_space<vmem>>, vector<1x16xf32>,
    %swap3A_76 = vector.shape_cast %swap3A_75 : vector<1x16xf32> to vector<16xf32>
    %swap3A_77 = vector.shape_cast %broadcast_in_dim3A_0 : vector<16xf32> to vector<1x16xf32>
    tpu.vector_store %arg7[%swap3A_73, %swap3A_74], %swap3A_77 {strides = array<i32>} : memref<16x128xf32, #tpu.memory_space<vmem>>, vector<1x16xf32>,
    %swap3A_78 = arith.constant 1 : i32
    %swap3A_79 = arith.index_cast %swap3A_78 : i32 to index
    %swap3A_80 = arith.constant 80 : index
    %swap3A_81 = tpu.vector_load %arg7[%swap3A_79, %swap3A_80] {strides = array<i32>} : memref<16x128xf32, #tpu.memory_space<vmem>>, vector<1x16xf32>,
    %swap3A_82 = vector.shape_cast %swap3A_81 : vector<1x16xf32> to vector<16xf32>
    %swap3A_83 = vector.shape_cast %broadcast_in_dim3A_0 : vector<16xf32> to vector<1x16xf32>
    tpu.vector_store %arg7[%swap3A_79, %swap3A_80], %swap3A_83 {strides = array<i32>} : memref<16x128xf32, #tpu.memory_space<vmem>>, vector<1x16xf32>,
    %swap3A_84 = arith.constant 1 : i32
    %swap3A_85 = arith.index_cast %swap3A_84 : i32 to index
    %swap3A_86 = arith.constant 96 : index
    %swap3A_87 = tpu.vector_load %arg7[%swap3A_85, %swap3A_86] {strides = array<i32>} : memref<16x128xf32, #tpu.memory_space<vmem>>, vector<1x16xf32>,
    %swap3A_88 = vector.shape_cast %swap3A_87 : vector<1x16xf32> to vector<16xf32>
    %swap3A_89 = vector.shape_cast %broadcast_in_dim3A_0 : vector<16xf32> to vector<1x16xf32>
    tpu.vector_store %arg7[%swap3A_85, %swap3A_86], %swap3A_89 {strides = array<i32>} : memref<16x128xf32, #tpu.memory_space<vmem>>, vector<1x16xf32>,
    %swap3A_90 = arith.constant 1 : i32
    %swap3A_91 = arith.index_cast %swap3A_90 : i32 to index
    %swap3A_92 = arith.constant 112 : index
    %swap3A_93 = tpu.vector_load %arg7[%swap3A_91, %swap3A_92] {strides = array<i32>} : memref<16x128xf32, #tpu.memory_space<vmem>>, vector<1x16xf32>,
    %swap3A_94 = vector.shape_cast %swap3A_93 : vector<1x16xf32> to vector<16xf32>
    %swap3A_95 = vector.shape_cast %broadcast_in_dim3A_0 : vector<16xf32> to vector<1x16xf32>
    tpu.vector_store %arg7[%swap3A_91, %swap3A_92], %swap3A_95 {strides = array<i32>} : memref<16x128xf32, #tpu.memory_space<vmem>>, vector<1x16xf32>,
    %swap3A_96 = arith.constant 2 : i32
    %swap3A_97 = arith.index_cast %swap3A_96 : i32 to index
    %swap3A_98 = arith.constant 0 : index
    %swap3A_99 = tpu.vector_load %arg7[%swap3A_97, %swap3A_98] {strides = array<i32>} : memref<16x128xf32, #tpu.memory_space<vmem>>, vector<1x16xf32>,
    %swap3A_100 = vector.shape_cast %swap3A_99 : vector<1x16xf32> to vector<16xf32>
    %swap3A_101 = vector.shape_cast %broadcast_in_dim3A_0 : vector<16xf32> to vector<1x16xf32>
    tpu.vector_store %arg7[%swap3A_97, %swap3A_98], %swap3A_101 {strides = array<i32>} : memref<16x128xf32, #tpu.memory_space<vmem>>, vector<1x16xf32>,
    %swap3A_102 = arith.constant 2 : i32
    %swap3A_103 = arith.index_cast %swap3A_102 : i32 to index
    %swap3A_104 = arith.constant 16 : index
    %swap3A_105 = tpu.vector_load %arg7[%swap3A_103, %swap3A_104] {strides = array<i32>} : memref<16x128xf32, #tpu.memory_space<vmem>>, vector<1x16xf32>,
    %swap3A_106 = vector.shape_cast %swap3A_105 : vector<1x16xf32> to vector<16xf32>
    %swap3A_107 = vector.shape_cast %broadcast_in_dim3A_0 : vector<16xf32> to vector<1x16xf32>
    tpu.vector_store %arg7[%swap3A_103, %swap3A_104], %swap3A_107 {strides = array<i32>} : memref<16x128xf32, #tpu.memory_space<vmem>>, vector<1x16xf32>,
    %swap3A_108 = arith.constant 2 : i32
    %swap3A_109 = arith.index_cast %swap3A_108 : i32 to index
    %swap3A_110 = arith.constant 32 : index
    %swap3A_111 = tpu.vector_load %arg7[%swap3A_109, %swap3A_110] {strides = array<i32>} : memref<16x128xf32, #tpu.memory_space<vmem>>, vector<1x16xf32>,
    %swap3A_112 = vector.shape_cast %swap3A_111 : vector<1x16xf32> to vector<16xf32>
    %swap3A_113 = vector.shape_cast %broadcast_in_dim3A_0 : vector<16xf32> to vector<1x16xf32>
    tpu.vector_store %arg7[%swap3A_109, %swap3A_110], %swap3A_113 {strides = array<i32>} : memref<16x128xf32, #tpu.memory_space<vmem>>, vector<1x16xf32>,
    %swap3A_114 = arith.constant 2 : i32
    %swap3A_115 = arith.index_cast %swap3A_114 : i32 to index
    %swap3A_116 = arith.constant 48 : index
    %swap3A_117 = tpu.vector_load %arg7[%swap3A_115, %swap3A_116] {strides = array<i32>} : memref<16x128xf32, #tpu.memory_space<vmem>>, vector<1x16xf32>,
    %swap3A_118 = vector.shape_cast %swap3A_117 : vector<1x16xf32> to vector<16xf32>
    %swap3A_119 = vector.shape_cast %broadcast_in_dim3A_0 : vector<16xf32> to vector<1x16xf32>
    tpu.vector_store %arg7[%swap3A_115, %swap3A_116], %swap3A_119 {strides = array<i32>} : memref<16x128xf32, #tpu.memory_space<vmem>>, vector<1x16xf32>,
    %swap3A_120 = arith.constant 2 : i32
    %swap3A_121 = arith.index_cast %swap3A_120 : i32 to index
    %swap3A_122 = arith.constant 64 : index
    %swap3A_123 = tpu.vector_load %arg7[%swap3A_121, %swap3A_122] {strides = array<i32>} : memref<16x128xf32, #tpu.memory_space<vmem>>, vector<1x16xf32>,
    %swap3A_124 = vector.shape_cast %swap3A_123 : vector<1x16xf32> to vector<16xf32>
    %swap3A_125 = vector.shape_cast %broadcast_in_dim3A_0 : vector<16xf32> to vector<1x16xf32>
    tpu.vector_store %arg7[%swap3A_121, %swap3A_122], %swap3A_125 {strides = array<i32>} : memref<16x128xf32, #tpu.memory_space<vmem>>, vector<1x16xf32>,
    %swap3A_126 = arith.constant 2 : i32
    %swap3A_127 = arith.index_cast %swap3A_126 : i32 to index
    %swap3A_128 = arith.constant 80 : index
    %swap3A_129 = tpu.vector_load %arg7[%swap3A_127, %swap3A_128] {strides = array<i32>} : memref<16x128xf32, #tpu.memory_space<vmem>>, vector<1x16xf32>,
    %swap3A_130 = vector.shape_cast %swap3A_129 : vector<1x16xf32> to vector<16xf32>
    %swap3A_131 = vector.shape_cast %broadcast_in_dim3A_0 : vector<16xf32> to vector<1x16xf32>
    tpu.vector_store %arg7[%swap3A_127, %swap3A_128], %swap3A_131 {strides = array<i32>} : memref<16x128xf32, #tpu.memory_space<vmem>>, vector<1x16xf32>,
    %swap3A_132 = arith.constant 2 : i32
    %swap3A_133 = arith.index_cast %swap3A_132 : i32 to index
    %swap3A_134 = arith.constant 96 : index
    %swap3A_135 = tpu.vector_load %arg7[%swap3A_133, %swap3A_134] {strides = array<i32>} : memref<16x128xf32, #tpu.memory_space<vmem>>, vector<1x16xf32>,
    %swap3A_136 = vector.shape_cast %swap3A_135 : vector<1x16xf32> to vector<16xf32>
    %swap3A_137 = vector.shape_cast %broadcast_in_dim3A_0 : vector<16xf32> to vector<1x16xf32>
    tpu.vector_store %arg7[%swap3A_133, %swap3A_134], %swap3A_137 {strides = array<i32>} : memref<16x128xf32, #tpu.memory_space<vmem>>, vector<1x16xf32>,
    %swap3A_138 = arith.constant 2 : i32
    %swap3A_139 = arith.index_cast %swap3A_138 : i32 to index
    %swap3A_140 = arith.constant 112 : index
    %swap3A_141 = tpu.vector_load %arg7[%swap3A_139, %swap3A_140] {strides = array<i32>} : memref<16x128xf32, #tpu.memory_space<vmem>>, vector<1x16xf32>,
    %swap3A_142 = vector.shape_cast %swap3A_141 : vector<1x16xf32> to vector<16xf32>
    %swap3A_143 = vector.shape_cast %broadcast_in_dim3A_0 : vector<16xf32> to vector<1x16xf32>
    tpu.vector_store %arg7[%swap3A_139, %swap3A_140], %swap3A_143 {strides = array<i32>} : memref<16x128xf32, #tpu.memory_space<vmem>>, vector<1x16xf32>,
    %swap3A_144 = arith.constant 3 : i32
    %swap3A_145 = arith.index_cast %swap3A_144 : i32 to index
    %swap3A_146 = arith.constant 0 : index
    %swap3A_147 = tpu.vector_load %arg7[%swap3A_145, %swap3A_146] {strides = array<i32>} : memref<16x128xf32, #tpu.memory_space<vmem>>, vector<1x16xf32>,
    %swap3A_148 = vector.shape_cast %swap3A_147 : vector<1x16xf32> to vector<16xf32>
    %swap3A_149 = vector.shape_cast %broadcast_in_dim3A_0 : vector<16xf32> to vector<1x16xf32>
    tpu.vector_store %arg7[%swap3A_145, %swap3A_146], %swap3A_149 {strides = array<i32>} : memref<16x128xf32, #tpu.memory_space<vmem>>, vector<1x16xf32>,
    %swap3A_150 = arith.constant 3 : i32
    %swap3A_151 = arith.index_cast %swap3A_150 : i32 to index
    %swap3A_152 = arith.constant 16 : index
    %swap3A_153 = tpu.vector_load %arg7[%swap3A_151, %swap3A_152] {strides = array<i32>} : memref<16x128xf32, #tpu.memory_space<vmem>>, vector<1x16xf32>,
    %swap3A_154 = vector.shape_cast %swap3A_153 : vector<1x16xf32> to vector<16xf32>
    %swap3A_155 = vector.shape_cast %broadcast_in_dim3A_0 : vector<16xf32> to vector<1x16xf32>
    tpu.vector_store %arg7[%swap3A_151, %swap3A_152], %swap3A_155 {strides = array<i32>} : memref<16x128xf32, #tpu.memory_space<vmem>>, vector<1x16xf32>,
    %swap3A_156 = arith.constant 3 : i32
    %swap3A_157 = arith.index_cast %swap3A_156 : i32 to index
    %swap3A_158 = arith.constant 32 : index
    %swap3A_159 = tpu.vector_load %arg7[%swap3A_157, %swap3A_158] {strides = array<i32>} : memref<16x128xf32, #tpu.memory_space<vmem>>, vector<1x16xf32>,
    %swap3A_160 = vector.shape_cast %swap3A_159 : vector<1x16xf32> to vector<16xf32>
    %swap3A_161 = vector.shape_cast %broadcast_in_dim3A_0 : vector<16xf32> to vector<1x16xf32>
    tpu.vector_store %arg7[%swap3A_157, %swap3A_158], %swap3A_161 {strides = array<i32>} : memref<16x128xf32, #tpu.memory_space<vmem>>, vector<1x16xf32>,
    %swap3A_162 = arith.constant 3 : i32
    %swap3A_163 = arith.index_cast %swap3A_162 : i32 to index
    %swap3A_164 = arith.constant 48 : index
    %swap3A_165 = tpu.vector_load %arg7[%swap3A_163, %swap3A_164] {strides = array<i32>} : memref<16x128xf32, #tpu.memory_space<vmem>>, vector<1x16xf32>,
    %swap3A_166 = vector.shape_cast %swap3A_165 : vector<1x16xf32> to vector<16xf32>
    %swap3A_167 = vector.shape_cast %broadcast_in_dim3A_0 : vector<16xf32> to vector<1x16xf32>
    tpu.vector_store %arg7[%swap3A_163, %swap3A_164], %swap3A_167 {strides = array<i32>} : memref<16x128xf32, #tpu.memory_space<vmem>>, vector<1x16xf32>,
    %swap3A_168 = arith.constant 3 : i32
    %swap3A_169 = arith.index_cast %swap3A_168 : i32 to index
    %swap3A_170 = arith.constant 64 : index
    %swap3A_171 = tpu.vector_load %arg7[%swap3A_169, %swap3A_170] {strides = array<i32>} : memref<16x128xf32, #tpu.memory_space<vmem>>, vector<1x16xf32>,
    %swap3A_172 = vector.shape_cast %swap3A_171 : vector<1x16xf32> to vector<16xf32>
    %swap3A_173 = vector.shape_cast %broadcast_in_dim3A_0 : vector<16xf32> to vector<1x16xf32>
    tpu.vector_store %arg7[%swap3A_169, %swap3A_170], %swap3A_173 {strides = array<i32>} : memref<16x128xf32, #tpu.memory_space<vmem>>, vector<1x16xf32>,
    %swap3A_174 = arith.constant 3 : i32
    %swap3A_175 = arith.index_cast %swap3A_174 : i32 to index
    %swap3A_176 = arith.constant 80 : index
    %swap3A_177 = tpu.vector_load %arg7[%swap3A_175, %swap3A_176] {strides = array<i32>} : memref<16x128xf32, #tpu.memory_space<vmem>>, vector<1x16xf32>,
    %swap3A_178 = vector.shape_cast %swap3A_177 : vector<1x16xf32> to vector<16xf32>
    %swap3A_179 = vector.shape_cast %broadcast_in_dim3A_0 : vector<16xf32> to vector<1x16xf32>
    tpu.vector_store %arg7[%swap3A_175, %swap3A_176], %swap3A_179 {strides = array<i32>} : memref<16x128xf32, #tpu.memory_space<vmem>>, vector<1x16xf32>,
    %swap3A_180 = arith.constant 3 : i32
    %swap3A_181 = arith.index_cast %swap3A_180 : i32 to index
    %swap3A_182 = arith.constant 96 : index
    %swap3A_183 = tpu.vector_load %arg7[%swap3A_181, %swap3A_182] {strides = array<i32>} : memref<16x128xf32, #tpu.memory_space<vmem>>, vector<1x16xf32>,
    %swap3A_184 = vector.shape_cast %swap3A_183 : vector<1x16xf32> to vector<16xf32>
    %swap3A_185 = vector.shape_cast %broadcast_in_dim3A_0 : vector<16xf32> to vector<1x16xf32>
    tpu.vector_store %arg7[%swap3A_181, %swap3A_182], %swap3A_185 {strides = array<i32>} : memref<16x128xf32, #tpu.memory_space<vmem>>, vector<1x16xf32>,
    %swap3A_186 = arith.constant 3 : i32
    %swap3A_187 = arith.index_cast %swap3A_186 : i32 to index
    %swap3A_188 = arith.constant 112 : index
    %swap3A_189 = tpu.vector_load %arg7[%swap3A_187, %swap3A_188] {strides = array<i32>} : memref<16x128xf32, #tpu.memory_space<vmem>>, vector<1x16xf32>,
    %swap3A_190 = vector.shape_cast %swap3A_189 : vector<1x16xf32> to vector<16xf32>
    %swap3A_191 = vector.shape_cast %broadcast_in_dim3A_0 : vector<16xf32> to vector<1x16xf32>
    tpu.vector_store %arg7[%swap3A_187, %swap3A_188], %swap3A_191 {strides = array<i32>} : memref<16x128xf32, #tpu.memory_space<vmem>>, vector<1x16xf32>,
    %swap3A_192 = arith.constant 4 : i32
    %swap3A_193 = arith.index_cast %swap3A_192 : i32 to index
    %swap3A_194 = arith.constant 0 : index
    %swap3A_195 = tpu.vector_load %arg7[%swap3A_193, %swap3A_194] {strides = array<i32>} : memref<16x128xf32, #tpu.memory_space<vmem>>, vector<1x16xf32>,
    %swap3A_196 = vector.shape_cast %swap3A_195 : vector<1x16xf32> to vector<16xf32>
    %swap3A_197 = vector.shape_cast %broadcast_in_dim3A_0 : vector<16xf32> to vector<1x16xf32>
    tpu.vector_store %arg7[%swap3A_193, %swap3A_194], %swap3A_197 {strides = array<i32>} : memref<16x128xf32, #tpu.memory_space<vmem>>, vector<1x16xf32>,
    %swap3A_198 = arith.constant 4 : i32
    %swap3A_199 = arith.index_cast %swap3A_198 : i32 to index
    %swap3A_200 = arith.constant 16 : index
    %swap3A_201 = tpu.vector_load %arg7[%swap3A_199, %swap3A_200] {strides = array<i32>} : memref<16x128xf32, #tpu.memory_space<vmem>>, vector<1x16xf32>,
    %swap3A_202 = vector.shape_cast %swap3A_201 : vector<1x16xf32> to vector<16xf32>
    %swap3A_203 = vector.shape_cast %broadcast_in_dim3A_0 : vector<16xf32> to vector<1x16xf32>
    tpu.vector_store %arg7[%swap3A_199, %swap3A_200], %swap3A_203 {strides = array<i32>} : memref<16x128xf32, #tpu.memory_space<vmem>>, vector<1x16xf32>,
    %swap3A_204 = arith.constant 4 : i32
    %swap3A_205 = arith.index_cast %swap3A_204 : i32 to index
    %swap3A_206 = arith.constant 32 : index
    %swap3A_207 = tpu.vector_load %arg7[%swap3A_205, %swap3A_206] {strides = array<i32>} : memref<16x128xf32, #tpu.memory_space<vmem>>, vector<1x16xf32>,
    %swap3A_208 = vector.shape_cast %swap3A_207 : vector<1x16xf32> to vector<16xf32>
    %swap3A_209 = vector.shape_cast %broadcast_in_dim3A_0 : vector<16xf32> to vector<1x16xf32>
    tpu.vector_store %arg7[%swap3A_205, %swap3A_206], %swap3A_209 {strides = array<i32>} : memref<16x128xf32, #tpu.memory_space<vmem>>, vector<1x16xf32>,
    %swap3A_210 = arith.constant 4 : i32
    %swap3A_211 = arith.index_cast %swap3A_210 : i32 to index
    %swap3A_212 = arith.constant 48 : index
    %swap3A_213 = tpu.vector_load %arg7[%swap3A_211, %swap3A_212] {strides = array<i32>} : memref<16x128xf32, #tpu.memory_space<vmem>>, vector<1x16xf32>,
    %swap3A_214 = vector.shape_cast %swap3A_213 : vector<1x16xf32> to vector<16xf32>
    %swap3A_215 = vector.shape_cast %broadcast_in_dim3A_0 : vector<16xf32> to vector<1x16xf32>
    tpu.vector_store %arg7[%swap3A_211, %swap3A_212], %swap3A_215 {strides = array<i32>} : memref<16x128xf32, #tpu.memory_space<vmem>>, vector<1x16xf32>,
    %swap3A_216 = arith.constant 4 : i32
    %swap3A_217 = arith.index_cast %swap3A_216 : i32 to index
    %swap3A_218 = arith.constant 64 : index
    %swap3A_219 = tpu.vector_load %arg7[%swap3A_217, %swap3A_218] {strides = array<i32>} : memref<16x128xf32, #tpu.memory_space<vmem>>, vector<1x16xf32>,
    %swap3A_220 = vector.shape_cast %swap3A_219 : vector<1x16xf32> to vector<16xf32>
    %swap3A_221 = vector.shape_cast %broadcast_in_dim3A_0 : vector<16xf32> to vector<1x16xf32>
    tpu.vector_store %arg7[%swap3A_217, %swap3A_218], %swap3A_221 {strides = array<i32>} : memref<16x128xf32, #tpu.memory_space<vmem>>, vector<1x16xf32>,
    %swap3A_222 = arith.constant 4 : i32
    %swap3A_223 = arith.index_cast %swap3A_222 : i32 to index
    %swap3A_224 = arith.constant 80 : index
    %swap3A_225 = tpu.vector_load %arg7[%swap3A_223, %swap3A_224] {strides = array<i32>} : memref<16x128xf32, #tpu.memory_space<vmem>>, vector<1x16xf32>,
    %swap3A_226 = vector.shape_cast %swap3A_225 : vector<1x16xf32> to vector<16xf32>
    %swap3A_227 = vector.shape_cast %broadcast_in_dim3A_0 : vector<16xf32> to vector<1x16xf32>
    tpu.vector_store %arg7[%swap3A_223, %swap3A_224], %swap3A_227 {strides = array<i32>} : memref<16x128xf32, #tpu.memory_space<vmem>>, vector<1x16xf32>,
    %swap3A_228 = arith.constant 4 : i32
    %swap3A_229 = arith.index_cast %swap3A_228 : i32 to index
    %swap3A_230 = arith.constant 96 : index
    %swap3A_231 = tpu.vector_load %arg7[%swap3A_229, %swap3A_230] {strides = array<i32>} : memref<16x128xf32, #tpu.memory_space<vmem>>, vector<1x16xf32>,
    %swap3A_232 = vector.shape_cast %swap3A_231 : vector<1x16xf32> to vector<16xf32>
    %swap3A_233 = vector.shape_cast %broadcast_in_dim3A_0 : vector<16xf32> to vector<1x16xf32>
    tpu.vector_store %arg7[%swap3A_229, %swap3A_230], %swap3A_233 {strides = array<i32>} : memref<16x128xf32, #tpu.memory_space<vmem>>, vector<1x16xf32>,
    %swap3A_234 = arith.constant 4 : i32
    %swap3A_235 = arith.index_cast %swap3A_234 : i32 to index
    %swap3A_236 = arith.constant 112 : index
    %swap3A_237 = tpu.vector_load %arg7[%swap3A_235, %swap3A_236] {strides = array<i32>} : memref<16x128xf32, #tpu.memory_space<vmem>>, vector<1x16xf32>,
    %swap3A_238 = vector.shape_cast %swap3A_237 : vector<1x16xf32> to vector<16xf32>
    %swap3A_239 = vector.shape_cast %broadcast_in_dim3A_0 : vector<16xf32> to vector<1x16xf32>
    tpu.vector_store %arg7[%swap3A_235, %swap3A_236], %swap3A_239 {strides = array<i32>} : memref<16x128xf32, #tpu.memory_space<vmem>>, vector<1x16xf32>,
    %swap3A_240 = arith.constant 5 : i32
    %swap3A_241 = arith.index_cast %swap3A_240 : i32 to index
    %swap3A_242 = arith.constant 0 : index
    %swap3A_243 = tpu.vector_load %arg7[%swap3A_241, %swap3A_242] {strides = array<i32>} : memref<16x128xf32, #tpu.memory_space<vmem>>, vector<1x16xf32>,
    %swap3A_244 = vector.shape_cast %swap3A_243 : vector<1x16xf32> to vector<16xf32>
    %swap3A_245 = vector.shape_cast %broadcast_in_dim3A_0 : vector<16xf32> to vector<1x16xf32>
    tpu.vector_store %arg7[%swap3A_241, %swap3A_242], %swap3A_245 {strides = array<i32>} : memref<16x128xf32, #tpu.memory_space<vmem>>, vector<1x16xf32>,
    %swap3A_246 = arith.constant 5 : i32
    %swap3A_247 = arith.index_cast %swap3A_246 : i32 to index
    %swap3A_248 = arith.constant 16 : index
    %swap3A_249 = tpu.vector_load %arg7[%swap3A_247, %swap3A_248] {strides = array<i32>} : memref<16x128xf32, #tpu.memory_space<vmem>>, vector<1x16xf32>,
    %swap3A_250 = vector.shape_cast %swap3A_249 : vector<1x16xf32> to vector<16xf32>
    %swap3A_251 = vector.shape_cast %broadcast_in_dim3A_0 : vector<16xf32> to vector<1x16xf32>
    tpu.vector_store %arg7[%swap3A_247, %swap3A_248], %swap3A_251 {strides = array<i32>} : memref<16x128xf32, #tpu.memory_space<vmem>>, vector<1x16xf32>,
    %swap3A_252 = arith.constant 5 : i32
    %swap3A_253 = arith.index_cast %swap3A_252 : i32 to index
    %swap3A_254 = arith.constant 32 : index
    %swap3A_255 = tpu.vector_load %arg7[%swap3A_253, %swap3A_254] {strides = array<i32>} : memref<16x128xf32, #tpu.memory_space<vmem>>, vector<1x16xf32>,
    %swap3A_256 = vector.shape_cast %swap3A_255 : vector<1x16xf32> to vector<16xf32>
    %swap3A_257 = vector.shape_cast %broadcast_in_dim3A_0 : vector<16xf32> to vector<1x16xf32>
    tpu.vector_store %arg7[%swap3A_253, %swap3A_254], %swap3A_257 {strides = array<i32>} : memref<16x128xf32, #tpu.memory_space<vmem>>, vector<1x16xf32>,
    %swap3A_258 = arith.constant 5 : i32
    %swap3A_259 = arith.index_cast %swap3A_258 : i32 to index
    %swap3A_260 = arith.constant 48 : index
    %swap3A_261 = tpu.vector_load %arg7[%swap3A_259, %swap3A_260] {strides = array<i32>} : memref<16x128xf32, #tpu.memory_space<vmem>>, vector<1x16xf32>,
    %swap3A_262 = vector.shape_cast %swap3A_261 : vector<1x16xf32> to vector<16xf32>
    %swap3A_263 = vector.shape_cast %broadcast_in_dim3A_0 : vector<16xf32> to vector<1x16xf32>
    tpu.vector_store %arg7[%swap3A_259, %swap3A_260], %swap3A_263 {strides = array<i32>} : memref<16x128xf32, #tpu.memory_space<vmem>>, vector<1x16xf32>,
    %swap3A_264 = arith.constant 5 : i32
    %swap3A_265 = arith.index_cast %swap3A_264 : i32 to index
    %swap3A_266 = arith.constant 64 : index
    %swap3A_267 = tpu.vector_load %arg7[%swap3A_265, %swap3A_266] {strides = array<i32>} : memref<16x128xf32, #tpu.memory_space<vmem>>, vector<1x16xf32>,
    %swap3A_268 = vector.shape_cast %swap3A_267 : vector<1x16xf32> to vector<16xf32>
    %swap3A_269 = vector.shape_cast %broadcast_in_dim3A_0 : vector<16xf32> to vector<1x16xf32>
    tpu.vector_store %arg7[%swap3A_265, %swap3A_266], %swap3A_269 {strides = array<i32>} : memref<16x128xf32, #tpu.memory_space<vmem>>, vector<1x16xf32>,
    %swap3A_270 = arith.constant 5 : i32
    %swap3A_271 = arith.index_cast %swap3A_270 : i32 to index
    %swap3A_272 = arith.constant 80 : index
    %swap3A_273 = tpu.vector_load %arg7[%swap3A_271, %swap3A_272] {strides = array<i32>} : memref<16x128xf32, #tpu.memory_space<vmem>>, vector<1x16xf32>,
    %swap3A_274 = vector.shape_cast %swap3A_273 : vector<1x16xf32> to vector<16xf32>
    %swap3A_275 = vector.shape_cast %broadcast_in_dim3A_0 : vector<16xf32> to vector<1x16xf32>
    tpu.vector_store %arg7[%swap3A_271, %swap3A_272], %swap3A_275 {strides = array<i32>} : memref<16x128xf32, #tpu.memory_space<vmem>>, vector<1x16xf32>,
    %swap3A_276 = arith.constant 5 : i32
    %swap3A_277 = arith.index_cast %swap3A_276 : i32 to index
    %swap3A_278 = arith.constant 96 : index
    %swap3A_279 = tpu.vector_load %arg7[%swap3A_277, %swap3A_278] {strides = array<i32>} : memref<16x128xf32, #tpu.memory_space<vmem>>, vector<1x16xf32>,
    %swap3A_280 = vector.shape_cast %swap3A_279 : vector<1x16xf32> to vector<16xf32>
    %swap3A_281 = vector.shape_cast %broadcast_in_dim3A_0 : vector<16xf32> to vector<1x16xf32>
    tpu.vector_store %arg7[%swap3A_277, %swap3A_278], %swap3A_281 {strides = array<i32>} : memref<16x128xf32, #tpu.memory_space<vmem>>, vector<1x16xf32>,
    %swap3A_282 = arith.constant 5 : i32
    %swap3A_283 = arith.index_cast %swap3A_282 : i32 to index
    %swap3A_284 = arith.constant 112 : index
    %swap3A_285 = tpu.vector_load %arg7[%swap3A_283, %swap3A_284] {strides = array<i32>} : memref<16x128xf32, #tpu.memory_space<vmem>>, vector<1x16xf32>,
    %swap3A_286 = vector.shape_cast %swap3A_285 : vector<1x16xf32> to vector<16xf32>
    %swap3A_287 = vector.shape_cast %broadcast_in_dim3A_0 : vector<16xf32> to vector<1x16xf32>
    tpu.vector_store %arg7[%swap3A_283, %swap3A_284], %swap3A_287 {strides = array<i32>} : memref<16x128xf32, #tpu.memory_space<vmem>>, vector<1x16xf32>,
    %swap3A_288 = arith.constant 6 : i32
    %swap3A_289 = arith.index_cast %swap3A_288 : i32 to index
    %swap3A_290 = arith.constant 0 : index
    %swap3A_291 = tpu.vector_load %arg7[%swap3A_289, %swap3A_290] {strides = array<i32>} : memref<16x128xf32, #tpu.memory_space<vmem>>, vector<1x16xf32>,
    %swap3A_292 = vector.shape_cast %swap3A_291 : vector<1x16xf32> to vector<16xf32>
    %swap3A_293 = vector.shape_cast %broadcast_in_dim3A_0 : vector<16xf32> to vector<1x16xf32>
    tpu.vector_store %arg7[%swap3A_289, %swap3A_290], %swap3A_293 {strides = array<i32>} : memref<16x128xf32, #tpu.memory_space<vmem>>, vector<1x16xf32>,
    %swap3A_294 = arith.constant 6 : i32
    %swap3A_295 = arith.index_cast %swap3A_294 : i32 to index
    %swap3A_296 = arith.constant 16 : index
    %swap3A_297 = tpu.vector_load %arg7[%swap3A_295, %swap3A_296] {strides = array<i32>} : memref<16x128xf32, #tpu.memory_space<vmem>>, vector<1x16xf32>,
    %swap3A_298 = vector.shape_cast %swap3A_297 : vector<1x16xf32> to vector<16xf32>
    %swap3A_299 = vector.shape_cast %broadcast_in_dim3A_0 : vector<16xf32> to vector<1x16xf32>
    tpu.vector_store %arg7[%swap3A_295, %swap3A_296], %swap3A_299 {strides = array<i32>} : memref<16x128xf32, #tpu.memory_space<vmem>>, vector<1x16xf32>,
    %swap3A_300 = arith.constant 6 : i32
    %swap3A_301 = arith.index_cast %swap3A_300 : i32 to index
    %swap3A_302 = arith.constant 32 : index
    %swap3A_303 = tpu.vector_load %arg7[%swap3A_301, %swap3A_302] {strides = array<i32>} : memref<16x128xf32, #tpu.memory_space<vmem>>, vector<1x16xf32>,
    %swap3A_304 = vector.shape_cast %swap3A_303 : vector<1x16xf32> to vector<16xf32>
    %swap3A_305 = vector.shape_cast %broadcast_in_dim3A_0 : vector<16xf32> to vector<1x16xf32>
    tpu.vector_store %arg7[%swap3A_301, %swap3A_302], %swap3A_305 {strides = array<i32>} : memref<16x128xf32, #tpu.memory_space<vmem>>, vector<1x16xf32>,
    %swap3A_306 = arith.constant 6 : i32
    %swap3A_307 = arith.index_cast %swap3A_306 : i32 to index
    %swap3A_308 = arith.constant 48 : index
    %swap3A_309 = tpu.vector_load %arg7[%swap3A_307, %swap3A_308] {strides = array<i32>} : memref<16x128xf32, #tpu.memory_space<vmem>>, vector<1x16xf32>,
    %swap3A_310 = vector.shape_cast %swap3A_309 : vector<1x16xf32> to vector<16xf32>
    %swap3A_311 = vector.shape_cast %broadcast_in_dim3A_0 : vector<16xf32> to vector<1x16xf32>
    tpu.vector_store %arg7[%swap3A_307, %swap3A_308], %swap3A_311 {strides = array<i32>} : memref<16x128xf32, #tpu.memory_space<vmem>>, vector<1x16xf32>,
    %swap3A_312 = arith.constant 6 : i32
    %swap3A_313 = arith.index_cast %swap3A_312 : i32 to index
    %swap3A_314 = arith.constant 64 : index
    %swap3A_315 = tpu.vector_load %arg7[%swap3A_313, %swap3A_314] {strides = array<i32>} : memref<16x128xf32, #tpu.memory_space<vmem>>, vector<1x16xf32>,
    %swap3A_316 = vector.shape_cast %swap3A_315 : vector<1x16xf32> to vector<16xf32>
    %swap3A_317 = vector.shape_cast %broadcast_in_dim3A_0 : vector<16xf32> to vector<1x16xf32>
    tpu.vector_store %arg7[%swap3A_313, %swap3A_314], %swap3A_317 {strides = array<i32>} : memref<16x128xf32, #tpu.memory_space<vmem>>, vector<1x16xf32>,
    %swap3A_318 = arith.constant 6 : i32
    %swap3A_319 = arith.index_cast %swap3A_318 : i32 to index
    %swap3A_320 = arith.constant 80 : index
    %swap3A_321 = tpu.vector_load %arg7[%swap3A_319, %swap3A_320] {strides = array<i32>} : memref<16x128xf32, #tpu.memory_space<vmem>>, vector<1x16xf32>,
    %swap3A_322 = vector.shape_cast %swap3A_321 : vector<1x16xf32> to vector<16xf32>
    %swap3A_323 = vector.shape_cast %broadcast_in_dim3A_0 : vector<16xf32> to vector<1x16xf32>
    tpu.vector_store %arg7[%swap3A_319, %swap3A_320], %swap3A_323 {strides = array<i32>} : memref<16x128xf32, #tpu.memory_space<vmem>>, vector<1x16xf32>,
    %swap3A_324 = arith.constant 6 : i32
    %swap3A_325 = arith.index_cast %swap3A_324 : i32 to index
    %swap3A_326 = arith.constant 96 : index
    %swap3A_327 = tpu.vector_load %arg7[%swap3A_325, %swap3A_326] {strides = array<i32>} : memref<16x128xf32, #tpu.memory_space<vmem>>, vector<1x16xf32>,
    %swap3A_328 = vector.shape_cast %swap3A_327 : vector<1x16xf32> to vector<16xf32>
    %swap3A_329 = vector.shape_cast %broadcast_in_dim3A_0 : vector<16xf32> to vector<1x16xf32>
    tpu.vector_store %arg7[%swap3A_325, %swap3A_326], %swap3A_329 {strides = array<i32>} : memref<16x128xf32, #tpu.memory_space<vmem>>, vector<1x16xf32>,
    %swap3A_330 = arith.constant 6 : i32
    %swap3A_331 = arith.index_cast %swap3A_330 : i32 to index
    %swap3A_332 = arith.constant 112 : index
    %swap3A_333 = tpu.vector_load %arg7[%swap3A_331, %swap3A_332] {strides = array<i32>} : memref<16x128xf32, #tpu.memory_space<vmem>>, vector<1x16xf32>,
    %swap3A_334 = vector.shape_cast %swap3A_333 : vector<1x16xf32> to vector<16xf32>
    %swap3A_335 = vector.shape_cast %broadcast_in_dim3A_0 : vector<16xf32> to vector<1x16xf32>
    tpu.vector_store %arg7[%swap3A_331, %swap3A_332], %swap3A_335 {strides = array<i32>} : memref<16x128xf32, #tpu.memory_space<vmem>>, vector<1x16xf32>,
    %swap3A_336 = arith.constant 7 : i32
    %swap3A_337 = arith.index_cast %swap3A_336 : i32 to index
    %swap3A_338 = arith.constant 0 : index
    %swap3A_339 = tpu.vector_load %arg7[%swap3A_337, %swap3A_338] {strides = array<i32>} : memref<16x128xf32, #tpu.memory_space<vmem>>, vector<1x16xf32>,
    %swap3A_340 = vector.shape_cast %swap3A_339 : vector<1x16xf32> to vector<16xf32>
    %swap3A_341 = vector.shape_cast %broadcast_in_dim3A_0 : vector<16xf32> to vector<1x16xf32>
    tpu.vector_store %arg7[%swap3A_337, %swap3A_338], %swap3A_341 {strides = array<i32>} : memref<16x128xf32, #tpu.memory_space<vmem>>, vector<1x16xf32>,
    %swap3A_342 = arith.constant 7 : i32
    %swap3A_343 = arith.index_cast %swap3A_342 : i32 to index
    %swap3A_344 = arith.constant 16 : index
    %swap3A_345 = tpu.vector_load %arg7[%swap3A_343, %swap3A_344] {strides = array<i32>} : memref<16x128xf32, #tpu.memory_space<vmem>>, vector<1x16xf32>,
    %swap3A_346 = vector.shape_cast %swap3A_345 : vector<1x16xf32> to vector<16xf32>
    %swap3A_347 = vector.shape_cast %broadcast_in_dim3A_0 : vector<16xf32> to vector<1x16xf32>
    tpu.vector_store %arg7[%swap3A_343, %swap3A_344], %swap3A_347 {strides = array<i32>} : memref<16x128xf32, #tpu.memory_space<vmem>>, vector<1x16xf32>,
    %swap3A_348 = arith.constant 7 : i32
    %swap3A_349 = arith.index_cast %swap3A_348 : i32 to index
    %swap3A_350 = arith.constant 32 : index
    %swap3A_351 = tpu.vector_load %arg7[%swap3A_349, %swap3A_350] {strides = array<i32>} : memref<16x128xf32, #tpu.memory_space<vmem>>, vector<1x16xf32>,
    %swap3A_352 = vector.shape_cast %swap3A_351 : vector<1x16xf32> to vector<16xf32>
    %swap3A_353 = vector.shape_cast %broadcast_in_dim3A_0 : vector<16xf32> to vector<1x16xf32>
    tpu.vector_store %arg7[%swap3A_349, %swap3A_350], %swap3A_353 {strides = array<i32>} : memref<16x128xf32, #tpu.memory_space<vmem>>, vector<1x16xf32>,
    %swap3A_354 = arith.constant 7 : i32
    %swap3A_355 = arith.index_cast %swap3A_354 : i32 to index
    %swap3A_356 = arith.constant 48 : index
    %swap3A_357 = tpu.vector_load %arg7[%swap3A_355, %swap3A_356] {strides = array<i32>} : memref<16x128xf32, #tpu.memory_space<vmem>>, vector<1x16xf32>,
    %swap3A_358 = vector.shape_cast %swap3A_357 : vector<1x16xf32> to vector<16xf32>
    %swap3A_359 = vector.shape_cast %broadcast_in_dim3A_0 : vector<16xf32> to vector<1x16xf32>
    tpu.vector_store %arg7[%swap3A_355, %swap3A_356], %swap3A_359 {strides = array<i32>} : memref<16x128xf32, #tpu.memory_space<vmem>>, vector<1x16xf32>,
    %swap3A_360 = arith.constant 7 : i32
    %swap3A_361 = arith.index_cast %swap3A_360 : i32 to index
    %swap3A_362 = arith.constant 64 : index
    %swap3A_363 = tpu.vector_load %arg7[%swap3A_361, %swap3A_362] {strides = array<i32>} : memref<16x128xf32, #tpu.memory_space<vmem>>, vector<1x16xf32>,
    %swap3A_364 = vector.shape_cast %swap3A_363 : vector<1x16xf32> to vector<16xf32>
    %swap3A_365 = vector.shape_cast %broadcast_in_dim3A_0 : vector<16xf32> to vector<1x16xf32>
    tpu.vector_store %arg7[%swap3A_361, %swap3A_362], %swap3A_365 {strides = array<i32>} : memref<16x128xf32, #tpu.memory_space<vmem>>, vector<1x16xf32>,
    %swap3A_366 = arith.constant 7 : i32
    %swap3A_367 = arith.index_cast %swap3A_366 : i32 to index
    %swap3A_368 = arith.constant 80 : index
    %swap3A_369 = tpu.vector_load %arg7[%swap3A_367, %swap3A_368] {strides = array<i32>} : memref<16x128xf32, #tpu.memory_space<vmem>>, vector<1x16xf32>,
    %swap3A_370 = vector.shape_cast %swap3A_369 : vector<1x16xf32> to vector<16xf32>
    %swap3A_371 = vector.shape_cast %broadcast_in_dim3A_0 : vector<16xf32> to vector<1x16xf32>
    tpu.vector_store %arg7[%swap3A_367, %swap3A_368], %swap3A_371 {strides = array<i32>} : memref<16x128xf32, #tpu.memory_space<vmem>>, vector<1x16xf32>,
    %swap3A_372 = arith.constant 7 : i32
    %swap3A_373 = arith.index_cast %swap3A_372 : i32 to index
    %swap3A_374 = arith.constant 96 : index
    %swap3A_375 = tpu.vector_load %arg7[%swap3A_373, %swap3A_374] {strides = array<i32>} : memref<16x128xf32, #tpu.memory_space<vmem>>, vector<1x16xf32>,
    %swap3A_376 = vector.shape_cast %swap3A_375 : vector<1x16xf32> to vector<16xf32>
    %swap3A_377 = vector.shape_cast %broadcast_in_dim3A_0 : vector<16xf32> to vector<1x16xf32>
    tpu.vector_store %arg7[%swap3A_373, %swap3A_374], %swap3A_377 {strides = array<i32>} : memref<16x128xf32, #tpu.memory_space<vmem>>, vector<1x16xf32>,
    %swap3A_378 = arith.constant 7 : i32
    %swap3A_379 = arith.index_cast %swap3A_378 : i32 to index
    %swap3A_380 = arith.constant 112 : index
    %swap3A_381 = tpu.vector_load %arg7[%swap3A_379, %swap3A_380] {strides = array<i32>} : memref<16x128xf32, #tpu.memory_space<vmem>>, vector<1x16xf32>,
    %swap3A_382 = vector.shape_cast %swap3A_381 : vector<1x16xf32> to vector<16xf32>
    %swap3A_383 = vector.shape_cast %broadcast_in_dim3A_0 : vector<16xf32> to vector<1x16xf32>
    tpu.vector_store %arg7[%swap3A_379, %swap3A_380], %swap3A_383 {strides = array<i32>} : memref<16x128xf32, #tpu.memory_space<vmem>>, vector<1x16xf32>,
    %swap3A_384 = arith.constant 8 : i32
    %swap3A_385 = arith.index_cast %swap3A_384 : i32 to index
    %swap3A_386 = arith.constant 0 : index
    %swap3A_387 = tpu.vector_load %arg7[%swap3A_385, %swap3A_386] {strides = array<i32>} : memref<16x128xf32, #tpu.memory_space<vmem>>, vector<1x16xf32>,
    %swap3A_388 = vector.shape_cast %swap3A_387 : vector<1x16xf32> to vector<16xf32>
    %swap3A_389 = vector.shape_cast %broadcast_in_dim3A_0 : vector<16xf32> to vector<1x16xf32>
    tpu.vector_store %arg7[%swap3A_385, %swap3A_386], %swap3A_389 {strides = array<i32>} : memref<16x128xf32, #tpu.memory_space<vmem>>, vector<1x16xf32>,
    %swap3A_390 = arith.constant 8 : i32
    %swap3A_391 = arith.index_cast %swap3A_390 : i32 to index
    %swap3A_392 = arith.constant 16 : index
    %swap3A_393 = tpu.vector_load %arg7[%swap3A_391, %swap3A_392] {strides = array<i32>} : memref<16x128xf32, #tpu.memory_space<vmem>>, vector<1x16xf32>,
    %swap3A_394 = vector.shape_cast %swap3A_393 : vector<1x16xf32> to vector<16xf32>
    %swap3A_395 = vector.shape_cast %broadcast_in_dim3A_0 : vector<16xf32> to vector<1x16xf32>
    tpu.vector_store %arg7[%swap3A_391, %swap3A_392], %swap3A_395 {strides = array<i32>} : memref<16x128xf32, #tpu.memory_space<vmem>>, vector<1x16xf32>,
    %swap3A_396 = arith.constant 8 : i32
    %swap3A_397 = arith.index_cast %swap3A_396 : i32 to index
    %swap3A_398 = arith.constant 32 : index
    %swap3A_399 = tpu.vector_load %arg7[%swap3A_397, %swap3A_398] {strides = array<i32>} : memref<16x128xf32, #tpu.memory_space<vmem>>, vector<1x16xf32>,
    %swap3A_400 = vector.shape_cast %swap3A_399 : vector<1x16xf32> to vector<16xf32>
    %swap3A_401 = vector.shape_cast %broadcast_in_dim3A_0 : vector<16xf32> to vector<1x16xf32>
    tpu.vector_store %arg7[%swap3A_397, %swap3A_398], %swap3A_401 {strides = array<i32>} : memref<16x128xf32, #tpu.memory_space<vmem>>, vector<1x16xf32>,
    %swap3A_402 = arith.constant 8 : i32
    %swap3A_403 = arith.index_cast %swap3A_402 : i32 to index
    %swap3A_404 = arith.constant 48 : index
    %swap3A_405 = tpu.vector_load %arg7[%swap3A_403, %swap3A_404] {strides = array<i32>} : memref<16x128xf32, #tpu.memory_space<vmem>>, vector<1x16xf32>,
    %swap3A_406 = vector.shape_cast %swap3A_405 : vector<1x16xf32> to vector<16xf32>
    %swap3A_407 = vector.shape_cast %broadcast_in_dim3A_0 : vector<16xf32> to vector<1x16xf32>
    tpu.vector_store %arg7[%swap3A_403, %swap3A_404], %swap3A_407 {strides = array<i32>} : memref<16x128xf32, #tpu.memory_space<vmem>>, vector<1x16xf32>,
    %swap3A_408 = arith.constant 8 : i32
    %swap3A_409 = arith.index_cast %swap3A_408 : i32 to index
    %swap3A_410 = arith.constant 64 : index
    %swap3A_411 = tpu.vector_load %arg7[%swap3A_409, %swap3A_410] {strides = array<i32>} : memref<16x128xf32, #tpu.memory_space<vmem>>, vector<1x16xf32>,
    %swap3A_412 = vector.shape_cast %swap3A_411 : vector<1x16xf32> to vector<16xf32>
    %swap3A_413 = vector.shape_cast %broadcast_in_dim3A_0 : vector<16xf32> to vector<1x16xf32>
    tpu.vector_store %arg7[%swap3A_409, %swap3A_410], %swap3A_413 {strides = array<i32>} : memref<16x128xf32, #tpu.memory_space<vmem>>, vector<1x16xf32>,
    %swap3A_414 = arith.constant 8 : i32
    %swap3A_415 = arith.index_cast %swap3A_414 : i32 to index
    %swap3A_416 = arith.constant 80 : index
    %swap3A_417 = tpu.vector_load %arg7[%swap3A_415, %swap3A_416] {strides = array<i32>} : memref<16x128xf32, #tpu.memory_space<vmem>>, vector<1x16xf32>,
    %swap3A_418 = vector.shape_cast %swap3A_417 : vector<1x16xf32> to vector<16xf32>
    %swap3A_419 = vector.shape_cast %broadcast_in_dim3A_0 : vector<16xf32> to vector<1x16xf32>
    tpu.vector_store %arg7[%swap3A_415, %swap3A_416], %swap3A_419 {strides = array<i32>} : memref<16x128xf32, #tpu.memory_space<vmem>>, vector<1x16xf32>,
    %swap3A_420 = arith.constant 8 : i32
    %swap3A_421 = arith.index_cast %swap3A_420 : i32 to index
    %swap3A_422 = arith.constant 96 : index
    %swap3A_423 = tpu.vector_load %arg7[%swap3A_421, %swap3A_422] {strides = array<i32>} : memref<16x128xf32, #tpu.memory_space<vmem>>, vector<1x16xf32>,
    %swap3A_424 = vector.shape_cast %swap3A_423 : vector<1x16xf32> to vector<16xf32>
    %swap3A_425 = vector.shape_cast %broadcast_in_dim3A_0 : vector<16xf32> to vector<1x16xf32>
    tpu.vector_store %arg7[%swap3A_421, %swap3A_422], %swap3A_425 {strides = array<i32>} : memref<16x128xf32, #tpu.memory_space<vmem>>, vector<1x16xf32>,
    %swap3A_426 = arith.constant 8 : i32
    %swap3A_427 = arith.index_cast %swap3A_426 : i32 to index
    %swap3A_428 = arith.constant 112 : index
    %swap3A_429 = tpu.vector_load %arg7[%swap3A_427, %swap3A_428] {strides = array<i32>} : memref<16x128xf32, #tpu.memory_space<vmem>>, vector<1x16xf32>,
    %swap3A_430 = vector.shape_cast %swap3A_429 : vector<1x16xf32> to vector<16xf32>
    %swap3A_431 = vector.shape_cast %broadcast_in_dim3A_0 : vector<16xf32> to vector<1x16xf32>
    tpu.vector_store %arg7[%swap3A_427, %swap3A_428], %swap3A_431 {strides = array<i32>} : memref<16x128xf32, #tpu.memory_space<vmem>>, vector<1x16xf32>,
    %swap3A_432 = arith.constant 9 : i32
    %swap3A_433 = arith.index_cast %swap3A_432 : i32 to index
    %swap3A_434 = arith.constant 0 : index
    %swap3A_435 = tpu.vector_load %arg7[%swap3A_433, %swap3A_434] {strides = array<i32>} : memref<16x128xf32, #tpu.memory_space<vmem>>, vector<1x16xf32>,
    %swap3A_436 = vector.shape_cast %swap3A_435 : vector<1x16xf32> to vector<16xf32>
    %swap3A_437 = vector.shape_cast %broadcast_in_dim3A_0 : vector<16xf32> to vector<1x16xf32>
    tpu.vector_store %arg7[%swap3A_433, %swap3A_434], %swap3A_437 {strides = array<i32>} : memref<16x128xf32, #tpu.memory_space<vmem>>, vector<1x16xf32>,
    %swap3A_438 = arith.constant 9 : i32
    %swap3A_439 = arith.index_cast %swap3A_438 : i32 to index
    %swap3A_440 = arith.constant 16 : index
    %swap3A_441 = tpu.vector_load %arg7[%swap3A_439, %swap3A_440] {strides = array<i32>} : memref<16x128xf32, #tpu.memory_space<vmem>>, vector<1x16xf32>,
    %swap3A_442 = vector.shape_cast %swap3A_441 : vector<1x16xf32> to vector<16xf32>
    %swap3A_443 = vector.shape_cast %broadcast_in_dim3A_0 : vector<16xf32> to vector<1x16xf32>
    tpu.vector_store %arg7[%swap3A_439, %swap3A_440], %swap3A_443 {strides = array<i32>} : memref<16x128xf32, #tpu.memory_space<vmem>>, vector<1x16xf32>,
    %swap3A_444 = arith.constant 9 : i32
    %swap3A_445 = arith.index_cast %swap3A_444 : i32 to index
    %swap3A_446 = arith.constant 32 : index
    %swap3A_447 = tpu.vector_load %arg7[%swap3A_445, %swap3A_446] {strides = array<i32>} : memref<16x128xf32, #tpu.memory_space<vmem>>, vector<1x16xf32>,
    %swap3A_448 = vector.shape_cast %swap3A_447 : vector<1x16xf32> to vector<16xf32>
    %swap3A_449 = vector.shape_cast %broadcast_in_dim3A_0 : vector<16xf32> to vector<1x16xf32>
    tpu.vector_store %arg7[%swap3A_445, %swap3A_446], %swap3A_449 {strides = array<i32>} : memref<16x128xf32, #tpu.memory_space<vmem>>, vector<1x16xf32>,
    %swap3A_450 = arith.constant 9 : i32
    %swap3A_451 = arith.index_cast %swap3A_450 : i32 to index
    %swap3A_452 = arith.constant 48 : index
    %swap3A_453 = tpu.vector_load %arg7[%swap3A_451, %swap3A_452] {strides = array<i32>} : memref<16x128xf32, #tpu.memory_space<vmem>>, vector<1x16xf32>,
    %swap3A_454 = vector.shape_cast %swap3A_453 : vector<1x16xf32> to vector<16xf32>
    %swap3A_455 = vector.shape_cast %broadcast_in_dim3A_0 : vector<16xf32> to vector<1x16xf32>
    tpu.vector_store %arg7[%swap3A_451, %swap3A_452], %swap3A_455 {strides = array<i32>} : memref<16x128xf32, #tpu.memory_space<vmem>>, vector<1x16xf32>,
    %swap3A_456 = arith.constant 9 : i32
    %swap3A_457 = arith.index_cast %swap3A_456 : i32 to index
    %swap3A_458 = arith.constant 64 : index
    %swap3A_459 = tpu.vector_load %arg7[%swap3A_457, %swap3A_458] {strides = array<i32>} : memref<16x128xf32, #tpu.memory_space<vmem>>, vector<1x16xf32>,
    %swap3A_460 = vector.shape_cast %swap3A_459 : vector<1x16xf32> to vector<16xf32>
    %swap3A_461 = vector.shape_cast %broadcast_in_dim3A_0 : vector<16xf32> to vector<1x16xf32>
    tpu.vector_store %arg7[%swap3A_457, %swap3A_458], %swap3A_461 {strides = array<i32>} : memref<16x128xf32, #tpu.memory_space<vmem>>, vector<1x16xf32>,
    %swap3A_462 = arith.constant 9 : i32
    %swap3A_463 = arith.index_cast %swap3A_462 : i32 to index
    %swap3A_464 = arith.constant 80 : index
    %swap3A_465 = tpu.vector_load %arg7[%swap3A_463, %swap3A_464] {strides = array<i32>} : memref<16x128xf32, #tpu.memory_space<vmem>>, vector<1x16xf32>,
    %swap3A_466 = vector.shape_cast %swap3A_465 : vector<1x16xf32> to vector<16xf32>
    %swap3A_467 = vector.shape_cast %broadcast_in_dim3A_0 : vector<16xf32> to vector<1x16xf32>
    tpu.vector_store %arg7[%swap3A_463, %swap3A_464], %swap3A_467 {strides = array<i32>} : memref<16x128xf32, #tpu.memory_space<vmem>>, vector<1x16xf32>,
    %swap3A_468 = arith.constant 9 : i32
    %swap3A_469 = arith.index_cast %swap3A_468 : i32 to index
    %swap3A_470 = arith.constant 96 : index
    %swap3A_471 = tpu.vector_load %arg7[%swap3A_469, %swap3A_470] {strides = array<i32>} : memref<16x128xf32, #tpu.memory_space<vmem>>, vector<1x16xf32>,
    %swap3A_472 = vector.shape_cast %swap3A_471 : vector<1x16xf32> to vector<16xf32>
    %swap3A_473 = vector.shape_cast %broadcast_in_dim3A_0 : vector<16xf32> to vector<1x16xf32>
    tpu.vector_store %arg7[%swap3A_469, %swap3A_470], %swap3A_473 {strides = array<i32>} : memref<16x128xf32, #tpu.memory_space<vmem>>, vector<1x16xf32>,
    %swap3A_474 = arith.constant 9 : i32
    %swap3A_475 = arith.index_cast %swap3A_474 : i32 to index
    %swap3A_476 = arith.constant 112 : index
    %swap3A_477 = tpu.vector_load %arg7[%swap3A_475, %swap3A_476] {strides = array<i32>} : memref<16x128xf32, #tpu.memory_space<vmem>>, vector<1x16xf32>,
    %swap3A_478 = vector.shape_cast %swap3A_477 : vector<1x16xf32> to vector<16xf32>
    %swap3A_479 = vector.shape_cast %broadcast_in_dim3A_0 : vector<16xf32> to vector<1x16xf32>
    tpu.vector_store %arg7[%swap3A_475, %swap3A_476], %swap3A_479 {strides = array<i32>} : memref<16x128xf32, #tpu.memory_space<vmem>>, vector<1x16xf32>,
    %swap3A_480 = arith.constant 10 : i32
    %swap3A_481 = arith.index_cast %swap3A_480 : i32 to index
    %swap3A_482 = arith.constant 0 : index
    %swap3A_483 = tpu.vector_load %arg7[%swap3A_481, %swap3A_482] {strides = array<i32>} : memref<16x128xf32, #tpu.memory_space<vmem>>, vector<1x16xf32>,
    %swap3A_484 = vector.shape_cast %swap3A_483 : vector<1x16xf32> to vector<16xf32>
    %swap3A_485 = vector.shape_cast %broadcast_in_dim3A_0 : vector<16xf32> to vector<1x16xf32>
    tpu.vector_store %arg7[%swap3A_481, %swap3A_482], %swap3A_485 {strides = array<i32>} : memref<16x128xf32, #tpu.memory_space<vmem>>, vector<1x16xf32>,
    %swap3A_486 = arith.constant 10 : i32
    %swap3A_487 = arith.index_cast %swap3A_486 : i32 to index
    %swap3A_488 = arith.constant 16 : index
    %swap3A_489 = tpu.vector_load %arg7[%swap3A_487, %swap3A_488] {strides = array<i32>} : memref<16x128xf32, #tpu.memory_space<vmem>>, vector<1x16xf32>,
    %swap3A_490 = vector.shape_cast %swap3A_489 : vector<1x16xf32> to vector<16xf32>
    %swap3A_491 = vector.shape_cast %broadcast_in_dim3A_0 : vector<16xf32> to vector<1x16xf32>
    tpu.vector_store %arg7[%swap3A_487, %swap3A_488], %swap3A_491 {strides = array<i32>} : memref<16x128xf32, #tpu.memory_space<vmem>>, vector<1x16xf32>,
    %swap3A_492 = arith.constant 10 : i32
    %swap3A_493 = arith.index_cast %swap3A_492 : i32 to index
    %swap3A_494 = arith.constant 32 : index
    %swap3A_495 = tpu.vector_load %arg7[%swap3A_493, %swap3A_494] {strides = array<i32>} : memref<16x128xf32, #tpu.memory_space<vmem>>, vector<1x16xf32>,
    %swap3A_496 = vector.shape_cast %swap3A_495 : vector<1x16xf32> to vector<16xf32>
    %swap3A_497 = vector.shape_cast %broadcast_in_dim3A_0 : vector<16xf32> to vector<1x16xf32>
    tpu.vector_store %arg7[%swap3A_493, %swap3A_494], %swap3A_497 {strides = array<i32>} : memref<16x128xf32, #tpu.memory_space<vmem>>, vector<1x16xf32>,
    %swap3A_498 = arith.constant 10 : i32
    %swap3A_499 = arith.index_cast %swap3A_498 : i32 to index
    %swap3A_500 = arith.constant 48 : index
    %swap3A_501 = tpu.vector_load %arg7[%swap3A_499, %swap3A_500] {strides = array<i32>} : memref<16x128xf32, #tpu.memory_space<vmem>>, vector<1x16xf32>,
    %swap3A_502 = vector.shape_cast %swap3A_501 : vector<1x16xf32> to vector<16xf32>
    %swap3A_503 = vector.shape_cast %broadcast_in_dim3A_0 : vector<16xf32> to vector<1x16xf32>
    tpu.vector_store %arg7[%swap3A_499, %swap3A_500], %swap3A_503 {strides = array<i32>} : memref<16x128xf32, #tpu.memory_space<vmem>>, vector<1x16xf32>,
    %swap3A_504 = arith.constant 10 : i32
    %swap3A_505 = arith.index_cast %swap3A_504 : i32 to index
    %swap3A_506 = arith.constant 64 : index
    %swap3A_507 = tpu.vector_load %arg7[%swap3A_505, %swap3A_506] {strides = array<i32>} : memref<16x128xf32, #tpu.memory_space<vmem>>, vector<1x16xf32>,
    %swap3A_508 = vector.shape_cast %swap3A_507 : vector<1x16xf32> to vector<16xf32>
    %swap3A_509 = vector.shape_cast %broadcast_in_dim3A_0 : vector<16xf32> to vector<1x16xf32>
    tpu.vector_store %arg7[%swap3A_505, %swap3A_506], %swap3A_509 {strides = array<i32>} : memref<16x128xf32, #tpu.memory_space<vmem>>, vector<1x16xf32>,
    %swap3A_510 = arith.constant 10 : i32
    %swap3A_511 = arith.index_cast %swap3A_510 : i32 to index
    %swap3A_512 = arith.constant 80 : index
    %swap3A_513 = tpu.vector_load %arg7[%swap3A_511, %swap3A_512] {strides = array<i32>} : memref<16x128xf32, #tpu.memory_space<vmem>>, vector<1x16xf32>,
    %swap3A_514 = vector.shape_cast %swap3A_513 : vector<1x16xf32> to vector<16xf32>
    %swap3A_515 = vector.shape_cast %broadcast_in_dim3A_0 : vector<16xf32> to vector<1x16xf32>
    tpu.vector_store %arg7[%swap3A_511, %swap3A_512], %swap3A_515 {strides = array<i32>} : memref<16x128xf32, #tpu.memory_space<vmem>>, vector<1x16xf32>,
    %swap3A_516 = arith.constant 10 : i32
    %swap3A_517 = arith.index_cast %swap3A_516 : i32 to index
    %swap3A_518 = arith.constant 96 : index
    %swap3A_519 = tpu.vector_load %arg7[%swap3A_517, %swap3A_518] {strides = array<i32>} : memref<16x128xf32, #tpu.memory_space<vmem>>, vector<1x16xf32>,
    %swap3A_520 = vector.shape_cast %swap3A_519 : vector<1x16xf32> to vector<16xf32>
    %swap3A_521 = vector.shape_cast %broadcast_in_dim3A_0 : vector<16xf32> to vector<1x16xf32>
    tpu.vector_store %arg7[%swap3A_517, %swap3A_518], %swap3A_521 {strides = array<i32>} : memref<16x128xf32, #tpu.memory_space<vmem>>, vector<1x16xf32>,
    %swap3A_522 = arith.constant 10 : i32
    %swap3A_523 = arith.index_cast %swap3A_522 : i32 to index
    %swap3A_524 = arith.constant 112 : index
    %swap3A_525 = tpu.vector_load %arg7[%swap3A_523, %swap3A_524] {strides = array<i32>} : memref<16x128xf32, #tpu.memory_space<vmem>>, vector<1x16xf32>,
    %swap3A_526 = vector.shape_cast %swap3A_525 : vector<1x16xf32> to vector<16xf32>
    %swap3A_527 = vector.shape_cast %broadcast_in_dim3A_0 : vector<16xf32> to vector<1x16xf32>
    tpu.vector_store %arg7[%swap3A_523, %swap3A_524], %swap3A_527 {strides = array<i32>} : memref<16x128xf32, #tpu.memory_space<vmem>>, vector<1x16xf32>,
    %swap3A_528 = arith.constant 11 : i32
    %swap3A_529 = arith.index_cast %swap3A_528 : i32 to index
    %swap3A_530 = arith.constant 0 : index
    %swap3A_531 = tpu.vector_load %arg7[%swap3A_529, %swap3A_530] {strides = array<i32>} : memref<16x128xf32, #tpu.memory_space<vmem>>, vector<1x16xf32>,
    %swap3A_532 = vector.shape_cast %swap3A_531 : vector<1x16xf32> to vector<16xf32>
    %swap3A_533 = vector.shape_cast %broadcast_in_dim3A_0 : vector<16xf32> to vector<1x16xf32>
    tpu.vector_store %arg7[%swap3A_529, %swap3A_530], %swap3A_533 {strides = array<i32>} : memref<16x128xf32, #tpu.memory_space<vmem>>, vector<1x16xf32>,
    %swap3A_534 = arith.constant 11 : i32
    %swap3A_535 = arith.index_cast %swap3A_534 : i32 to index
    %swap3A_536 = arith.constant 16 : index
    %swap3A_537 = tpu.vector_load %arg7[%swap3A_535, %swap3A_536] {strides = array<i32>} : memref<16x128xf32, #tpu.memory_space<vmem>>, vector<1x16xf32>,
    %swap3A_538 = vector.shape_cast %swap3A_537 : vector<1x16xf32> to vector<16xf32>
    %swap3A_539 = vector.shape_cast %broadcast_in_dim3A_0 : vector<16xf32> to vector<1x16xf32>
    tpu.vector_store %arg7[%swap3A_535, %swap3A_536], %swap3A_539 {strides = array<i32>} : memref<16x128xf32, #tpu.memory_space<vmem>>, vector<1x16xf32>,
    %swap3A_540 = arith.constant 11 : i32
    %swap3A_541 = arith.index_cast %swap3A_540 : i32 to index
    %swap3A_542 = arith.constant 32 : index
    %swap3A_543 = tpu.vector_load %arg7[%swap3A_541, %swap3A_542] {strides = array<i32>} : memref<16x128xf32, #tpu.memory_space<vmem>>, vector<1x16xf32>,
    %swap3A_544 = vector.shape_cast %swap3A_543 : vector<1x16xf32> to vector<16xf32>
    %swap3A_545 = vector.shape_cast %broadcast_in_dim3A_0 : vector<16xf32> to vector<1x16xf32>
    tpu.vector_store %arg7[%swap3A_541, %swap3A_542], %swap3A_545 {strides = array<i32>} : memref<16x128xf32, #tpu.memory_space<vmem>>, vector<1x16xf32>,
    %swap3A_546 = arith.constant 11 : i32
    %swap3A_547 = arith.index_cast %swap3A_546 : i32 to index
    %swap3A_548 = arith.constant 48 : index
    %swap3A_549 = tpu.vector_load %arg7[%swap3A_547, %swap3A_548] {strides = array<i32>} : memref<16x128xf32, #tpu.memory_space<vmem>>, vector<1x16xf32>,
    %swap3A_550 = vector.shape_cast %swap3A_549 : vector<1x16xf32> to vector<16xf32>
    %swap3A_551 = vector.shape_cast %broadcast_in_dim3A_0 : vector<16xf32> to vector<1x16xf32>
    tpu.vector_store %arg7[%swap3A_547, %swap3A_548], %swap3A_551 {strides = array<i32>} : memref<16x128xf32, #tpu.memory_space<vmem>>, vector<1x16xf32>,
    %swap3A_552 = arith.constant 11 : i32
    %swap3A_553 = arith.index_cast %swap3A_552 : i32 to index
    %swap3A_554 = arith.constant 64 : index
    %swap3A_555 = tpu.vector_load %arg7[%swap3A_553, %swap3A_554] {strides = array<i32>} : memref<16x128xf32, #tpu.memory_space<vmem>>, vector<1x16xf32>,
    %swap3A_556 = vector.shape_cast %swap3A_555 : vector<1x16xf32> to vector<16xf32>
    %swap3A_557 = vector.shape_cast %broadcast_in_dim3A_0 : vector<16xf32> to vector<1x16xf32>
    tpu.vector_store %arg7[%swap3A_553, %swap3A_554], %swap3A_557 {strides = array<i32>} : memref<16x128xf32, #tpu.memory_space<vmem>>, vector<1x16xf32>,
    %swap3A_558 = arith.constant 11 : i32
    %swap3A_559 = arith.index_cast %swap3A_558 : i32 to index
    %swap3A_560 = arith.constant 80 : index
    %swap3A_561 = tpu.vector_load %arg7[%swap3A_559, %swap3A_560] {strides = array<i32>} : memref<16x128xf32, #tpu.memory_space<vmem>>, vector<1x16xf32>,
    %swap3A_562 = vector.shape_cast %swap3A_561 : vector<1x16xf32> to vector<16xf32>
    %swap3A_563 = vector.shape_cast %broadcast_in_dim3A_0 : vector<16xf32> to vector<1x16xf32>
    tpu.vector_store %arg7[%swap3A_559, %swap3A_560], %swap3A_563 {strides = array<i32>} : memref<16x128xf32, #tpu.memory_space<vmem>>, vector<1x16xf32>,
    %swap3A_564 = arith.constant 11 : i32
    %swap3A_565 = arith.index_cast %swap3A_564 : i32 to index
    %swap3A_566 = arith.constant 96 : index
    %swap3A_567 = tpu.vector_load %arg7[%swap3A_565, %swap3A_566] {strides = array<i32>} : memref<16x128xf32, #tpu.memory_space<vmem>>, vector<1x16xf32>,
    %swap3A_568 = vector.shape_cast %swap3A_567 : vector<1x16xf32> to vector<16xf32>
    %swap3A_569 = vector.shape_cast %broadcast_in_dim3A_0 : vector<16xf32> to vector<1x16xf32>
    tpu.vector_store %arg7[%swap3A_565, %swap3A_566], %swap3A_569 {strides = array<i32>} : memref<16x128xf32, #tpu.memory_space<vmem>>, vector<1x16xf32>,
    %swap3A_570 = arith.constant 11 : i32
    %swap3A_571 = arith.index_cast %swap3A_570 : i32 to index
    %swap3A_572 = arith.constant 112 : index
    %swap3A_573 = tpu.vector_load %arg7[%swap3A_571, %swap3A_572] {strides = array<i32>} : memref<16x128xf32, #tpu.memory_space<vmem>>, vector<1x16xf32>,
    %swap3A_574 = vector.shape_cast %swap3A_573 : vector<1x16xf32> to vector<16xf32>
    %swap3A_575 = vector.shape_cast %broadcast_in_dim3A_0 : vector<16xf32> to vector<1x16xf32>
    tpu.vector_store %arg7[%swap3A_571, %swap3A_572], %swap3A_575 {strides = array<i32>} : memref<16x128xf32, #tpu.memory_space<vmem>>, vector<1x16xf32>,
    %swap3A_576 = arith.constant 12 : i32
    %swap3A_577 = arith.index_cast %swap3A_576 : i32 to index
    %swap3A_578 = arith.constant 0 : index
    %swap3A_579 = tpu.vector_load %arg7[%swap3A_577, %swap3A_578] {strides = array<i32>} : memref<16x128xf32, #tpu.memory_space<vmem>>, vector<1x16xf32>,
    %swap3A_580 = vector.shape_cast %swap3A_579 : vector<1x16xf32> to vector<16xf32>
    %swap3A_581 = vector.shape_cast %broadcast_in_dim3A_0 : vector<16xf32> to vector<1x16xf32>
    tpu.vector_store %arg7[%swap3A_577, %swap3A_578], %swap3A_581 {strides = array<i32>} : memref<16x128xf32, #tpu.memory_space<vmem>>, vector<1x16xf32>,
    %swap3A_582 = arith.constant 12 : i32
    %swap3A_583 = arith.index_cast %swap3A_582 : i32 to index
    %swap3A_584 = arith.constant 16 : index
    %swap3A_585 = tpu.vector_load %arg7[%swap3A_583, %swap3A_584] {strides = array<i32>} : memref<16x128xf32, #tpu.memory_space<vmem>>, vector<1x16xf32>,
    %swap3A_586 = vector.shape_cast %swap3A_585 : vector<1x16xf32> to vector<16xf32>
    %swap3A_587 = vector.shape_cast %broadcast_in_dim3A_0 : vector<16xf32> to vector<1x16xf32>
    tpu.vector_store %arg7[%swap3A_583, %swap3A_584], %swap3A_587 {strides = array<i32>} : memref<16x128xf32, #tpu.memory_space<vmem>>, vector<1x16xf32>,
    %swap3A_588 = arith.constant 12 : i32
    %swap3A_589 = arith.index_cast %swap3A_588 : i32 to index
    %swap3A_590 = arith.constant 32 : index
    %swap3A_591 = tpu.vector_load %arg7[%swap3A_589, %swap3A_590] {strides = array<i32>} : memref<16x128xf32, #tpu.memory_space<vmem>>, vector<1x16xf32>,
    %swap3A_592 = vector.shape_cast %swap3A_591 : vector<1x16xf32> to vector<16xf32>
    %swap3A_593 = vector.shape_cast %broadcast_in_dim3A_0 : vector<16xf32> to vector<1x16xf32>
    tpu.vector_store %arg7[%swap3A_589, %swap3A_590], %swap3A_593 {strides = array<i32>} : memref<16x128xf32, #tpu.memory_space<vmem>>, vector<1x16xf32>,
    %swap3A_594 = arith.constant 12 : i32
    %swap3A_595 = arith.index_cast %swap3A_594 : i32 to index
    %swap3A_596 = arith.constant 48 : index
    %swap3A_597 = tpu.vector_load %arg7[%swap3A_595, %swap3A_596] {strides = array<i32>} : memref<16x128xf32, #tpu.memory_space<vmem>>, vector<1x16xf32>,
    %swap3A_598 = vector.shape_cast %swap3A_597 : vector<1x16xf32> to vector<16xf32>
    %swap3A_599 = vector.shape_cast %broadcast_in_dim3A_0 : vector<16xf32> to vector<1x16xf32>
    tpu.vector_store %arg7[%swap3A_595, %swap3A_596], %swap3A_599 {strides = array<i32>} : memref<16x128xf32, #tpu.memory_space<vmem>>, vector<1x16xf32>,
    %swap3A_600 = arith.constant 12 : i32
    %swap3A_601 = arith.index_cast %swap3A_600 : i32 to index
    %swap3A_602 = arith.constant 64 : index
    %swap3A_603 = tpu.vector_load %arg7[%swap3A_601, %swap3A_602] {strides = array<i32>} : memref<16x128xf32, #tpu.memory_space<vmem>>, vector<1x16xf32>,
    %swap3A_604 = vector.shape_cast %swap3A_603 : vector<1x16xf32> to vector<16xf32>
    %swap3A_605 = vector.shape_cast %broadcast_in_dim3A_0 : vector<16xf32> to vector<1x16xf32>
    tpu.vector_store %arg7[%swap3A_601, %swap3A_602], %swap3A_605 {strides = array<i32>} : memref<16x128xf32, #tpu.memory_space<vmem>>, vector<1x16xf32>,
    %swap3A_606 = arith.constant 12 : i32
    %swap3A_607 = arith.index_cast %swap3A_606 : i32 to index
    %swap3A_608 = arith.constant 80 : index
    %swap3A_609 = tpu.vector_load %arg7[%swap3A_607, %swap3A_608] {strides = array<i32>} : memref<16x128xf32, #tpu.memory_space<vmem>>, vector<1x16xf32>,
    %swap3A_610 = vector.shape_cast %swap3A_609 : vector<1x16xf32> to vector<16xf32>
    %swap3A_611 = vector.shape_cast %broadcast_in_dim3A_0 : vector<16xf32> to vector<1x16xf32>
    tpu.vector_store %arg7[%swap3A_607, %swap3A_608], %swap3A_611 {strides = array<i32>} : memref<16x128xf32, #tpu.memory_space<vmem>>, vector<1x16xf32>,
    %swap3A_612 = arith.constant 12 : i32
    %swap3A_613 = arith.index_cast %swap3A_612 : i32 to index
    %swap3A_614 = arith.constant 96 : index
    %swap3A_615 = tpu.vector_load %arg7[%swap3A_613, %swap3A_614] {strides = array<i32>} : memref<16x128xf32, #tpu.memory_space<vmem>>, vector<1x16xf32>,
    %swap3A_616 = vector.shape_cast %swap3A_615 : vector<1x16xf32> to vector<16xf32>
    %swap3A_617 = vector.shape_cast %broadcast_in_dim3A_0 : vector<16xf32> to vector<1x16xf32>
    tpu.vector_store %arg7[%swap3A_613, %swap3A_614], %swap3A_617 {strides = array<i32>} : memref<16x128xf32, #tpu.memory_space<vmem>>, vector<1x16xf32>,
    %swap3A_618 = arith.constant 12 : i32
    %swap3A_619 = arith.index_cast %swap3A_618 : i32 to index
    %swap3A_620 = arith.constant 112 : index
    %swap3A_621 = tpu.vector_load %arg7[%swap3A_619, %swap3A_620] {strides = array<i32>} : memref<16x128xf32, #tpu.memory_space<vmem>>, vector<1x16xf32>,
    %swap3A_622 = vector.shape_cast %swap3A_621 : vector<1x16xf32> to vector<16xf32>
    %swap3A_623 = vector.shape_cast %broadcast_in_dim3A_0 : vector<16xf32> to vector<1x16xf32>
    tpu.vector_store %arg7[%swap3A_619, %swap3A_620], %swap3A_623 {strides = array<i32>} : memref<16x128xf32, #tpu.memory_space<vmem>>, vector<1x16xf32>,
    %swap3A_624 = arith.constant 13 : i32
    %swap3A_625 = arith.index_cast %swap3A_624 : i32 to index
    %swap3A_626 = arith.constant 0 : index
    %swap3A_627 = tpu.vector_load %arg7[%swap3A_625, %swap3A_626] {strides = array<i32>} : memref<16x128xf32, #tpu.memory_space<vmem>>, vector<1x16xf32>,
    %swap3A_628 = vector.shape_cast %swap3A_627 : vector<1x16xf32> to vector<16xf32>
    %swap3A_629 = vector.shape_cast %broadcast_in_dim3A_0 : vector<16xf32> to vector<1x16xf32>
    tpu.vector_store %arg7[%swap3A_625, %swap3A_626], %swap3A_629 {strides = array<i32>} : memref<16x128xf32, #tpu.memory_space<vmem>>, vector<1x16xf32>,
    %swap3A_630 = arith.constant 13 : i32
    %swap3A_631 = arith.index_cast %swap3A_630 : i32 to index
    %swap3A_632 = arith.constant 16 : index
    %swap3A_633 = tpu.vector_load %arg7[%swap3A_631, %swap3A_632] {strides = array<i32>} : memref<16x128xf32, #tpu.memory_space<vmem>>, vector<1x16xf32>,
    %swap3A_634 = vector.shape_cast %swap3A_633 : vector<1x16xf32> to vector<16xf32>
    %swap3A_635 = vector.shape_cast %broadcast_in_dim3A_0 : vector<16xf32> to vector<1x16xf32>
    tpu.vector_store %arg7[%swap3A_631, %swap3A_632], %swap3A_635 {strides = array<i32>} : memref<16x128xf32, #tpu.memory_space<vmem>>, vector<1x16xf32>,
    %swap3A_636 = arith.constant 13 : i32
    %swap3A_637 = arith.index_cast %swap3A_636 : i32 to index
    %swap3A_638 = arith.constant 32 : index
    %swap3A_639 = tpu.vector_load %arg7[%swap3A_637, %swap3A_638] {strides = array<i32>} : memref<16x128xf32, #tpu.memory_space<vmem>>, vector<1x16xf32>,
    %swap3A_640 = vector.shape_cast %swap3A_639 : vector<1x16xf32> to vector<16xf32>
    %swap3A_641 = vector.shape_cast %broadcast_in_dim3A_0 : vector<16xf32> to vector<1x16xf32>
    tpu.vector_store %arg7[%swap3A_637, %swap3A_638], %swap3A_641 {strides = array<i32>} : memref<16x128xf32, #tpu.memory_space<vmem>>, vector<1x16xf32>,
    %swap3A_642 = arith.constant 13 : i32
    %swap3A_643 = arith.index_cast %swap3A_642 : i32 to index
    %swap3A_644 = arith.constant 48 : index
    %swap3A_645 = tpu.vector_load %arg7[%swap3A_643, %swap3A_644] {strides = array<i32>} : memref<16x128xf32, #tpu.memory_space<vmem>>, vector<1x16xf32>,
    %swap3A_646 = vector.shape_cast %swap3A_645 : vector<1x16xf32> to vector<16xf32>
    %swap3A_647 = vector.shape_cast %broadcast_in_dim3A_0 : vector<16xf32> to vector<1x16xf32>
    tpu.vector_store %arg7[%swap3A_643, %swap3A_644], %swap3A_647 {strides = array<i32>} : memref<16x128xf32, #tpu.memory_space<vmem>>, vector<1x16xf32>,
    %swap3A_648 = arith.constant 13 : i32
    %swap3A_649 = arith.index_cast %swap3A_648 : i32 to index
    %swap3A_650 = arith.constant 64 : index
    %swap3A_651 = tpu.vector_load %arg7[%swap3A_649, %swap3A_650] {strides = array<i32>} : memref<16x128xf32, #tpu.memory_space<vmem>>, vector<1x16xf32>,
    %swap3A_652 = vector.shape_cast %swap3A_651 : vector<1x16xf32> to vector<16xf32>
    %swap3A_653 = vector.shape_cast %broadcast_in_dim3A_0 : vector<16xf32> to vector<1x16xf32>
    tpu.vector_store %arg7[%swap3A_649, %swap3A_650], %swap3A_653 {strides = array<i32>} : memref<16x128xf32, #tpu.memory_space<vmem>>, vector<1x16xf32>,
    %swap3A_654 = arith.constant 13 : i32
    %swap3A_655 = arith.index_cast %swap3A_654 : i32 to index
    %swap3A_656 = arith.constant 80 : index
    %swap3A_657 = tpu.vector_load %arg7[%swap3A_655, %swap3A_656] {strides = array<i32>} : memref<16x128xf32, #tpu.memory_space<vmem>>, vector<1x16xf32>,
    %swap3A_658 = vector.shape_cast %swap3A_657 : vector<1x16xf32> to vector<16xf32>
    %swap3A_659 = vector.shape_cast %broadcast_in_dim3A_0 : vector<16xf32> to vector<1x16xf32>
    tpu.vector_store %arg7[%swap3A_655, %swap3A_656], %swap3A_659 {strides = array<i32>} : memref<16x128xf32, #tpu.memory_space<vmem>>, vector<1x16xf32>,
    %swap3A_660 = arith.constant 13 : i32
    %swap3A_661 = arith.index_cast %swap3A_660 : i32 to index
    %swap3A_662 = arith.constant 96 : index
    %swap3A_663 = tpu.vector_load %arg7[%swap3A_661, %swap3A_662] {strides = array<i32>} : memref<16x128xf32, #tpu.memory_space<vmem>>, vector<1x16xf32>,
    %swap3A_664 = vector.shape_cast %swap3A_663 : vector<1x16xf32> to vector<16xf32>
    %swap3A_665 = vector.shape_cast %broadcast_in_dim3A_0 : vector<16xf32> to vector<1x16xf32>
    tpu.vector_store %arg7[%swap3A_661, %swap3A_662], %swap3A_665 {strides = array<i32>} : memref<16x128xf32, #tpu.memory_space<vmem>>, vector<1x16xf32>,
    %swap3A_666 = arith.constant 13 : i32
    %swap3A_667 = arith.index_cast %swap3A_666 : i32 to index
    %swap3A_668 = arith.constant 112 : index
    %swap3A_669 = tpu.vector_load %arg7[%swap3A_667, %swap3A_668] {strides = array<i32>} : memref<16x128xf32, #tpu.memory_space<vmem>>, vector<1x16xf32>,
    %swap3A_670 = vector.shape_cast %swap3A_669 : vector<1x16xf32> to vector<16xf32>
    %swap3A_671 = vector.shape_cast %broadcast_in_dim3A_0 : vector<16xf32> to vector<1x16xf32>
    tpu.vector_store %arg7[%swap3A_667, %swap3A_668], %swap3A_671 {strides = array<i32>} : memref<16x128xf32, #tpu.memory_space<vmem>>, vector<1x16xf32>,
    %swap3A_672 = arith.constant 14 : i32
    %swap3A_673 = arith.index_cast %swap3A_672 : i32 to index
    %swap3A_674 = arith.constant 0 : index
    %swap3A_675 = tpu.vector_load %arg7[%swap3A_673, %swap3A_674] {strides = array<i32>} : memref<16x128xf32, #tpu.memory_space<vmem>>, vector<1x16xf32>,
    %swap3A_676 = vector.shape_cast %swap3A_675 : vector<1x16xf32> to vector<16xf32>
    %swap3A_677 = vector.shape_cast %broadcast_in_dim3A_0 : vector<16xf32> to vector<1x16xf32>
    tpu.vector_store %arg7[%swap3A_673, %swap3A_674], %swap3A_677 {strides = array<i32>} : memref<16x128xf32, #tpu.memory_space<vmem>>, vector<1x16xf32>,
    %swap3A_678 = arith.constant 14 : i32
    %swap3A_679 = arith.index_cast %swap3A_678 : i32 to index
    %swap3A_680 = arith.constant 16 : index
    %swap3A_681 = tpu.vector_load %arg7[%swap3A_679, %swap3A_680] {strides = array<i32>} : memref<16x128xf32, #tpu.memory_space<vmem>>, vector<1x16xf32>,
    %swap3A_682 = vector.shape_cast %swap3A_681 : vector<1x16xf32> to vector<16xf32>
    %swap3A_683 = vector.shape_cast %broadcast_in_dim3A_0 : vector<16xf32> to vector<1x16xf32>
    tpu.vector_store %arg7[%swap3A_679, %swap3A_680], %swap3A_683 {strides = array<i32>} : memref<16x128xf32, #tpu.memory_space<vmem>>, vector<1x16xf32>,
    %swap3A_684 = arith.constant 14 : i32
    %swap3A_685 = arith.index_cast %swap3A_684 : i32 to index
    %swap3A_686 = arith.constant 32 : index
    %swap3A_687 = tpu.vector_load %arg7[%swap3A_685, %swap3A_686] {strides = array<i32>} : memref<16x128xf32, #tpu.memory_space<vmem>>, vector<1x16xf32>,
    %swap3A_688 = vector.shape_cast %swap3A_687 : vector<1x16xf32> to vector<16xf32>
    %swap3A_689 = vector.shape_cast %broadcast_in_dim3A_0 : vector<16xf32> to vector<1x16xf32>
    tpu.vector_store %arg7[%swap3A_685, %swap3A_686], %swap3A_689 {strides = array<i32>} : memref<16x128xf32, #tpu.memory_space<vmem>>, vector<1x16xf32>,
    %swap3A_690 = arith.constant 14 : i32
    %swap3A_691 = arith.index_cast %swap3A_690 : i32 to index
    %swap3A_692 = arith.constant 48 : index
    %swap3A_693 = tpu.vector_load %arg7[%swap3A_691, %swap3A_692] {strides = array<i32>} : memref<16x128xf32, #tpu.memory_space<vmem>>, vector<1x16xf32>,
    %swap3A_694 = vector.shape_cast %swap3A_693 : vector<1x16xf32> to vector<16xf32>
    %swap3A_695 = vector.shape_cast %broadcast_in_dim3A_0 : vector<16xf32> to vector<1x16xf32>
    tpu.vector_store %arg7[%swap3A_691, %swap3A_692], %swap3A_695 {strides = array<i32>} : memref<16x128xf32, #tpu.memory_space<vmem>>, vector<1x16xf32>,
    %swap3A_696 = arith.constant 14 : i32
    %swap3A_697 = arith.index_cast %swap3A_696 : i32 to index
    %swap3A_698 = arith.constant 64 : index
    %swap3A_699 = tpu.vector_load %arg7[%swap3A_697, %swap3A_698] {strides = array<i32>} : memref<16x128xf32, #tpu.memory_space<vmem>>, vector<1x16xf32>,
    %swap3A_700 = vector.shape_cast %swap3A_699 : vector<1x16xf32> to vector<16xf32>
    %swap3A_701 = vector.shape_cast %broadcast_in_dim3A_0 : vector<16xf32> to vector<1x16xf32>
    tpu.vector_store %arg7[%swap3A_697, %swap3A_698], %swap3A_701 {strides = array<i32>} : memref<16x128xf32, #tpu.memory_space<vmem>>, vector<1x16xf32>,
    %swap3A_702 = arith.constant 14 : i32
    %swap3A_703 = arith.index_cast %swap3A_702 : i32 to index
    %swap3A_704 = arith.constant 80 : index
    %swap3A_705 = tpu.vector_load %arg7[%swap3A_703, %swap3A_704] {strides = array<i32>} : memref<16x128xf32, #tpu.memory_space<vmem>>, vector<1x16xf32>,
    %swap3A_706 = vector.shape_cast %swap3A_705 : vector<1x16xf32> to vector<16xf32>
    %swap3A_707 = vector.shape_cast %broadcast_in_dim3A_0 : vector<16xf32> to vector<1x16xf32>
    tpu.vector_store %arg7[%swap3A_703, %swap3A_704], %swap3A_707 {strides = array<i32>} : memref<16x128xf32, #tpu.memory_space<vmem>>, vector<1x16xf32>,
    %swap3A_708 = arith.constant 14 : i32
    %swap3A_709 = arith.index_cast %swap3A_708 : i32 to index
    %swap3A_710 = arith.constant 96 : index
    %swap3A_711 = tpu.vector_load %arg7[%swap3A_709, %swap3A_710] {strides = array<i32>} : memref<16x128xf32, #tpu.memory_space<vmem>>, vector<1x16xf32>,
    %swap3A_712 = vector.shape_cast %swap3A_711 : vector<1x16xf32> to vector<16xf32>
    %swap3A_713 = vector.shape_cast %broadcast_in_dim3A_0 : vector<16xf32> to vector<1x16xf32>
    tpu.vector_store %arg7[%swap3A_709, %swap3A_710], %swap3A_713 {strides = array<i32>} : memref<16x128xf32, #tpu.memory_space<vmem>>, vector<1x16xf32>,
    %swap3A_714 = arith.constant 14 : i32
    %swap3A_715 = arith.index_cast %swap3A_714 : i32 to index
    %swap3A_716 = arith.constant 112 : index
    %swap3A_717 = tpu.vector_load %arg7[%swap3A_715, %swap3A_716] {strides = array<i32>} : memref<16x128xf32, #tpu.memory_space<vmem>>, vector<1x16xf32>,
    %swap3A_718 = vector.shape_cast %swap3A_717 : vector<1x16xf32> to vector<16xf32>
    %swap3A_719 = vector.shape_cast %broadcast_in_dim3A_0 : vector<16xf32> to vector<1x16xf32>
    tpu.vector_store %arg7[%swap3A_715, %swap3A_716], %swap3A_719 {strides = array<i32>} : memref<16x128xf32, #tpu.memory_space<vmem>>, vector<1x16xf32>,
    %swap3A_720 = arith.constant 15 : i32
    %swap3A_721 = arith.index_cast %swap3A_720 : i32 to index
    %swap3A_722 = arith.constant 0 : index
    %swap3A_723 = tpu.vector_load %arg7[%swap3A_721, %swap3A_722] {strides = array<i32>} : memref<16x128xf32, #tpu.memory_space<vmem>>, vector<1x16xf32>,
    %swap3A_724 = vector.shape_cast %swap3A_723 : vector<1x16xf32> to vector<16xf32>
    %swap3A_725 = vector.shape_cast %broadcast_in_dim3A_0 : vector<16xf32> to vector<1x16xf32>
    tpu.vector_store %arg7[%swap3A_721, %swap3A_722], %swap3A_725 {strides = array<i32>} : memref<16x128xf32, #tpu.memory_space<vmem>>, vector<1x16xf32>,
    %swap3A_726 = arith.constant 15 : i32
    %swap3A_727 = arith.index_cast %swap3A_726 : i32 to index
    %swap3A_728 = arith.constant 16 : index
    %swap3A_729 = tpu.vector_load %arg7[%swap3A_727, %swap3A_728] {strides = array<i32>} : memref<16x128xf32, #tpu.memory_space<vmem>>, vector<1x16xf32>,
    %swap3A_730 = vector.shape_cast %swap3A_729 : vector<1x16xf32> to vector<16xf32>
    %swap3A_731 = vector.shape_cast %broadcast_in_dim3A_0 : vector<16xf32> to vector<1x16xf32>
    tpu.vector_store %arg7[%swap3A_727, %swap3A_728], %swap3A_731 {strides = array<i32>} : memref<16x128xf32, #tpu.memory_space<vmem>>, vector<1x16xf32>,
    %swap3A_732 = arith.constant 15 : i32
    %swap3A_733 = arith.index_cast %swap3A_732 : i32 to index
    %swap3A_734 = arith.constant 32 : index
    %swap3A_735 = tpu.vector_load %arg7[%swap3A_733, %swap3A_734] {strides = array<i32>} : memref<16x128xf32, #tpu.memory_space<vmem>>, vector<1x16xf32>,
    %swap3A_736 = vector.shape_cast %swap3A_735 : vector<1x16xf32> to vector<16xf32>
    %swap3A_737 = vector.shape_cast %broadcast_in_dim3A_0 : vector<16xf32> to vector<1x16xf32>
    tpu.vector_store %arg7[%swap3A_733, %swap3A_734], %swap3A_737 {strides = array<i32>} : memref<16x128xf32, #tpu.memory_space<vmem>>, vector<1x16xf32>,
    %swap3A_738 = arith.constant 15 : i32
    %swap3A_739 = arith.index_cast %swap3A_738 : i32 to index
    %swap3A_740 = arith.constant 48 : index
    %swap3A_741 = tpu.vector_load %arg7[%swap3A_739, %swap3A_740] {strides = array<i32>} : memref<16x128xf32, #tpu.memory_space<vmem>>, vector<1x16xf32>,
    %swap3A_742 = vector.shape_cast %swap3A_741 : vector<1x16xf32> to vector<16xf32>
    %swap3A_743 = vector.shape_cast %broadcast_in_dim3A_0 : vector<16xf32> to vector<1x16xf32>
    tpu.vector_store %arg7[%swap3A_739, %swap3A_740], %swap3A_743 {strides = array<i32>} : memref<16x128xf32, #tpu.memory_space<vmem>>, vector<1x16xf32>,
    %swap3A_744 = arith.constant 15 : i32
    %swap3A_745 = arith.index_cast %swap3A_744 : i32 to index
    %swap3A_746 = arith.constant 64 : index
    %swap3A_747 = tpu.vector_load %arg7[%swap3A_745, %swap3A_746] {strides = array<i32>} : memref<16x128xf32, #tpu.memory_space<vmem>>, vector<1x16xf32>,
    %swap3A_748 = vector.shape_cast %swap3A_747 : vector<1x16xf32> to vector<16xf32>
    %swap3A_749 = vector.shape_cast %broadcast_in_dim3A_0 : vector<16xf32> to vector<1x16xf32>
    tpu.vector_store %arg7[%swap3A_745, %swap3A_746], %swap3A_749 {strides = array<i32>} : memref<16x128xf32, #tpu.memory_space<vmem>>, vector<1x16xf32>,
    %swap3A_750 = arith.constant 15 : i32
    %swap3A_751 = arith.index_cast %swap3A_750 : i32 to index
    %swap3A_752 = arith.constant 80 : index
    %swap3A_753 = tpu.vector_load %arg7[%swap3A_751, %swap3A_752] {strides = array<i32>} : memref<16x128xf32, #tpu.memory_space<vmem>>, vector<1x16xf32>,
    %swap3A_754 = vector.shape_cast %swap3A_753 : vector<1x16xf32> to vector<16xf32>
    %swap3A_755 = vector.shape_cast %broadcast_in_dim3A_0 : vector<16xf32> to vector<1x16xf32>
    tpu.vector_store %arg7[%swap3A_751, %swap3A_752], %swap3A_755 {strides = array<i32>} : memref<16x128xf32, #tpu.memory_space<vmem>>, vector<1x16xf32>,
    %swap3A_756 = arith.constant 15 : i32
    %swap3A_757 = arith.index_cast %swap3A_756 : i32 to index
    %swap3A_758 = arith.constant 96 : index
    %swap3A_759 = tpu.vector_load %arg7[%swap3A_757, %swap3A_758] {strides = array<i32>} : memref<16x128xf32, #tpu.memory_space<vmem>>, vector<1x16xf32>,
    %swap3A_760 = vector.shape_cast %swap3A_759 : vector<1x16xf32> to vector<16xf32>
    %swap3A_761 = vector.shape_cast %broadcast_in_dim3A_0 : vector<16xf32> to vector<1x16xf32>
    tpu.vector_store %arg7[%swap3A_757, %swap3A_758], %swap3A_761 {strides = array<i32>} : memref<16x128xf32, #tpu.memory_space<vmem>>, vector<1x16xf32>,
    %swap3A_762 = arith.constant 15 : i32
    %swap3A_763 = arith.index_cast %swap3A_762 : i32 to index
    %swap3A_764 = arith.constant 112 : index
    %swap3A_765 = tpu.vector_load %arg7[%swap3A_763, %swap3A_764] {strides = array<i32>} : memref<16x128xf32, #tpu.memory_space<vmem>>, vector<1x16xf32>,
    %swap3A_766 = vector.shape_cast %swap3A_765 : vector<1x16xf32> to vector<16xf32>
    %swap3A_767 = vector.shape_cast %broadcast_in_dim3A_0 : vector<16xf32> to vector<1x16xf32>
    tpu.vector_store %arg7[%swap3A_763, %swap3A_764], %swap3A_767 {strides = array<i32>} : memref<16x128xf32, #tpu.memory_space<vmem>>, vector<1x16xf32>,
    %mul3A = arith.constant 640 : i32
    %mul3A_768 = arith.muli %arg1, %mul3A : i32
    %multiple_of3A = tpu.assume_multiple %mul3A_768, 640 : i32
    %mul3A_769 = arith.constant 10000 : i32
    %mul3A_770 = arith.muli %arg1, %mul3A_769 : i32
    %multiple_of3A_771 = tpu.assume_multiple %mul3A_770, 8 : i32
    %mul3A_772 = arith.constant 2 : i32
    %mul3A_773 = arith.muli %arg0, %mul3A_772 : i32
    %add3A = arith.constant 0 : i32
    %add3A_774 = arith.addi %mul3A_773, %add3A : i32
    %mul3A_775 = arith.constant 10240 : i32
    %mul3A_776 = arith.muli %add3A_774, %mul3A_775 : i32
    %multiple_of3A_777 = tpu.assume_multiple %mul3A_776, 10240 : i32
    %scan3A = arith.constant 0 : i32
    %scan3A_778 = arith.constant 0 : i32
    %scan3A_779 = arith.constant 40 : i32
    %scan3A_780 = arith.addi %scan3A_778, %scan3A_779 : i32
    %scan3A_781 = arith.constant 1 : i32
    scf.for %scan3A_846 = %scan3A_778 to %scan3A_780 step %scan3A_781  : i32 {
      %mul3A_847 = arith.constant 16 : i32
      %mul3A_848 = arith.muli %scan3A_846, %mul3A_847 : i32
      %add3A_849 = arith.addi %multiple_of3A, %mul3A_848 : i32
      "tpu.region"() ({
        %run_scoped3A = tpu.sem_alloc : memref<!tpu.dma_semaphore, #tpu.memory_space<semaphore_mem>>
        %dma_start3A_850 = arith.constant 0 : i32
        %dma_start3A_851 = tpu.memref_slice %arg6[%add3A_849, %dma_start3A_850] : memref<10240x128xf32, #tpu.memory_space<vmem_shared>> -> memref<16x128xf32, #tpu.memory_space<vmem_shared>>
        %dma_start3A_852 = arith.constant 0 : i32
        %dma_start3A_853 = tpu.memref_slice %arg6[%add3A_849, %dma_start3A_852] : memref<10240x128xf32, #tpu.memory_space<vmem_shared>> -> memref<16x128xf32, #tpu.memory_space<vmem_shared>>
        tpu.enqueue_dma source(%arg7 : memref<16x128xf32, #tpu.memory_space<vmem>>) target(%dma_start3A_853 : memref<16x128xf32, #tpu.memory_space<vmem_shared>>) target_semaphore(%run_scoped3A : memref<!tpu.dma_semaphore, #tpu.memory_space<semaphore_mem>>)
        %dma_wait3A_854 = arith.constant 0 : i32
        %dma_wait3A_855 = tpu.memref_slice %arg6[%add3A_849, %dma_wait3A_854] : memref<10240x128xf32, #tpu.memory_space<vmem_shared>> -> memref<16x128xf32, #tpu.memory_space<vmem_shared>>
        %dma_wait3A_856 = arith.constant 0 : i32
        %dma_wait3A_857 = tpu.memref_slice %arg6[%add3A_849, %dma_wait3A_856] : memref<10240x128xf32, #tpu.memory_space<vmem_shared>> -> memref<16x128xf32, #tpu.memory_space<vmem_shared>>
        tpu.wait_dma2 semaphore(%run_scoped3A : memref<!tpu.dma_semaphore, #tpu.memory_space<semaphore_mem>>) src(%arg7 : memref<16x128xf32, #tpu.memory_space<vmem>>) dst(%dma_wait3A_857 : memref<16x128xf32, #tpu.memory_space<vmem_shared>>)
        tpu.yield
      }) : () -> ()
    }
    %scan3A_782 = arith.constant 40 : i32
    %barrier3A = arith.constant 0 : index
    tpu.barrier barrier_id(%barrier3A)
    %mul3A_783 = arith.constant 160000 : i32
    %mul3A_784 = arith.muli %add3A_774, %mul3A_783 : i32
    %mul3A_785 = arith.constant 10000 : i32
    %mul3A_786 = arith.muli %arg1, %mul3A_785 : i32
    %add3A_787 = arith.addi %mul3A_784, %mul3A_786 : i32
    %scan3A_788 = arith.constant 0 : i32
    %scan3A_789 = arith.constant 0 : i32
    %scan3A_790 = arith.constant 78 : i32
    %scan3A_791 = arith.addi %scan3A_789, %scan3A_790 : i32
    %scan3A_792 = arith.constant 1 : i32
    scf.for %scan3A_846 = %scan3A_789 to %scan3A_791 step %scan3A_792  : i32 {
      %mul3A_847 = arith.constant 128 : i32
      %mul3A_848 = arith.muli %scan3A_846, %mul3A_847 : i32
      %add3A_849 = arith.addi %add3A_787, %mul3A_848 : i32
      %multiple_of3A_850 = tpu.assume_multiple %add3A_849, 8 : i32
      %mul3A_851 = arith.constant 128 : i32
      %mul3A_852 = arith.muli %scan3A_846, %mul3A_851 : i32
      %add3A_853 = arith.addi %multiple_of3A_771, %mul3A_852 : i32
      %multiple_of3A_854 = tpu.assume_multiple %add3A_853, 8 : i32
      "tpu.region"() ({
        %run_scoped3A = tpu.sem_alloc : memref<!tpu.dma_semaphore, #tpu.memory_space<semaphore_mem>>
        %dma_start3A_861 = tpu.memref_slice %arg3[%multiple_of3A_850] : memref<640000xi32, #tpu.memory_space<hbm>> -> memref<128xi32, #tpu.memory_space<hbm>>
        %dma_start3A_862 = tpu.memref_slice %arg3[%multiple_of3A_850] : memref<640000xi32, #tpu.memory_space<hbm>> -> memref<128xi32, #tpu.memory_space<hbm>>
        tpu.enqueue_dma source(%dma_start3A_862 : memref<128xi32, #tpu.memory_space<hbm>>) target(%arg8 : memref<128xi32, #tpu.memory_space<vmem>>) target_semaphore(%run_scoped3A : memref<!tpu.dma_semaphore, #tpu.memory_space<semaphore_mem>>)
        %dma_wait3A_863 = tpu.memref_slice %arg3[%multiple_of3A_850] : memref<640000xi32, #tpu.memory_space<hbm>> -> memref<128xi32, #tpu.memory_space<hbm>>
        %dma_wait3A_864 = tpu.memref_slice %arg3[%multiple_of3A_850] : memref<640000xi32, #tpu.memory_space<hbm>> -> memref<128xi32, #tpu.memory_space<hbm>>
        tpu.wait_dma2 semaphore(%run_scoped3A : memref<!tpu.dma_semaphore, #tpu.memory_space<semaphore_mem>>) src(%dma_wait3A_864 : memref<128xi32, #tpu.memory_space<hbm>>) dst(%arg8 : memref<128xi32, #tpu.memory_space<vmem>>)
        tpu.yield
      }) : () -> ()
      "tpu.region"() ({
        %run_scoped3A = tpu.sem_alloc : memref<!tpu.dma_semaphore, #tpu.memory_space<semaphore_mem>>
        %dma_start3A_861 = tpu.memref_slice %arg4[%multiple_of3A_854] : memref<160000xi32, #tpu.memory_space<hbm>> -> memref<128xi32, #tpu.memory_space<hbm>>
        %dma_start3A_862 = tpu.memref_slice %arg4[%multiple_of3A_854] : memref<160000xi32, #tpu.memory_space<hbm>> -> memref<128xi32, #tpu.memory_space<hbm>>
        tpu.enqueue_dma source(%dma_start3A_862 : memref<128xi32, #tpu.memory_space<hbm>>) target(%arg9 : memref<128xi32, #tpu.memory_space<vmem>>) target_semaphore(%run_scoped3A : memref<!tpu.dma_semaphore, #tpu.memory_space<semaphore_mem>>)
        %dma_wait3A_863 = tpu.memref_slice %arg4[%multiple_of3A_854] : memref<160000xi32, #tpu.memory_space<hbm>> -> memref<128xi32, #tpu.memory_space<hbm>>
        %dma_wait3A_864 = tpu.memref_slice %arg4[%multiple_of3A_854] : memref<160000xi32, #tpu.memory_space<hbm>> -> memref<128xi32, #tpu.memory_space<hbm>>
        tpu.wait_dma2 semaphore(%run_scoped3A : memref<!tpu.dma_semaphore, #tpu.memory_space<semaphore_mem>>) src(%dma_wait3A_864 : memref<128xi32, #tpu.memory_space<hbm>>) dst(%arg9 : memref<128xi32, #tpu.memory_space<vmem>>)
        tpu.yield
      }) : () -> ()
      %dma_start3A_855 = arith.constant 0 : i32
      %dma_start3A_856 = arith.constant 0 : i32
      %dma_start3A_857 = tpu.memref_slice %arg2[%dma_start3A_855, %dma_start3A_856] : memref<40960x128xf32, #tpu.memory_space<hbm>> -> memref<40960x128xf32, #tpu.memory_space<hbm>>
      tpu.enqueue_indirect_dma source(%dma_start3A_857 : memref<40960x128xf32, #tpu.memory_space<hbm>>) target(%arg10 : memref<128x128xf32, #tpu.memory_space<vmem>>) offsets(%arg8 : memref<128xi32, #tpu.memory_space<vmem>>) semaphore(%arg14 : memref<!tpu.dma_semaphore, #tpu.memory_space<semaphore_mem>>)
      %dma_wait3A_858 = arith.constant 0 : i32
      %dma_wait3A_859 = arith.constant 0 : i32
      %dma_wait3A_860 = tpu.memref_slice %arg2[%dma_wait3A_858, %dma_wait3A_859] : memref<40960x128xf32, #tpu.memory_space<hbm>> -> memref<40960x128xf32, #tpu.memory_space<hbm>>
      tpu.wait_indirect_dma semaphore(%arg14 : memref<!tpu.dma_semaphore, #tpu.memory_space<semaphore_mem>>) src(%dma_wait3A_860 : memref<40960x128xf32, #tpu.memory_space<hbm>>) dst(%arg10 : memref<128x128xf32, #tpu.memory_space<vmem>>)
      "tpu.region"() ({
        %run_scoped3A = tpu.sem_alloc : memref<!tpu.dma_semaphore, #tpu.memory_space<semaphore_mem>>
        %dma_start3A_861 = arith.constant 0 : i32
        %dma_start3A_862 = arith.constant 0 : i32
        %dma_start3A_863 = tpu.memref_slice %arg6[%dma_start3A_861, %dma_start3A_862] : memref<10240x128xf32, #tpu.memory_space<vmem_shared>> -> memref<10240x128xf32, #tpu.memory_space<vmem_shared>>
        tpu.enqueue_indirect_dma source(%arg10 : memref<128x128xf32, #tpu.memory_space<vmem>>) target(%dma_start3A_863 : memref<10240x128xf32, #tpu.memory_space<vmem_shared>>) offsets(%arg9 : memref<128xi32, #tpu.memory_space<vmem>>) semaphore(%run_scoped3A : memref<!tpu.dma_semaphore, #tpu.memory_space<semaphore_mem>>) {add = true}
        %dma_wait3A_864 = arith.constant 0 : i32
        %dma_wait3A_865 = arith.constant 0 : i32
        %dma_wait3A_866 = tpu.memref_slice %arg6[%dma_wait3A_864, %dma_wait3A_865] : memref<10240x128xf32, #tpu.memory_space<vmem_shared>> -> memref<10240x128xf32, #tpu.memory_space<vmem_shared>>
        tpu.wait_indirect_dma semaphore(%run_scoped3A : memref<!tpu.dma_semaphore, #tpu.memory_space<semaphore_mem>>) src(%arg10 : memref<128x128xf32, #tpu.memory_space<vmem>>) dst(%dma_wait3A_866 : memref<10240x128xf32, #tpu.memory_space<vmem_shared>>)
        tpu.yield
      }) : () -> ()
    }
    %scan3A_793 = arith.constant 78 : i32
    %add3A_794 = arith.constant 9984 : i32
    %add3A_795 = arith.addi %add3A_787, %add3A_794 : i32
    %multiple_of3A_796 = tpu.assume_multiple %add3A_795, 8 : i32
    %add3A_797 = arith.constant 9984 : i32
    %add3A_798 = arith.addi %multiple_of3A_771, %add3A_797 : i32
    %multiple_of3A_799 = tpu.assume_multiple %add3A_798, 8 : i32
    "tpu.region"() ({
      %run_scoped3A = tpu.sem_alloc : memref<!tpu.dma_semaphore, #tpu.memory_space<semaphore_mem>>
      %dma_start3A_846 = tpu.memref_slice %arg3[%multiple_of3A_796] : memref<640000xi32, #tpu.memory_space<hbm>> -> memref<16xi32, #tpu.memory_space<hbm>>
      %dma_start3A_847 = tpu.memref_slice %arg3[%multiple_of3A_796] : memref<640000xi32, #tpu.memory_space<hbm>> -> memref<16xi32, #tpu.memory_space<hbm>>
      tpu.enqueue_dma source(%dma_start3A_847 : memref<16xi32, #tpu.memory_space<hbm>>) target(%arg11 : memref<16xi32, #tpu.memory_space<vmem>>) target_semaphore(%run_scoped3A : memref<!tpu.dma_semaphore, #tpu.memory_space<semaphore_mem>>)
      %dma_wait3A_848 = tpu.memref_slice %arg3[%multiple_of3A_796] : memref<640000xi32, #tpu.memory_space<hbm>> -> memref<16xi32, #tpu.memory_space<hbm>>
      %dma_wait3A_849 = tpu.memref_slice %arg3[%multiple_of3A_796] : memref<640000xi32, #tpu.memory_space<hbm>> -> memref<16xi32, #tpu.memory_space<hbm>>
      tpu.wait_dma2 semaphore(%run_scoped3A : memref<!tpu.dma_semaphore, #tpu.memory_space<semaphore_mem>>) src(%dma_wait3A_849 : memref<16xi32, #tpu.memory_space<hbm>>) dst(%arg11 : memref<16xi32, #tpu.memory_space<vmem>>)
      tpu.yield
    }) : () -> ()
    "tpu.region"() ({
      %run_scoped3A = tpu.sem_alloc : memref<!tpu.dma_semaphore, #tpu.memory_space<semaphore_mem>>
      %dma_start3A_846 = tpu.memref_slice %arg4[%multiple_of3A_799] : memref<160000xi32, #tpu.memory_space<hbm>> -> memref<16xi32, #tpu.memory_space<hbm>>
      %dma_start3A_847 = tpu.memref_slice %arg4[%multiple_of3A_799] : memref<160000xi32, #tpu.memory_space<hbm>> -> memref<16xi32, #tpu.memory_space<hbm>>
      tpu.enqueue_dma source(%dma_start3A_847 : memref<16xi32, #tpu.memory_space<hbm>>) target(%arg12 : memref<16xi32, #tpu.memory_space<vmem>>) target_semaphore(%run_scoped3A : memref<!tpu.dma_semaphore, #tpu.memory_space<semaphore_mem>>)
      %dma_wait3A_848 = tpu.memref_slice %arg4[%multiple_of3A_799] : memref<160000xi32, #tpu.memory_space<hbm>> -> memref<16xi32, #tpu.memory_space<hbm>>
      %dma_wait3A_849 = tpu.memref_slice %arg4[%multiple_of3A_799] : memref<160000xi32, #tpu.memory_space<hbm>> -> memref<16xi32, #tpu.memory_space<hbm>>
      tpu.wait_dma2 semaphore(%run_scoped3A : memref<!tpu.dma_semaphore, #tpu.memory_space<semaphore_mem>>) src(%dma_wait3A_849 : memref<16xi32, #tpu.memory_space<hbm>>) dst(%arg12 : memref<16xi32, #tpu.memory_space<vmem>>)
      tpu.yield
    }) : () -> ()
    %dma_start3A = arith.constant 0 : i32
    %dma_start3A_800 = arith.constant 0 : i32
    %dma_start3A_801 = tpu.memref_slice %arg2[%dma_start3A, %dma_start3A_800] : memref<40960x128xf32, #tpu.memory_space<hbm>> -> memref<40960x128xf32, #tpu.memory_space<hbm>>
    tpu.enqueue_indirect_dma source(%dma_start3A_801 : memref<40960x128xf32, #tpu.memory_space<hbm>>) target(%arg13 : memref<16x128xf32, #tpu.memory_space<vmem>>) offsets(%arg11 : memref<16xi32, #tpu.memory_space<vmem>>) semaphore(%arg14 : memref<!tpu.dma_semaphore, #tpu.memory_space<semaphore_mem>>)
    %dma_wait3A = arith.constant 0 : i32
    %dma_wait3A_802 = arith.constant 0 : i32
    %dma_wait3A_803 = tpu.memref_slice %arg2[%dma_wait3A, %dma_wait3A_802] : memref<40960x128xf32, #tpu.memory_space<hbm>> -> memref<40960x128xf32, #tpu.memory_space<hbm>>
    tpu.wait_indirect_dma semaphore(%arg14 : memref<!tpu.dma_semaphore, #tpu.memory_space<semaphore_mem>>) src(%dma_wait3A_803 : memref<40960x128xf32, #tpu.memory_space<hbm>>) dst(%arg13 : memref<16x128xf32, #tpu.memory_space<vmem>>)
    "tpu.region"() ({
      %run_scoped3A = tpu.sem_alloc : memref<!tpu.dma_semaphore, #tpu.memory_space<semaphore_mem>>
      %dma_start3A_846 = arith.constant 0 : i32
      %dma_start3A_847 = arith.constant 0 : i32
      %dma_start3A_848 = tpu.memref_slice %arg6[%dma_start3A_846, %dma_start3A_847] : memref<10240x128xf32, #tpu.memory_space<vmem_shared>> -> memref<10240x128xf32, #tpu.memory_space<vmem_shared>>
      tpu.enqueue_indirect_dma source(%arg13 : memref<16x128xf32, #tpu.memory_space<vmem>>) target(%dma_start3A_848 : memref<10240x128xf32, #tpu.memory_space<vmem_shared>>) offsets(%arg12 : memref<16xi32, #tpu.memory_space<vmem>>) semaphore(%run_scoped3A : memref<!tpu.dma_semaphore, #tpu.memory_space<semaphore_mem>>) {add = true}
      %dma_wait3A_849 = arith.constant 0 : i32
      %dma_wait3A_850 = arith.constant 0 : i32
      %dma_wait3A_851 = tpu.memref_slice %arg6[%dma_wait3A_849, %dma_wait3A_850] : memref<10240x128xf32, #tpu.memory_space<vmem_shared>> -> memref<10240x128xf32, #tpu.memory_space<vmem_shared>>
      tpu.wait_indirect_dma semaphore(%run_scoped3A : memref<!tpu.dma_semaphore, #tpu.memory_space<semaphore_mem>>) src(%arg13 : memref<16x128xf32, #tpu.memory_space<vmem>>) dst(%dma_wait3A_851 : memref<10240x128xf32, #tpu.memory_space<vmem_shared>>)
      tpu.yield
    }) : () -> ()
    %barrier3A_804 = arith.constant 0 : index
    tpu.barrier barrier_id(%barrier3A_804)
    %add3A_805 = arith.addi %multiple_of3A_777, %multiple_of3A : i32
    "tpu.region"() ({
      %run_scoped3A = tpu.sem_alloc : memref<!tpu.dma_semaphore, #tpu.memory_space<semaphore_mem>>
      %dma_start3A_846 = arith.constant 0 : i32
      %dma_start3A_847 = tpu.memref_slice %arg5[%add3A_805, %dma_start3A_846] : memref<40960x128xf32, #tpu.memory_space<hbm>> -> memref<640x128xf32, #tpu.memory_space<hbm>>
      %dma_start3A_848 = arith.constant 0 : i32
      %dma_start3A_849 = tpu.memref_slice %arg6[%multiple_of3A, %dma_start3A_848] : memref<10240x128xf32, #tpu.memory_space<vmem_shared>> -> memref<640x128xf32, #tpu.memory_space<vmem_shared>>
      tpu.enqueue_dma source(%dma_start3A_849 : memref<640x128xf32, #tpu.memory_space<vmem_shared>>) target(%dma_start3A_847 : memref<640x128xf32, #tpu.memory_space<hbm>>) target_semaphore(%run_scoped3A : memref<!tpu.dma_semaphore, #tpu.memory_space<semaphore_mem>>)
      %dma_wait3A_850 = arith.constant 0 : i32
      %dma_wait3A_851 = tpu.memref_slice %arg5[%add3A_805, %dma_wait3A_850] : memref<40960x128xf32, #tpu.memory_space<hbm>> -> memref<640x128xf32, #tpu.memory_space<hbm>>
      %dma_wait3A_852 = arith.constant 0 : i32
      %dma_wait3A_853 = tpu.memref_slice %arg6[%multiple_of3A, %dma_wait3A_852] : memref<10240x128xf32, #tpu.memory_space<vmem_shared>> -> memref<640x128xf32, #tpu.memory_space<vmem_shared>>
      tpu.wait_dma2 semaphore(%run_scoped3A : memref<!tpu.dma_semaphore, #tpu.memory_space<semaphore_mem>>) src(%dma_wait3A_853 : memref<640x128xf32, #tpu.memory_space<vmem_shared>>) dst(%dma_wait3A_851 : memref<640x128xf32, #tpu.memory_space<hbm>>)
      tpu.yield
    }) : () -> ()
    %barrier3A_806 = arith.constant 0 : index
    tpu.barrier barrier_id(%barrier3A_806)
    %mul3A_807 = arith.constant 2 : i32
    %mul3A_808 = arith.muli %arg0, %mul3A_807 : i32
    %add3A_809 = arith.constant 1 : i32
    %add3A_810 = arith.addi %mul3A_808, %add3A_809 : i32
    %mul3A_811 = arith.constant 10240 : i32
    %mul3A_812 = arith.muli %add3A_810, %mul3A_811 : i32
    %multiple_of3A_813 = tpu.assume_multiple %mul3A_812, 10240 : i32
    %scan3A_814 = arith.constant 0 : i32
    %scan3A_815 = arith.constant 0 : i32
    %scan3A_816 = arith.constant 40 : i32
    %scan3A_817 = arith.addi %scan3A_815, %scan3A_816 : i32
    %scan3A_818 = arith.constant 1 : i32
    scf.for %scan3A_846 = %scan3A_815 to %scan3A_817 step %scan3A_818  : i32 {
      %mul3A_847 = arith.constant 16 : i32
      %mul3A_848 = arith.muli %scan3A_846, %mul3A_847 : i32
      %add3A_849 = arith.addi %multiple_of3A, %mul3A_848 : i32
      "tpu.region"() ({
        %run_scoped3A = tpu.sem_alloc : memref<!tpu.dma_semaphore, #tpu.memory_space<semaphore_mem>>
        %dma_start3A_850 = arith.constant 0 : i32
        %dma_start3A_851 = tpu.memref_slice %arg6[%add3A_849, %dma_start3A_850] : memref<10240x128xf32, #tpu.memory_space<vmem_shared>> -> memref<16x128xf32, #tpu.memory_space<vmem_shared>>
        %dma_start3A_852 = arith.constant 0 : i32
        %dma_start3A_853 = tpu.memref_slice %arg6[%add3A_849, %dma_start3A_852] : memref<10240x128xf32, #tpu.memory_space<vmem_shared>> -> memref<16x128xf32, #tpu.memory_space<vmem_shared>>
        tpu.enqueue_dma source(%arg7 : memref<16x128xf32, #tpu.memory_space<vmem>>) target(%dma_start3A_853 : memref<16x128xf32, #tpu.memory_space<vmem_shared>>) target_semaphore(%run_scoped3A : memref<!tpu.dma_semaphore, #tpu.memory_space<semaphore_mem>>)
        %dma_wait3A_854 = arith.constant 0 : i32
        %dma_wait3A_855 = tpu.memref_slice %arg6[%add3A_849, %dma_wait3A_854] : memref<10240x128xf32, #tpu.memory_space<vmem_shared>> -> memref<16x128xf32, #tpu.memory_space<vmem_shared>>
        %dma_wait3A_856 = arith.constant 0 : i32
        %dma_wait3A_857 = tpu.memref_slice %arg6[%add3A_849, %dma_wait3A_856] : memref<10240x128xf32, #tpu.memory_space<vmem_shared>> -> memref<16x128xf32, #tpu.memory_space<vmem_shared>>
        tpu.wait_dma2 semaphore(%run_scoped3A : memref<!tpu.dma_semaphore, #tpu.memory_space<semaphore_mem>>) src(%arg7 : memref<16x128xf32, #tpu.memory_space<vmem>>) dst(%dma_wait3A_857 : memref<16x128xf32, #tpu.memory_space<vmem_shared>>)
        tpu.yield
      }) : () -> ()
    }
    %scan3A_819 = arith.constant 40 : i32
    %barrier3A_820 = arith.constant 0 : index
    tpu.barrier barrier_id(%barrier3A_820)
    %mul3A_821 = arith.constant 160000 : i32
    %mul3A_822 = arith.muli %add3A_810, %mul3A_821 : i32
    %mul3A_823 = arith.constant 10000 : i32
    %mul3A_824 = arith.muli %arg1, %mul3A_823 : i32
    %add3A_825 = arith.addi %mul3A_822, %mul3A_824 : i32
    %scan3A_826 = arith.constant 0 : i32
    %scan3A_827 = arith.constant 0 : i32
    %scan3A_828 = arith.constant 78 : i32
    %scan3A_829 = arith.addi %scan3A_827, %scan3A_828 : i32
    %scan3A_830 = arith.constant 1 : i32
    scf.for %scan3A_846 = %scan3A_827 to %scan3A_829 step %scan3A_830  : i32 {
      %mul3A_847 = arith.constant 128 : i32
      %mul3A_848 = arith.muli %scan3A_846, %mul3A_847 : i32
      %add3A_849 = arith.addi %add3A_825, %mul3A_848 : i32
      %multiple_of3A_850 = tpu.assume_multiple %add3A_849, 8 : i32
      %mul3A_851 = arith.constant 128 : i32
      %mul3A_852 = arith.muli %scan3A_846, %mul3A_851 : i32
      %add3A_853 = arith.addi %multiple_of3A_771, %mul3A_852 : i32
      %multiple_of3A_854 = tpu.assume_multiple %add3A_853, 8 : i32
      "tpu.region"() ({
        %run_scoped3A = tpu.sem_alloc : memref<!tpu.dma_semaphore, #tpu.memory_space<semaphore_mem>>
        %dma_start3A_861 = tpu.memref_slice %arg3[%multiple_of3A_850] : memref<640000xi32, #tpu.memory_space<hbm>> -> memref<128xi32, #tpu.memory_space<hbm>>
        %dma_start3A_862 = tpu.memref_slice %arg3[%multiple_of3A_850] : memref<640000xi32, #tpu.memory_space<hbm>> -> memref<128xi32, #tpu.memory_space<hbm>>
        tpu.enqueue_dma source(%dma_start3A_862 : memref<128xi32, #tpu.memory_space<hbm>>) target(%arg8 : memref<128xi32, #tpu.memory_space<vmem>>) target_semaphore(%run_scoped3A : memref<!tpu.dma_semaphore, #tpu.memory_space<semaphore_mem>>)
        %dma_wait3A_863 = tpu.memref_slice %arg3[%multiple_of3A_850] : memref<640000xi32, #tpu.memory_space<hbm>> -> memref<128xi32, #tpu.memory_space<hbm>>
        %dma_wait3A_864 = tpu.memref_slice %arg3[%multiple_of3A_850] : memref<640000xi32, #tpu.memory_space<hbm>> -> memref<128xi32, #tpu.memory_space<hbm>>
        tpu.wait_dma2 semaphore(%run_scoped3A : memref<!tpu.dma_semaphore, #tpu.memory_space<semaphore_mem>>) src(%dma_wait3A_864 : memref<128xi32, #tpu.memory_space<hbm>>) dst(%arg8 : memref<128xi32, #tpu.memory_space<vmem>>)
        tpu.yield
      }) : () -> ()
      "tpu.region"() ({
        %run_scoped3A = tpu.sem_alloc : memref<!tpu.dma_semaphore, #tpu.memory_space<semaphore_mem>>
        %dma_start3A_861 = tpu.memref_slice %arg4[%multiple_of3A_854] : memref<160000xi32, #tpu.memory_space<hbm>> -> memref<128xi32, #tpu.memory_space<hbm>>
        %dma_start3A_862 = tpu.memref_slice %arg4[%multiple_of3A_854] : memref<160000xi32, #tpu.memory_space<hbm>> -> memref<128xi32, #tpu.memory_space<hbm>>
        tpu.enqueue_dma source(%dma_start3A_862 : memref<128xi32, #tpu.memory_space<hbm>>) target(%arg9 : memref<128xi32, #tpu.memory_space<vmem>>) target_semaphore(%run_scoped3A : memref<!tpu.dma_semaphore, #tpu.memory_space<semaphore_mem>>)
        %dma_wait3A_863 = tpu.memref_slice %arg4[%multiple_of3A_854] : memref<160000xi32, #tpu.memory_space<hbm>> -> memref<128xi32, #tpu.memory_space<hbm>>
        %dma_wait3A_864 = tpu.memref_slice %arg4[%multiple_of3A_854] : memref<160000xi32, #tpu.memory_space<hbm>> -> memref<128xi32, #tpu.memory_space<hbm>>
        tpu.wait_dma2 semaphore(%run_scoped3A : memref<!tpu.dma_semaphore, #tpu.memory_space<semaphore_mem>>) src(%dma_wait3A_864 : memref<128xi32, #tpu.memory_space<hbm>>) dst(%arg9 : memref<128xi32, #tpu.memory_space<vmem>>)
        tpu.yield
      }) : () -> ()
      %dma_start3A_855 = arith.constant 0 : i32
      %dma_start3A_856 = arith.constant 0 : i32
      %dma_start3A_857 = tpu.memref_slice %arg2[%dma_start3A_855, %dma_start3A_856] : memref<40960x128xf32, #tpu.memory_space<hbm>> -> memref<40960x128xf32, #tpu.memory_space<hbm>>
      tpu.enqueue_indirect_dma source(%dma_start3A_857 : memref<40960x128xf32, #tpu.memory_space<hbm>>) target(%arg10 : memref<128x128xf32, #tpu.memory_space<vmem>>) offsets(%arg8 : memref<128xi32, #tpu.memory_space<vmem>>) semaphore(%arg14 : memref<!tpu.dma_semaphore, #tpu.memory_space<semaphore_mem>>)
      %dma_wait3A_858 = arith.constant 0 : i32
      %dma_wait3A_859 = arith.constant 0 : i32
      %dma_wait3A_860 = tpu.memref_slice %arg2[%dma_wait3A_858, %dma_wait3A_859] : memref<40960x128xf32, #tpu.memory_space<hbm>> -> memref<40960x128xf32, #tpu.memory_space<hbm>>
      tpu.wait_indirect_dma semaphore(%arg14 : memref<!tpu.dma_semaphore, #tpu.memory_space<semaphore_mem>>) src(%dma_wait3A_860 : memref<40960x128xf32, #tpu.memory_space<hbm>>) dst(%arg10 : memref<128x128xf32, #tpu.memory_space<vmem>>)
      "tpu.region"() ({
        %run_scoped3A = tpu.sem_alloc : memref<!tpu.dma_semaphore, #tpu.memory_space<semaphore_mem>>
        %dma_start3A_861 = arith.constant 0 : i32
        %dma_start3A_862 = arith.constant 0 : i32
        %dma_start3A_863 = tpu.memref_slice %arg6[%dma_start3A_861, %dma_start3A_862] : memref<10240x128xf32, #tpu.memory_space<vmem_shared>> -> memref<10240x128xf32, #tpu.memory_space<vmem_shared>>
        tpu.enqueue_indirect_dma source(%arg10 : memref<128x128xf32, #tpu.memory_space<vmem>>) target(%dma_start3A_863 : memref<10240x128xf32, #tpu.memory_space<vmem_shared>>) offsets(%arg9 : memref<128xi32, #tpu.memory_space<vmem>>) semaphore(%run_scoped3A : memref<!tpu.dma_semaphore, #tpu.memory_space<semaphore_mem>>) {add = true}
        %dma_wait3A_864 = arith.constant 0 : i32
        %dma_wait3A_865 = arith.constant 0 : i32
        %dma_wait3A_866 = tpu.memref_slice %arg6[%dma_wait3A_864, %dma_wait3A_865] : memref<10240x128xf32, #tpu.memory_space<vmem_shared>> -> memref<10240x128xf32, #tpu.memory_space<vmem_shared>>
        tpu.wait_indirect_dma semaphore(%run_scoped3A : memref<!tpu.dma_semaphore, #tpu.memory_space<semaphore_mem>>) src(%arg10 : memref<128x128xf32, #tpu.memory_space<vmem>>) dst(%dma_wait3A_866 : memref<10240x128xf32, #tpu.memory_space<vmem_shared>>)
        tpu.yield
      }) : () -> ()
    }
    %scan3A_831 = arith.constant 78 : i32
    %add3A_832 = arith.constant 9984 : i32
    %add3A_833 = arith.addi %add3A_825, %add3A_832 : i32
    %multiple_of3A_834 = tpu.assume_multiple %add3A_833, 8 : i32
    %add3A_835 = arith.constant 9984 : i32
    %add3A_836 = arith.addi %multiple_of3A_771, %add3A_835 : i32
    %multiple_of3A_837 = tpu.assume_multiple %add3A_836, 8 : i32
    "tpu.region"() ({
      %run_scoped3A = tpu.sem_alloc : memref<!tpu.dma_semaphore, #tpu.memory_space<semaphore_mem>>
      %dma_start3A_846 = tpu.memref_slice %arg3[%multiple_of3A_834] : memref<640000xi32, #tpu.memory_space<hbm>> -> memref<16xi32, #tpu.memory_space<hbm>>
      %dma_start3A_847 = tpu.memref_slice %arg3[%multiple_of3A_834] : memref<640000xi32, #tpu.memory_space<hbm>> -> memref<16xi32, #tpu.memory_space<hbm>>
      tpu.enqueue_dma source(%dma_start3A_847 : memref<16xi32, #tpu.memory_space<hbm>>) target(%arg11 : memref<16xi32, #tpu.memory_space<vmem>>) target_semaphore(%run_scoped3A : memref<!tpu.dma_semaphore, #tpu.memory_space<semaphore_mem>>)
      %dma_wait3A_848 = tpu.memref_slice %arg3[%multiple_of3A_834] : memref<640000xi32, #tpu.memory_space<hbm>> -> memref<16xi32, #tpu.memory_space<hbm>>
      %dma_wait3A_849 = tpu.memref_slice %arg3[%multiple_of3A_834] : memref<640000xi32, #tpu.memory_space<hbm>> -> memref<16xi32, #tpu.memory_space<hbm>>
      tpu.wait_dma2 semaphore(%run_scoped3A : memref<!tpu.dma_semaphore, #tpu.memory_space<semaphore_mem>>) src(%dma_wait3A_849 : memref<16xi32, #tpu.memory_space<hbm>>) dst(%arg11 : memref<16xi32, #tpu.memory_space<vmem>>)
      tpu.yield
    }) : () -> ()
    "tpu.region"() ({
      %run_scoped3A = tpu.sem_alloc : memref<!tpu.dma_semaphore, #tpu.memory_space<semaphore_mem>>
      %dma_start3A_846 = tpu.memref_slice %arg4[%multiple_of3A_837] : memref<160000xi32, #tpu.memory_space<hbm>> -> memref<16xi32, #tpu.memory_space<hbm>>
      %dma_start3A_847 = tpu.memref_slice %arg4[%multiple_of3A_837] : memref<160000xi32, #tpu.memory_space<hbm>> -> memref<16xi32, #tpu.memory_space<hbm>>
      tpu.enqueue_dma source(%dma_start3A_847 : memref<16xi32, #tpu.memory_space<hbm>>) target(%arg12 : memref<16xi32, #tpu.memory_space<vmem>>) target_semaphore(%run_scoped3A : memref<!tpu.dma_semaphore, #tpu.memory_space<semaphore_mem>>)
      %dma_wait3A_848 = tpu.memref_slice %arg4[%multiple_of3A_837] : memref<160000xi32, #tpu.memory_space<hbm>> -> memref<16xi32, #tpu.memory_space<hbm>>
      %dma_wait3A_849 = tpu.memref_slice %arg4[%multiple_of3A_837] : memref<160000xi32, #tpu.memory_space<hbm>> -> memref<16xi32, #tpu.memory_space<hbm>>
      tpu.wait_dma2 semaphore(%run_scoped3A : memref<!tpu.dma_semaphore, #tpu.memory_space<semaphore_mem>>) src(%dma_wait3A_849 : memref<16xi32, #tpu.memory_space<hbm>>) dst(%arg12 : memref<16xi32, #tpu.memory_space<vmem>>)
      tpu.yield
    }) : () -> ()
    %dma_start3A_838 = arith.constant 0 : i32
    %dma_start3A_839 = arith.constant 0 : i32
    %dma_start3A_840 = tpu.memref_slice %arg2[%dma_start3A_838, %dma_start3A_839] : memref<40960x128xf32, #tpu.memory_space<hbm>> -> memref<40960x128xf32, #tpu.memory_space<hbm>>
    tpu.enqueue_indirect_dma source(%dma_start3A_840 : memref<40960x128xf32, #tpu.memory_space<hbm>>) target(%arg13 : memref<16x128xf32, #tpu.memory_space<vmem>>) offsets(%arg11 : memref<16xi32, #tpu.memory_space<vmem>>) semaphore(%arg14 : memref<!tpu.dma_semaphore, #tpu.memory_space<semaphore_mem>>)
    %dma_wait3A_841 = arith.constant 0 : i32
    %dma_wait3A_842 = arith.constant 0 : i32
    %dma_wait3A_843 = tpu.memref_slice %arg2[%dma_wait3A_841, %dma_wait3A_842] : memref<40960x128xf32, #tpu.memory_space<hbm>> -> memref<40960x128xf32, #tpu.memory_space<hbm>>
    tpu.wait_indirect_dma semaphore(%arg14 : memref<!tpu.dma_semaphore, #tpu.memory_space<semaphore_mem>>) src(%dma_wait3A_843 : memref<40960x128xf32, #tpu.memory_space<hbm>>) dst(%arg13 : memref<16x128xf32, #tpu.memory_space<vmem>>)
    "tpu.region"() ({
      %run_scoped3A = tpu.sem_alloc : memref<!tpu.dma_semaphore, #tpu.memory_space<semaphore_mem>>
      %dma_start3A_846 = arith.constant 0 : i32
      %dma_start3A_847 = arith.constant 0 : i32
      %dma_start3A_848 = tpu.memref_slice %arg6[%dma_start3A_846, %dma_start3A_847] : memref<10240x128xf32, #tpu.memory_space<vmem_shared>> -> memref<10240x128xf32, #tpu.memory_space<vmem_shared>>
      tpu.enqueue_indirect_dma source(%arg13 : memref<16x128xf32, #tpu.memory_space<vmem>>) target(%dma_start3A_848 : memref<10240x128xf32, #tpu.memory_space<vmem_shared>>) offsets(%arg12 : memref<16xi32, #tpu.memory_space<vmem>>) semaphore(%run_scoped3A : memref<!tpu.dma_semaphore, #tpu.memory_space<semaphore_mem>>) {add = true}
      %dma_wait3A_849 = arith.constant 0 : i32
      %dma_wait3A_850 = arith.constant 0 : i32
      %dma_wait3A_851 = tpu.memref_slice %arg6[%dma_wait3A_849, %dma_wait3A_850] : memref<10240x128xf32, #tpu.memory_space<vmem_shared>> -> memref<10240x128xf32, #tpu.memory_space<vmem_shared>>
      tpu.wait_indirect_dma semaphore(%run_scoped3A : memref<!tpu.dma_semaphore, #tpu.memory_space<semaphore_mem>>) src(%arg13 : memref<16x128xf32, #tpu.memory_space<vmem>>) dst(%dma_wait3A_851 : memref<10240x128xf32, #tpu.memory_space<vmem_shared>>)
      tpu.yield
    }) : () -> ()
    %barrier3A_844 = arith.constant 0 : index
    tpu.barrier barrier_id(%barrier3A_844)
    %add3A_845 = arith.addi %multiple_of3A_813, %multiple_of3A : i32
    "tpu.region"() ({
      %run_scoped3A = tpu.sem_alloc : memref<!tpu.dma_semaphore, #tpu.memory_space<semaphore_mem>>
      %dma_start3A_846 = arith.constant 0 : i32
      %dma_start3A_847 = tpu.memref_slice %arg5[%add3A_845, %dma_start3A_846] : memref<40960x128xf32, #tpu.memory_space<hbm>> -> memref<640x128xf32, #tpu.memory_space<hbm>>
      %dma_start3A_848 = arith.constant 0 : i32
      %dma_start3A_849 = tpu.memref_slice %arg6[%multiple_of3A, %dma_start3A_848] : memref<10240x128xf32, #tpu.memory_space<vmem_shared>> -> memref<640x128xf32, #tpu.memory_space<vmem_shared>>
      tpu.enqueue_dma source(%dma_start3A_849 : memref<640x128xf32, #tpu.memory_space<vmem_shared>>) target(%dma_start3A_847 : memref<640x128xf32, #tpu.memory_space<hbm>>) target_semaphore(%run_scoped3A : memref<!tpu.dma_semaphore, #tpu.memory_space<semaphore_mem>>)
      %dma_wait3A_850 = arith.constant 0 : i32
      %dma_wait3A_851 = tpu.memref_slice %arg5[%add3A_845, %dma_wait3A_850] : memref<40960x128xf32, #tpu.memory_space<hbm>> -> memref<640x128xf32, #tpu.memory_space<hbm>>
      %dma_wait3A_852 = arith.constant 0 : i32
      %dma_wait3A_853 = tpu.memref_slice %arg6[%multiple_of3A, %dma_wait3A_852] : memref<10240x128xf32, #tpu.memory_space<vmem_shared>> -> memref<640x128xf32, #tpu.memory_space<vmem_shared>>
      tpu.wait_dma2 semaphore(%run_scoped3A : memref<!tpu.dma_semaphore, #tpu.memory_space<semaphore_mem>>) src(%dma_wait3A_853 : memref<640x128xf32, #tpu.memory_space<vmem_shared>>) dst(%dma_wait3A_851 : memref<640x128xf32, #tpu.memory_space<hbm>>)
      tpu.yield
    }) : () -> ()
    return
  }
}

#map = affine_map<(d0, d1) -> (0, 0)>
#map1 = affine_map<(d0, d1) -> (0)>
module attributes {stable_mosaic.version = 14 : i64} {
  func.func @body(%arg0: i32, %arg1: i32, %arg2: memref<40960x128xf32, #tpu.memory_space<hbm>>, %arg3: memref<640000xi32, #tpu.memory_space<hbm>>, %arg4: memref<160000xi32, #tpu.memory_space<hbm>>, %arg5: memref<40960x128xf32, #tpu.memory_space<hbm>>, %arg6: memref<10240x128xf32, #tpu.memory_space<vmem_shared>>, %arg7: memref<16x128xf32, #tpu.memory_space<vmem>>, %arg8: memref<128xi32, #tpu.memory_space<vmem>>, %arg9: memref<128xi32, #tpu.memory_space<vmem>>, %arg10: memref<128x128xf32, #tpu.memory_space<vmem>>, %arg11: memref<16xi32, #tpu.memory_space<vmem>>, %arg12: memref<16xi32, #tpu.memory_space<vmem>>, %arg13: memref<16x128xf32, #tpu.memory_space<vmem>>, %arg14: memref<!tpu.dma_semaphore, #tpu.memory_space<semaphore_mem>>) attributes {dimension_semantics = [#tpu.dimension_semantics<core_parallel>, #tpu.dimension_semantics<subcore_parallel>], iteration_bounds = array<i64: 2, 16>, scalar_prefetch = 0 : i64, scratch_operands = 9 : i64, tpu.core_type = #tpu.core_type<sc_vector_subcore>, window_params = [{transform_indices = #map}, {transform_indices = #map1}, {transform_indices = #map1}, {transform_indices = #map}]} {
    %broadcast_in_dim3A = arith.constant 0.000000e+00 : f32
    %broadcast_in_dim3A_0 = vector.broadcast %broadcast_in_dim3A : f32 to vector<16xf32>
    %swap3A = arith.constant 0 : i32
    %swap3A_1 = arith.index_cast %swap3A : i32 to index
    %swap3A_2 = arith.constant 0 : index
    %swap3A_3 = tpu.vector_load %arg7[%swap3A_1, %swap3A_2] {strides = array<i32>} : memref<16x128xf32, #tpu.memory_space<vmem>>, vector<1x16xf32>,
    %swap3A_4 = vector.shape_cast %swap3A_3 : vector<1x16xf32> to vector<16xf32>
    %swap3A_5 = vector.shape_cast %broadcast_in_dim3A_0 : vector<16xf32> to vector<1x16xf32>
    tpu.vector_store %arg7[%swap3A_1, %swap3A_2], %swap3A_5 {strides = array<i32>} : memref<16x128xf32, #tpu.memory_space<vmem>>, vector<1x16xf32>,
    %swap3A_6 = arith.constant 0 : i32
    %swap3A_7 = arith.index_cast %swap3A_6 : i32 to index
    %swap3A_8 = arith.constant 16 : index
    %swap3A_9 = tpu.vector_load %arg7[%swap3A_7, %swap3A_8] {strides = array<i32>} : memref<16x128xf32, #tpu.memory_space<vmem>>, vector<1x16xf32>,
    %swap3A_10 = vector.shape_cast %swap3A_9 : vector<1x16xf32> to vector<16xf32>
    %swap3A_11 = vector.shape_cast %broadcast_in_dim3A_0 : vector<16xf32> to vector<1x16xf32>
    tpu.vector_store %arg7[%swap3A_7, %swap3A_8], %swap3A_11 {strides = array<i32>} : memref<16x128xf32, #tpu.memory_space<vmem>>, vector<1x16xf32>,
    %swap3A_12 = arith.constant 0 : i32
    %swap3A_13 = arith.index_cast %swap3A_12 : i32 to index
    %swap3A_14 = arith.constant 32 : index
    %swap3A_15 = tpu.vector_load %arg7[%swap3A_13, %swap3A_14] {strides = array<i32>} : memref<16x128xf32, #tpu.memory_space<vmem>>, vector<1x16xf32>,
    %swap3A_16 = vector.shape_cast %swap3A_15 : vector<1x16xf32> to vector<16xf32>
    %swap3A_17 = vector.shape_cast %broadcast_in_dim3A_0 : vector<16xf32> to vector<1x16xf32>
    tpu.vector_store %arg7[%swap3A_13, %swap3A_14], %swap3A_17 {strides = array<i32>} : memref<16x128xf32, #tpu.memory_space<vmem>>, vector<1x16xf32>,
    %swap3A_18 = arith.constant 0 : i32
    %swap3A_19 = arith.index_cast %swap3A_18 : i32 to index
    %swap3A_20 = arith.constant 48 : index
    %swap3A_21 = tpu.vector_load %arg7[%swap3A_19, %swap3A_20] {strides = array<i32>} : memref<16x128xf32, #tpu.memory_space<vmem>>, vector<1x16xf32>,
    %swap3A_22 = vector.shape_cast %swap3A_21 : vector<1x16xf32> to vector<16xf32>
    %swap3A_23 = vector.shape_cast %broadcast_in_dim3A_0 : vector<16xf32> to vector<1x16xf32>
    tpu.vector_store %arg7[%swap3A_19, %swap3A_20], %swap3A_23 {strides = array<i32>} : memref<16x128xf32, #tpu.memory_space<vmem>>, vector<1x16xf32>,
    %swap3A_24 = arith.constant 0 : i32
    %swap3A_25 = arith.index_cast %swap3A_24 : i32 to index
    %swap3A_26 = arith.constant 64 : index
    %swap3A_27 = tpu.vector_load %arg7[%swap3A_25, %swap3A_26] {strides = array<i32>} : memref<16x128xf32, #tpu.memory_space<vmem>>, vector<1x16xf32>,
    %swap3A_28 = vector.shape_cast %swap3A_27 : vector<1x16xf32> to vector<16xf32>
    %swap3A_29 = vector.shape_cast %broadcast_in_dim3A_0 : vector<16xf32> to vector<1x16xf32>
    tpu.vector_store %arg7[%swap3A_25, %swap3A_26], %swap3A_29 {strides = array<i32>} : memref<16x128xf32, #tpu.memory_space<vmem>>, vector<1x16xf32>,
    %swap3A_30 = arith.constant 0 : i32
    %swap3A_31 = arith.index_cast %swap3A_30 : i32 to index
    %swap3A_32 = arith.constant 80 : index
    %swap3A_33 = tpu.vector_load %arg7[%swap3A_31, %swap3A_32] {strides = array<i32>} : memref<16x128xf32, #tpu.memory_space<vmem>>, vector<1x16xf32>,
    %swap3A_34 = vector.shape_cast %swap3A_33 : vector<1x16xf32> to vector<16xf32>
    %swap3A_35 = vector.shape_cast %broadcast_in_dim3A_0 : vector<16xf32> to vector<1x16xf32>
    tpu.vector_store %arg7[%swap3A_31, %swap3A_32], %swap3A_35 {strides = array<i32>} : memref<16x128xf32, #tpu.memory_space<vmem>>, vector<1x16xf32>,
    %swap3A_36 = arith.constant 0 : i32
    %swap3A_37 = arith.index_cast %swap3A_36 : i32 to index
    %swap3A_38 = arith.constant 96 : index
    %swap3A_39 = tpu.vector_load %arg7[%swap3A_37, %swap3A_38] {strides = array<i32>} : memref<16x128xf32, #tpu.memory_space<vmem>>, vector<1x16xf32>,
    %swap3A_40 = vector.shape_cast %swap3A_39 : vector<1x16xf32> to vector<16xf32>
    %swap3A_41 = vector.shape_cast %broadcast_in_dim3A_0 : vector<16xf32> to vector<1x16xf32>
    tpu.vector_store %arg7[%swap3A_37, %swap3A_38], %swap3A_41 {strides = array<i32>} : memref<16x128xf32, #tpu.memory_space<vmem>>, vector<1x16xf32>,
    %swap3A_42 = arith.constant 0 : i32
    %swap3A_43 = arith.index_cast %swap3A_42 : i32 to index
    %swap3A_44 = arith.constant 112 : index
    %swap3A_45 = tpu.vector_load %arg7[%swap3A_43, %swap3A_44] {strides = array<i32>} : memref<16x128xf32, #tpu.memory_space<vmem>>, vector<1x16xf32>,
    %swap3A_46 = vector.shape_cast %swap3A_45 : vector<1x16xf32> to vector<16xf32>
    %swap3A_47 = vector.shape_cast %broadcast_in_dim3A_0 : vector<16xf32> to vector<1x16xf32>
    tpu.vector_store %arg7[%swap3A_43, %swap3A_44], %swap3A_47 {strides = array<i32>} : memref<16x128xf32, #tpu.memory_space<vmem>>, vector<1x16xf32>,
    %swap3A_48 = arith.constant 1 : i32
    %swap3A_49 = arith.index_cast %swap3A_48 : i32 to index
    %swap3A_50 = arith.constant 0 : index
    %swap3A_51 = tpu.vector_load %arg7[%swap3A_49, %swap3A_50] {strides = array<i32>} : memref<16x128xf32, #tpu.memory_space<vmem>>, vector<1x16xf32>,
    %swap3A_52 = vector.shape_cast %swap3A_51 : vector<1x16xf32> to vector<16xf32>
    %swap3A_53 = vector.shape_cast %broadcast_in_dim3A_0 : vector<16xf32> to vector<1x16xf32>
    tpu.vector_store %arg7[%swap3A_49, %swap3A_50], %swap3A_53 {strides = array<i32>} : memref<16x128xf32, #tpu.memory_space<vmem>>, vector<1x16xf32>,
    %swap3A_54 = arith.constant 1 : i32
    %swap3A_55 = arith.index_cast %swap3A_54 : i32 to index
    %swap3A_56 = arith.constant 16 : index
    %swap3A_57 = tpu.vector_load %arg7[%swap3A_55, %swap3A_56] {strides = array<i32>} : memref<16x128xf32, #tpu.memory_space<vmem>>, vector<1x16xf32>,
    %swap3A_58 = vector.shape_cast %swap3A_57 : vector<1x16xf32> to vector<16xf32>
    %swap3A_59 = vector.shape_cast %broadcast_in_dim3A_0 : vector<16xf32> to vector<1x16xf32>
    tpu.vector_store %arg7[%swap3A_55, %swap3A_56], %swap3A_59 {strides = array<i32>} : memref<16x128xf32, #tpu.memory_space<vmem>>, vector<1x16xf32>,
    %swap3A_60 = arith.constant 1 : i32
    %swap3A_61 = arith.index_cast %swap3A_60 : i32 to index
    %swap3A_62 = arith.constant 32 : index
    %swap3A_63 = tpu.vector_load %arg7[%swap3A_61, %swap3A_62] {strides = array<i32>} : memref<16x128xf32, #tpu.memory_space<vmem>>, vector<1x16xf32>,
    %swap3A_64 = vector.shape_cast %swap3A_63 : vector<1x16xf32> to vector<16xf32>
    %swap3A_65 = vector.shape_cast %broadcast_in_dim3A_0 : vector<16xf32> to vector<1x16xf32>
    tpu.vector_store %arg7[%swap3A_61, %swap3A_62], %swap3A_65 {strides = array<i32>} : memref<16x128xf32, #tpu.memory_space<vmem>>, vector<1x16xf32>,
    %swap3A_66 = arith.constant 1 : i32
    %swap3A_67 = arith.index_cast %swap3A_66 : i32 to index
    %swap3A_68 = arith.constant 48 : index
    %swap3A_69 = tpu.vector_load %arg7[%swap3A_67, %swap3A_68] {strides = array<i32>} : memref<16x128xf32, #tpu.memory_space<vmem>>, vector<1x16xf32>,
    %swap3A_70 = vector.shape_cast %swap3A_69 : vector<1x16xf32> to vector<16xf32>
    %swap3A_71 = vector.shape_cast %broadcast_in_dim3A_0 : vector<16xf32> to vector<1x16xf32>
    tpu.vector_store %arg7[%swap3A_67, %swap3A_68], %swap3A_71 {strides = array<i32>} : memref<16x128xf32, #tpu.memory_space<vmem>>, vector<1x16xf32>,
    %swap3A_72 = arith.constant 1 : i32
    %swap3A_73 = arith.index_cast %swap3A_72 : i32 to index
    %swap3A_74 = arith.constant 64 : index
    %swap3A_75 = tpu.vector_load %arg7[%swap3A_73, %swap3A_74] {strides = array<i32>} : memref<16x128xf32, #tpu.memory_space<vmem>>, vector<1x16xf32>,
    %swap3A_76 = vector.shape_cast %swap3A_75 : vector<1x16xf32> to vector<16xf32>
    %swap3A_77 = vector.shape_cast %broadcast_in_dim3A_0 : vector<16xf32> to vector<1x16xf32>
    tpu.vector_store %arg7[%swap3A_73, %swap3A_74], %swap3A_77 {strides = array<i32>} : memref<16x128xf32, #tpu.memory_space<vmem>>, vector<1x16xf32>,
    %swap3A_78 = arith.constant 1 : i32
    %swap3A_79 = arith.index_cast %swap3A_78 : i32 to index
    %swap3A_80 = arith.constant 80 : index
    %swap3A_81 = tpu.vector_load %arg7[%swap3A_79, %swap3A_80] {strides = array<i32>} : memref<16x128xf32, #tpu.memory_space<vmem>>, vector<1x16xf32>,
    %swap3A_82 = vector.shape_cast %swap3A_81 : vector<1x16xf32> to vector<16xf32>
    %swap3A_83 = vector.shape_cast %broadcast_in_dim3A_0 : vector<16xf32> to vector<1x16xf32>
    tpu.vector_store %arg7[%swap3A_79, %swap3A_80], %swap3A_83 {strides = array<i32>} : memref<16x128xf32, #tpu.memory_space<vmem>>, vector<1x16xf32>,
    %swap3A_84 = arith.constant 1 : i32
    %swap3A_85 = arith.index_cast %swap3A_84 : i32 to index
    %swap3A_86 = arith.constant 96 : index
    %swap3A_87 = tpu.vector_load %arg7[%swap3A_85, %swap3A_86] {strides = array<i32>} : memref<16x128xf32, #tpu.memory_space<vmem>>, vector<1x16xf32>,
    %swap3A_88 = vector.shape_cast %swap3A_87 : vector<1x16xf32> to vector<16xf32>
    %swap3A_89 = vector.shape_cast %broadcast_in_dim3A_0 : vector<16xf32> to vector<1x16xf32>
    tpu.vector_store %arg7[%swap3A_85, %swap3A_86], %swap3A_89 {strides = array<i32>} : memref<16x128xf32, #tpu.memory_space<vmem>>, vector<1x16xf32>,
    %swap3A_90 = arith.constant 1 : i32
    %swap3A_91 = arith.index_cast %swap3A_90 : i32 to index
    %swap3A_92 = arith.constant 112 : index
    %swap3A_93 = tpu.vector_load %arg7[%swap3A_91, %swap3A_92] {strides = array<i32>} : memref<16x128xf32, #tpu.memory_space<vmem>>, vector<1x16xf32>,
    %swap3A_94 = vector.shape_cast %swap3A_93 : vector<1x16xf32> to vector<16xf32>
    %swap3A_95 = vector.shape_cast %broadcast_in_dim3A_0 : vector<16xf32> to vector<1x16xf32>
    tpu.vector_store %arg7[%swap3A_91, %swap3A_92], %swap3A_95 {strides = array<i32>} : memref<16x128xf32, #tpu.memory_space<vmem>>, vector<1x16xf32>,
    %swap3A_96 = arith.constant 2 : i32
    %swap3A_97 = arith.index_cast %swap3A_96 : i32 to index
    %swap3A_98 = arith.constant 0 : index
    %swap3A_99 = tpu.vector_load %arg7[%swap3A_97, %swap3A_98] {strides = array<i32>} : memref<16x128xf32, #tpu.memory_space<vmem>>, vector<1x16xf32>,
    %swap3A_100 = vector.shape_cast %swap3A_99 : vector<1x16xf32> to vector<16xf32>
    %swap3A_101 = vector.shape_cast %broadcast_in_dim3A_0 : vector<16xf32> to vector<1x16xf32>
    tpu.vector_store %arg7[%swap3A_97, %swap3A_98], %swap3A_101 {strides = array<i32>} : memref<16x128xf32, #tpu.memory_space<vmem>>, vector<1x16xf32>,
    %swap3A_102 = arith.constant 2 : i32
    %swap3A_103 = arith.index_cast %swap3A_102 : i32 to index
    %swap3A_104 = arith.constant 16 : index
    %swap3A_105 = tpu.vector_load %arg7[%swap3A_103, %swap3A_104] {strides = array<i32>} : memref<16x128xf32, #tpu.memory_space<vmem>>, vector<1x16xf32>,
    %swap3A_106 = vector.shape_cast %swap3A_105 : vector<1x16xf32> to vector<16xf32>
    %swap3A_107 = vector.shape_cast %broadcast_in_dim3A_0 : vector<16xf32> to vector<1x16xf32>
    tpu.vector_store %arg7[%swap3A_103, %swap3A_104], %swap3A_107 {strides = array<i32>} : memref<16x128xf32, #tpu.memory_space<vmem>>, vector<1x16xf32>,
    %swap3A_108 = arith.constant 2 : i32
    %swap3A_109 = arith.index_cast %swap3A_108 : i32 to index
    %swap3A_110 = arith.constant 32 : index
    %swap3A_111 = tpu.vector_load %arg7[%swap3A_109, %swap3A_110] {strides = array<i32>} : memref<16x128xf32, #tpu.memory_space<vmem>>, vector<1x16xf32>,
    %swap3A_112 = vector.shape_cast %swap3A_111 : vector<1x16xf32> to vector<16xf32>
    %swap3A_113 = vector.shape_cast %broadcast_in_dim3A_0 : vector<16xf32> to vector<1x16xf32>
    tpu.vector_store %arg7[%swap3A_109, %swap3A_110], %swap3A_113 {strides = array<i32>} : memref<16x128xf32, #tpu.memory_space<vmem>>, vector<1x16xf32>,
    %swap3A_114 = arith.constant 2 : i32
    %swap3A_115 = arith.index_cast %swap3A_114 : i32 to index
    %swap3A_116 = arith.constant 48 : index
    %swap3A_117 = tpu.vector_load %arg7[%swap3A_115, %swap3A_116] {strides = array<i32>} : memref<16x128xf32, #tpu.memory_space<vmem>>, vector<1x16xf32>,
    %swap3A_118 = vector.shape_cast %swap3A_117 : vector<1x16xf32> to vector<16xf32>
    %swap3A_119 = vector.shape_cast %broadcast_in_dim3A_0 : vector<16xf32> to vector<1x16xf32>
    tpu.vector_store %arg7[%swap3A_115, %swap3A_116], %swap3A_119 {strides = array<i32>} : memref<16x128xf32, #tpu.memory_space<vmem>>, vector<1x16xf32>,
    %swap3A_120 = arith.constant 2 : i32
    %swap3A_121 = arith.index_cast %swap3A_120 : i32 to index
    %swap3A_122 = arith.constant 64 : index
    %swap3A_123 = tpu.vector_load %arg7[%swap3A_121, %swap3A_122] {strides = array<i32>} : memref<16x128xf32, #tpu.memory_space<vmem>>, vector<1x16xf32>,
    %swap3A_124 = vector.shape_cast %swap3A_123 : vector<1x16xf32> to vector<16xf32>
    %swap3A_125 = vector.shape_cast %broadcast_in_dim3A_0 : vector<16xf32> to vector<1x16xf32>
    tpu.vector_store %arg7[%swap3A_121, %swap3A_122], %swap3A_125 {strides = array<i32>} : memref<16x128xf32, #tpu.memory_space<vmem>>, vector<1x16xf32>,
    %swap3A_126 = arith.constant 2 : i32
    %swap3A_127 = arith.index_cast %swap3A_126 : i32 to index
    %swap3A_128 = arith.constant 80 : index
    %swap3A_129 = tpu.vector_load %arg7[%swap3A_127, %swap3A_128] {strides = array<i32>} : memref<16x128xf32, #tpu.memory_space<vmem>>, vector<1x16xf32>,
    %swap3A_130 = vector.shape_cast %swap3A_129 : vector<1x16xf32> to vector<16xf32>
    %swap3A_131 = vector.shape_cast %broadcast_in_dim3A_0 : vector<16xf32> to vector<1x16xf32>
    tpu.vector_store %arg7[%swap3A_127, %swap3A_128], %swap3A_131 {strides = array<i32>} : memref<16x128xf32, #tpu.memory_space<vmem>>, vector<1x16xf32>,
    %swap3A_132 = arith.constant 2 : i32
    %swap3A_133 = arith.index_cast %swap3A_132 : i32 to index
    %swap3A_134 = arith.constant 96 : index
    %swap3A_135 = tpu.vector_load %arg7[%swap3A_133, %swap3A_134] {strides = array<i32>} : memref<16x128xf32, #tpu.memory_space<vmem>>, vector<1x16xf32>,
    %swap3A_136 = vector.shape_cast %swap3A_135 : vector<1x16xf32> to vector<16xf32>
    %swap3A_137 = vector.shape_cast %broadcast_in_dim3A_0 : vector<16xf32> to vector<1x16xf32>
    tpu.vector_store %arg7[%swap3A_133, %swap3A_134], %swap3A_137 {strides = array<i32>} : memref<16x128xf32, #tpu.memory_space<vmem>>, vector<1x16xf32>,
    %swap3A_138 = arith.constant 2 : i32
    %swap3A_139 = arith.index_cast %swap3A_138 : i32 to index
    %swap3A_140 = arith.constant 112 : index
    %swap3A_141 = tpu.vector_load %arg7[%swap3A_139, %swap3A_140] {strides = array<i32>} : memref<16x128xf32, #tpu.memory_space<vmem>>, vector<1x16xf32>,
    %swap3A_142 = vector.shape_cast %swap3A_141 : vector<1x16xf32> to vector<16xf32>
    %swap3A_143 = vector.shape_cast %broadcast_in_dim3A_0 : vector<16xf32> to vector<1x16xf32>
    tpu.vector_store %arg7[%swap3A_139, %swap3A_140], %swap3A_143 {strides = array<i32>} : memref<16x128xf32, #tpu.memory_space<vmem>>, vector<1x16xf32>,
    %swap3A_144 = arith.constant 3 : i32
    %swap3A_145 = arith.index_cast %swap3A_144 : i32 to index
    %swap3A_146 = arith.constant 0 : index
    %swap3A_147 = tpu.vector_load %arg7[%swap3A_145, %swap3A_146] {strides = array<i32>} : memref<16x128xf32, #tpu.memory_space<vmem>>, vector<1x16xf32>,
    %swap3A_148 = vector.shape_cast %swap3A_147 : vector<1x16xf32> to vector<16xf32>
    %swap3A_149 = vector.shape_cast %broadcast_in_dim3A_0 : vector<16xf32> to vector<1x16xf32>
    tpu.vector_store %arg7[%swap3A_145, %swap3A_146], %swap3A_149 {strides = array<i32>} : memref<16x128xf32, #tpu.memory_space<vmem>>, vector<1x16xf32>,
    %swap3A_150 = arith.constant 3 : i32
    %swap3A_151 = arith.index_cast %swap3A_150 : i32 to index
    %swap3A_152 = arith.constant 16 : index
    %swap3A_153 = tpu.vector_load %arg7[%swap3A_151, %swap3A_152] {strides = array<i32>} : memref<16x128xf32, #tpu.memory_space<vmem>>, vector<1x16xf32>,
    %swap3A_154 = vector.shape_cast %swap3A_153 : vector<1x16xf32> to vector<16xf32>
    %swap3A_155 = vector.shape_cast %broadcast_in_dim3A_0 : vector<16xf32> to vector<1x16xf32>
    tpu.vector_store %arg7[%swap3A_151, %swap3A_152], %swap3A_155 {strides = array<i32>} : memref<16x128xf32, #tpu.memory_space<vmem>>, vector<1x16xf32>,
    %swap3A_156 = arith.constant 3 : i32
    %swap3A_157 = arith.index_cast %swap3A_156 : i32 to index
    %swap3A_158 = arith.constant 32 : index
    %swap3A_159 = tpu.vector_load %arg7[%swap3A_157, %swap3A_158] {strides = array<i32>} : memref<16x128xf32, #tpu.memory_space<vmem>>, vector<1x16xf32>,
    %swap3A_160 = vector.shape_cast %swap3A_159 : vector<1x16xf32> to vector<16xf32>
    %swap3A_161 = vector.shape_cast %broadcast_in_dim3A_0 : vector<16xf32> to vector<1x16xf32>
    tpu.vector_store %arg7[%swap3A_157, %swap3A_158], %swap3A_161 {strides = array<i32>} : memref<16x128xf32, #tpu.memory_space<vmem>>, vector<1x16xf32>,
    %swap3A_162 = arith.constant 3 : i32
    %swap3A_163 = arith.index_cast %swap3A_162 : i32 to index
    %swap3A_164 = arith.constant 48 : index
    %swap3A_165 = tpu.vector_load %arg7[%swap3A_163, %swap3A_164] {strides = array<i32>} : memref<16x128xf32, #tpu.memory_space<vmem>>, vector<1x16xf32>,
    %swap3A_166 = vector.shape_cast %swap3A_165 : vector<1x16xf32> to vector<16xf32>
    %swap3A_167 = vector.shape_cast %broadcast_in_dim3A_0 : vector<16xf32> to vector<1x16xf32>
    tpu.vector_store %arg7[%swap3A_163, %swap3A_164], %swap3A_167 {strides = array<i32>} : memref<16x128xf32, #tpu.memory_space<vmem>>, vector<1x16xf32>,
    %swap3A_168 = arith.constant 3 : i32
    %swap3A_169 = arith.index_cast %swap3A_168 : i32 to index
    %swap3A_170 = arith.constant 64 : index
    %swap3A_171 = tpu.vector_load %arg7[%swap3A_169, %swap3A_170] {strides = array<i32>} : memref<16x128xf32, #tpu.memory_space<vmem>>, vector<1x16xf32>,
    %swap3A_172 = vector.shape_cast %swap3A_171 : vector<1x16xf32> to vector<16xf32>
    %swap3A_173 = vector.shape_cast %broadcast_in_dim3A_0 : vector<16xf32> to vector<1x16xf32>
    tpu.vector_store %arg7[%swap3A_169, %swap3A_170], %swap3A_173 {strides = array<i32>} : memref<16x128xf32, #tpu.memory_space<vmem>>, vector<1x16xf32>,
    %swap3A_174 = arith.constant 3 : i32
    %swap3A_175 = arith.index_cast %swap3A_174 : i32 to index
    %swap3A_176 = arith.constant 80 : index
    %swap3A_177 = tpu.vector_load %arg7[%swap3A_175, %swap3A_176] {strides = array<i32>} : memref<16x128xf32, #tpu.memory_space<vmem>>, vector<1x16xf32>,
    %swap3A_178 = vector.shape_cast %swap3A_177 : vector<1x16xf32> to vector<16xf32>
    %swap3A_179 = vector.shape_cast %broadcast_in_dim3A_0 : vector<16xf32> to vector<1x16xf32>
    tpu.vector_store %arg7[%swap3A_175, %swap3A_176], %swap3A_179 {strides = array<i32>} : memref<16x128xf32, #tpu.memory_space<vmem>>, vector<1x16xf32>,
    %swap3A_180 = arith.constant 3 : i32
    %swap3A_181 = arith.index_cast %swap3A_180 : i32 to index
    %swap3A_182 = arith.constant 96 : index
    %swap3A_183 = tpu.vector_load %arg7[%swap3A_181, %swap3A_182] {strides = array<i32>} : memref<16x128xf32, #tpu.memory_space<vmem>>, vector<1x16xf32>,
    %swap3A_184 = vector.shape_cast %swap3A_183 : vector<1x16xf32> to vector<16xf32>
    %swap3A_185 = vector.shape_cast %broadcast_in_dim3A_0 : vector<16xf32> to vector<1x16xf32>
    tpu.vector_store %arg7[%swap3A_181, %swap3A_182], %swap3A_185 {strides = array<i32>} : memref<16x128xf32, #tpu.memory_space<vmem>>, vector<1x16xf32>,
    %swap3A_186 = arith.constant 3 : i32
    %swap3A_187 = arith.index_cast %swap3A_186 : i32 to index
    %swap3A_188 = arith.constant 112 : index
    %swap3A_189 = tpu.vector_load %arg7[%swap3A_187, %swap3A_188] {strides = array<i32>} : memref<16x128xf32, #tpu.memory_space<vmem>>, vector<1x16xf32>,
    %swap3A_190 = vector.shape_cast %swap3A_189 : vector<1x16xf32> to vector<16xf32>
    %swap3A_191 = vector.shape_cast %broadcast_in_dim3A_0 : vector<16xf32> to vector<1x16xf32>
    tpu.vector_store %arg7[%swap3A_187, %swap3A_188], %swap3A_191 {strides = array<i32>} : memref<16x128xf32, #tpu.memory_space<vmem>>, vector<1x16xf32>,
    %swap3A_192 = arith.constant 4 : i32
    %swap3A_193 = arith.index_cast %swap3A_192 : i32 to index
    %swap3A_194 = arith.constant 0 : index
    %swap3A_195 = tpu.vector_load %arg7[%swap3A_193, %swap3A_194] {strides = array<i32>} : memref<16x128xf32, #tpu.memory_space<vmem>>, vector<1x16xf32>,
    %swap3A_196 = vector.shape_cast %swap3A_195 : vector<1x16xf32> to vector<16xf32>
    %swap3A_197 = vector.shape_cast %broadcast_in_dim3A_0 : vector<16xf32> to vector<1x16xf32>
    tpu.vector_store %arg7[%swap3A_193, %swap3A_194], %swap3A_197 {strides = array<i32>} : memref<16x128xf32, #tpu.memory_space<vmem>>, vector<1x16xf32>,
    %swap3A_198 = arith.constant 4 : i32
    %swap3A_199 = arith.index_cast %swap3A_198 : i32 to index
    %swap3A_200 = arith.constant 16 : index
    %swap3A_201 = tpu.vector_load %arg7[%swap3A_199, %swap3A_200] {strides = array<i32>} : memref<16x128xf32, #tpu.memory_space<vmem>>, vector<1x16xf32>,
    %swap3A_202 = vector.shape_cast %swap3A_201 : vector<1x16xf32> to vector<16xf32>
    %swap3A_203 = vector.shape_cast %broadcast_in_dim3A_0 : vector<16xf32> to vector<1x16xf32>
    tpu.vector_store %arg7[%swap3A_199, %swap3A_200], %swap3A_203 {strides = array<i32>} : memref<16x128xf32, #tpu.memory_space<vmem>>, vector<1x16xf32>,
    %swap3A_204 = arith.constant 4 : i32
    %swap3A_205 = arith.index_cast %swap3A_204 : i32 to index
    %swap3A_206 = arith.constant 32 : index
    %swap3A_207 = tpu.vector_load %arg7[%swap3A_205, %swap3A_206] {strides = array<i32>} : memref<16x128xf32, #tpu.memory_space<vmem>>, vector<1x16xf32>,
    %swap3A_208 = vector.shape_cast %swap3A_207 : vector<1x16xf32> to vector<16xf32>
    %swap3A_209 = vector.shape_cast %broadcast_in_dim3A_0 : vector<16xf32> to vector<1x16xf32>
    tpu.vector_store %arg7[%swap3A_205, %swap3A_206], %swap3A_209 {strides = array<i32>} : memref<16x128xf32, #tpu.memory_space<vmem>>, vector<1x16xf32>,
    %swap3A_210 = arith.constant 4 : i32
    %swap3A_211 = arith.index_cast %swap3A_210 : i32 to index
    %swap3A_212 = arith.constant 48 : index
    %swap3A_213 = tpu.vector_load %arg7[%swap3A_211, %swap3A_212] {strides = array<i32>} : memref<16x128xf32, #tpu.memory_space<vmem>>, vector<1x16xf32>,
    %swap3A_214 = vector.shape_cast %swap3A_213 : vector<1x16xf32> to vector<16xf32>
    %swap3A_215 = vector.shape_cast %broadcast_in_dim3A_0 : vector<16xf32> to vector<1x16xf32>
    tpu.vector_store %arg7[%swap3A_211, %swap3A_212], %swap3A_215 {strides = array<i32>} : memref<16x128xf32, #tpu.memory_space<vmem>>, vector<1x16xf32>,
    %swap3A_216 = arith.constant 4 : i32
    %swap3A_217 = arith.index_cast %swap3A_216 : i32 to index
    %swap3A_218 = arith.constant 64 : index
    %swap3A_219 = tpu.vector_load %arg7[%swap3A_217, %swap3A_218] {strides = array<i32>} : memref<16x128xf32, #tpu.memory_space<vmem>>, vector<1x16xf32>,
    %swap3A_220 = vector.shape_cast %swap3A_219 : vector<1x16xf32> to vector<16xf32>
    %swap3A_221 = vector.shape_cast %broadcast_in_dim3A_0 : vector<16xf32> to vector<1x16xf32>
    tpu.vector_store %arg7[%swap3A_217, %swap3A_218], %swap3A_221 {strides = array<i32>} : memref<16x128xf32, #tpu.memory_space<vmem>>, vector<1x16xf32>,
    %swap3A_222 = arith.constant 4 : i32
    %swap3A_223 = arith.index_cast %swap3A_222 : i32 to index
    %swap3A_224 = arith.constant 80 : index
    %swap3A_225 = tpu.vector_load %arg7[%swap3A_223, %swap3A_224] {strides = array<i32>} : memref<16x128xf32, #tpu.memory_space<vmem>>, vector<1x16xf32>,
    %swap3A_226 = vector.shape_cast %swap3A_225 : vector<1x16xf32> to vector<16xf32>
    %swap3A_227 = vector.shape_cast %broadcast_in_dim3A_0 : vector<16xf32> to vector<1x16xf32>
    tpu.vector_store %arg7[%swap3A_223, %swap3A_224], %swap3A_227 {strides = array<i32>} : memref<16x128xf32, #tpu.memory_space<vmem>>, vector<1x16xf32>,
    %swap3A_228 = arith.constant 4 : i32
    %swap3A_229 = arith.index_cast %swap3A_228 : i32 to index
    %swap3A_230 = arith.constant 96 : index
    %swap3A_231 = tpu.vector_load %arg7[%swap3A_229, %swap3A_230] {strides = array<i32>} : memref<16x128xf32, #tpu.memory_space<vmem>>, vector<1x16xf32>,
    %swap3A_232 = vector.shape_cast %swap3A_231 : vector<1x16xf32> to vector<16xf32>
    %swap3A_233 = vector.shape_cast %broadcast_in_dim3A_0 : vector<16xf32> to vector<1x16xf32>
    tpu.vector_store %arg7[%swap3A_229, %swap3A_230], %swap3A_233 {strides = array<i32>} : memref<16x128xf32, #tpu.memory_space<vmem>>, vector<1x16xf32>,
    %swap3A_234 = arith.constant 4 : i32
    %swap3A_235 = arith.index_cast %swap3A_234 : i32 to index
    %swap3A_236 = arith.constant 112 : index
    %swap3A_237 = tpu.vector_load %arg7[%swap3A_235, %swap3A_236] {strides = array<i32>} : memref<16x128xf32, #tpu.memory_space<vmem>>, vector<1x16xf32>,
    %swap3A_238 = vector.shape_cast %swap3A_237 : vector<1x16xf32> to vector<16xf32>
    %swap3A_239 = vector.shape_cast %broadcast_in_dim3A_0 : vector<16xf32> to vector<1x16xf32>
    tpu.vector_store %arg7[%swap3A_235, %swap3A_236], %swap3A_239 {strides = array<i32>} : memref<16x128xf32, #tpu.memory_space<vmem>>, vector<1x16xf32>,
    %swap3A_240 = arith.constant 5 : i32
    %swap3A_241 = arith.index_cast %swap3A_240 : i32 to index
    %swap3A_242 = arith.constant 0 : index
    %swap3A_243 = tpu.vector_load %arg7[%swap3A_241, %swap3A_242] {strides = array<i32>} : memref<16x128xf32, #tpu.memory_space<vmem>>, vector<1x16xf32>,
    %swap3A_244 = vector.shape_cast %swap3A_243 : vector<1x16xf32> to vector<16xf32>
    %swap3A_245 = vector.shape_cast %broadcast_in_dim3A_0 : vector<16xf32> to vector<1x16xf32>
    tpu.vector_store %arg7[%swap3A_241, %swap3A_242], %swap3A_245 {strides = array<i32>} : memref<16x128xf32, #tpu.memory_space<vmem>>, vector<1x16xf32>,
    %swap3A_246 = arith.constant 5 : i32
    %swap3A_247 = arith.index_cast %swap3A_246 : i32 to index
    %swap3A_248 = arith.constant 16 : index
    %swap3A_249 = tpu.vector_load %arg7[%swap3A_247, %swap3A_248] {strides = array<i32>} : memref<16x128xf32, #tpu.memory_space<vmem>>, vector<1x16xf32>,
    %swap3A_250 = vector.shape_cast %swap3A_249 : vector<1x16xf32> to vector<16xf32>
    %swap3A_251 = vector.shape_cast %broadcast_in_dim3A_0 : vector<16xf32> to vector<1x16xf32>
    tpu.vector_store %arg7[%swap3A_247, %swap3A_248], %swap3A_251 {strides = array<i32>} : memref<16x128xf32, #tpu.memory_space<vmem>>, vector<1x16xf32>,
    %swap3A_252 = arith.constant 5 : i32
    %swap3A_253 = arith.index_cast %swap3A_252 : i32 to index
    %swap3A_254 = arith.constant 32 : index
    %swap3A_255 = tpu.vector_load %arg7[%swap3A_253, %swap3A_254] {strides = array<i32>} : memref<16x128xf32, #tpu.memory_space<vmem>>, vector<1x16xf32>,
    %swap3A_256 = vector.shape_cast %swap3A_255 : vector<1x16xf32> to vector<16xf32>
    %swap3A_257 = vector.shape_cast %broadcast_in_dim3A_0 : vector<16xf32> to vector<1x16xf32>
    tpu.vector_store %arg7[%swap3A_253, %swap3A_254], %swap3A_257 {strides = array<i32>} : memref<16x128xf32, #tpu.memory_space<vmem>>, vector<1x16xf32>,
    %swap3A_258 = arith.constant 5 : i32
    %swap3A_259 = arith.index_cast %swap3A_258 : i32 to index
    %swap3A_260 = arith.constant 48 : index
    %swap3A_261 = tpu.vector_load %arg7[%swap3A_259, %swap3A_260] {strides = array<i32>} : memref<16x128xf32, #tpu.memory_space<vmem>>, vector<1x16xf32>,
    %swap3A_262 = vector.shape_cast %swap3A_261 : vector<1x16xf32> to vector<16xf32>
    %swap3A_263 = vector.shape_cast %broadcast_in_dim3A_0 : vector<16xf32> to vector<1x16xf32>
    tpu.vector_store %arg7[%swap3A_259, %swap3A_260], %swap3A_263 {strides = array<i32>} : memref<16x128xf32, #tpu.memory_space<vmem>>, vector<1x16xf32>,
    %swap3A_264 = arith.constant 5 : i32
    %swap3A_265 = arith.index_cast %swap3A_264 : i32 to index
    %swap3A_266 = arith.constant 64 : index
    %swap3A_267 = tpu.vector_load %arg7[%swap3A_265, %swap3A_266] {strides = array<i32>} : memref<16x128xf32, #tpu.memory_space<vmem>>, vector<1x16xf32>,
    %swap3A_268 = vector.shape_cast %swap3A_267 : vector<1x16xf32> to vector<16xf32>
    %swap3A_269 = vector.shape_cast %broadcast_in_dim3A_0 : vector<16xf32> to vector<1x16xf32>
    tpu.vector_store %arg7[%swap3A_265, %swap3A_266], %swap3A_269 {strides = array<i32>} : memref<16x128xf32, #tpu.memory_space<vmem>>, vector<1x16xf32>,
    %swap3A_270 = arith.constant 5 : i32
    %swap3A_271 = arith.index_cast %swap3A_270 : i32 to index
    %swap3A_272 = arith.constant 80 : index
    %swap3A_273 = tpu.vector_load %arg7[%swap3A_271, %swap3A_272] {strides = array<i32>} : memref<16x128xf32, #tpu.memory_space<vmem>>, vector<1x16xf32>,
    %swap3A_274 = vector.shape_cast %swap3A_273 : vector<1x16xf32> to vector<16xf32>
    %swap3A_275 = vector.shape_cast %broadcast_in_dim3A_0 : vector<16xf32> to vector<1x16xf32>
    tpu.vector_store %arg7[%swap3A_271, %swap3A_272], %swap3A_275 {strides = array<i32>} : memref<16x128xf32, #tpu.memory_space<vmem>>, vector<1x16xf32>,
    %swap3A_276 = arith.constant 5 : i32
    %swap3A_277 = arith.index_cast %swap3A_276 : i32 to index
    %swap3A_278 = arith.constant 96 : index
    %swap3A_279 = tpu.vector_load %arg7[%swap3A_277, %swap3A_278] {strides = array<i32>} : memref<16x128xf32, #tpu.memory_space<vmem>>, vector<1x16xf32>,
    %swap3A_280 = vector.shape_cast %swap3A_279 : vector<1x16xf32> to vector<16xf32>
    %swap3A_281 = vector.shape_cast %broadcast_in_dim3A_0 : vector<16xf32> to vector<1x16xf32>
    tpu.vector_store %arg7[%swap3A_277, %swap3A_278], %swap3A_281 {strides = array<i32>} : memref<16x128xf32, #tpu.memory_space<vmem>>, vector<1x16xf32>,
    %swap3A_282 = arith.constant 5 : i32
    %swap3A_283 = arith.index_cast %swap3A_282 : i32 to index
    %swap3A_284 = arith.constant 112 : index
    %swap3A_285 = tpu.vector_load %arg7[%swap3A_283, %swap3A_284] {strides = array<i32>} : memref<16x128xf32, #tpu.memory_space<vmem>>, vector<1x16xf32>,
    %swap3A_286 = vector.shape_cast %swap3A_285 : vector<1x16xf32> to vector<16xf32>
    %swap3A_287 = vector.shape_cast %broadcast_in_dim3A_0 : vector<16xf32> to vector<1x16xf32>
    tpu.vector_store %arg7[%swap3A_283, %swap3A_284], %swap3A_287 {strides = array<i32>} : memref<16x128xf32, #tpu.memory_space<vmem>>, vector<1x16xf32>,
    %swap3A_288 = arith.constant 6 : i32
    %swap3A_289 = arith.index_cast %swap3A_288 : i32 to index
    %swap3A_290 = arith.constant 0 : index
    %swap3A_291 = tpu.vector_load %arg7[%swap3A_289, %swap3A_290] {strides = array<i32>} : memref<16x128xf32, #tpu.memory_space<vmem>>, vector<1x16xf32>,
    %swap3A_292 = vector.shape_cast %swap3A_291 : vector<1x16xf32> to vector<16xf32>
    %swap3A_293 = vector.shape_cast %broadcast_in_dim3A_0 : vector<16xf32> to vector<1x16xf32>
    tpu.vector_store %arg7[%swap3A_289, %swap3A_290], %swap3A_293 {strides = array<i32>} : memref<16x128xf32, #tpu.memory_space<vmem>>, vector<1x16xf32>,
    %swap3A_294 = arith.constant 6 : i32
    %swap3A_295 = arith.index_cast %swap3A_294 : i32 to index
    %swap3A_296 = arith.constant 16 : index
    %swap3A_297 = tpu.vector_load %arg7[%swap3A_295, %swap3A_296] {strides = array<i32>} : memref<16x128xf32, #tpu.memory_space<vmem>>, vector<1x16xf32>,
    %swap3A_298 = vector.shape_cast %swap3A_297 : vector<1x16xf32> to vector<16xf32>
    %swap3A_299 = vector.shape_cast %broadcast_in_dim3A_0 : vector<16xf32> to vector<1x16xf32>
    tpu.vector_store %arg7[%swap3A_295, %swap3A_296], %swap3A_299 {strides = array<i32>} : memref<16x128xf32, #tpu.memory_space<vmem>>, vector<1x16xf32>,
    %swap3A_300 = arith.constant 6 : i32
    %swap3A_301 = arith.index_cast %swap3A_300 : i32 to index
    %swap3A_302 = arith.constant 32 : index
    %swap3A_303 = tpu.vector_load %arg7[%swap3A_301, %swap3A_302] {strides = array<i32>} : memref<16x128xf32, #tpu.memory_space<vmem>>, vector<1x16xf32>,
    %swap3A_304 = vector.shape_cast %swap3A_303 : vector<1x16xf32> to vector<16xf32>
    %swap3A_305 = vector.shape_cast %broadcast_in_dim3A_0 : vector<16xf32> to vector<1x16xf32>
    tpu.vector_store %arg7[%swap3A_301, %swap3A_302], %swap3A_305 {strides = array<i32>} : memref<16x128xf32, #tpu.memory_space<vmem>>, vector<1x16xf32>,
    %swap3A_306 = arith.constant 6 : i32
    %swap3A_307 = arith.index_cast %swap3A_306 : i32 to index
    %swap3A_308 = arith.constant 48 : index
    %swap3A_309 = tpu.vector_load %arg7[%swap3A_307, %swap3A_308] {strides = array<i32>} : memref<16x128xf32, #tpu.memory_space<vmem>>, vector<1x16xf32>,
    %swap3A_310 = vector.shape_cast %swap3A_309 : vector<1x16xf32> to vector<16xf32>
    %swap3A_311 = vector.shape_cast %broadcast_in_dim3A_0 : vector<16xf32> to vector<1x16xf32>
    tpu.vector_store %arg7[%swap3A_307, %swap3A_308], %swap3A_311 {strides = array<i32>} : memref<16x128xf32, #tpu.memory_space<vmem>>, vector<1x16xf32>,
    %swap3A_312 = arith.constant 6 : i32
    %swap3A_313 = arith.index_cast %swap3A_312 : i32 to index
    %swap3A_314 = arith.constant 64 : index
    %swap3A_315 = tpu.vector_load %arg7[%swap3A_313, %swap3A_314] {strides = array<i32>} : memref<16x128xf32, #tpu.memory_space<vmem>>, vector<1x16xf32>,
    %swap3A_316 = vector.shape_cast %swap3A_315 : vector<1x16xf32> to vector<16xf32>
    %swap3A_317 = vector.shape_cast %broadcast_in_dim3A_0 : vector<16xf32> to vector<1x16xf32>
    tpu.vector_store %arg7[%swap3A_313, %swap3A_314], %swap3A_317 {strides = array<i32>} : memref<16x128xf32, #tpu.memory_space<vmem>>, vector<1x16xf32>,
    %swap3A_318 = arith.constant 6 : i32
    %swap3A_319 = arith.index_cast %swap3A_318 : i32 to index
    %swap3A_320 = arith.constant 80 : index
    %swap3A_321 = tpu.vector_load %arg7[%swap3A_319, %swap3A_320] {strides = array<i32>} : memref<16x128xf32, #tpu.memory_space<vmem>>, vector<1x16xf32>,
    %swap3A_322 = vector.shape_cast %swap3A_321 : vector<1x16xf32> to vector<16xf32>
    %swap3A_323 = vector.shape_cast %broadcast_in_dim3A_0 : vector<16xf32> to vector<1x16xf32>
    tpu.vector_store %arg7[%swap3A_319, %swap3A_320], %swap3A_323 {strides = array<i32>} : memref<16x128xf32, #tpu.memory_space<vmem>>, vector<1x16xf32>,
    %swap3A_324 = arith.constant 6 : i32
    %swap3A_325 = arith.index_cast %swap3A_324 : i32 to index
    %swap3A_326 = arith.constant 96 : index
    %swap3A_327 = tpu.vector_load %arg7[%swap3A_325, %swap3A_326] {strides = array<i32>} : memref<16x128xf32, #tpu.memory_space<vmem>>, vector<1x16xf32>,
    %swap3A_328 = vector.shape_cast %swap3A_327 : vector<1x16xf32> to vector<16xf32>
    %swap3A_329 = vector.shape_cast %broadcast_in_dim3A_0 : vector<16xf32> to vector<1x16xf32>
    tpu.vector_store %arg7[%swap3A_325, %swap3A_326], %swap3A_329 {strides = array<i32>} : memref<16x128xf32, #tpu.memory_space<vmem>>, vector<1x16xf32>,
    %swap3A_330 = arith.constant 6 : i32
    %swap3A_331 = arith.index_cast %swap3A_330 : i32 to index
    %swap3A_332 = arith.constant 112 : index
    %swap3A_333 = tpu.vector_load %arg7[%swap3A_331, %swap3A_332] {strides = array<i32>} : memref<16x128xf32, #tpu.memory_space<vmem>>, vector<1x16xf32>,
    %swap3A_334 = vector.shape_cast %swap3A_333 : vector<1x16xf32> to vector<16xf32>
    %swap3A_335 = vector.shape_cast %broadcast_in_dim3A_0 : vector<16xf32> to vector<1x16xf32>
    tpu.vector_store %arg7[%swap3A_331, %swap3A_332], %swap3A_335 {strides = array<i32>} : memref<16x128xf32, #tpu.memory_space<vmem>>, vector<1x16xf32>,
    %swap3A_336 = arith.constant 7 : i32
    %swap3A_337 = arith.index_cast %swap3A_336 : i32 to index
    %swap3A_338 = arith.constant 0 : index
    %swap3A_339 = tpu.vector_load %arg7[%swap3A_337, %swap3A_338] {strides = array<i32>} : memref<16x128xf32, #tpu.memory_space<vmem>>, vector<1x16xf32>,
    %swap3A_340 = vector.shape_cast %swap3A_339 : vector<1x16xf32> to vector<16xf32>
    %swap3A_341 = vector.shape_cast %broadcast_in_dim3A_0 : vector<16xf32> to vector<1x16xf32>
    tpu.vector_store %arg7[%swap3A_337, %swap3A_338], %swap3A_341 {strides = array<i32>} : memref<16x128xf32, #tpu.memory_space<vmem>>, vector<1x16xf32>,
    %swap3A_342 = arith.constant 7 : i32
    %swap3A_343 = arith.index_cast %swap3A_342 : i32 to index
    %swap3A_344 = arith.constant 16 : index
    %swap3A_345 = tpu.vector_load %arg7[%swap3A_343, %swap3A_344] {strides = array<i32>} : memref<16x128xf32, #tpu.memory_space<vmem>>, vector<1x16xf32>,
    %swap3A_346 = vector.shape_cast %swap3A_345 : vector<1x16xf32> to vector<16xf32>
    %swap3A_347 = vector.shape_cast %broadcast_in_dim3A_0 : vector<16xf32> to vector<1x16xf32>
    tpu.vector_store %arg7[%swap3A_343, %swap3A_344], %swap3A_347 {strides = array<i32>} : memref<16x128xf32, #tpu.memory_space<vmem>>, vector<1x16xf32>,
    %swap3A_348 = arith.constant 7 : i32
    %swap3A_349 = arith.index_cast %swap3A_348 : i32 to index
    %swap3A_350 = arith.constant 32 : index
    %swap3A_351 = tpu.vector_load %arg7[%swap3A_349, %swap3A_350] {strides = array<i32>} : memref<16x128xf32, #tpu.memory_space<vmem>>, vector<1x16xf32>,
    %swap3A_352 = vector.shape_cast %swap3A_351 : vector<1x16xf32> to vector<16xf32>
    %swap3A_353 = vector.shape_cast %broadcast_in_dim3A_0 : vector<16xf32> to vector<1x16xf32>
    tpu.vector_store %arg7[%swap3A_349, %swap3A_350], %swap3A_353 {strides = array<i32>} : memref<16x128xf32, #tpu.memory_space<vmem>>, vector<1x16xf32>,
    %swap3A_354 = arith.constant 7 : i32
    %swap3A_355 = arith.index_cast %swap3A_354 : i32 to index
    %swap3A_356 = arith.constant 48 : index
    %swap3A_357 = tpu.vector_load %arg7[%swap3A_355, %swap3A_356] {strides = array<i32>} : memref<16x128xf32, #tpu.memory_space<vmem>>, vector<1x16xf32>,
    %swap3A_358 = vector.shape_cast %swap3A_357 : vector<1x16xf32> to vector<16xf32>
    %swap3A_359 = vector.shape_cast %broadcast_in_dim3A_0 : vector<16xf32> to vector<1x16xf32>
    tpu.vector_store %arg7[%swap3A_355, %swap3A_356], %swap3A_359 {strides = array<i32>} : memref<16x128xf32, #tpu.memory_space<vmem>>, vector<1x16xf32>,
    %swap3A_360 = arith.constant 7 : i32
    %swap3A_361 = arith.index_cast %swap3A_360 : i32 to index
    %swap3A_362 = arith.constant 64 : index
    %swap3A_363 = tpu.vector_load %arg7[%swap3A_361, %swap3A_362] {strides = array<i32>} : memref<16x128xf32, #tpu.memory_space<vmem>>, vector<1x16xf32>,
    %swap3A_364 = vector.shape_cast %swap3A_363 : vector<1x16xf32> to vector<16xf32>
    %swap3A_365 = vector.shape_cast %broadcast_in_dim3A_0 : vector<16xf32> to vector<1x16xf32>
    tpu.vector_store %arg7[%swap3A_361, %swap3A_362], %swap3A_365 {strides = array<i32>} : memref<16x128xf32, #tpu.memory_space<vmem>>, vector<1x16xf32>,
    %swap3A_366 = arith.constant 7 : i32
    %swap3A_367 = arith.index_cast %swap3A_366 : i32 to index
    %swap3A_368 = arith.constant 80 : index
    %swap3A_369 = tpu.vector_load %arg7[%swap3A_367, %swap3A_368] {strides = array<i32>} : memref<16x128xf32, #tpu.memory_space<vmem>>, vector<1x16xf32>,
    %swap3A_370 = vector.shape_cast %swap3A_369 : vector<1x16xf32> to vector<16xf32>
    %swap3A_371 = vector.shape_cast %broadcast_in_dim3A_0 : vector<16xf32> to vector<1x16xf32>
    tpu.vector_store %arg7[%swap3A_367, %swap3A_368], %swap3A_371 {strides = array<i32>} : memref<16x128xf32, #tpu.memory_space<vmem>>, vector<1x16xf32>,
    %swap3A_372 = arith.constant 7 : i32
    %swap3A_373 = arith.index_cast %swap3A_372 : i32 to index
    %swap3A_374 = arith.constant 96 : index
    %swap3A_375 = tpu.vector_load %arg7[%swap3A_373, %swap3A_374] {strides = array<i32>} : memref<16x128xf32, #tpu.memory_space<vmem>>, vector<1x16xf32>,
    %swap3A_376 = vector.shape_cast %swap3A_375 : vector<1x16xf32> to vector<16xf32>
    %swap3A_377 = vector.shape_cast %broadcast_in_dim3A_0 : vector<16xf32> to vector<1x16xf32>
    tpu.vector_store %arg7[%swap3A_373, %swap3A_374], %swap3A_377 {strides = array<i32>} : memref<16x128xf32, #tpu.memory_space<vmem>>, vector<1x16xf32>,
    %swap3A_378 = arith.constant 7 : i32
    %swap3A_379 = arith.index_cast %swap3A_378 : i32 to index
    %swap3A_380 = arith.constant 112 : index
    %swap3A_381 = tpu.vector_load %arg7[%swap3A_379, %swap3A_380] {strides = array<i32>} : memref<16x128xf32, #tpu.memory_space<vmem>>, vector<1x16xf32>,
    %swap3A_382 = vector.shape_cast %swap3A_381 : vector<1x16xf32> to vector<16xf32>
    %swap3A_383 = vector.shape_cast %broadcast_in_dim3A_0 : vector<16xf32> to vector<1x16xf32>
    tpu.vector_store %arg7[%swap3A_379, %swap3A_380], %swap3A_383 {strides = array<i32>} : memref<16x128xf32, #tpu.memory_space<vmem>>, vector<1x16xf32>,
    %swap3A_384 = arith.constant 8 : i32
    %swap3A_385 = arith.index_cast %swap3A_384 : i32 to index
    %swap3A_386 = arith.constant 0 : index
    %swap3A_387 = tpu.vector_load %arg7[%swap3A_385, %swap3A_386] {strides = array<i32>} : memref<16x128xf32, #tpu.memory_space<vmem>>, vector<1x16xf32>,
    %swap3A_388 = vector.shape_cast %swap3A_387 : vector<1x16xf32> to vector<16xf32>
    %swap3A_389 = vector.shape_cast %broadcast_in_dim3A_0 : vector<16xf32> to vector<1x16xf32>
    tpu.vector_store %arg7[%swap3A_385, %swap3A_386], %swap3A_389 {strides = array<i32>} : memref<16x128xf32, #tpu.memory_space<vmem>>, vector<1x16xf32>,
    %swap3A_390 = arith.constant 8 : i32
    %swap3A_391 = arith.index_cast %swap3A_390 : i32 to index
    %swap3A_392 = arith.constant 16 : index
    %swap3A_393 = tpu.vector_load %arg7[%swap3A_391, %swap3A_392] {strides = array<i32>} : memref<16x128xf32, #tpu.memory_space<vmem>>, vector<1x16xf32>,
    %swap3A_394 = vector.shape_cast %swap3A_393 : vector<1x16xf32> to vector<16xf32>
    %swap3A_395 = vector.shape_cast %broadcast_in_dim3A_0 : vector<16xf32> to vector<1x16xf32>
    tpu.vector_store %arg7[%swap3A_391, %swap3A_392], %swap3A_395 {strides = array<i32>} : memref<16x128xf32, #tpu.memory_space<vmem>>, vector<1x16xf32>,
    %swap3A_396 = arith.constant 8 : i32
    %swap3A_397 = arith.index_cast %swap3A_396 : i32 to index
    %swap3A_398 = arith.constant 32 : index
    %swap3A_399 = tpu.vector_load %arg7[%swap3A_397, %swap3A_398] {strides = array<i32>} : memref<16x128xf32, #tpu.memory_space<vmem>>, vector<1x16xf32>,
    %swap3A_400 = vector.shape_cast %swap3A_399 : vector<1x16xf32> to vector<16xf32>
    %swap3A_401 = vector.shape_cast %broadcast_in_dim3A_0 : vector<16xf32> to vector<1x16xf32>
    tpu.vector_store %arg7[%swap3A_397, %swap3A_398], %swap3A_401 {strides = array<i32>} : memref<16x128xf32, #tpu.memory_space<vmem>>, vector<1x16xf32>,
    %swap3A_402 = arith.constant 8 : i32
    %swap3A_403 = arith.index_cast %swap3A_402 : i32 to index
    %swap3A_404 = arith.constant 48 : index
    %swap3A_405 = tpu.vector_load %arg7[%swap3A_403, %swap3A_404] {strides = array<i32>} : memref<16x128xf32, #tpu.memory_space<vmem>>, vector<1x16xf32>,
    %swap3A_406 = vector.shape_cast %swap3A_405 : vector<1x16xf32> to vector<16xf32>
    %swap3A_407 = vector.shape_cast %broadcast_in_dim3A_0 : vector<16xf32> to vector<1x16xf32>
    tpu.vector_store %arg7[%swap3A_403, %swap3A_404], %swap3A_407 {strides = array<i32>} : memref<16x128xf32, #tpu.memory_space<vmem>>, vector<1x16xf32>,
    %swap3A_408 = arith.constant 8 : i32
    %swap3A_409 = arith.index_cast %swap3A_408 : i32 to index
    %swap3A_410 = arith.constant 64 : index
    %swap3A_411 = tpu.vector_load %arg7[%swap3A_409, %swap3A_410] {strides = array<i32>} : memref<16x128xf32, #tpu.memory_space<vmem>>, vector<1x16xf32>,
    %swap3A_412 = vector.shape_cast %swap3A_411 : vector<1x16xf32> to vector<16xf32>
    %swap3A_413 = vector.shape_cast %broadcast_in_dim3A_0 : vector<16xf32> to vector<1x16xf32>
    tpu.vector_store %arg7[%swap3A_409, %swap3A_410], %swap3A_413 {strides = array<i32>} : memref<16x128xf32, #tpu.memory_space<vmem>>, vector<1x16xf32>,
    %swap3A_414 = arith.constant 8 : i32
    %swap3A_415 = arith.index_cast %swap3A_414 : i32 to index
    %swap3A_416 = arith.constant 80 : index
    %swap3A_417 = tpu.vector_load %arg7[%swap3A_415, %swap3A_416] {strides = array<i32>} : memref<16x128xf32, #tpu.memory_space<vmem>>, vector<1x16xf32>,
    %swap3A_418 = vector.shape_cast %swap3A_417 : vector<1x16xf32> to vector<16xf32>
    %swap3A_419 = vector.shape_cast %broadcast_in_dim3A_0 : vector<16xf32> to vector<1x16xf32>
    tpu.vector_store %arg7[%swap3A_415, %swap3A_416], %swap3A_419 {strides = array<i32>} : memref<16x128xf32, #tpu.memory_space<vmem>>, vector<1x16xf32>,
    %swap3A_420 = arith.constant 8 : i32
    %swap3A_421 = arith.index_cast %swap3A_420 : i32 to index
    %swap3A_422 = arith.constant 96 : index
    %swap3A_423 = tpu.vector_load %arg7[%swap3A_421, %swap3A_422] {strides = array<i32>} : memref<16x128xf32, #tpu.memory_space<vmem>>, vector<1x16xf32>,
    %swap3A_424 = vector.shape_cast %swap3A_423 : vector<1x16xf32> to vector<16xf32>
    %swap3A_425 = vector.shape_cast %broadcast_in_dim3A_0 : vector<16xf32> to vector<1x16xf32>
    tpu.vector_store %arg7[%swap3A_421, %swap3A_422], %swap3A_425 {strides = array<i32>} : memref<16x128xf32, #tpu.memory_space<vmem>>, vector<1x16xf32>,
    %swap3A_426 = arith.constant 8 : i32
    %swap3A_427 = arith.index_cast %swap3A_426 : i32 to index
    %swap3A_428 = arith.constant 112 : index
    %swap3A_429 = tpu.vector_load %arg7[%swap3A_427, %swap3A_428] {strides = array<i32>} : memref<16x128xf32, #tpu.memory_space<vmem>>, vector<1x16xf32>,
    %swap3A_430 = vector.shape_cast %swap3A_429 : vector<1x16xf32> to vector<16xf32>
    %swap3A_431 = vector.shape_cast %broadcast_in_dim3A_0 : vector<16xf32> to vector<1x16xf32>
    tpu.vector_store %arg7[%swap3A_427, %swap3A_428], %swap3A_431 {strides = array<i32>} : memref<16x128xf32, #tpu.memory_space<vmem>>, vector<1x16xf32>,
    %swap3A_432 = arith.constant 9 : i32
    %swap3A_433 = arith.index_cast %swap3A_432 : i32 to index
    %swap3A_434 = arith.constant 0 : index
    %swap3A_435 = tpu.vector_load %arg7[%swap3A_433, %swap3A_434] {strides = array<i32>} : memref<16x128xf32, #tpu.memory_space<vmem>>, vector<1x16xf32>,
    %swap3A_436 = vector.shape_cast %swap3A_435 : vector<1x16xf32> to vector<16xf32>
    %swap3A_437 = vector.shape_cast %broadcast_in_dim3A_0 : vector<16xf32> to vector<1x16xf32>
    tpu.vector_store %arg7[%swap3A_433, %swap3A_434], %swap3A_437 {strides = array<i32>} : memref<16x128xf32, #tpu.memory_space<vmem>>, vector<1x16xf32>,
    %swap3A_438 = arith.constant 9 : i32
    %swap3A_439 = arith.index_cast %swap3A_438 : i32 to index
    %swap3A_440 = arith.constant 16 : index
    %swap3A_441 = tpu.vector_load %arg7[%swap3A_439, %swap3A_440] {strides = array<i32>} : memref<16x128xf32, #tpu.memory_space<vmem>>, vector<1x16xf32>,
    %swap3A_442 = vector.shape_cast %swap3A_441 : vector<1x16xf32> to vector<16xf32>
    %swap3A_443 = vector.shape_cast %broadcast_in_dim3A_0 : vector<16xf32> to vector<1x16xf32>
    tpu.vector_store %arg7[%swap3A_439, %swap3A_440], %swap3A_443 {strides = array<i32>} : memref<16x128xf32, #tpu.memory_space<vmem>>, vector<1x16xf32>,
    %swap3A_444 = arith.constant 9 : i32
    %swap3A_445 = arith.index_cast %swap3A_444 : i32 to index
    %swap3A_446 = arith.constant 32 : index
    %swap3A_447 = tpu.vector_load %arg7[%swap3A_445, %swap3A_446] {strides = array<i32>} : memref<16x128xf32, #tpu.memory_space<vmem>>, vector<1x16xf32>,
    %swap3A_448 = vector.shape_cast %swap3A_447 : vector<1x16xf32> to vector<16xf32>
    %swap3A_449 = vector.shape_cast %broadcast_in_dim3A_0 : vector<16xf32> to vector<1x16xf32>
    tpu.vector_store %arg7[%swap3A_445, %swap3A_446], %swap3A_449 {strides = array<i32>} : memref<16x128xf32, #tpu.memory_space<vmem>>, vector<1x16xf32>,
    %swap3A_450 = arith.constant 9 : i32
    %swap3A_451 = arith.index_cast %swap3A_450 : i32 to index
    %swap3A_452 = arith.constant 48 : index
    %swap3A_453 = tpu.vector_load %arg7[%swap3A_451, %swap3A_452] {strides = array<i32>} : memref<16x128xf32, #tpu.memory_space<vmem>>, vector<1x16xf32>,
    %swap3A_454 = vector.shape_cast %swap3A_453 : vector<1x16xf32> to vector<16xf32>
    %swap3A_455 = vector.shape_cast %broadcast_in_dim3A_0 : vector<16xf32> to vector<1x16xf32>
    tpu.vector_store %arg7[%swap3A_451, %swap3A_452], %swap3A_455 {strides = array<i32>} : memref<16x128xf32, #tpu.memory_space<vmem>>, vector<1x16xf32>,
    %swap3A_456 = arith.constant 9 : i32
    %swap3A_457 = arith.index_cast %swap3A_456 : i32 to index
    %swap3A_458 = arith.constant 64 : index
    %swap3A_459 = tpu.vector_load %arg7[%swap3A_457, %swap3A_458] {strides = array<i32>} : memref<16x128xf32, #tpu.memory_space<vmem>>, vector<1x16xf32>,
    %swap3A_460 = vector.shape_cast %swap3A_459 : vector<1x16xf32> to vector<16xf32>
    %swap3A_461 = vector.shape_cast %broadcast_in_dim3A_0 : vector<16xf32> to vector<1x16xf32>
    tpu.vector_store %arg7[%swap3A_457, %swap3A_458], %swap3A_461 {strides = array<i32>} : memref<16x128xf32, #tpu.memory_space<vmem>>, vector<1x16xf32>,
    %swap3A_462 = arith.constant 9 : i32
    %swap3A_463 = arith.index_cast %swap3A_462 : i32 to index
    %swap3A_464 = arith.constant 80 : index
    %swap3A_465 = tpu.vector_load %arg7[%swap3A_463, %swap3A_464] {strides = array<i32>} : memref<16x128xf32, #tpu.memory_space<vmem>>, vector<1x16xf32>,
    %swap3A_466 = vector.shape_cast %swap3A_465 : vector<1x16xf32> to vector<16xf32>
    %swap3A_467 = vector.shape_cast %broadcast_in_dim3A_0 : vector<16xf32> to vector<1x16xf32>
    tpu.vector_store %arg7[%swap3A_463, %swap3A_464], %swap3A_467 {strides = array<i32>} : memref<16x128xf32, #tpu.memory_space<vmem>>, vector<1x16xf32>,
    %swap3A_468 = arith.constant 9 : i32
    %swap3A_469 = arith.index_cast %swap3A_468 : i32 to index
    %swap3A_470 = arith.constant 96 : index
    %swap3A_471 = tpu.vector_load %arg7[%swap3A_469, %swap3A_470] {strides = array<i32>} : memref<16x128xf32, #tpu.memory_space<vmem>>, vector<1x16xf32>,
    %swap3A_472 = vector.shape_cast %swap3A_471 : vector<1x16xf32> to vector<16xf32>
    %swap3A_473 = vector.shape_cast %broadcast_in_dim3A_0 : vector<16xf32> to vector<1x16xf32>
    tpu.vector_store %arg7[%swap3A_469, %swap3A_470], %swap3A_473 {strides = array<i32>} : memref<16x128xf32, #tpu.memory_space<vmem>>, vector<1x16xf32>,
    %swap3A_474 = arith.constant 9 : i32
    %swap3A_475 = arith.index_cast %swap3A_474 : i32 to index
    %swap3A_476 = arith.constant 112 : index
    %swap3A_477 = tpu.vector_load %arg7[%swap3A_475, %swap3A_476] {strides = array<i32>} : memref<16x128xf32, #tpu.memory_space<vmem>>, vector<1x16xf32>,
    %swap3A_478 = vector.shape_cast %swap3A_477 : vector<1x16xf32> to vector<16xf32>
    %swap3A_479 = vector.shape_cast %broadcast_in_dim3A_0 : vector<16xf32> to vector<1x16xf32>
    tpu.vector_store %arg7[%swap3A_475, %swap3A_476], %swap3A_479 {strides = array<i32>} : memref<16x128xf32, #tpu.memory_space<vmem>>, vector<1x16xf32>,
    %swap3A_480 = arith.constant 10 : i32
    %swap3A_481 = arith.index_cast %swap3A_480 : i32 to index
    %swap3A_482 = arith.constant 0 : index
    %swap3A_483 = tpu.vector_load %arg7[%swap3A_481, %swap3A_482] {strides = array<i32>} : memref<16x128xf32, #tpu.memory_space<vmem>>, vector<1x16xf32>,
    %swap3A_484 = vector.shape_cast %swap3A_483 : vector<1x16xf32> to vector<16xf32>
    %swap3A_485 = vector.shape_cast %broadcast_in_dim3A_0 : vector<16xf32> to vector<1x16xf32>
    tpu.vector_store %arg7[%swap3A_481, %swap3A_482], %swap3A_485 {strides = array<i32>} : memref<16x128xf32, #tpu.memory_space<vmem>>, vector<1x16xf32>,
    %swap3A_486 = arith.constant 10 : i32
    %swap3A_487 = arith.index_cast %swap3A_486 : i32 to index
    %swap3A_488 = arith.constant 16 : index
    %swap3A_489 = tpu.vector_load %arg7[%swap3A_487, %swap3A_488] {strides = array<i32>} : memref<16x128xf32, #tpu.memory_space<vmem>>, vector<1x16xf32>,
    %swap3A_490 = vector.shape_cast %swap3A_489 : vector<1x16xf32> to vector<16xf32>
    %swap3A_491 = vector.shape_cast %broadcast_in_dim3A_0 : vector<16xf32> to vector<1x16xf32>
    tpu.vector_store %arg7[%swap3A_487, %swap3A_488], %swap3A_491 {strides = array<i32>} : memref<16x128xf32, #tpu.memory_space<vmem>>, vector<1x16xf32>,
    %swap3A_492 = arith.constant 10 : i32
    %swap3A_493 = arith.index_cast %swap3A_492 : i32 to index
    %swap3A_494 = arith.constant 32 : index
    %swap3A_495 = tpu.vector_load %arg7[%swap3A_493, %swap3A_494] {strides = array<i32>} : memref<16x128xf32, #tpu.memory_space<vmem>>, vector<1x16xf32>,
    %swap3A_496 = vector.shape_cast %swap3A_495 : vector<1x16xf32> to vector<16xf32>
    %swap3A_497 = vector.shape_cast %broadcast_in_dim3A_0 : vector<16xf32> to vector<1x16xf32>
    tpu.vector_store %arg7[%swap3A_493, %swap3A_494], %swap3A_497 {strides = array<i32>} : memref<16x128xf32, #tpu.memory_space<vmem>>, vector<1x16xf32>,
    %swap3A_498 = arith.constant 10 : i32
    %swap3A_499 = arith.index_cast %swap3A_498 : i32 to index
    %swap3A_500 = arith.constant 48 : index
    %swap3A_501 = tpu.vector_load %arg7[%swap3A_499, %swap3A_500] {strides = array<i32>} : memref<16x128xf32, #tpu.memory_space<vmem>>, vector<1x16xf32>,
    %swap3A_502 = vector.shape_cast %swap3A_501 : vector<1x16xf32> to vector<16xf32>
    %swap3A_503 = vector.shape_cast %broadcast_in_dim3A_0 : vector<16xf32> to vector<1x16xf32>
    tpu.vector_store %arg7[%swap3A_499, %swap3A_500], %swap3A_503 {strides = array<i32>} : memref<16x128xf32, #tpu.memory_space<vmem>>, vector<1x16xf32>,
    %swap3A_504 = arith.constant 10 : i32
    %swap3A_505 = arith.index_cast %swap3A_504 : i32 to index
    %swap3A_506 = arith.constant 64 : index
    %swap3A_507 = tpu.vector_load %arg7[%swap3A_505, %swap3A_506] {strides = array<i32>} : memref<16x128xf32, #tpu.memory_space<vmem>>, vector<1x16xf32>,
    %swap3A_508 = vector.shape_cast %swap3A_507 : vector<1x16xf32> to vector<16xf32>
    %swap3A_509 = vector.shape_cast %broadcast_in_dim3A_0 : vector<16xf32> to vector<1x16xf32>
    tpu.vector_store %arg7[%swap3A_505, %swap3A_506], %swap3A_509 {strides = array<i32>} : memref<16x128xf32, #tpu.memory_space<vmem>>, vector<1x16xf32>,
    %swap3A_510 = arith.constant 10 : i32
    %swap3A_511 = arith.index_cast %swap3A_510 : i32 to index
    %swap3A_512 = arith.constant 80 : index
    %swap3A_513 = tpu.vector_load %arg7[%swap3A_511, %swap3A_512] {strides = array<i32>} : memref<16x128xf32, #tpu.memory_space<vmem>>, vector<1x16xf32>,
    %swap3A_514 = vector.shape_cast %swap3A_513 : vector<1x16xf32> to vector<16xf32>
    %swap3A_515 = vector.shape_cast %broadcast_in_dim3A_0 : vector<16xf32> to vector<1x16xf32>
    tpu.vector_store %arg7[%swap3A_511, %swap3A_512], %swap3A_515 {strides = array<i32>} : memref<16x128xf32, #tpu.memory_space<vmem>>, vector<1x16xf32>,
    %swap3A_516 = arith.constant 10 : i32
    %swap3A_517 = arith.index_cast %swap3A_516 : i32 to index
    %swap3A_518 = arith.constant 96 : index
    %swap3A_519 = tpu.vector_load %arg7[%swap3A_517, %swap3A_518] {strides = array<i32>} : memref<16x128xf32, #tpu.memory_space<vmem>>, vector<1x16xf32>,
    %swap3A_520 = vector.shape_cast %swap3A_519 : vector<1x16xf32> to vector<16xf32>
    %swap3A_521 = vector.shape_cast %broadcast_in_dim3A_0 : vector<16xf32> to vector<1x16xf32>
    tpu.vector_store %arg7[%swap3A_517, %swap3A_518], %swap3A_521 {strides = array<i32>} : memref<16x128xf32, #tpu.memory_space<vmem>>, vector<1x16xf32>,
    %swap3A_522 = arith.constant 10 : i32
    %swap3A_523 = arith.index_cast %swap3A_522 : i32 to index
    %swap3A_524 = arith.constant 112 : index
    %swap3A_525 = tpu.vector_load %arg7[%swap3A_523, %swap3A_524] {strides = array<i32>} : memref<16x128xf32, #tpu.memory_space<vmem>>, vector<1x16xf32>,
    %swap3A_526 = vector.shape_cast %swap3A_525 : vector<1x16xf32> to vector<16xf32>
    %swap3A_527 = vector.shape_cast %broadcast_in_dim3A_0 : vector<16xf32> to vector<1x16xf32>
    tpu.vector_store %arg7[%swap3A_523, %swap3A_524], %swap3A_527 {strides = array<i32>} : memref<16x128xf32, #tpu.memory_space<vmem>>, vector<1x16xf32>,
    %swap3A_528 = arith.constant 11 : i32
    %swap3A_529 = arith.index_cast %swap3A_528 : i32 to index
    %swap3A_530 = arith.constant 0 : index
    %swap3A_531 = tpu.vector_load %arg7[%swap3A_529, %swap3A_530] {strides = array<i32>} : memref<16x128xf32, #tpu.memory_space<vmem>>, vector<1x16xf32>,
    %swap3A_532 = vector.shape_cast %swap3A_531 : vector<1x16xf32> to vector<16xf32>
    %swap3A_533 = vector.shape_cast %broadcast_in_dim3A_0 : vector<16xf32> to vector<1x16xf32>
    tpu.vector_store %arg7[%swap3A_529, %swap3A_530], %swap3A_533 {strides = array<i32>} : memref<16x128xf32, #tpu.memory_space<vmem>>, vector<1x16xf32>,
    %swap3A_534 = arith.constant 11 : i32
    %swap3A_535 = arith.index_cast %swap3A_534 : i32 to index
    %swap3A_536 = arith.constant 16 : index
    %swap3A_537 = tpu.vector_load %arg7[%swap3A_535, %swap3A_536] {strides = array<i32>} : memref<16x128xf32, #tpu.memory_space<vmem>>, vector<1x16xf32>,
    %swap3A_538 = vector.shape_cast %swap3A_537 : vector<1x16xf32> to vector<16xf32>
    %swap3A_539 = vector.shape_cast %broadcast_in_dim3A_0 : vector<16xf32> to vector<1x16xf32>
    tpu.vector_store %arg7[%swap3A_535, %swap3A_536], %swap3A_539 {strides = array<i32>} : memref<16x128xf32, #tpu.memory_space<vmem>>, vector<1x16xf32>,
    %swap3A_540 = arith.constant 11 : i32
    %swap3A_541 = arith.index_cast %swap3A_540 : i32 to index
    %swap3A_542 = arith.constant 32 : index
    %swap3A_543 = tpu.vector_load %arg7[%swap3A_541, %swap3A_542] {strides = array<i32>} : memref<16x128xf32, #tpu.memory_space<vmem>>, vector<1x16xf32>,
    %swap3A_544 = vector.shape_cast %swap3A_543 : vector<1x16xf32> to vector<16xf32>
    %swap3A_545 = vector.shape_cast %broadcast_in_dim3A_0 : vector<16xf32> to vector<1x16xf32>
    tpu.vector_store %arg7[%swap3A_541, %swap3A_542], %swap3A_545 {strides = array<i32>} : memref<16x128xf32, #tpu.memory_space<vmem>>, vector<1x16xf32>,
    %swap3A_546 = arith.constant 11 : i32
    %swap3A_547 = arith.index_cast %swap3A_546 : i32 to index
    %swap3A_548 = arith.constant 48 : index
    %swap3A_549 = tpu.vector_load %arg7[%swap3A_547, %swap3A_548] {strides = array<i32>} : memref<16x128xf32, #tpu.memory_space<vmem>>, vector<1x16xf32>,
    %swap3A_550 = vector.shape_cast %swap3A_549 : vector<1x16xf32> to vector<16xf32>
    %swap3A_551 = vector.shape_cast %broadcast_in_dim3A_0 : vector<16xf32> to vector<1x16xf32>
    tpu.vector_store %arg7[%swap3A_547, %swap3A_548], %swap3A_551 {strides = array<i32>} : memref<16x128xf32, #tpu.memory_space<vmem>>, vector<1x16xf32>,
    %swap3A_552 = arith.constant 11 : i32
    %swap3A_553 = arith.index_cast %swap3A_552 : i32 to index
    %swap3A_554 = arith.constant 64 : index
    %swap3A_555 = tpu.vector_load %arg7[%swap3A_553, %swap3A_554] {strides = array<i32>} : memref<16x128xf32, #tpu.memory_space<vmem>>, vector<1x16xf32>,
    %swap3A_556 = vector.shape_cast %swap3A_555 : vector<1x16xf32> to vector<16xf32>
    %swap3A_557 = vector.shape_cast %broadcast_in_dim3A_0 : vector<16xf32> to vector<1x16xf32>
    tpu.vector_store %arg7[%swap3A_553, %swap3A_554], %swap3A_557 {strides = array<i32>} : memref<16x128xf32, #tpu.memory_space<vmem>>, vector<1x16xf32>,
    %swap3A_558 = arith.constant 11 : i32
    %swap3A_559 = arith.index_cast %swap3A_558 : i32 to index
    %swap3A_560 = arith.constant 80 : index
    %swap3A_561 = tpu.vector_load %arg7[%swap3A_559, %swap3A_560] {strides = array<i32>} : memref<16x128xf32, #tpu.memory_space<vmem>>, vector<1x16xf32>,
    %swap3A_562 = vector.shape_cast %swap3A_561 : vector<1x16xf32> to vector<16xf32>
    %swap3A_563 = vector.shape_cast %broadcast_in_dim3A_0 : vector<16xf32> to vector<1x16xf32>
    tpu.vector_store %arg7[%swap3A_559, %swap3A_560], %swap3A_563 {strides = array<i32>} : memref<16x128xf32, #tpu.memory_space<vmem>>, vector<1x16xf32>,
    %swap3A_564 = arith.constant 11 : i32
    %swap3A_565 = arith.index_cast %swap3A_564 : i32 to index
    %swap3A_566 = arith.constant 96 : index
    %swap3A_567 = tpu.vector_load %arg7[%swap3A_565, %swap3A_566] {strides = array<i32>} : memref<16x128xf32, #tpu.memory_space<vmem>>, vector<1x16xf32>,
    %swap3A_568 = vector.shape_cast %swap3A_567 : vector<1x16xf32> to vector<16xf32>
    %swap3A_569 = vector.shape_cast %broadcast_in_dim3A_0 : vector<16xf32> to vector<1x16xf32>
    tpu.vector_store %arg7[%swap3A_565, %swap3A_566], %swap3A_569 {strides = array<i32>} : memref<16x128xf32, #tpu.memory_space<vmem>>, vector<1x16xf32>,
    %swap3A_570 = arith.constant 11 : i32
    %swap3A_571 = arith.index_cast %swap3A_570 : i32 to index
    %swap3A_572 = arith.constant 112 : index
    %swap3A_573 = tpu.vector_load %arg7[%swap3A_571, %swap3A_572] {strides = array<i32>} : memref<16x128xf32, #tpu.memory_space<vmem>>, vector<1x16xf32>,
    %swap3A_574 = vector.shape_cast %swap3A_573 : vector<1x16xf32> to vector<16xf32>
    %swap3A_575 = vector.shape_cast %broadcast_in_dim3A_0 : vector<16xf32> to vector<1x16xf32>
    tpu.vector_store %arg7[%swap3A_571, %swap3A_572], %swap3A_575 {strides = array<i32>} : memref<16x128xf32, #tpu.memory_space<vmem>>, vector<1x16xf32>,
    %swap3A_576 = arith.constant 12 : i32
    %swap3A_577 = arith.index_cast %swap3A_576 : i32 to index
    %swap3A_578 = arith.constant 0 : index
    %swap3A_579 = tpu.vector_load %arg7[%swap3A_577, %swap3A_578] {strides = array<i32>} : memref<16x128xf32, #tpu.memory_space<vmem>>, vector<1x16xf32>,
    %swap3A_580 = vector.shape_cast %swap3A_579 : vector<1x16xf32> to vector<16xf32>
    %swap3A_581 = vector.shape_cast %broadcast_in_dim3A_0 : vector<16xf32> to vector<1x16xf32>
    tpu.vector_store %arg7[%swap3A_577, %swap3A_578], %swap3A_581 {strides = array<i32>} : memref<16x128xf32, #tpu.memory_space<vmem>>, vector<1x16xf32>,
    %swap3A_582 = arith.constant 12 : i32
    %swap3A_583 = arith.index_cast %swap3A_582 : i32 to index
    %swap3A_584 = arith.constant 16 : index
    %swap3A_585 = tpu.vector_load %arg7[%swap3A_583, %swap3A_584] {strides = array<i32>} : memref<16x128xf32, #tpu.memory_space<vmem>>, vector<1x16xf32>,
    %swap3A_586 = vector.shape_cast %swap3A_585 : vector<1x16xf32> to vector<16xf32>
    %swap3A_587 = vector.shape_cast %broadcast_in_dim3A_0 : vector<16xf32> to vector<1x16xf32>
    tpu.vector_store %arg7[%swap3A_583, %swap3A_584], %swap3A_587 {strides = array<i32>} : memref<16x128xf32, #tpu.memory_space<vmem>>, vector<1x16xf32>,
    %swap3A_588 = arith.constant 12 : i32
    %swap3A_589 = arith.index_cast %swap3A_588 : i32 to index
    %swap3A_590 = arith.constant 32 : index
    %swap3A_591 = tpu.vector_load %arg7[%swap3A_589, %swap3A_590] {strides = array<i32>} : memref<16x128xf32, #tpu.memory_space<vmem>>, vector<1x16xf32>,
    %swap3A_592 = vector.shape_cast %swap3A_591 : vector<1x16xf32> to vector<16xf32>
    %swap3A_593 = vector.shape_cast %broadcast_in_dim3A_0 : vector<16xf32> to vector<1x16xf32>
    tpu.vector_store %arg7[%swap3A_589, %swap3A_590], %swap3A_593 {strides = array<i32>} : memref<16x128xf32, #tpu.memory_space<vmem>>, vector<1x16xf32>,
    %swap3A_594 = arith.constant 12 : i32
    %swap3A_595 = arith.index_cast %swap3A_594 : i32 to index
    %swap3A_596 = arith.constant 48 : index
    %swap3A_597 = tpu.vector_load %arg7[%swap3A_595, %swap3A_596] {strides = array<i32>} : memref<16x128xf32, #tpu.memory_space<vmem>>, vector<1x16xf32>,
    %swap3A_598 = vector.shape_cast %swap3A_597 : vector<1x16xf32> to vector<16xf32>
    %swap3A_599 = vector.shape_cast %broadcast_in_dim3A_0 : vector<16xf32> to vector<1x16xf32>
    tpu.vector_store %arg7[%swap3A_595, %swap3A_596], %swap3A_599 {strides = array<i32>} : memref<16x128xf32, #tpu.memory_space<vmem>>, vector<1x16xf32>,
    %swap3A_600 = arith.constant 12 : i32
    %swap3A_601 = arith.index_cast %swap3A_600 : i32 to index
    %swap3A_602 = arith.constant 64 : index
    %swap3A_603 = tpu.vector_load %arg7[%swap3A_601, %swap3A_602] {strides = array<i32>} : memref<16x128xf32, #tpu.memory_space<vmem>>, vector<1x16xf32>,
    %swap3A_604 = vector.shape_cast %swap3A_603 : vector<1x16xf32> to vector<16xf32>
    %swap3A_605 = vector.shape_cast %broadcast_in_dim3A_0 : vector<16xf32> to vector<1x16xf32>
    tpu.vector_store %arg7[%swap3A_601, %swap3A_602], %swap3A_605 {strides = array<i32>} : memref<16x128xf32, #tpu.memory_space<vmem>>, vector<1x16xf32>,
    %swap3A_606 = arith.constant 12 : i32
    %swap3A_607 = arith.index_cast %swap3A_606 : i32 to index
    %swap3A_608 = arith.constant 80 : index
    %swap3A_609 = tpu.vector_load %arg7[%swap3A_607, %swap3A_608] {strides = array<i32>} : memref<16x128xf32, #tpu.memory_space<vmem>>, vector<1x16xf32>,
    %swap3A_610 = vector.shape_cast %swap3A_609 : vector<1x16xf32> to vector<16xf32>
    %swap3A_611 = vector.shape_cast %broadcast_in_dim3A_0 : vector<16xf32> to vector<1x16xf32>
    tpu.vector_store %arg7[%swap3A_607, %swap3A_608], %swap3A_611 {strides = array<i32>} : memref<16x128xf32, #tpu.memory_space<vmem>>, vector<1x16xf32>,
    %swap3A_612 = arith.constant 12 : i32
    %swap3A_613 = arith.index_cast %swap3A_612 : i32 to index
    %swap3A_614 = arith.constant 96 : index
    %swap3A_615 = tpu.vector_load %arg7[%swap3A_613, %swap3A_614] {strides = array<i32>} : memref<16x128xf32, #tpu.memory_space<vmem>>, vector<1x16xf32>,
    %swap3A_616 = vector.shape_cast %swap3A_615 : vector<1x16xf32> to vector<16xf32>
    %swap3A_617 = vector.shape_cast %broadcast_in_dim3A_0 : vector<16xf32> to vector<1x16xf32>
    tpu.vector_store %arg7[%swap3A_613, %swap3A_614], %swap3A_617 {strides = array<i32>} : memref<16x128xf32, #tpu.memory_space<vmem>>, vector<1x16xf32>,
    %swap3A_618 = arith.constant 12 : i32
    %swap3A_619 = arith.index_cast %swap3A_618 : i32 to index
    %swap3A_620 = arith.constant 112 : index
    %swap3A_621 = tpu.vector_load %arg7[%swap3A_619, %swap3A_620] {strides = array<i32>} : memref<16x128xf32, #tpu.memory_space<vmem>>, vector<1x16xf32>,
    %swap3A_622 = vector.shape_cast %swap3A_621 : vector<1x16xf32> to vector<16xf32>
    %swap3A_623 = vector.shape_cast %broadcast_in_dim3A_0 : vector<16xf32> to vector<1x16xf32>
    tpu.vector_store %arg7[%swap3A_619, %swap3A_620], %swap3A_623 {strides = array<i32>} : memref<16x128xf32, #tpu.memory_space<vmem>>, vector<1x16xf32>,
    %swap3A_624 = arith.constant 13 : i32
    %swap3A_625 = arith.index_cast %swap3A_624 : i32 to index
    %swap3A_626 = arith.constant 0 : index
    %swap3A_627 = tpu.vector_load %arg7[%swap3A_625, %swap3A_626] {strides = array<i32>} : memref<16x128xf32, #tpu.memory_space<vmem>>, vector<1x16xf32>,
    %swap3A_628 = vector.shape_cast %swap3A_627 : vector<1x16xf32> to vector<16xf32>
    %swap3A_629 = vector.shape_cast %broadcast_in_dim3A_0 : vector<16xf32> to vector<1x16xf32>
    tpu.vector_store %arg7[%swap3A_625, %swap3A_626], %swap3A_629 {strides = array<i32>} : memref<16x128xf32, #tpu.memory_space<vmem>>, vector<1x16xf32>,
    %swap3A_630 = arith.constant 13 : i32
    %swap3A_631 = arith.index_cast %swap3A_630 : i32 to index
    %swap3A_632 = arith.constant 16 : index
    %swap3A_633 = tpu.vector_load %arg7[%swap3A_631, %swap3A_632] {strides = array<i32>} : memref<16x128xf32, #tpu.memory_space<vmem>>, vector<1x16xf32>,
    %swap3A_634 = vector.shape_cast %swap3A_633 : vector<1x16xf32> to vector<16xf32>
    %swap3A_635 = vector.shape_cast %broadcast_in_dim3A_0 : vector<16xf32> to vector<1x16xf32>
    tpu.vector_store %arg7[%swap3A_631, %swap3A_632], %swap3A_635 {strides = array<i32>} : memref<16x128xf32, #tpu.memory_space<vmem>>, vector<1x16xf32>,
    %swap3A_636 = arith.constant 13 : i32
    %swap3A_637 = arith.index_cast %swap3A_636 : i32 to index
    %swap3A_638 = arith.constant 32 : index
    %swap3A_639 = tpu.vector_load %arg7[%swap3A_637, %swap3A_638] {strides = array<i32>} : memref<16x128xf32, #tpu.memory_space<vmem>>, vector<1x16xf32>,
    %swap3A_640 = vector.shape_cast %swap3A_639 : vector<1x16xf32> to vector<16xf32>
    %swap3A_641 = vector.shape_cast %broadcast_in_dim3A_0 : vector<16xf32> to vector<1x16xf32>
    tpu.vector_store %arg7[%swap3A_637, %swap3A_638], %swap3A_641 {strides = array<i32>} : memref<16x128xf32, #tpu.memory_space<vmem>>, vector<1x16xf32>,
    %swap3A_642 = arith.constant 13 : i32
    %swap3A_643 = arith.index_cast %swap3A_642 : i32 to index
    %swap3A_644 = arith.constant 48 : index
    %swap3A_645 = tpu.vector_load %arg7[%swap3A_643, %swap3A_644] {strides = array<i32>} : memref<16x128xf32, #tpu.memory_space<vmem>>, vector<1x16xf32>,
    %swap3A_646 = vector.shape_cast %swap3A_645 : vector<1x16xf32> to vector<16xf32>
    %swap3A_647 = vector.shape_cast %broadcast_in_dim3A_0 : vector<16xf32> to vector<1x16xf32>
    tpu.vector_store %arg7[%swap3A_643, %swap3A_644], %swap3A_647 {strides = array<i32>} : memref<16x128xf32, #tpu.memory_space<vmem>>, vector<1x16xf32>,
    %swap3A_648 = arith.constant 13 : i32
    %swap3A_649 = arith.index_cast %swap3A_648 : i32 to index
    %swap3A_650 = arith.constant 64 : index
    %swap3A_651 = tpu.vector_load %arg7[%swap3A_649, %swap3A_650] {strides = array<i32>} : memref<16x128xf32, #tpu.memory_space<vmem>>, vector<1x16xf32>,
    %swap3A_652 = vector.shape_cast %swap3A_651 : vector<1x16xf32> to vector<16xf32>
    %swap3A_653 = vector.shape_cast %broadcast_in_dim3A_0 : vector<16xf32> to vector<1x16xf32>
    tpu.vector_store %arg7[%swap3A_649, %swap3A_650], %swap3A_653 {strides = array<i32>} : memref<16x128xf32, #tpu.memory_space<vmem>>, vector<1x16xf32>,
    %swap3A_654 = arith.constant 13 : i32
    %swap3A_655 = arith.index_cast %swap3A_654 : i32 to index
    %swap3A_656 = arith.constant 80 : index
    %swap3A_657 = tpu.vector_load %arg7[%swap3A_655, %swap3A_656] {strides = array<i32>} : memref<16x128xf32, #tpu.memory_space<vmem>>, vector<1x16xf32>,
    %swap3A_658 = vector.shape_cast %swap3A_657 : vector<1x16xf32> to vector<16xf32>
    %swap3A_659 = vector.shape_cast %broadcast_in_dim3A_0 : vector<16xf32> to vector<1x16xf32>
    tpu.vector_store %arg7[%swap3A_655, %swap3A_656], %swap3A_659 {strides = array<i32>} : memref<16x128xf32, #tpu.memory_space<vmem>>, vector<1x16xf32>,
    %swap3A_660 = arith.constant 13 : i32
    %swap3A_661 = arith.index_cast %swap3A_660 : i32 to index
    %swap3A_662 = arith.constant 96 : index
    %swap3A_663 = tpu.vector_load %arg7[%swap3A_661, %swap3A_662] {strides = array<i32>} : memref<16x128xf32, #tpu.memory_space<vmem>>, vector<1x16xf32>,
    %swap3A_664 = vector.shape_cast %swap3A_663 : vector<1x16xf32> to vector<16xf32>
    %swap3A_665 = vector.shape_cast %broadcast_in_dim3A_0 : vector<16xf32> to vector<1x16xf32>
    tpu.vector_store %arg7[%swap3A_661, %swap3A_662], %swap3A_665 {strides = array<i32>} : memref<16x128xf32, #tpu.memory_space<vmem>>, vector<1x16xf32>,
    %swap3A_666 = arith.constant 13 : i32
    %swap3A_667 = arith.index_cast %swap3A_666 : i32 to index
    %swap3A_668 = arith.constant 112 : index
    %swap3A_669 = tpu.vector_load %arg7[%swap3A_667, %swap3A_668] {strides = array<i32>} : memref<16x128xf32, #tpu.memory_space<vmem>>, vector<1x16xf32>,
    %swap3A_670 = vector.shape_cast %swap3A_669 : vector<1x16xf32> to vector<16xf32>
    %swap3A_671 = vector.shape_cast %broadcast_in_dim3A_0 : vector<16xf32> to vector<1x16xf32>
    tpu.vector_store %arg7[%swap3A_667, %swap3A_668], %swap3A_671 {strides = array<i32>} : memref<16x128xf32, #tpu.memory_space<vmem>>, vector<1x16xf32>,
    %swap3A_672 = arith.constant 14 : i32
    %swap3A_673 = arith.index_cast %swap3A_672 : i32 to index
    %swap3A_674 = arith.constant 0 : index
    %swap3A_675 = tpu.vector_load %arg7[%swap3A_673, %swap3A_674] {strides = array<i32>} : memref<16x128xf32, #tpu.memory_space<vmem>>, vector<1x16xf32>,
    %swap3A_676 = vector.shape_cast %swap3A_675 : vector<1x16xf32> to vector<16xf32>
    %swap3A_677 = vector.shape_cast %broadcast_in_dim3A_0 : vector<16xf32> to vector<1x16xf32>
    tpu.vector_store %arg7[%swap3A_673, %swap3A_674], %swap3A_677 {strides = array<i32>} : memref<16x128xf32, #tpu.memory_space<vmem>>, vector<1x16xf32>,
    %swap3A_678 = arith.constant 14 : i32
    %swap3A_679 = arith.index_cast %swap3A_678 : i32 to index
    %swap3A_680 = arith.constant 16 : index
    %swap3A_681 = tpu.vector_load %arg7[%swap3A_679, %swap3A_680] {strides = array<i32>} : memref<16x128xf32, #tpu.memory_space<vmem>>, vector<1x16xf32>,
    %swap3A_682 = vector.shape_cast %swap3A_681 : vector<1x16xf32> to vector<16xf32>
    %swap3A_683 = vector.shape_cast %broadcast_in_dim3A_0 : vector<16xf32> to vector<1x16xf32>
    tpu.vector_store %arg7[%swap3A_679, %swap3A_680], %swap3A_683 {strides = array<i32>} : memref<16x128xf32, #tpu.memory_space<vmem>>, vector<1x16xf32>,
    %swap3A_684 = arith.constant 14 : i32
    %swap3A_685 = arith.index_cast %swap3A_684 : i32 to index
    %swap3A_686 = arith.constant 32 : index
    %swap3A_687 = tpu.vector_load %arg7[%swap3A_685, %swap3A_686] {strides = array<i32>} : memref<16x128xf32, #tpu.memory_space<vmem>>, vector<1x16xf32>,
    %swap3A_688 = vector.shape_cast %swap3A_687 : vector<1x16xf32> to vector<16xf32>
    %swap3A_689 = vector.shape_cast %broadcast_in_dim3A_0 : vector<16xf32> to vector<1x16xf32>
    tpu.vector_store %arg7[%swap3A_685, %swap3A_686], %swap3A_689 {strides = array<i32>} : memref<16x128xf32, #tpu.memory_space<vmem>>, vector<1x16xf32>,
    %swap3A_690 = arith.constant 14 : i32
    %swap3A_691 = arith.index_cast %swap3A_690 : i32 to index
    %swap3A_692 = arith.constant 48 : index
    %swap3A_693 = tpu.vector_load %arg7[%swap3A_691, %swap3A_692] {strides = array<i32>} : memref<16x128xf32, #tpu.memory_space<vmem>>, vector<1x16xf32>,
    %swap3A_694 = vector.shape_cast %swap3A_693 : vector<1x16xf32> to vector<16xf32>
    %swap3A_695 = vector.shape_cast %broadcast_in_dim3A_0 : vector<16xf32> to vector<1x16xf32>
    tpu.vector_store %arg7[%swap3A_691, %swap3A_692], %swap3A_695 {strides = array<i32>} : memref<16x128xf32, #tpu.memory_space<vmem>>, vector<1x16xf32>,
    %swap3A_696 = arith.constant 14 : i32
    %swap3A_697 = arith.index_cast %swap3A_696 : i32 to index
    %swap3A_698 = arith.constant 64 : index
    %swap3A_699 = tpu.vector_load %arg7[%swap3A_697, %swap3A_698] {strides = array<i32>} : memref<16x128xf32, #tpu.memory_space<vmem>>, vector<1x16xf32>,
    %swap3A_700 = vector.shape_cast %swap3A_699 : vector<1x16xf32> to vector<16xf32>
    %swap3A_701 = vector.shape_cast %broadcast_in_dim3A_0 : vector<16xf32> to vector<1x16xf32>
    tpu.vector_store %arg7[%swap3A_697, %swap3A_698], %swap3A_701 {strides = array<i32>} : memref<16x128xf32, #tpu.memory_space<vmem>>, vector<1x16xf32>,
    %swap3A_702 = arith.constant 14 : i32
    %swap3A_703 = arith.index_cast %swap3A_702 : i32 to index
    %swap3A_704 = arith.constant 80 : index
    %swap3A_705 = tpu.vector_load %arg7[%swap3A_703, %swap3A_704] {strides = array<i32>} : memref<16x128xf32, #tpu.memory_space<vmem>>, vector<1x16xf32>,
    %swap3A_706 = vector.shape_cast %swap3A_705 : vector<1x16xf32> to vector<16xf32>
    %swap3A_707 = vector.shape_cast %broadcast_in_dim3A_0 : vector<16xf32> to vector<1x16xf32>
    tpu.vector_store %arg7[%swap3A_703, %swap3A_704], %swap3A_707 {strides = array<i32>} : memref<16x128xf32, #tpu.memory_space<vmem>>, vector<1x16xf32>,
    %swap3A_708 = arith.constant 14 : i32
    %swap3A_709 = arith.index_cast %swap3A_708 : i32 to index
    %swap3A_710 = arith.constant 96 : index
    %swap3A_711 = tpu.vector_load %arg7[%swap3A_709, %swap3A_710] {strides = array<i32>} : memref<16x128xf32, #tpu.memory_space<vmem>>, vector<1x16xf32>,
    %swap3A_712 = vector.shape_cast %swap3A_711 : vector<1x16xf32> to vector<16xf32>
    %swap3A_713 = vector.shape_cast %broadcast_in_dim3A_0 : vector<16xf32> to vector<1x16xf32>
    tpu.vector_store %arg7[%swap3A_709, %swap3A_710], %swap3A_713 {strides = array<i32>} : memref<16x128xf32, #tpu.memory_space<vmem>>, vector<1x16xf32>,
    %swap3A_714 = arith.constant 14 : i32
    %swap3A_715 = arith.index_cast %swap3A_714 : i32 to index
    %swap3A_716 = arith.constant 112 : index
    %swap3A_717 = tpu.vector_load %arg7[%swap3A_715, %swap3A_716] {strides = array<i32>} : memref<16x128xf32, #tpu.memory_space<vmem>>, vector<1x16xf32>,
    %swap3A_718 = vector.shape_cast %swap3A_717 : vector<1x16xf32> to vector<16xf32>
    %swap3A_719 = vector.shape_cast %broadcast_in_dim3A_0 : vector<16xf32> to vector<1x16xf32>
    tpu.vector_store %arg7[%swap3A_715, %swap3A_716], %swap3A_719 {strides = array<i32>} : memref<16x128xf32, #tpu.memory_space<vmem>>, vector<1x16xf32>,
    %swap3A_720 = arith.constant 15 : i32
    %swap3A_721 = arith.index_cast %swap3A_720 : i32 to index
    %swap3A_722 = arith.constant 0 : index
    %swap3A_723 = tpu.vector_load %arg7[%swap3A_721, %swap3A_722] {strides = array<i32>} : memref<16x128xf32, #tpu.memory_space<vmem>>, vector<1x16xf32>,
    %swap3A_724 = vector.shape_cast %swap3A_723 : vector<1x16xf32> to vector<16xf32>
    %swap3A_725 = vector.shape_cast %broadcast_in_dim3A_0 : vector<16xf32> to vector<1x16xf32>
    tpu.vector_store %arg7[%swap3A_721, %swap3A_722], %swap3A_725 {strides = array<i32>} : memref<16x128xf32, #tpu.memory_space<vmem>>, vector<1x16xf32>,
    %swap3A_726 = arith.constant 15 : i32
    %swap3A_727 = arith.index_cast %swap3A_726 : i32 to index
    %swap3A_728 = arith.constant 16 : index
    %swap3A_729 = tpu.vector_load %arg7[%swap3A_727, %swap3A_728] {strides = array<i32>} : memref<16x128xf32, #tpu.memory_space<vmem>>, vector<1x16xf32>,
    %swap3A_730 = vector.shape_cast %swap3A_729 : vector<1x16xf32> to vector<16xf32>
    %swap3A_731 = vector.shape_cast %broadcast_in_dim3A_0 : vector<16xf32> to vector<1x16xf32>
    tpu.vector_store %arg7[%swap3A_727, %swap3A_728], %swap3A_731 {strides = array<i32>} : memref<16x128xf32, #tpu.memory_space<vmem>>, vector<1x16xf32>,
    %swap3A_732 = arith.constant 15 : i32
    %swap3A_733 = arith.index_cast %swap3A_732 : i32 to index
    %swap3A_734 = arith.constant 32 : index
    %swap3A_735 = tpu.vector_load %arg7[%swap3A_733, %swap3A_734] {strides = array<i32>} : memref<16x128xf32, #tpu.memory_space<vmem>>, vector<1x16xf32>,
    %swap3A_736 = vector.shape_cast %swap3A_735 : vector<1x16xf32> to vector<16xf32>
    %swap3A_737 = vector.shape_cast %broadcast_in_dim3A_0 : vector<16xf32> to vector<1x16xf32>
    tpu.vector_store %arg7[%swap3A_733, %swap3A_734], %swap3A_737 {strides = array<i32>} : memref<16x128xf32, #tpu.memory_space<vmem>>, vector<1x16xf32>,
    %swap3A_738 = arith.constant 15 : i32
    %swap3A_739 = arith.index_cast %swap3A_738 : i32 to index
    %swap3A_740 = arith.constant 48 : index
    %swap3A_741 = tpu.vector_load %arg7[%swap3A_739, %swap3A_740] {strides = array<i32>} : memref<16x128xf32, #tpu.memory_space<vmem>>, vector<1x16xf32>,
    %swap3A_742 = vector.shape_cast %swap3A_741 : vector<1x16xf32> to vector<16xf32>
    %swap3A_743 = vector.shape_cast %broadcast_in_dim3A_0 : vector<16xf32> to vector<1x16xf32>
    tpu.vector_store %arg7[%swap3A_739, %swap3A_740], %swap3A_743 {strides = array<i32>} : memref<16x128xf32, #tpu.memory_space<vmem>>, vector<1x16xf32>,
    %swap3A_744 = arith.constant 15 : i32
    %swap3A_745 = arith.index_cast %swap3A_744 : i32 to index
    %swap3A_746 = arith.constant 64 : index
    %swap3A_747 = tpu.vector_load %arg7[%swap3A_745, %swap3A_746] {strides = array<i32>} : memref<16x128xf32, #tpu.memory_space<vmem>>, vector<1x16xf32>,
    %swap3A_748 = vector.shape_cast %swap3A_747 : vector<1x16xf32> to vector<16xf32>
    %swap3A_749 = vector.shape_cast %broadcast_in_dim3A_0 : vector<16xf32> to vector<1x16xf32>
    tpu.vector_store %arg7[%swap3A_745, %swap3A_746], %swap3A_749 {strides = array<i32>} : memref<16x128xf32, #tpu.memory_space<vmem>>, vector<1x16xf32>,
    %swap3A_750 = arith.constant 15 : i32
    %swap3A_751 = arith.index_cast %swap3A_750 : i32 to index
    %swap3A_752 = arith.constant 80 : index
    %swap3A_753 = tpu.vector_load %arg7[%swap3A_751, %swap3A_752] {strides = array<i32>} : memref<16x128xf32, #tpu.memory_space<vmem>>, vector<1x16xf32>,
    %swap3A_754 = vector.shape_cast %swap3A_753 : vector<1x16xf32> to vector<16xf32>
    %swap3A_755 = vector.shape_cast %broadcast_in_dim3A_0 : vector<16xf32> to vector<1x16xf32>
    tpu.vector_store %arg7[%swap3A_751, %swap3A_752], %swap3A_755 {strides = array<i32>} : memref<16x128xf32, #tpu.memory_space<vmem>>, vector<1x16xf32>,
    %swap3A_756 = arith.constant 15 : i32
    %swap3A_757 = arith.index_cast %swap3A_756 : i32 to index
    %swap3A_758 = arith.constant 96 : index
    %swap3A_759 = tpu.vector_load %arg7[%swap3A_757, %swap3A_758] {strides = array<i32>} : memref<16x128xf32, #tpu.memory_space<vmem>>, vector<1x16xf32>,
    %swap3A_760 = vector.shape_cast %swap3A_759 : vector<1x16xf32> to vector<16xf32>
    %swap3A_761 = vector.shape_cast %broadcast_in_dim3A_0 : vector<16xf32> to vector<1x16xf32>
    tpu.vector_store %arg7[%swap3A_757, %swap3A_758], %swap3A_761 {strides = array<i32>} : memref<16x128xf32, #tpu.memory_space<vmem>>, vector<1x16xf32>,
    %swap3A_762 = arith.constant 15 : i32
    %swap3A_763 = arith.index_cast %swap3A_762 : i32 to index
    %swap3A_764 = arith.constant 112 : index
    %swap3A_765 = tpu.vector_load %arg7[%swap3A_763, %swap3A_764] {strides = array<i32>} : memref<16x128xf32, #tpu.memory_space<vmem>>, vector<1x16xf32>,
    %swap3A_766 = vector.shape_cast %swap3A_765 : vector<1x16xf32> to vector<16xf32>
    %swap3A_767 = vector.shape_cast %broadcast_in_dim3A_0 : vector<16xf32> to vector<1x16xf32>
    tpu.vector_store %arg7[%swap3A_763, %swap3A_764], %swap3A_767 {strides = array<i32>} : memref<16x128xf32, #tpu.memory_space<vmem>>, vector<1x16xf32>,
    %mul3A = arith.constant 640 : i32
    %mul3A_768 = arith.muli %arg1, %mul3A : i32
    %multiple_of3A = tpu.assume_multiple %mul3A_768, 640 : i32
    %mul3A_769 = arith.constant 10000 : i32
    %mul3A_770 = arith.muli %arg1, %mul3A_769 : i32
    %multiple_of3A_771 = tpu.assume_multiple %mul3A_770, 8 : i32
    %mul3A_772 = arith.constant 2 : i32
    %mul3A_773 = arith.muli %arg0, %mul3A_772 : i32
    %add3A = arith.constant 0 : i32
    %add3A_774 = arith.addi %mul3A_773, %add3A : i32
    %mul3A_775 = arith.constant 10240 : i32
    %mul3A_776 = arith.muli %add3A_774, %mul3A_775 : i32
    %multiple_of3A_777 = tpu.assume_multiple %mul3A_776, 10240 : i32
    %scan3A = arith.constant 0 : i32
    %scan3A_778 = arith.constant 0 : i32
    %scan3A_779 = arith.constant 40 : i32
    %scan3A_780 = arith.addi %scan3A_778, %scan3A_779 : i32
    %scan3A_781 = arith.constant 1 : i32
    scf.for %scan3A_846 = %scan3A_778 to %scan3A_780 step %scan3A_781  : i32 {
      %mul3A_847 = arith.constant 16 : i32
      %mul3A_848 = arith.muli %scan3A_846, %mul3A_847 : i32
      %add3A_849 = arith.addi %multiple_of3A, %mul3A_848 : i32
      "tpu.region"() ({
        %run_scoped3A = tpu.sem_alloc : memref<!tpu.dma_semaphore, #tpu.memory_space<semaphore_mem>>
        %dma_start3A_850 = arith.constant 0 : i32
        %dma_start3A_851 = tpu.memref_slice %arg6[%add3A_849, %dma_start3A_850] : memref<10240x128xf32, #tpu.memory_space<vmem_shared>> -> memref<16x128xf32, #tpu.memory_space<vmem_shared>>
        %dma_start3A_852 = arith.constant 0 : i32
        %dma_start3A_853 = tpu.memref_slice %arg6[%add3A_849, %dma_start3A_852] : memref<10240x128xf32, #tpu.memory_space<vmem_shared>> -> memref<16x128xf32, #tpu.memory_space<vmem_shared>>
        tpu.enqueue_dma source(%arg7 : memref<16x128xf32, #tpu.memory_space<vmem>>) target(%dma_start3A_853 : memref<16x128xf32, #tpu.memory_space<vmem_shared>>) target_semaphore(%run_scoped3A : memref<!tpu.dma_semaphore, #tpu.memory_space<semaphore_mem>>)
        %dma_wait3A_854 = arith.constant 0 : i32
        %dma_wait3A_855 = tpu.memref_slice %arg6[%add3A_849, %dma_wait3A_854] : memref<10240x128xf32, #tpu.memory_space<vmem_shared>> -> memref<16x128xf32, #tpu.memory_space<vmem_shared>>
        %dma_wait3A_856 = arith.constant 0 : i32
        %dma_wait3A_857 = tpu.memref_slice %arg6[%add3A_849, %dma_wait3A_856] : memref<10240x128xf32, #tpu.memory_space<vmem_shared>> -> memref<16x128xf32, #tpu.memory_space<vmem_shared>>
        tpu.wait_dma2 semaphore(%run_scoped3A : memref<!tpu.dma_semaphore, #tpu.memory_space<semaphore_mem>>) src(%arg7 : memref<16x128xf32, #tpu.memory_space<vmem>>) dst(%dma_wait3A_857 : memref<16x128xf32, #tpu.memory_space<vmem_shared>>)
        tpu.yield
      }) : () -> ()
    }
    %scan3A_782 = arith.constant 40 : i32
    %barrier3A = arith.constant 0 : index
    tpu.barrier barrier_id(%barrier3A)
    %mul3A_783 = arith.constant 160000 : i32
    %mul3A_784 = arith.muli %add3A_774, %mul3A_783 : i32
    %mul3A_785 = arith.constant 10000 : i32
    %mul3A_786 = arith.muli %arg1, %mul3A_785 : i32
    %add3A_787 = arith.addi %mul3A_784, %mul3A_786 : i32
    %scan3A_788 = arith.constant 0 : i32
    %scan3A_789 = arith.constant 0 : i32
    %scan3A_790 = arith.constant 78 : i32
    %scan3A_791 = arith.addi %scan3A_789, %scan3A_790 : i32
    %scan3A_792 = arith.constant 1 : i32
    scf.for %scan3A_846 = %scan3A_789 to %scan3A_791 step %scan3A_792  : i32 {
      %mul3A_847 = arith.constant 128 : i32
      %mul3A_848 = arith.muli %scan3A_846, %mul3A_847 : i32
      %add3A_849 = arith.addi %add3A_787, %mul3A_848 : i32
      %multiple_of3A_850 = tpu.assume_multiple %add3A_849, 8 : i32
      %mul3A_851 = arith.constant 128 : i32
      %mul3A_852 = arith.muli %scan3A_846, %mul3A_851 : i32
      %add3A_853 = arith.addi %multiple_of3A_771, %mul3A_852 : i32
      %multiple_of3A_854 = tpu.assume_multiple %add3A_853, 8 : i32
      "tpu.region"() ({
        %run_scoped3A = tpu.sem_alloc : memref<!tpu.dma_semaphore, #tpu.memory_space<semaphore_mem>>
        %dma_start3A_861 = tpu.memref_slice %arg3[%multiple_of3A_850] : memref<640000xi32, #tpu.memory_space<hbm>> -> memref<128xi32, #tpu.memory_space<hbm>>
        %dma_start3A_862 = tpu.memref_slice %arg3[%multiple_of3A_850] : memref<640000xi32, #tpu.memory_space<hbm>> -> memref<128xi32, #tpu.memory_space<hbm>>
        tpu.enqueue_dma source(%dma_start3A_862 : memref<128xi32, #tpu.memory_space<hbm>>) target(%arg8 : memref<128xi32, #tpu.memory_space<vmem>>) target_semaphore(%run_scoped3A : memref<!tpu.dma_semaphore, #tpu.memory_space<semaphore_mem>>)
        %dma_wait3A_863 = tpu.memref_slice %arg3[%multiple_of3A_850] : memref<640000xi32, #tpu.memory_space<hbm>> -> memref<128xi32, #tpu.memory_space<hbm>>
        %dma_wait3A_864 = tpu.memref_slice %arg3[%multiple_of3A_850] : memref<640000xi32, #tpu.memory_space<hbm>> -> memref<128xi32, #tpu.memory_space<hbm>>
        tpu.wait_dma2 semaphore(%run_scoped3A : memref<!tpu.dma_semaphore, #tpu.memory_space<semaphore_mem>>) src(%dma_wait3A_864 : memref<128xi32, #tpu.memory_space<hbm>>) dst(%arg8 : memref<128xi32, #tpu.memory_space<vmem>>)
        tpu.yield
      }) : () -> ()
      "tpu.region"() ({
        %run_scoped3A = tpu.sem_alloc : memref<!tpu.dma_semaphore, #tpu.memory_space<semaphore_mem>>
        %dma_start3A_861 = tpu.memref_slice %arg4[%multiple_of3A_854] : memref<160000xi32, #tpu.memory_space<hbm>> -> memref<128xi32, #tpu.memory_space<hbm>>
        %dma_start3A_862 = tpu.memref_slice %arg4[%multiple_of3A_854] : memref<160000xi32, #tpu.memory_space<hbm>> -> memref<128xi32, #tpu.memory_space<hbm>>
        tpu.enqueue_dma source(%dma_start3A_862 : memref<128xi32, #tpu.memory_space<hbm>>) target(%arg9 : memref<128xi32, #tpu.memory_space<vmem>>) target_semaphore(%run_scoped3A : memref<!tpu.dma_semaphore, #tpu.memory_space<semaphore_mem>>)
        %dma_wait3A_863 = tpu.memref_slice %arg4[%multiple_of3A_854] : memref<160000xi32, #tpu.memory_space<hbm>> -> memref<128xi32, #tpu.memory_space<hbm>>
        %dma_wait3A_864 = tpu.memref_slice %arg4[%multiple_of3A_854] : memref<160000xi32, #tpu.memory_space<hbm>> -> memref<128xi32, #tpu.memory_space<hbm>>
        tpu.wait_dma2 semaphore(%run_scoped3A : memref<!tpu.dma_semaphore, #tpu.memory_space<semaphore_mem>>) src(%dma_wait3A_864 : memref<128xi32, #tpu.memory_space<hbm>>) dst(%arg9 : memref<128xi32, #tpu.memory_space<vmem>>)
        tpu.yield
      }) : () -> ()
      %dma_start3A_855 = arith.constant 0 : i32
      %dma_start3A_856 = arith.constant 0 : i32
      %dma_start3A_857 = tpu.memref_slice %arg2[%dma_start3A_855, %dma_start3A_856] : memref<40960x128xf32, #tpu.memory_space<hbm>> -> memref<40960x128xf32, #tpu.memory_space<hbm>>
      tpu.enqueue_indirect_dma source(%dma_start3A_857 : memref<40960x128xf32, #tpu.memory_space<hbm>>) target(%arg10 : memref<128x128xf32, #tpu.memory_space<vmem>>) offsets(%arg8 : memref<128xi32, #tpu.memory_space<vmem>>) semaphore(%arg14 : memref<!tpu.dma_semaphore, #tpu.memory_space<semaphore_mem>>)
      %dma_wait3A_858 = arith.constant 0 : i32
      %dma_wait3A_859 = arith.constant 0 : i32
      %dma_wait3A_860 = tpu.memref_slice %arg2[%dma_wait3A_858, %dma_wait3A_859] : memref<40960x128xf32, #tpu.memory_space<hbm>> -> memref<40960x128xf32, #tpu.memory_space<hbm>>
      tpu.wait_indirect_dma semaphore(%arg14 : memref<!tpu.dma_semaphore, #tpu.memory_space<semaphore_mem>>) src(%dma_wait3A_860 : memref<40960x128xf32, #tpu.memory_space<hbm>>) dst(%arg10 : memref<128x128xf32, #tpu.memory_space<vmem>>)
      "tpu.region"() ({
        %run_scoped3A = tpu.sem_alloc : memref<!tpu.dma_semaphore, #tpu.memory_space<semaphore_mem>>
        %dma_start3A_861 = arith.constant 0 : i32
        %dma_start3A_862 = arith.constant 0 : i32
        %dma_start3A_863 = tpu.memref_slice %arg6[%dma_start3A_861, %dma_start3A_862] : memref<10240x128xf32, #tpu.memory_space<vmem_shared>> -> memref<10240x128xf32, #tpu.memory_space<vmem_shared>>
        tpu.enqueue_indirect_dma source(%arg10 : memref<128x128xf32, #tpu.memory_space<vmem>>) target(%dma_start3A_863 : memref<10240x128xf32, #tpu.memory_space<vmem_shared>>) offsets(%arg9 : memref<128xi32, #tpu.memory_space<vmem>>) semaphore(%run_scoped3A : memref<!tpu.dma_semaphore, #tpu.memory_space<semaphore_mem>>) {add = true}
        %dma_wait3A_864 = arith.constant 0 : i32
        %dma_wait3A_865 = arith.constant 0 : i32
        %dma_wait3A_866 = tpu.memref_slice %arg6[%dma_wait3A_864, %dma_wait3A_865] : memref<10240x128xf32, #tpu.memory_space<vmem_shared>> -> memref<10240x128xf32, #tpu.memory_space<vmem_shared>>
        tpu.wait_indirect_dma semaphore(%run_scoped3A : memref<!tpu.dma_semaphore, #tpu.memory_space<semaphore_mem>>) src(%arg10 : memref<128x128xf32, #tpu.memory_space<vmem>>) dst(%dma_wait3A_866 : memref<10240x128xf32, #tpu.memory_space<vmem_shared>>)
        tpu.yield
      }) : () -> ()
    }
    %scan3A_793 = arith.constant 78 : i32
    %add3A_794 = arith.constant 9984 : i32
    %add3A_795 = arith.addi %add3A_787, %add3A_794 : i32
    %multiple_of3A_796 = tpu.assume_multiple %add3A_795, 8 : i32
    %add3A_797 = arith.constant 9984 : i32
    %add3A_798 = arith.addi %multiple_of3A_771, %add3A_797 : i32
    %multiple_of3A_799 = tpu.assume_multiple %add3A_798, 8 : i32
    "tpu.region"() ({
      %run_scoped3A = tpu.sem_alloc : memref<!tpu.dma_semaphore, #tpu.memory_space<semaphore_mem>>
      %dma_start3A_846 = tpu.memref_slice %arg3[%multiple_of3A_796] : memref<640000xi32, #tpu.memory_space<hbm>> -> memref<16xi32, #tpu.memory_space<hbm>>
      %dma_start3A_847 = tpu.memref_slice %arg3[%multiple_of3A_796] : memref<640000xi32, #tpu.memory_space<hbm>> -> memref<16xi32, #tpu.memory_space<hbm>>
      tpu.enqueue_dma source(%dma_start3A_847 : memref<16xi32, #tpu.memory_space<hbm>>) target(%arg11 : memref<16xi32, #tpu.memory_space<vmem>>) target_semaphore(%run_scoped3A : memref<!tpu.dma_semaphore, #tpu.memory_space<semaphore_mem>>)
      %dma_wait3A_848 = tpu.memref_slice %arg3[%multiple_of3A_796] : memref<640000xi32, #tpu.memory_space<hbm>> -> memref<16xi32, #tpu.memory_space<hbm>>
      %dma_wait3A_849 = tpu.memref_slice %arg3[%multiple_of3A_796] : memref<640000xi32, #tpu.memory_space<hbm>> -> memref<16xi32, #tpu.memory_space<hbm>>
      tpu.wait_dma2 semaphore(%run_scoped3A : memref<!tpu.dma_semaphore, #tpu.memory_space<semaphore_mem>>) src(%dma_wait3A_849 : memref<16xi32, #tpu.memory_space<hbm>>) dst(%arg11 : memref<16xi32, #tpu.memory_space<vmem>>)
      tpu.yield
    }) : () -> ()
    "tpu.region"() ({
      %run_scoped3A = tpu.sem_alloc : memref<!tpu.dma_semaphore, #tpu.memory_space<semaphore_mem>>
      %dma_start3A_846 = tpu.memref_slice %arg4[%multiple_of3A_799] : memref<160000xi32, #tpu.memory_space<hbm>> -> memref<16xi32, #tpu.memory_space<hbm>>
      %dma_start3A_847 = tpu.memref_slice %arg4[%multiple_of3A_799] : memref<160000xi32, #tpu.memory_space<hbm>> -> memref<16xi32, #tpu.memory_space<hbm>>
      tpu.enqueue_dma source(%dma_start3A_847 : memref<16xi32, #tpu.memory_space<hbm>>) target(%arg12 : memref<16xi32, #tpu.memory_space<vmem>>) target_semaphore(%run_scoped3A : memref<!tpu.dma_semaphore, #tpu.memory_space<semaphore_mem>>)
      %dma_wait3A_848 = tpu.memref_slice %arg4[%multiple_of3A_799] : memref<160000xi32, #tpu.memory_space<hbm>> -> memref<16xi32, #tpu.memory_space<hbm>>
      %dma_wait3A_849 = tpu.memref_slice %arg4[%multiple_of3A_799] : memref<160000xi32, #tpu.memory_space<hbm>> -> memref<16xi32, #tpu.memory_space<hbm>>
      tpu.wait_dma2 semaphore(%run_scoped3A : memref<!tpu.dma_semaphore, #tpu.memory_space<semaphore_mem>>) src(%dma_wait3A_849 : memref<16xi32, #tpu.memory_space<hbm>>) dst(%arg12 : memref<16xi32, #tpu.memory_space<vmem>>)
      tpu.yield
    }) : () -> ()
    %dma_start3A = arith.constant 0 : i32
    %dma_start3A_800 = arith.constant 0 : i32
    %dma_start3A_801 = tpu.memref_slice %arg2[%dma_start3A, %dma_start3A_800] : memref<40960x128xf32, #tpu.memory_space<hbm>> -> memref<40960x128xf32, #tpu.memory_space<hbm>>
    tpu.enqueue_indirect_dma source(%dma_start3A_801 : memref<40960x128xf32, #tpu.memory_space<hbm>>) target(%arg13 : memref<16x128xf32, #tpu.memory_space<vmem>>) offsets(%arg11 : memref<16xi32, #tpu.memory_space<vmem>>) semaphore(%arg14 : memref<!tpu.dma_semaphore, #tpu.memory_space<semaphore_mem>>)
    %dma_wait3A = arith.constant 0 : i32
    %dma_wait3A_802 = arith.constant 0 : i32
    %dma_wait3A_803 = tpu.memref_slice %arg2[%dma_wait3A, %dma_wait3A_802] : memref<40960x128xf32, #tpu.memory_space<hbm>> -> memref<40960x128xf32, #tpu.memory_space<hbm>>
    tpu.wait_indirect_dma semaphore(%arg14 : memref<!tpu.dma_semaphore, #tpu.memory_space<semaphore_mem>>) src(%dma_wait3A_803 : memref<40960x128xf32, #tpu.memory_space<hbm>>) dst(%arg13 : memref<16x128xf32, #tpu.memory_space<vmem>>)
    "tpu.region"() ({
      %run_scoped3A = tpu.sem_alloc : memref<!tpu.dma_semaphore, #tpu.memory_space<semaphore_mem>>
      %dma_start3A_846 = arith.constant 0 : i32
      %dma_start3A_847 = arith.constant 0 : i32
      %dma_start3A_848 = tpu.memref_slice %arg6[%dma_start3A_846, %dma_start3A_847] : memref<10240x128xf32, #tpu.memory_space<vmem_shared>> -> memref<10240x128xf32, #tpu.memory_space<vmem_shared>>
      tpu.enqueue_indirect_dma source(%arg13 : memref<16x128xf32, #tpu.memory_space<vmem>>) target(%dma_start3A_848 : memref<10240x128xf32, #tpu.memory_space<vmem_shared>>) offsets(%arg12 : memref<16xi32, #tpu.memory_space<vmem>>) semaphore(%run_scoped3A : memref<!tpu.dma_semaphore, #tpu.memory_space<semaphore_mem>>) {add = true}
      %dma_wait3A_849 = arith.constant 0 : i32
      %dma_wait3A_850 = arith.constant 0 : i32
      %dma_wait3A_851 = tpu.memref_slice %arg6[%dma_wait3A_849, %dma_wait3A_850] : memref<10240x128xf32, #tpu.memory_space<vmem_shared>> -> memref<10240x128xf32, #tpu.memory_space<vmem_shared>>
      tpu.wait_indirect_dma semaphore(%run_scoped3A : memref<!tpu.dma_semaphore, #tpu.memory_space<semaphore_mem>>) src(%arg13 : memref<16x128xf32, #tpu.memory_space<vmem>>) dst(%dma_wait3A_851 : memref<10240x128xf32, #tpu.memory_space<vmem_shared>>)
      tpu.yield
    }) : () -> ()
    %barrier3A_804 = arith.constant 0 : index
    tpu.barrier barrier_id(%barrier3A_804)
    %add3A_805 = arith.addi %multiple_of3A_777, %multiple_of3A : i32
    "tpu.region"() ({
      %run_scoped3A = tpu.sem_alloc : memref<!tpu.dma_semaphore, #tpu.memory_space<semaphore_mem>>
      %dma_start3A_846 = arith.constant 0 : i32
      %dma_start3A_847 = tpu.memref_slice %arg5[%add3A_805, %dma_start3A_846] : memref<40960x128xf32, #tpu.memory_space<hbm>> -> memref<640x128xf32, #tpu.memory_space<hbm>>
      %dma_start3A_848 = arith.constant 0 : i32
      %dma_start3A_849 = tpu.memref_slice %arg6[%multiple_of3A, %dma_start3A_848] : memref<10240x128xf32, #tpu.memory_space<vmem_shared>> -> memref<640x128xf32, #tpu.memory_space<vmem_shared>>
      tpu.enqueue_dma source(%dma_start3A_849 : memref<640x128xf32, #tpu.memory_space<vmem_shared>>) target(%dma_start3A_847 : memref<640x128xf32, #tpu.memory_space<hbm>>) target_semaphore(%run_scoped3A : memref<!tpu.dma_semaphore, #tpu.memory_space<semaphore_mem>>)
      %dma_wait3A_850 = arith.constant 0 : i32
      %dma_wait3A_851 = tpu.memref_slice %arg5[%add3A_805, %dma_wait3A_850] : memref<40960x128xf32, #tpu.memory_space<hbm>> -> memref<640x128xf32, #tpu.memory_space<hbm>>
      %dma_wait3A_852 = arith.constant 0 : i32
      %dma_wait3A_853 = tpu.memref_slice %arg6[%multiple_of3A, %dma_wait3A_852] : memref<10240x128xf32, #tpu.memory_space<vmem_shared>> -> memref<640x128xf32, #tpu.memory_space<vmem_shared>>
      tpu.wait_dma2 semaphore(%run_scoped3A : memref<!tpu.dma_semaphore, #tpu.memory_space<semaphore_mem>>) src(%dma_wait3A_853 : memref<640x128xf32, #tpu.memory_space<vmem_shared>>) dst(%dma_wait3A_851 : memref<640x128xf32, #tpu.memory_space<hbm>>)
      tpu.yield
    }) : () -> ()
    %barrier3A_806 = arith.constant 0 : index
    tpu.barrier barrier_id(%barrier3A_806)
    %mul3A_807 = arith.constant 2 : i32
    %mul3A_808 = arith.muli %arg0, %mul3A_807 : i32
    %add3A_809 = arith.constant 1 : i32
    %add3A_810 = arith.addi %mul3A_808, %add3A_809 : i32
    %mul3A_811 = arith.constant 10240 : i32
    %mul3A_812 = arith.muli %add3A_810, %mul3A_811 : i32
    %multiple_of3A_813 = tpu.assume_multiple %mul3A_812, 10240 : i32
    %scan3A_814 = arith.constant 0 : i32
    %scan3A_815 = arith.constant 0 : i32
    %scan3A_816 = arith.constant 40 : i32
    %scan3A_817 = arith.addi %scan3A_815, %scan3A_816 : i32
    %scan3A_818 = arith.constant 1 : i32
    scf.for %scan3A_846 = %scan3A_815 to %scan3A_817 step %scan3A_818  : i32 {
      %mul3A_847 = arith.constant 16 : i32
      %mul3A_848 = arith.muli %scan3A_846, %mul3A_847 : i32
      %add3A_849 = arith.addi %multiple_of3A, %mul3A_848 : i32
      "tpu.region"() ({
        %run_scoped3A = tpu.sem_alloc : memref<!tpu.dma_semaphore, #tpu.memory_space<semaphore_mem>>
        %dma_start3A_850 = arith.constant 0 : i32
        %dma_start3A_851 = tpu.memref_slice %arg6[%add3A_849, %dma_start3A_850] : memref<10240x128xf32, #tpu.memory_space<vmem_shared>> -> memref<16x128xf32, #tpu.memory_space<vmem_shared>>
        %dma_start3A_852 = arith.constant 0 : i32
        %dma_start3A_853 = tpu.memref_slice %arg6[%add3A_849, %dma_start3A_852] : memref<10240x128xf32, #tpu.memory_space<vmem_shared>> -> memref<16x128xf32, #tpu.memory_space<vmem_shared>>
        tpu.enqueue_dma source(%arg7 : memref<16x128xf32, #tpu.memory_space<vmem>>) target(%dma_start3A_853 : memref<16x128xf32, #tpu.memory_space<vmem_shared>>) target_semaphore(%run_scoped3A : memref<!tpu.dma_semaphore, #tpu.memory_space<semaphore_mem>>)
        %dma_wait3A_854 = arith.constant 0 : i32
        %dma_wait3A_855 = tpu.memref_slice %arg6[%add3A_849, %dma_wait3A_854] : memref<10240x128xf32, #tpu.memory_space<vmem_shared>> -> memref<16x128xf32, #tpu.memory_space<vmem_shared>>
        %dma_wait3A_856 = arith.constant 0 : i32
        %dma_wait3A_857 = tpu.memref_slice %arg6[%add3A_849, %dma_wait3A_856] : memref<10240x128xf32, #tpu.memory_space<vmem_shared>> -> memref<16x128xf32, #tpu.memory_space<vmem_shared>>
        tpu.wait_dma2 semaphore(%run_scoped3A : memref<!tpu.dma_semaphore, #tpu.memory_space<semaphore_mem>>) src(%arg7 : memref<16x128xf32, #tpu.memory_space<vmem>>) dst(%dma_wait3A_857 : memref<16x128xf32, #tpu.memory_space<vmem_shared>>)
        tpu.yield
      }) : () -> ()
    }
    %scan3A_819 = arith.constant 40 : i32
    %barrier3A_820 = arith.constant 0 : index
    tpu.barrier barrier_id(%barrier3A_820)
    %mul3A_821 = arith.constant 160000 : i32
    %mul3A_822 = arith.muli %add3A_810, %mul3A_821 : i32
    %mul3A_823 = arith.constant 10000 : i32
    %mul3A_824 = arith.muli %arg1, %mul3A_823 : i32
    %add3A_825 = arith.addi %mul3A_822, %mul3A_824 : i32
    %scan3A_826 = arith.constant 0 : i32
    %scan3A_827 = arith.constant 0 : i32
    %scan3A_828 = arith.constant 78 : i32
    %scan3A_829 = arith.addi %scan3A_827, %scan3A_828 : i32
    %scan3A_830 = arith.constant 1 : i32
    scf.for %scan3A_846 = %scan3A_827 to %scan3A_829 step %scan3A_830  : i32 {
      %mul3A_847 = arith.constant 128 : i32
      %mul3A_848 = arith.muli %scan3A_846, %mul3A_847 : i32
      %add3A_849 = arith.addi %add3A_825, %mul3A_848 : i32
      %multiple_of3A_850 = tpu.assume_multiple %add3A_849, 8 : i32
      %mul3A_851 = arith.constant 128 : i32
      %mul3A_852 = arith.muli %scan3A_846, %mul3A_851 : i32
      %add3A_853 = arith.addi %multiple_of3A_771, %mul3A_852 : i32
      %multiple_of3A_854 = tpu.assume_multiple %add3A_853, 8 : i32
      "tpu.region"() ({
        %run_scoped3A = tpu.sem_alloc : memref<!tpu.dma_semaphore, #tpu.memory_space<semaphore_mem>>
        %dma_start3A_861 = tpu.memref_slice %arg3[%multiple_of3A_850] : memref<640000xi32, #tpu.memory_space<hbm>> -> memref<128xi32, #tpu.memory_space<hbm>>
        %dma_start3A_862 = tpu.memref_slice %arg3[%multiple_of3A_850] : memref<640000xi32, #tpu.memory_space<hbm>> -> memref<128xi32, #tpu.memory_space<hbm>>
        tpu.enqueue_dma source(%dma_start3A_862 : memref<128xi32, #tpu.memory_space<hbm>>) target(%arg8 : memref<128xi32, #tpu.memory_space<vmem>>) target_semaphore(%run_scoped3A : memref<!tpu.dma_semaphore, #tpu.memory_space<semaphore_mem>>)
        %dma_wait3A_863 = tpu.memref_slice %arg3[%multiple_of3A_850] : memref<640000xi32, #tpu.memory_space<hbm>> -> memref<128xi32, #tpu.memory_space<hbm>>
        %dma_wait3A_864 = tpu.memref_slice %arg3[%multiple_of3A_850] : memref<640000xi32, #tpu.memory_space<hbm>> -> memref<128xi32, #tpu.memory_space<hbm>>
        tpu.wait_dma2 semaphore(%run_scoped3A : memref<!tpu.dma_semaphore, #tpu.memory_space<semaphore_mem>>) src(%dma_wait3A_864 : memref<128xi32, #tpu.memory_space<hbm>>) dst(%arg8 : memref<128xi32, #tpu.memory_space<vmem>>)
        tpu.yield
      }) : () -> ()
      "tpu.region"() ({
        %run_scoped3A = tpu.sem_alloc : memref<!tpu.dma_semaphore, #tpu.memory_space<semaphore_mem>>
        %dma_start3A_861 = tpu.memref_slice %arg4[%multiple_of3A_854] : memref<160000xi32, #tpu.memory_space<hbm>> -> memref<128xi32, #tpu.memory_space<hbm>>
        %dma_start3A_862 = tpu.memref_slice %arg4[%multiple_of3A_854] : memref<160000xi32, #tpu.memory_space<hbm>> -> memref<128xi32, #tpu.memory_space<hbm>>
        tpu.enqueue_dma source(%dma_start3A_862 : memref<128xi32, #tpu.memory_space<hbm>>) target(%arg9 : memref<128xi32, #tpu.memory_space<vmem>>) target_semaphore(%run_scoped3A : memref<!tpu.dma_semaphore, #tpu.memory_space<semaphore_mem>>)
        %dma_wait3A_863 = tpu.memref_slice %arg4[%multiple_of3A_854] : memref<160000xi32, #tpu.memory_space<hbm>> -> memref<128xi32, #tpu.memory_space<hbm>>
        %dma_wait3A_864 = tpu.memref_slice %arg4[%multiple_of3A_854] : memref<160000xi32, #tpu.memory_space<hbm>> -> memref<128xi32, #tpu.memory_space<hbm>>
        tpu.wait_dma2 semaphore(%run_scoped3A : memref<!tpu.dma_semaphore, #tpu.memory_space<semaphore_mem>>) src(%dma_wait3A_864 : memref<128xi32, #tpu.memory_space<hbm>>) dst(%arg9 : memref<128xi32, #tpu.memory_space<vmem>>)
        tpu.yield
      }) : () -> ()
      %dma_start3A_855 = arith.constant 0 : i32
      %dma_start3A_856 = arith.constant 0 : i32
      %dma_start3A_857 = tpu.memref_slice %arg2[%dma_start3A_855, %dma_start3A_856] : memref<40960x128xf32, #tpu.memory_space<hbm>> -> memref<40960x128xf32, #tpu.memory_space<hbm>>
      tpu.enqueue_indirect_dma source(%dma_start3A_857 : memref<40960x128xf32, #tpu.memory_space<hbm>>) target(%arg10 : memref<128x128xf32, #tpu.memory_space<vmem>>) offsets(%arg8 : memref<128xi32, #tpu.memory_space<vmem>>) semaphore(%arg14 : memref<!tpu.dma_semaphore, #tpu.memory_space<semaphore_mem>>)
      %dma_wait3A_858 = arith.constant 0 : i32
      %dma_wait3A_859 = arith.constant 0 : i32
      %dma_wait3A_860 = tpu.memref_slice %arg2[%dma_wait3A_858, %dma_wait3A_859] : memref<40960x128xf32, #tpu.memory_space<hbm>> -> memref<40960x128xf32, #tpu.memory_space<hbm>>
      tpu.wait_indirect_dma semaphore(%arg14 : memref<!tpu.dma_semaphore, #tpu.memory_space<semaphore_mem>>) src(%dma_wait3A_860 : memref<40960x128xf32, #tpu.memory_space<hbm>>) dst(%arg10 : memref<128x128xf32, #tpu.memory_space<vmem>>)
      "tpu.region"() ({
        %run_scoped3A = tpu.sem_alloc : memref<!tpu.dma_semaphore, #tpu.memory_space<semaphore_mem>>
        %dma_start3A_861 = arith.constant 0 : i32
        %dma_start3A_862 = arith.constant 0 : i32
        %dma_start3A_863 = tpu.memref_slice %arg6[%dma_start3A_861, %dma_start3A_862] : memref<10240x128xf32, #tpu.memory_space<vmem_shared>> -> memref<10240x128xf32, #tpu.memory_space<vmem_shared>>
        tpu.enqueue_indirect_dma source(%arg10 : memref<128x128xf32, #tpu.memory_space<vmem>>) target(%dma_start3A_863 : memref<10240x128xf32, #tpu.memory_space<vmem_shared>>) offsets(%arg9 : memref<128xi32, #tpu.memory_space<vmem>>) semaphore(%run_scoped3A : memref<!tpu.dma_semaphore, #tpu.memory_space<semaphore_mem>>) {add = true}
        %dma_wait3A_864 = arith.constant 0 : i32
        %dma_wait3A_865 = arith.constant 0 : i32
        %dma_wait3A_866 = tpu.memref_slice %arg6[%dma_wait3A_864, %dma_wait3A_865] : memref<10240x128xf32, #tpu.memory_space<vmem_shared>> -> memref<10240x128xf32, #tpu.memory_space<vmem_shared>>
        tpu.wait_indirect_dma semaphore(%run_scoped3A : memref<!tpu.dma_semaphore, #tpu.memory_space<semaphore_mem>>) src(%arg10 : memref<128x128xf32, #tpu.memory_space<vmem>>) dst(%dma_wait3A_866 : memref<10240x128xf32, #tpu.memory_space<vmem_shared>>)
        tpu.yield
      }) : () -> ()
    }
    %scan3A_831 = arith.constant 78 : i32
    %add3A_832 = arith.constant 9984 : i32
    %add3A_833 = arith.addi %add3A_825, %add3A_832 : i32
    %multiple_of3A_834 = tpu.assume_multiple %add3A_833, 8 : i32
    %add3A_835 = arith.constant 9984 : i32
    %add3A_836 = arith.addi %multiple_of3A_771, %add3A_835 : i32
    %multiple_of3A_837 = tpu.assume_multiple %add3A_836, 8 : i32
    "tpu.region"() ({
      %run_scoped3A = tpu.sem_alloc : memref<!tpu.dma_semaphore, #tpu.memory_space<semaphore_mem>>
      %dma_start3A_846 = tpu.memref_slice %arg3[%multiple_of3A_834] : memref<640000xi32, #tpu.memory_space<hbm>> -> memref<16xi32, #tpu.memory_space<hbm>>
      %dma_start3A_847 = tpu.memref_slice %arg3[%multiple_of3A_834] : memref<640000xi32, #tpu.memory_space<hbm>> -> memref<16xi32, #tpu.memory_space<hbm>>
      tpu.enqueue_dma source(%dma_start3A_847 : memref<16xi32, #tpu.memory_space<hbm>>) target(%arg11 : memref<16xi32, #tpu.memory_space<vmem>>) target_semaphore(%run_scoped3A : memref<!tpu.dma_semaphore, #tpu.memory_space<semaphore_mem>>)
      %dma_wait3A_848 = tpu.memref_slice %arg3[%multiple_of3A_834] : memref<640000xi32, #tpu.memory_space<hbm>> -> memref<16xi32, #tpu.memory_space<hbm>>
      %dma_wait3A_849 = tpu.memref_slice %arg3[%multiple_of3A_834] : memref<640000xi32, #tpu.memory_space<hbm>> -> memref<16xi32, #tpu.memory_space<hbm>>
      tpu.wait_dma2 semaphore(%run_scoped3A : memref<!tpu.dma_semaphore, #tpu.memory_space<semaphore_mem>>) src(%dma_wait3A_849 : memref<16xi32, #tpu.memory_space<hbm>>) dst(%arg11 : memref<16xi32, #tpu.memory_space<vmem>>)
      tpu.yield
    }) : () -> ()
    "tpu.region"() ({
      %run_scoped3A = tpu.sem_alloc : memref<!tpu.dma_semaphore, #tpu.memory_space<semaphore_mem>>
      %dma_start3A_846 = tpu.memref_slice %arg4[%multiple_of3A_837] : memref<160000xi32, #tpu.memory_space<hbm>> -> memref<16xi32, #tpu.memory_space<hbm>>
      %dma_start3A_847 = tpu.memref_slice %arg4[%multiple_of3A_837] : memref<160000xi32, #tpu.memory_space<hbm>> -> memref<16xi32, #tpu.memory_space<hbm>>
      tpu.enqueue_dma source(%dma_start3A_847 : memref<16xi32, #tpu.memory_space<hbm>>) target(%arg12 : memref<16xi32, #tpu.memory_space<vmem>>) target_semaphore(%run_scoped3A : memref<!tpu.dma_semaphore, #tpu.memory_space<semaphore_mem>>)
      %dma_wait3A_848 = tpu.memref_slice %arg4[%multiple_of3A_837] : memref<160000xi32, #tpu.memory_space<hbm>> -> memref<16xi32, #tpu.memory_space<hbm>>
      %dma_wait3A_849 = tpu.memref_slice %arg4[%multiple_of3A_837] : memref<160000xi32, #tpu.memory_space<hbm>> -> memref<16xi32, #tpu.memory_space<hbm>>
      tpu.wait_dma2 semaphore(%run_scoped3A : memref<!tpu.dma_semaphore, #tpu.memory_space<semaphore_mem>>) src(%dma_wait3A_849 : memref<16xi32, #tpu.memory_space<hbm>>) dst(%arg12 : memref<16xi32, #tpu.memory_space<vmem>>)
      tpu.yield
    }) : () -> ()
    %dma_start3A_838 = arith.constant 0 : i32
    %dma_start3A_839 = arith.constant 0 : i32
    %dma_start3A_840 = tpu.memref_slice %arg2[%dma_start3A_838, %dma_start3A_839] : memref<40960x128xf32, #tpu.memory_space<hbm>> -> memref<40960x128xf32, #tpu.memory_space<hbm>>
    tpu.enqueue_indirect_dma source(%dma_start3A_840 : memref<40960x128xf32, #tpu.memory_space<hbm>>) target(%arg13 : memref<16x128xf32, #tpu.memory_space<vmem>>) offsets(%arg11 : memref<16xi32, #tpu.memory_space<vmem>>) semaphore(%arg14 : memref<!tpu.dma_semaphore, #tpu.memory_space<semaphore_mem>>)
    %dma_wait3A_841 = arith.constant 0 : i32
    %dma_wait3A_842 = arith.constant 0 : i32
    %dma_wait3A_843 = tpu.memref_slice %arg2[%dma_wait3A_841, %dma_wait3A_842] : memref<40960x128xf32, #tpu.memory_space<hbm>> -> memref<40960x128xf32, #tpu.memory_space<hbm>>
    tpu.wait_indirect_dma semaphore(%arg14 : memref<!tpu.dma_semaphore, #tpu.memory_space<semaphore_mem>>) src(%dma_wait3A_843 : memref<40960x128xf32, #tpu.memory_space<hbm>>) dst(%arg13 : memref<16x128xf32, #tpu.memory_space<vmem>>)
    "tpu.region"() ({
      %run_scoped3A = tpu.sem_alloc : memref<!tpu.dma_semaphore, #tpu.memory_space<semaphore_mem>>
      %dma_start3A_846 = arith.constant 0 : i32
      %dma_start3A_847 = arith.constant 0 : i32
      %dma_start3A_848 = tpu.memref_slice %arg6[%dma_start3A_846, %dma_start3A_847] : memref<10240x128xf32, #tpu.memory_space<vmem_shared>> -> memref<10240x128xf32, #tpu.memory_space<vmem_shared>>
      tpu.enqueue_indirect_dma source(%arg13 : memref<16x128xf32, #tpu.memory_space<vmem>>) target(%dma_start3A_848 : memref<10240x128xf32, #tpu.memory_space<vmem_shared>>) offsets(%arg12 : memref<16xi32, #tpu.memory_space<vmem>>) semaphore(%run_scoped3A : memref<!tpu.dma_semaphore, #tpu.memory_space<semaphore_mem>>) {add = true}
      %dma_wait3A_849 = arith.constant 0 : i32
      %dma_wait3A_850 = arith.constant 0 : i32
      %dma_wait3A_851 = tpu.memref_slice %arg6[%dma_wait3A_849, %dma_wait3A_850] : memref<10240x128xf32, #tpu.memory_space<vmem_shared>> -> memref<10240x128xf32, #tpu.memory_space<vmem_shared>>
      tpu.wait_indirect_dma semaphore(%run_scoped3A : memref<!tpu.dma_semaphore, #tpu.memory_space<semaphore_mem>>) src(%arg13 : memref<16x128xf32, #tpu.memory_space<vmem>>) dst(%dma_wait3A_851 : memref<10240x128xf32, #tpu.memory_space<vmem_shared>>)
      tpu.yield
    }) : () -> ()
    %barrier3A_844 = arith.constant 0 : index
    tpu.barrier barrier_id(%barrier3A_844)
    %add3A_845 = arith.addi %multiple_of3A_813, %multiple_of3A : i32
    "tpu.region"() ({
      %run_scoped3A = tpu.sem_alloc : memref<!tpu.dma_semaphore, #tpu.memory_space<semaphore_mem>>
      %dma_start3A_846 = arith.constant 0 : i32
      %dma_start3A_847 = tpu.memref_slice %arg5[%add3A_845, %dma_start3A_846] : memref<40960x128xf32, #tpu.memory_space<hbm>> -> memref<640x128xf32, #tpu.memory_space<hbm>>
      %dma_start3A_848 = arith.constant 0 : i32
      %dma_start3A_849 = tpu.memref_slice %arg6[%multiple_of3A, %dma_start3A_848] : memref<10240x128xf32, #tpu.memory_space<vmem_shared>> -> memref<640x128xf32, #tpu.memory_space<vmem_shared>>
      tpu.enqueue_dma source(%dma_start3A_849 : memref<640x128xf32, #tpu.memory_space<vmem_shared>>) target(%dma_start3A_847 : memref<640x128xf32, #tpu.memory_space<hbm>>) target_semaphore(%run_scoped3A : memref<!tpu.dma_semaphore, #tpu.memory_space<semaphore_mem>>)
      %dma_wait3A_850 = arith.constant 0 : i32
      %dma_wait3A_851 = tpu.memref_slice %arg5[%add3A_845, %dma_wait3A_850] : memref<40960x128xf32, #tpu.memory_space<hbm>> -> memref<640x128xf32, #tpu.memory_space<hbm>>
      %dma_wait3A_852 = arith.constant 0 : i32
      %dma_wait3A_853 = tpu.memref_slice %arg6[%multiple_of3A, %dma_wait3A_852] : memref<10240x128xf32, #tpu.memory_space<vmem_shared>> -> memref<640x128xf32, #tpu.memory_space<vmem_shared>>
      tpu.wait_dma2 semaphore(%run_scoped3A : memref<!tpu.dma_semaphore, #tpu.memory_space<semaphore_mem>>) src(%dma_wait3A_853 : memref<640x128xf32, #tpu.memory_space<vmem_shared>>) dst(%dma_wait3A_851 : memref<640x128xf32, #tpu.memory_space<hbm>>)
      tpu.yield
    }) : () -> ()
    return
  }
}

#map = affine_map<(d0, d1) -> (0, 0)>
#map1 = affine_map<(d0, d1) -> (0)>
module attributes {stable_mosaic.version = 14 : i64} {
  func.func @body(%arg0: i32, %arg1: i32, %arg2: memref<20480x128xf32, #tpu.memory_space<hbm>>, %arg3: memref<320000xi32, #tpu.memory_space<hbm>>, %arg4: memref<160000xi32, #tpu.memory_space<hbm>>, %arg5: memref<20480x128xf32, #tpu.memory_space<hbm>>, %arg6: memref<10240x128xf32, #tpu.memory_space<vmem_shared>>, %arg7: memref<16x128xf32, #tpu.memory_space<vmem>>, %arg8: memref<128xi32, #tpu.memory_space<vmem>>, %arg9: memref<128xi32, #tpu.memory_space<vmem>>, %arg10: memref<128x128xf32, #tpu.memory_space<vmem>>, %arg11: memref<16xi32, #tpu.memory_space<vmem>>, %arg12: memref<16xi32, #tpu.memory_space<vmem>>, %arg13: memref<16x128xf32, #tpu.memory_space<vmem>>, %arg14: memref<!tpu.dma_semaphore, #tpu.memory_space<semaphore_mem>>) attributes {dimension_semantics = [#tpu.dimension_semantics<core_parallel>, #tpu.dimension_semantics<subcore_parallel>], iteration_bounds = array<i64: 2, 16>, scalar_prefetch = 0 : i64, scratch_operands = 9 : i64, tpu.core_type = #tpu.core_type<sc_vector_subcore>, window_params = [{transform_indices = #map}, {transform_indices = #map1}, {transform_indices = #map1}, {transform_indices = #map}]} {
    %broadcast_in_dim3A = arith.constant 0.000000e+00 : f32
    %broadcast_in_dim3A_0 = vector.broadcast %broadcast_in_dim3A : f32 to vector<16xf32>
    %swap3A = arith.constant 0 : i32
    %swap3A_1 = arith.index_cast %swap3A : i32 to index
    %swap3A_2 = arith.constant 0 : index
    %swap3A_3 = tpu.vector_load %arg7[%swap3A_1, %swap3A_2] {strides = array<i32>} : memref<16x128xf32, #tpu.memory_space<vmem>>, vector<1x16xf32>,
    %swap3A_4 = vector.shape_cast %swap3A_3 : vector<1x16xf32> to vector<16xf32>
    %swap3A_5 = vector.shape_cast %broadcast_in_dim3A_0 : vector<16xf32> to vector<1x16xf32>
    tpu.vector_store %arg7[%swap3A_1, %swap3A_2], %swap3A_5 {strides = array<i32>} : memref<16x128xf32, #tpu.memory_space<vmem>>, vector<1x16xf32>,
    %swap3A_6 = arith.constant 0 : i32
    %swap3A_7 = arith.index_cast %swap3A_6 : i32 to index
    %swap3A_8 = arith.constant 16 : index
    %swap3A_9 = tpu.vector_load %arg7[%swap3A_7, %swap3A_8] {strides = array<i32>} : memref<16x128xf32, #tpu.memory_space<vmem>>, vector<1x16xf32>,
    %swap3A_10 = vector.shape_cast %swap3A_9 : vector<1x16xf32> to vector<16xf32>
    %swap3A_11 = vector.shape_cast %broadcast_in_dim3A_0 : vector<16xf32> to vector<1x16xf32>
    tpu.vector_store %arg7[%swap3A_7, %swap3A_8], %swap3A_11 {strides = array<i32>} : memref<16x128xf32, #tpu.memory_space<vmem>>, vector<1x16xf32>,
    %swap3A_12 = arith.constant 0 : i32
    %swap3A_13 = arith.index_cast %swap3A_12 : i32 to index
    %swap3A_14 = arith.constant 32 : index
    %swap3A_15 = tpu.vector_load %arg7[%swap3A_13, %swap3A_14] {strides = array<i32>} : memref<16x128xf32, #tpu.memory_space<vmem>>, vector<1x16xf32>,
    %swap3A_16 = vector.shape_cast %swap3A_15 : vector<1x16xf32> to vector<16xf32>
    %swap3A_17 = vector.shape_cast %broadcast_in_dim3A_0 : vector<16xf32> to vector<1x16xf32>
    tpu.vector_store %arg7[%swap3A_13, %swap3A_14], %swap3A_17 {strides = array<i32>} : memref<16x128xf32, #tpu.memory_space<vmem>>, vector<1x16xf32>,
    %swap3A_18 = arith.constant 0 : i32
    %swap3A_19 = arith.index_cast %swap3A_18 : i32 to index
    %swap3A_20 = arith.constant 48 : index
    %swap3A_21 = tpu.vector_load %arg7[%swap3A_19, %swap3A_20] {strides = array<i32>} : memref<16x128xf32, #tpu.memory_space<vmem>>, vector<1x16xf32>,
    %swap3A_22 = vector.shape_cast %swap3A_21 : vector<1x16xf32> to vector<16xf32>
    %swap3A_23 = vector.shape_cast %broadcast_in_dim3A_0 : vector<16xf32> to vector<1x16xf32>
    tpu.vector_store %arg7[%swap3A_19, %swap3A_20], %swap3A_23 {strides = array<i32>} : memref<16x128xf32, #tpu.memory_space<vmem>>, vector<1x16xf32>,
    %swap3A_24 = arith.constant 0 : i32
    %swap3A_25 = arith.index_cast %swap3A_24 : i32 to index
    %swap3A_26 = arith.constant 64 : index
    %swap3A_27 = tpu.vector_load %arg7[%swap3A_25, %swap3A_26] {strides = array<i32>} : memref<16x128xf32, #tpu.memory_space<vmem>>, vector<1x16xf32>,
    %swap3A_28 = vector.shape_cast %swap3A_27 : vector<1x16xf32> to vector<16xf32>
    %swap3A_29 = vector.shape_cast %broadcast_in_dim3A_0 : vector<16xf32> to vector<1x16xf32>
    tpu.vector_store %arg7[%swap3A_25, %swap3A_26], %swap3A_29 {strides = array<i32>} : memref<16x128xf32, #tpu.memory_space<vmem>>, vector<1x16xf32>,
    %swap3A_30 = arith.constant 0 : i32
    %swap3A_31 = arith.index_cast %swap3A_30 : i32 to index
    %swap3A_32 = arith.constant 80 : index
    %swap3A_33 = tpu.vector_load %arg7[%swap3A_31, %swap3A_32] {strides = array<i32>} : memref<16x128xf32, #tpu.memory_space<vmem>>, vector<1x16xf32>,
    %swap3A_34 = vector.shape_cast %swap3A_33 : vector<1x16xf32> to vector<16xf32>
    %swap3A_35 = vector.shape_cast %broadcast_in_dim3A_0 : vector<16xf32> to vector<1x16xf32>
    tpu.vector_store %arg7[%swap3A_31, %swap3A_32], %swap3A_35 {strides = array<i32>} : memref<16x128xf32, #tpu.memory_space<vmem>>, vector<1x16xf32>,
    %swap3A_36 = arith.constant 0 : i32
    %swap3A_37 = arith.index_cast %swap3A_36 : i32 to index
    %swap3A_38 = arith.constant 96 : index
    %swap3A_39 = tpu.vector_load %arg7[%swap3A_37, %swap3A_38] {strides = array<i32>} : memref<16x128xf32, #tpu.memory_space<vmem>>, vector<1x16xf32>,
    %swap3A_40 = vector.shape_cast %swap3A_39 : vector<1x16xf32> to vector<16xf32>
    %swap3A_41 = vector.shape_cast %broadcast_in_dim3A_0 : vector<16xf32> to vector<1x16xf32>
    tpu.vector_store %arg7[%swap3A_37, %swap3A_38], %swap3A_41 {strides = array<i32>} : memref<16x128xf32, #tpu.memory_space<vmem>>, vector<1x16xf32>,
    %swap3A_42 = arith.constant 0 : i32
    %swap3A_43 = arith.index_cast %swap3A_42 : i32 to index
    %swap3A_44 = arith.constant 112 : index
    %swap3A_45 = tpu.vector_load %arg7[%swap3A_43, %swap3A_44] {strides = array<i32>} : memref<16x128xf32, #tpu.memory_space<vmem>>, vector<1x16xf32>,
    %swap3A_46 = vector.shape_cast %swap3A_45 : vector<1x16xf32> to vector<16xf32>
    %swap3A_47 = vector.shape_cast %broadcast_in_dim3A_0 : vector<16xf32> to vector<1x16xf32>
    tpu.vector_store %arg7[%swap3A_43, %swap3A_44], %swap3A_47 {strides = array<i32>} : memref<16x128xf32, #tpu.memory_space<vmem>>, vector<1x16xf32>,
    %swap3A_48 = arith.constant 1 : i32
    %swap3A_49 = arith.index_cast %swap3A_48 : i32 to index
    %swap3A_50 = arith.constant 0 : index
    %swap3A_51 = tpu.vector_load %arg7[%swap3A_49, %swap3A_50] {strides = array<i32>} : memref<16x128xf32, #tpu.memory_space<vmem>>, vector<1x16xf32>,
    %swap3A_52 = vector.shape_cast %swap3A_51 : vector<1x16xf32> to vector<16xf32>
    %swap3A_53 = vector.shape_cast %broadcast_in_dim3A_0 : vector<16xf32> to vector<1x16xf32>
    tpu.vector_store %arg7[%swap3A_49, %swap3A_50], %swap3A_53 {strides = array<i32>} : memref<16x128xf32, #tpu.memory_space<vmem>>, vector<1x16xf32>,
    %swap3A_54 = arith.constant 1 : i32
    %swap3A_55 = arith.index_cast %swap3A_54 : i32 to index
    %swap3A_56 = arith.constant 16 : index
    %swap3A_57 = tpu.vector_load %arg7[%swap3A_55, %swap3A_56] {strides = array<i32>} : memref<16x128xf32, #tpu.memory_space<vmem>>, vector<1x16xf32>,
    %swap3A_58 = vector.shape_cast %swap3A_57 : vector<1x16xf32> to vector<16xf32>
    %swap3A_59 = vector.shape_cast %broadcast_in_dim3A_0 : vector<16xf32> to vector<1x16xf32>
    tpu.vector_store %arg7[%swap3A_55, %swap3A_56], %swap3A_59 {strides = array<i32>} : memref<16x128xf32, #tpu.memory_space<vmem>>, vector<1x16xf32>,
    %swap3A_60 = arith.constant 1 : i32
    %swap3A_61 = arith.index_cast %swap3A_60 : i32 to index
    %swap3A_62 = arith.constant 32 : index
    %swap3A_63 = tpu.vector_load %arg7[%swap3A_61, %swap3A_62] {strides = array<i32>} : memref<16x128xf32, #tpu.memory_space<vmem>>, vector<1x16xf32>,
    %swap3A_64 = vector.shape_cast %swap3A_63 : vector<1x16xf32> to vector<16xf32>
    %swap3A_65 = vector.shape_cast %broadcast_in_dim3A_0 : vector<16xf32> to vector<1x16xf32>
    tpu.vector_store %arg7[%swap3A_61, %swap3A_62], %swap3A_65 {strides = array<i32>} : memref<16x128xf32, #tpu.memory_space<vmem>>, vector<1x16xf32>,
    %swap3A_66 = arith.constant 1 : i32
    %swap3A_67 = arith.index_cast %swap3A_66 : i32 to index
    %swap3A_68 = arith.constant 48 : index
    %swap3A_69 = tpu.vector_load %arg7[%swap3A_67, %swap3A_68] {strides = array<i32>} : memref<16x128xf32, #tpu.memory_space<vmem>>, vector<1x16xf32>,
    %swap3A_70 = vector.shape_cast %swap3A_69 : vector<1x16xf32> to vector<16xf32>
    %swap3A_71 = vector.shape_cast %broadcast_in_dim3A_0 : vector<16xf32> to vector<1x16xf32>
    tpu.vector_store %arg7[%swap3A_67, %swap3A_68], %swap3A_71 {strides = array<i32>} : memref<16x128xf32, #tpu.memory_space<vmem>>, vector<1x16xf32>,
    %swap3A_72 = arith.constant 1 : i32
    %swap3A_73 = arith.index_cast %swap3A_72 : i32 to index
    %swap3A_74 = arith.constant 64 : index
    %swap3A_75 = tpu.vector_load %arg7[%swap3A_73, %swap3A_74] {strides = array<i32>} : memref<16x128xf32, #tpu.memory_space<vmem>>, vector<1x16xf32>,
    %swap3A_76 = vector.shape_cast %swap3A_75 : vector<1x16xf32> to vector<16xf32>
    %swap3A_77 = vector.shape_cast %broadcast_in_dim3A_0 : vector<16xf32> to vector<1x16xf32>
    tpu.vector_store %arg7[%swap3A_73, %swap3A_74], %swap3A_77 {strides = array<i32>} : memref<16x128xf32, #tpu.memory_space<vmem>>, vector<1x16xf32>,
    %swap3A_78 = arith.constant 1 : i32
    %swap3A_79 = arith.index_cast %swap3A_78 : i32 to index
    %swap3A_80 = arith.constant 80 : index
    %swap3A_81 = tpu.vector_load %arg7[%swap3A_79, %swap3A_80] {strides = array<i32>} : memref<16x128xf32, #tpu.memory_space<vmem>>, vector<1x16xf32>,
    %swap3A_82 = vector.shape_cast %swap3A_81 : vector<1x16xf32> to vector<16xf32>
    %swap3A_83 = vector.shape_cast %broadcast_in_dim3A_0 : vector<16xf32> to vector<1x16xf32>
    tpu.vector_store %arg7[%swap3A_79, %swap3A_80], %swap3A_83 {strides = array<i32>} : memref<16x128xf32, #tpu.memory_space<vmem>>, vector<1x16xf32>,
    %swap3A_84 = arith.constant 1 : i32
    %swap3A_85 = arith.index_cast %swap3A_84 : i32 to index
    %swap3A_86 = arith.constant 96 : index
    %swap3A_87 = tpu.vector_load %arg7[%swap3A_85, %swap3A_86] {strides = array<i32>} : memref<16x128xf32, #tpu.memory_space<vmem>>, vector<1x16xf32>,
    %swap3A_88 = vector.shape_cast %swap3A_87 : vector<1x16xf32> to vector<16xf32>
    %swap3A_89 = vector.shape_cast %broadcast_in_dim3A_0 : vector<16xf32> to vector<1x16xf32>
    tpu.vector_store %arg7[%swap3A_85, %swap3A_86], %swap3A_89 {strides = array<i32>} : memref<16x128xf32, #tpu.memory_space<vmem>>, vector<1x16xf32>,
    %swap3A_90 = arith.constant 1 : i32
    %swap3A_91 = arith.index_cast %swap3A_90 : i32 to index
    %swap3A_92 = arith.constant 112 : index
    %swap3A_93 = tpu.vector_load %arg7[%swap3A_91, %swap3A_92] {strides = array<i32>} : memref<16x128xf32, #tpu.memory_space<vmem>>, vector<1x16xf32>,
    %swap3A_94 = vector.shape_cast %swap3A_93 : vector<1x16xf32> to vector<16xf32>
    %swap3A_95 = vector.shape_cast %broadcast_in_dim3A_0 : vector<16xf32> to vector<1x16xf32>
    tpu.vector_store %arg7[%swap3A_91, %swap3A_92], %swap3A_95 {strides = array<i32>} : memref<16x128xf32, #tpu.memory_space<vmem>>, vector<1x16xf32>,
    %swap3A_96 = arith.constant 2 : i32
    %swap3A_97 = arith.index_cast %swap3A_96 : i32 to index
    %swap3A_98 = arith.constant 0 : index
    %swap3A_99 = tpu.vector_load %arg7[%swap3A_97, %swap3A_98] {strides = array<i32>} : memref<16x128xf32, #tpu.memory_space<vmem>>, vector<1x16xf32>,
    %swap3A_100 = vector.shape_cast %swap3A_99 : vector<1x16xf32> to vector<16xf32>
    %swap3A_101 = vector.shape_cast %broadcast_in_dim3A_0 : vector<16xf32> to vector<1x16xf32>
    tpu.vector_store %arg7[%swap3A_97, %swap3A_98], %swap3A_101 {strides = array<i32>} : memref<16x128xf32, #tpu.memory_space<vmem>>, vector<1x16xf32>,
    %swap3A_102 = arith.constant 2 : i32
    %swap3A_103 = arith.index_cast %swap3A_102 : i32 to index
    %swap3A_104 = arith.constant 16 : index
    %swap3A_105 = tpu.vector_load %arg7[%swap3A_103, %swap3A_104] {strides = array<i32>} : memref<16x128xf32, #tpu.memory_space<vmem>>, vector<1x16xf32>,
    %swap3A_106 = vector.shape_cast %swap3A_105 : vector<1x16xf32> to vector<16xf32>
    %swap3A_107 = vector.shape_cast %broadcast_in_dim3A_0 : vector<16xf32> to vector<1x16xf32>
    tpu.vector_store %arg7[%swap3A_103, %swap3A_104], %swap3A_107 {strides = array<i32>} : memref<16x128xf32, #tpu.memory_space<vmem>>, vector<1x16xf32>,
    %swap3A_108 = arith.constant 2 : i32
    %swap3A_109 = arith.index_cast %swap3A_108 : i32 to index
    %swap3A_110 = arith.constant 32 : index
    %swap3A_111 = tpu.vector_load %arg7[%swap3A_109, %swap3A_110] {strides = array<i32>} : memref<16x128xf32, #tpu.memory_space<vmem>>, vector<1x16xf32>,
    %swap3A_112 = vector.shape_cast %swap3A_111 : vector<1x16xf32> to vector<16xf32>
    %swap3A_113 = vector.shape_cast %broadcast_in_dim3A_0 : vector<16xf32> to vector<1x16xf32>
    tpu.vector_store %arg7[%swap3A_109, %swap3A_110], %swap3A_113 {strides = array<i32>} : memref<16x128xf32, #tpu.memory_space<vmem>>, vector<1x16xf32>,
    %swap3A_114 = arith.constant 2 : i32
    %swap3A_115 = arith.index_cast %swap3A_114 : i32 to index
    %swap3A_116 = arith.constant 48 : index
    %swap3A_117 = tpu.vector_load %arg7[%swap3A_115, %swap3A_116] {strides = array<i32>} : memref<16x128xf32, #tpu.memory_space<vmem>>, vector<1x16xf32>,
    %swap3A_118 = vector.shape_cast %swap3A_117 : vector<1x16xf32> to vector<16xf32>
    %swap3A_119 = vector.shape_cast %broadcast_in_dim3A_0 : vector<16xf32> to vector<1x16xf32>
    tpu.vector_store %arg7[%swap3A_115, %swap3A_116], %swap3A_119 {strides = array<i32>} : memref<16x128xf32, #tpu.memory_space<vmem>>, vector<1x16xf32>,
    %swap3A_120 = arith.constant 2 : i32
    %swap3A_121 = arith.index_cast %swap3A_120 : i32 to index
    %swap3A_122 = arith.constant 64 : index
    %swap3A_123 = tpu.vector_load %arg7[%swap3A_121, %swap3A_122] {strides = array<i32>} : memref<16x128xf32, #tpu.memory_space<vmem>>, vector<1x16xf32>,
    %swap3A_124 = vector.shape_cast %swap3A_123 : vector<1x16xf32> to vector<16xf32>
    %swap3A_125 = vector.shape_cast %broadcast_in_dim3A_0 : vector<16xf32> to vector<1x16xf32>
    tpu.vector_store %arg7[%swap3A_121, %swap3A_122], %swap3A_125 {strides = array<i32>} : memref<16x128xf32, #tpu.memory_space<vmem>>, vector<1x16xf32>,
    %swap3A_126 = arith.constant 2 : i32
    %swap3A_127 = arith.index_cast %swap3A_126 : i32 to index
    %swap3A_128 = arith.constant 80 : index
    %swap3A_129 = tpu.vector_load %arg7[%swap3A_127, %swap3A_128] {strides = array<i32>} : memref<16x128xf32, #tpu.memory_space<vmem>>, vector<1x16xf32>,
    %swap3A_130 = vector.shape_cast %swap3A_129 : vector<1x16xf32> to vector<16xf32>
    %swap3A_131 = vector.shape_cast %broadcast_in_dim3A_0 : vector<16xf32> to vector<1x16xf32>
    tpu.vector_store %arg7[%swap3A_127, %swap3A_128], %swap3A_131 {strides = array<i32>} : memref<16x128xf32, #tpu.memory_space<vmem>>, vector<1x16xf32>,
    %swap3A_132 = arith.constant 2 : i32
    %swap3A_133 = arith.index_cast %swap3A_132 : i32 to index
    %swap3A_134 = arith.constant 96 : index
    %swap3A_135 = tpu.vector_load %arg7[%swap3A_133, %swap3A_134] {strides = array<i32>} : memref<16x128xf32, #tpu.memory_space<vmem>>, vector<1x16xf32>,
    %swap3A_136 = vector.shape_cast %swap3A_135 : vector<1x16xf32> to vector<16xf32>
    %swap3A_137 = vector.shape_cast %broadcast_in_dim3A_0 : vector<16xf32> to vector<1x16xf32>
    tpu.vector_store %arg7[%swap3A_133, %swap3A_134], %swap3A_137 {strides = array<i32>} : memref<16x128xf32, #tpu.memory_space<vmem>>, vector<1x16xf32>,
    %swap3A_138 = arith.constant 2 : i32
    %swap3A_139 = arith.index_cast %swap3A_138 : i32 to index
    %swap3A_140 = arith.constant 112 : index
    %swap3A_141 = tpu.vector_load %arg7[%swap3A_139, %swap3A_140] {strides = array<i32>} : memref<16x128xf32, #tpu.memory_space<vmem>>, vector<1x16xf32>,
    %swap3A_142 = vector.shape_cast %swap3A_141 : vector<1x16xf32> to vector<16xf32>
    %swap3A_143 = vector.shape_cast %broadcast_in_dim3A_0 : vector<16xf32> to vector<1x16xf32>
    tpu.vector_store %arg7[%swap3A_139, %swap3A_140], %swap3A_143 {strides = array<i32>} : memref<16x128xf32, #tpu.memory_space<vmem>>, vector<1x16xf32>,
    %swap3A_144 = arith.constant 3 : i32
    %swap3A_145 = arith.index_cast %swap3A_144 : i32 to index
    %swap3A_146 = arith.constant 0 : index
    %swap3A_147 = tpu.vector_load %arg7[%swap3A_145, %swap3A_146] {strides = array<i32>} : memref<16x128xf32, #tpu.memory_space<vmem>>, vector<1x16xf32>,
    %swap3A_148 = vector.shape_cast %swap3A_147 : vector<1x16xf32> to vector<16xf32>
    %swap3A_149 = vector.shape_cast %broadcast_in_dim3A_0 : vector<16xf32> to vector<1x16xf32>
    tpu.vector_store %arg7[%swap3A_145, %swap3A_146], %swap3A_149 {strides = array<i32>} : memref<16x128xf32, #tpu.memory_space<vmem>>, vector<1x16xf32>,
    %swap3A_150 = arith.constant 3 : i32
    %swap3A_151 = arith.index_cast %swap3A_150 : i32 to index
    %swap3A_152 = arith.constant 16 : index
    %swap3A_153 = tpu.vector_load %arg7[%swap3A_151, %swap3A_152] {strides = array<i32>} : memref<16x128xf32, #tpu.memory_space<vmem>>, vector<1x16xf32>,
    %swap3A_154 = vector.shape_cast %swap3A_153 : vector<1x16xf32> to vector<16xf32>
    %swap3A_155 = vector.shape_cast %broadcast_in_dim3A_0 : vector<16xf32> to vector<1x16xf32>
    tpu.vector_store %arg7[%swap3A_151, %swap3A_152], %swap3A_155 {strides = array<i32>} : memref<16x128xf32, #tpu.memory_space<vmem>>, vector<1x16xf32>,
    %swap3A_156 = arith.constant 3 : i32
    %swap3A_157 = arith.index_cast %swap3A_156 : i32 to index
    %swap3A_158 = arith.constant 32 : index
    %swap3A_159 = tpu.vector_load %arg7[%swap3A_157, %swap3A_158] {strides = array<i32>} : memref<16x128xf32, #tpu.memory_space<vmem>>, vector<1x16xf32>,
    %swap3A_160 = vector.shape_cast %swap3A_159 : vector<1x16xf32> to vector<16xf32>
    %swap3A_161 = vector.shape_cast %broadcast_in_dim3A_0 : vector<16xf32> to vector<1x16xf32>
    tpu.vector_store %arg7[%swap3A_157, %swap3A_158], %swap3A_161 {strides = array<i32>} : memref<16x128xf32, #tpu.memory_space<vmem>>, vector<1x16xf32>,
    %swap3A_162 = arith.constant 3 : i32
    %swap3A_163 = arith.index_cast %swap3A_162 : i32 to index
    %swap3A_164 = arith.constant 48 : index
    %swap3A_165 = tpu.vector_load %arg7[%swap3A_163, %swap3A_164] {strides = array<i32>} : memref<16x128xf32, #tpu.memory_space<vmem>>, vector<1x16xf32>,
    %swap3A_166 = vector.shape_cast %swap3A_165 : vector<1x16xf32> to vector<16xf32>
    %swap3A_167 = vector.shape_cast %broadcast_in_dim3A_0 : vector<16xf32> to vector<1x16xf32>
    tpu.vector_store %arg7[%swap3A_163, %swap3A_164], %swap3A_167 {strides = array<i32>} : memref<16x128xf32, #tpu.memory_space<vmem>>, vector<1x16xf32>,
    %swap3A_168 = arith.constant 3 : i32
    %swap3A_169 = arith.index_cast %swap3A_168 : i32 to index
    %swap3A_170 = arith.constant 64 : index
    %swap3A_171 = tpu.vector_load %arg7[%swap3A_169, %swap3A_170] {strides = array<i32>} : memref<16x128xf32, #tpu.memory_space<vmem>>, vector<1x16xf32>,
    %swap3A_172 = vector.shape_cast %swap3A_171 : vector<1x16xf32> to vector<16xf32>
    %swap3A_173 = vector.shape_cast %broadcast_in_dim3A_0 : vector<16xf32> to vector<1x16xf32>
    tpu.vector_store %arg7[%swap3A_169, %swap3A_170], %swap3A_173 {strides = array<i32>} : memref<16x128xf32, #tpu.memory_space<vmem>>, vector<1x16xf32>,
    %swap3A_174 = arith.constant 3 : i32
    %swap3A_175 = arith.index_cast %swap3A_174 : i32 to index
    %swap3A_176 = arith.constant 80 : index
    %swap3A_177 = tpu.vector_load %arg7[%swap3A_175, %swap3A_176] {strides = array<i32>} : memref<16x128xf32, #tpu.memory_space<vmem>>, vector<1x16xf32>,
    %swap3A_178 = vector.shape_cast %swap3A_177 : vector<1x16xf32> to vector<16xf32>
    %swap3A_179 = vector.shape_cast %broadcast_in_dim3A_0 : vector<16xf32> to vector<1x16xf32>
    tpu.vector_store %arg7[%swap3A_175, %swap3A_176], %swap3A_179 {strides = array<i32>} : memref<16x128xf32, #tpu.memory_space<vmem>>, vector<1x16xf32>,
    %swap3A_180 = arith.constant 3 : i32
    %swap3A_181 = arith.index_cast %swap3A_180 : i32 to index
    %swap3A_182 = arith.constant 96 : index
    %swap3A_183 = tpu.vector_load %arg7[%swap3A_181, %swap3A_182] {strides = array<i32>} : memref<16x128xf32, #tpu.memory_space<vmem>>, vector<1x16xf32>,
    %swap3A_184 = vector.shape_cast %swap3A_183 : vector<1x16xf32> to vector<16xf32>
    %swap3A_185 = vector.shape_cast %broadcast_in_dim3A_0 : vector<16xf32> to vector<1x16xf32>
    tpu.vector_store %arg7[%swap3A_181, %swap3A_182], %swap3A_185 {strides = array<i32>} : memref<16x128xf32, #tpu.memory_space<vmem>>, vector<1x16xf32>,
    %swap3A_186 = arith.constant 3 : i32
    %swap3A_187 = arith.index_cast %swap3A_186 : i32 to index
    %swap3A_188 = arith.constant 112 : index
    %swap3A_189 = tpu.vector_load %arg7[%swap3A_187, %swap3A_188] {strides = array<i32>} : memref<16x128xf32, #tpu.memory_space<vmem>>, vector<1x16xf32>,
    %swap3A_190 = vector.shape_cast %swap3A_189 : vector<1x16xf32> to vector<16xf32>
    %swap3A_191 = vector.shape_cast %broadcast_in_dim3A_0 : vector<16xf32> to vector<1x16xf32>
    tpu.vector_store %arg7[%swap3A_187, %swap3A_188], %swap3A_191 {strides = array<i32>} : memref<16x128xf32, #tpu.memory_space<vmem>>, vector<1x16xf32>,
    %swap3A_192 = arith.constant 4 : i32
    %swap3A_193 = arith.index_cast %swap3A_192 : i32 to index
    %swap3A_194 = arith.constant 0 : index
    %swap3A_195 = tpu.vector_load %arg7[%swap3A_193, %swap3A_194] {strides = array<i32>} : memref<16x128xf32, #tpu.memory_space<vmem>>, vector<1x16xf32>,
    %swap3A_196 = vector.shape_cast %swap3A_195 : vector<1x16xf32> to vector<16xf32>
    %swap3A_197 = vector.shape_cast %broadcast_in_dim3A_0 : vector<16xf32> to vector<1x16xf32>
    tpu.vector_store %arg7[%swap3A_193, %swap3A_194], %swap3A_197 {strides = array<i32>} : memref<16x128xf32, #tpu.memory_space<vmem>>, vector<1x16xf32>,
    %swap3A_198 = arith.constant 4 : i32
    %swap3A_199 = arith.index_cast %swap3A_198 : i32 to index
    %swap3A_200 = arith.constant 16 : index
    %swap3A_201 = tpu.vector_load %arg7[%swap3A_199, %swap3A_200] {strides = array<i32>} : memref<16x128xf32, #tpu.memory_space<vmem>>, vector<1x16xf32>,
    %swap3A_202 = vector.shape_cast %swap3A_201 : vector<1x16xf32> to vector<16xf32>
    %swap3A_203 = vector.shape_cast %broadcast_in_dim3A_0 : vector<16xf32> to vector<1x16xf32>
    tpu.vector_store %arg7[%swap3A_199, %swap3A_200], %swap3A_203 {strides = array<i32>} : memref<16x128xf32, #tpu.memory_space<vmem>>, vector<1x16xf32>,
    %swap3A_204 = arith.constant 4 : i32
    %swap3A_205 = arith.index_cast %swap3A_204 : i32 to index
    %swap3A_206 = arith.constant 32 : index
    %swap3A_207 = tpu.vector_load %arg7[%swap3A_205, %swap3A_206] {strides = array<i32>} : memref<16x128xf32, #tpu.memory_space<vmem>>, vector<1x16xf32>,
    %swap3A_208 = vector.shape_cast %swap3A_207 : vector<1x16xf32> to vector<16xf32>
    %swap3A_209 = vector.shape_cast %broadcast_in_dim3A_0 : vector<16xf32> to vector<1x16xf32>
    tpu.vector_store %arg7[%swap3A_205, %swap3A_206], %swap3A_209 {strides = array<i32>} : memref<16x128xf32, #tpu.memory_space<vmem>>, vector<1x16xf32>,
    %swap3A_210 = arith.constant 4 : i32
    %swap3A_211 = arith.index_cast %swap3A_210 : i32 to index
    %swap3A_212 = arith.constant 48 : index
    %swap3A_213 = tpu.vector_load %arg7[%swap3A_211, %swap3A_212] {strides = array<i32>} : memref<16x128xf32, #tpu.memory_space<vmem>>, vector<1x16xf32>,
    %swap3A_214 = vector.shape_cast %swap3A_213 : vector<1x16xf32> to vector<16xf32>
    %swap3A_215 = vector.shape_cast %broadcast_in_dim3A_0 : vector<16xf32> to vector<1x16xf32>
    tpu.vector_store %arg7[%swap3A_211, %swap3A_212], %swap3A_215 {strides = array<i32>} : memref<16x128xf32, #tpu.memory_space<vmem>>, vector<1x16xf32>,
    %swap3A_216 = arith.constant 4 : i32
    %swap3A_217 = arith.index_cast %swap3A_216 : i32 to index
    %swap3A_218 = arith.constant 64 : index
    %swap3A_219 = tpu.vector_load %arg7[%swap3A_217, %swap3A_218] {strides = array<i32>} : memref<16x128xf32, #tpu.memory_space<vmem>>, vector<1x16xf32>,
    %swap3A_220 = vector.shape_cast %swap3A_219 : vector<1x16xf32> to vector<16xf32>
    %swap3A_221 = vector.shape_cast %broadcast_in_dim3A_0 : vector<16xf32> to vector<1x16xf32>
    tpu.vector_store %arg7[%swap3A_217, %swap3A_218], %swap3A_221 {strides = array<i32>} : memref<16x128xf32, #tpu.memory_space<vmem>>, vector<1x16xf32>,
    %swap3A_222 = arith.constant 4 : i32
    %swap3A_223 = arith.index_cast %swap3A_222 : i32 to index
    %swap3A_224 = arith.constant 80 : index
    %swap3A_225 = tpu.vector_load %arg7[%swap3A_223, %swap3A_224] {strides = array<i32>} : memref<16x128xf32, #tpu.memory_space<vmem>>, vector<1x16xf32>,
    %swap3A_226 = vector.shape_cast %swap3A_225 : vector<1x16xf32> to vector<16xf32>
    %swap3A_227 = vector.shape_cast %broadcast_in_dim3A_0 : vector<16xf32> to vector<1x16xf32>
    tpu.vector_store %arg7[%swap3A_223, %swap3A_224], %swap3A_227 {strides = array<i32>} : memref<16x128xf32, #tpu.memory_space<vmem>>, vector<1x16xf32>,
    %swap3A_228 = arith.constant 4 : i32
    %swap3A_229 = arith.index_cast %swap3A_228 : i32 to index
    %swap3A_230 = arith.constant 96 : index
    %swap3A_231 = tpu.vector_load %arg7[%swap3A_229, %swap3A_230] {strides = array<i32>} : memref<16x128xf32, #tpu.memory_space<vmem>>, vector<1x16xf32>,
    %swap3A_232 = vector.shape_cast %swap3A_231 : vector<1x16xf32> to vector<16xf32>
    %swap3A_233 = vector.shape_cast %broadcast_in_dim3A_0 : vector<16xf32> to vector<1x16xf32>
    tpu.vector_store %arg7[%swap3A_229, %swap3A_230], %swap3A_233 {strides = array<i32>} : memref<16x128xf32, #tpu.memory_space<vmem>>, vector<1x16xf32>,
    %swap3A_234 = arith.constant 4 : i32
    %swap3A_235 = arith.index_cast %swap3A_234 : i32 to index
    %swap3A_236 = arith.constant 112 : index
    %swap3A_237 = tpu.vector_load %arg7[%swap3A_235, %swap3A_236] {strides = array<i32>} : memref<16x128xf32, #tpu.memory_space<vmem>>, vector<1x16xf32>,
    %swap3A_238 = vector.shape_cast %swap3A_237 : vector<1x16xf32> to vector<16xf32>
    %swap3A_239 = vector.shape_cast %broadcast_in_dim3A_0 : vector<16xf32> to vector<1x16xf32>
    tpu.vector_store %arg7[%swap3A_235, %swap3A_236], %swap3A_239 {strides = array<i32>} : memref<16x128xf32, #tpu.memory_space<vmem>>, vector<1x16xf32>,
    %swap3A_240 = arith.constant 5 : i32
    %swap3A_241 = arith.index_cast %swap3A_240 : i32 to index
    %swap3A_242 = arith.constant 0 : index
    %swap3A_243 = tpu.vector_load %arg7[%swap3A_241, %swap3A_242] {strides = array<i32>} : memref<16x128xf32, #tpu.memory_space<vmem>>, vector<1x16xf32>,
    %swap3A_244 = vector.shape_cast %swap3A_243 : vector<1x16xf32> to vector<16xf32>
    %swap3A_245 = vector.shape_cast %broadcast_in_dim3A_0 : vector<16xf32> to vector<1x16xf32>
    tpu.vector_store %arg7[%swap3A_241, %swap3A_242], %swap3A_245 {strides = array<i32>} : memref<16x128xf32, #tpu.memory_space<vmem>>, vector<1x16xf32>,
    %swap3A_246 = arith.constant 5 : i32
    %swap3A_247 = arith.index_cast %swap3A_246 : i32 to index
    %swap3A_248 = arith.constant 16 : index
    %swap3A_249 = tpu.vector_load %arg7[%swap3A_247, %swap3A_248] {strides = array<i32>} : memref<16x128xf32, #tpu.memory_space<vmem>>, vector<1x16xf32>,
    %swap3A_250 = vector.shape_cast %swap3A_249 : vector<1x16xf32> to vector<16xf32>
    %swap3A_251 = vector.shape_cast %broadcast_in_dim3A_0 : vector<16xf32> to vector<1x16xf32>
    tpu.vector_store %arg7[%swap3A_247, %swap3A_248], %swap3A_251 {strides = array<i32>} : memref<16x128xf32, #tpu.memory_space<vmem>>, vector<1x16xf32>,
    %swap3A_252 = arith.constant 5 : i32
    %swap3A_253 = arith.index_cast %swap3A_252 : i32 to index
    %swap3A_254 = arith.constant 32 : index
    %swap3A_255 = tpu.vector_load %arg7[%swap3A_253, %swap3A_254] {strides = array<i32>} : memref<16x128xf32, #tpu.memory_space<vmem>>, vector<1x16xf32>,
    %swap3A_256 = vector.shape_cast %swap3A_255 : vector<1x16xf32> to vector<16xf32>
    %swap3A_257 = vector.shape_cast %broadcast_in_dim3A_0 : vector<16xf32> to vector<1x16xf32>
    tpu.vector_store %arg7[%swap3A_253, %swap3A_254], %swap3A_257 {strides = array<i32>} : memref<16x128xf32, #tpu.memory_space<vmem>>, vector<1x16xf32>,
    %swap3A_258 = arith.constant 5 : i32
    %swap3A_259 = arith.index_cast %swap3A_258 : i32 to index
    %swap3A_260 = arith.constant 48 : index
    %swap3A_261 = tpu.vector_load %arg7[%swap3A_259, %swap3A_260] {strides = array<i32>} : memref<16x128xf32, #tpu.memory_space<vmem>>, vector<1x16xf32>,
    %swap3A_262 = vector.shape_cast %swap3A_261 : vector<1x16xf32> to vector<16xf32>
    %swap3A_263 = vector.shape_cast %broadcast_in_dim3A_0 : vector<16xf32> to vector<1x16xf32>
    tpu.vector_store %arg7[%swap3A_259, %swap3A_260], %swap3A_263 {strides = array<i32>} : memref<16x128xf32, #tpu.memory_space<vmem>>, vector<1x16xf32>,
    %swap3A_264 = arith.constant 5 : i32
    %swap3A_265 = arith.index_cast %swap3A_264 : i32 to index
    %swap3A_266 = arith.constant 64 : index
    %swap3A_267 = tpu.vector_load %arg7[%swap3A_265, %swap3A_266] {strides = array<i32>} : memref<16x128xf32, #tpu.memory_space<vmem>>, vector<1x16xf32>,
    %swap3A_268 = vector.shape_cast %swap3A_267 : vector<1x16xf32> to vector<16xf32>
    %swap3A_269 = vector.shape_cast %broadcast_in_dim3A_0 : vector<16xf32> to vector<1x16xf32>
    tpu.vector_store %arg7[%swap3A_265, %swap3A_266], %swap3A_269 {strides = array<i32>} : memref<16x128xf32, #tpu.memory_space<vmem>>, vector<1x16xf32>,
    %swap3A_270 = arith.constant 5 : i32
    %swap3A_271 = arith.index_cast %swap3A_270 : i32 to index
    %swap3A_272 = arith.constant 80 : index
    %swap3A_273 = tpu.vector_load %arg7[%swap3A_271, %swap3A_272] {strides = array<i32>} : memref<16x128xf32, #tpu.memory_space<vmem>>, vector<1x16xf32>,
    %swap3A_274 = vector.shape_cast %swap3A_273 : vector<1x16xf32> to vector<16xf32>
    %swap3A_275 = vector.shape_cast %broadcast_in_dim3A_0 : vector<16xf32> to vector<1x16xf32>
    tpu.vector_store %arg7[%swap3A_271, %swap3A_272], %swap3A_275 {strides = array<i32>} : memref<16x128xf32, #tpu.memory_space<vmem>>, vector<1x16xf32>,
    %swap3A_276 = arith.constant 5 : i32
    %swap3A_277 = arith.index_cast %swap3A_276 : i32 to index
    %swap3A_278 = arith.constant 96 : index
    %swap3A_279 = tpu.vector_load %arg7[%swap3A_277, %swap3A_278] {strides = array<i32>} : memref<16x128xf32, #tpu.memory_space<vmem>>, vector<1x16xf32>,
    %swap3A_280 = vector.shape_cast %swap3A_279 : vector<1x16xf32> to vector<16xf32>
    %swap3A_281 = vector.shape_cast %broadcast_in_dim3A_0 : vector<16xf32> to vector<1x16xf32>
    tpu.vector_store %arg7[%swap3A_277, %swap3A_278], %swap3A_281 {strides = array<i32>} : memref<16x128xf32, #tpu.memory_space<vmem>>, vector<1x16xf32>,
    %swap3A_282 = arith.constant 5 : i32
    %swap3A_283 = arith.index_cast %swap3A_282 : i32 to index
    %swap3A_284 = arith.constant 112 : index
    %swap3A_285 = tpu.vector_load %arg7[%swap3A_283, %swap3A_284] {strides = array<i32>} : memref<16x128xf32, #tpu.memory_space<vmem>>, vector<1x16xf32>,
    %swap3A_286 = vector.shape_cast %swap3A_285 : vector<1x16xf32> to vector<16xf32>
    %swap3A_287 = vector.shape_cast %broadcast_in_dim3A_0 : vector<16xf32> to vector<1x16xf32>
    tpu.vector_store %arg7[%swap3A_283, %swap3A_284], %swap3A_287 {strides = array<i32>} : memref<16x128xf32, #tpu.memory_space<vmem>>, vector<1x16xf32>,
    %swap3A_288 = arith.constant 6 : i32
    %swap3A_289 = arith.index_cast %swap3A_288 : i32 to index
    %swap3A_290 = arith.constant 0 : index
    %swap3A_291 = tpu.vector_load %arg7[%swap3A_289, %swap3A_290] {strides = array<i32>} : memref<16x128xf32, #tpu.memory_space<vmem>>, vector<1x16xf32>,
    %swap3A_292 = vector.shape_cast %swap3A_291 : vector<1x16xf32> to vector<16xf32>
    %swap3A_293 = vector.shape_cast %broadcast_in_dim3A_0 : vector<16xf32> to vector<1x16xf32>
    tpu.vector_store %arg7[%swap3A_289, %swap3A_290], %swap3A_293 {strides = array<i32>} : memref<16x128xf32, #tpu.memory_space<vmem>>, vector<1x16xf32>,
    %swap3A_294 = arith.constant 6 : i32
    %swap3A_295 = arith.index_cast %swap3A_294 : i32 to index
    %swap3A_296 = arith.constant 16 : index
    %swap3A_297 = tpu.vector_load %arg7[%swap3A_295, %swap3A_296] {strides = array<i32>} : memref<16x128xf32, #tpu.memory_space<vmem>>, vector<1x16xf32>,
    %swap3A_298 = vector.shape_cast %swap3A_297 : vector<1x16xf32> to vector<16xf32>
    %swap3A_299 = vector.shape_cast %broadcast_in_dim3A_0 : vector<16xf32> to vector<1x16xf32>
    tpu.vector_store %arg7[%swap3A_295, %swap3A_296], %swap3A_299 {strides = array<i32>} : memref<16x128xf32, #tpu.memory_space<vmem>>, vector<1x16xf32>,
    %swap3A_300 = arith.constant 6 : i32
    %swap3A_301 = arith.index_cast %swap3A_300 : i32 to index
    %swap3A_302 = arith.constant 32 : index
    %swap3A_303 = tpu.vector_load %arg7[%swap3A_301, %swap3A_302] {strides = array<i32>} : memref<16x128xf32, #tpu.memory_space<vmem>>, vector<1x16xf32>,
    %swap3A_304 = vector.shape_cast %swap3A_303 : vector<1x16xf32> to vector<16xf32>
    %swap3A_305 = vector.shape_cast %broadcast_in_dim3A_0 : vector<16xf32> to vector<1x16xf32>
    tpu.vector_store %arg7[%swap3A_301, %swap3A_302], %swap3A_305 {strides = array<i32>} : memref<16x128xf32, #tpu.memory_space<vmem>>, vector<1x16xf32>,
    %swap3A_306 = arith.constant 6 : i32
    %swap3A_307 = arith.index_cast %swap3A_306 : i32 to index
    %swap3A_308 = arith.constant 48 : index
    %swap3A_309 = tpu.vector_load %arg7[%swap3A_307, %swap3A_308] {strides = array<i32>} : memref<16x128xf32, #tpu.memory_space<vmem>>, vector<1x16xf32>,
    %swap3A_310 = vector.shape_cast %swap3A_309 : vector<1x16xf32> to vector<16xf32>
    %swap3A_311 = vector.shape_cast %broadcast_in_dim3A_0 : vector<16xf32> to vector<1x16xf32>
    tpu.vector_store %arg7[%swap3A_307, %swap3A_308], %swap3A_311 {strides = array<i32>} : memref<16x128xf32, #tpu.memory_space<vmem>>, vector<1x16xf32>,
    %swap3A_312 = arith.constant 6 : i32
    %swap3A_313 = arith.index_cast %swap3A_312 : i32 to index
    %swap3A_314 = arith.constant 64 : index
    %swap3A_315 = tpu.vector_load %arg7[%swap3A_313, %swap3A_314] {strides = array<i32>} : memref<16x128xf32, #tpu.memory_space<vmem>>, vector<1x16xf32>,
    %swap3A_316 = vector.shape_cast %swap3A_315 : vector<1x16xf32> to vector<16xf32>
    %swap3A_317 = vector.shape_cast %broadcast_in_dim3A_0 : vector<16xf32> to vector<1x16xf32>
    tpu.vector_store %arg7[%swap3A_313, %swap3A_314], %swap3A_317 {strides = array<i32>} : memref<16x128xf32, #tpu.memory_space<vmem>>, vector<1x16xf32>,
    %swap3A_318 = arith.constant 6 : i32
    %swap3A_319 = arith.index_cast %swap3A_318 : i32 to index
    %swap3A_320 = arith.constant 80 : index
    %swap3A_321 = tpu.vector_load %arg7[%swap3A_319, %swap3A_320] {strides = array<i32>} : memref<16x128xf32, #tpu.memory_space<vmem>>, vector<1x16xf32>,
    %swap3A_322 = vector.shape_cast %swap3A_321 : vector<1x16xf32> to vector<16xf32>
    %swap3A_323 = vector.shape_cast %broadcast_in_dim3A_0 : vector<16xf32> to vector<1x16xf32>
    tpu.vector_store %arg7[%swap3A_319, %swap3A_320], %swap3A_323 {strides = array<i32>} : memref<16x128xf32, #tpu.memory_space<vmem>>, vector<1x16xf32>,
    %swap3A_324 = arith.constant 6 : i32
    %swap3A_325 = arith.index_cast %swap3A_324 : i32 to index
    %swap3A_326 = arith.constant 96 : index
    %swap3A_327 = tpu.vector_load %arg7[%swap3A_325, %swap3A_326] {strides = array<i32>} : memref<16x128xf32, #tpu.memory_space<vmem>>, vector<1x16xf32>,
    %swap3A_328 = vector.shape_cast %swap3A_327 : vector<1x16xf32> to vector<16xf32>
    %swap3A_329 = vector.shape_cast %broadcast_in_dim3A_0 : vector<16xf32> to vector<1x16xf32>
    tpu.vector_store %arg7[%swap3A_325, %swap3A_326], %swap3A_329 {strides = array<i32>} : memref<16x128xf32, #tpu.memory_space<vmem>>, vector<1x16xf32>,
    %swap3A_330 = arith.constant 6 : i32
    %swap3A_331 = arith.index_cast %swap3A_330 : i32 to index
    %swap3A_332 = arith.constant 112 : index
    %swap3A_333 = tpu.vector_load %arg7[%swap3A_331, %swap3A_332] {strides = array<i32>} : memref<16x128xf32, #tpu.memory_space<vmem>>, vector<1x16xf32>,
    %swap3A_334 = vector.shape_cast %swap3A_333 : vector<1x16xf32> to vector<16xf32>
    %swap3A_335 = vector.shape_cast %broadcast_in_dim3A_0 : vector<16xf32> to vector<1x16xf32>
    tpu.vector_store %arg7[%swap3A_331, %swap3A_332], %swap3A_335 {strides = array<i32>} : memref<16x128xf32, #tpu.memory_space<vmem>>, vector<1x16xf32>,
    %swap3A_336 = arith.constant 7 : i32
    %swap3A_337 = arith.index_cast %swap3A_336 : i32 to index
    %swap3A_338 = arith.constant 0 : index
    %swap3A_339 = tpu.vector_load %arg7[%swap3A_337, %swap3A_338] {strides = array<i32>} : memref<16x128xf32, #tpu.memory_space<vmem>>, vector<1x16xf32>,
    %swap3A_340 = vector.shape_cast %swap3A_339 : vector<1x16xf32> to vector<16xf32>
    %swap3A_341 = vector.shape_cast %broadcast_in_dim3A_0 : vector<16xf32> to vector<1x16xf32>
    tpu.vector_store %arg7[%swap3A_337, %swap3A_338], %swap3A_341 {strides = array<i32>} : memref<16x128xf32, #tpu.memory_space<vmem>>, vector<1x16xf32>,
    %swap3A_342 = arith.constant 7 : i32
    %swap3A_343 = arith.index_cast %swap3A_342 : i32 to index
    %swap3A_344 = arith.constant 16 : index
    %swap3A_345 = tpu.vector_load %arg7[%swap3A_343, %swap3A_344] {strides = array<i32>} : memref<16x128xf32, #tpu.memory_space<vmem>>, vector<1x16xf32>,
    %swap3A_346 = vector.shape_cast %swap3A_345 : vector<1x16xf32> to vector<16xf32>
    %swap3A_347 = vector.shape_cast %broadcast_in_dim3A_0 : vector<16xf32> to vector<1x16xf32>
    tpu.vector_store %arg7[%swap3A_343, %swap3A_344], %swap3A_347 {strides = array<i32>} : memref<16x128xf32, #tpu.memory_space<vmem>>, vector<1x16xf32>,
    %swap3A_348 = arith.constant 7 : i32
    %swap3A_349 = arith.index_cast %swap3A_348 : i32 to index
    %swap3A_350 = arith.constant 32 : index
    %swap3A_351 = tpu.vector_load %arg7[%swap3A_349, %swap3A_350] {strides = array<i32>} : memref<16x128xf32, #tpu.memory_space<vmem>>, vector<1x16xf32>,
    %swap3A_352 = vector.shape_cast %swap3A_351 : vector<1x16xf32> to vector<16xf32>
    %swap3A_353 = vector.shape_cast %broadcast_in_dim3A_0 : vector<16xf32> to vector<1x16xf32>
    tpu.vector_store %arg7[%swap3A_349, %swap3A_350], %swap3A_353 {strides = array<i32>} : memref<16x128xf32, #tpu.memory_space<vmem>>, vector<1x16xf32>,
    %swap3A_354 = arith.constant 7 : i32
    %swap3A_355 = arith.index_cast %swap3A_354 : i32 to index
    %swap3A_356 = arith.constant 48 : index
    %swap3A_357 = tpu.vector_load %arg7[%swap3A_355, %swap3A_356] {strides = array<i32>} : memref<16x128xf32, #tpu.memory_space<vmem>>, vector<1x16xf32>,
    %swap3A_358 = vector.shape_cast %swap3A_357 : vector<1x16xf32> to vector<16xf32>
    %swap3A_359 = vector.shape_cast %broadcast_in_dim3A_0 : vector<16xf32> to vector<1x16xf32>
    tpu.vector_store %arg7[%swap3A_355, %swap3A_356], %swap3A_359 {strides = array<i32>} : memref<16x128xf32, #tpu.memory_space<vmem>>, vector<1x16xf32>,
    %swap3A_360 = arith.constant 7 : i32
    %swap3A_361 = arith.index_cast %swap3A_360 : i32 to index
    %swap3A_362 = arith.constant 64 : index
    %swap3A_363 = tpu.vector_load %arg7[%swap3A_361, %swap3A_362] {strides = array<i32>} : memref<16x128xf32, #tpu.memory_space<vmem>>, vector<1x16xf32>,
    %swap3A_364 = vector.shape_cast %swap3A_363 : vector<1x16xf32> to vector<16xf32>
    %swap3A_365 = vector.shape_cast %broadcast_in_dim3A_0 : vector<16xf32> to vector<1x16xf32>
    tpu.vector_store %arg7[%swap3A_361, %swap3A_362], %swap3A_365 {strides = array<i32>} : memref<16x128xf32, #tpu.memory_space<vmem>>, vector<1x16xf32>,
    %swap3A_366 = arith.constant 7 : i32
    %swap3A_367 = arith.index_cast %swap3A_366 : i32 to index
    %swap3A_368 = arith.constant 80 : index
    %swap3A_369 = tpu.vector_load %arg7[%swap3A_367, %swap3A_368] {strides = array<i32>} : memref<16x128xf32, #tpu.memory_space<vmem>>, vector<1x16xf32>,
    %swap3A_370 = vector.shape_cast %swap3A_369 : vector<1x16xf32> to vector<16xf32>
    %swap3A_371 = vector.shape_cast %broadcast_in_dim3A_0 : vector<16xf32> to vector<1x16xf32>
    tpu.vector_store %arg7[%swap3A_367, %swap3A_368], %swap3A_371 {strides = array<i32>} : memref<16x128xf32, #tpu.memory_space<vmem>>, vector<1x16xf32>,
    %swap3A_372 = arith.constant 7 : i32
    %swap3A_373 = arith.index_cast %swap3A_372 : i32 to index
    %swap3A_374 = arith.constant 96 : index
    %swap3A_375 = tpu.vector_load %arg7[%swap3A_373, %swap3A_374] {strides = array<i32>} : memref<16x128xf32, #tpu.memory_space<vmem>>, vector<1x16xf32>,
    %swap3A_376 = vector.shape_cast %swap3A_375 : vector<1x16xf32> to vector<16xf32>
    %swap3A_377 = vector.shape_cast %broadcast_in_dim3A_0 : vector<16xf32> to vector<1x16xf32>
    tpu.vector_store %arg7[%swap3A_373, %swap3A_374], %swap3A_377 {strides = array<i32>} : memref<16x128xf32, #tpu.memory_space<vmem>>, vector<1x16xf32>,
    %swap3A_378 = arith.constant 7 : i32
    %swap3A_379 = arith.index_cast %swap3A_378 : i32 to index
    %swap3A_380 = arith.constant 112 : index
    %swap3A_381 = tpu.vector_load %arg7[%swap3A_379, %swap3A_380] {strides = array<i32>} : memref<16x128xf32, #tpu.memory_space<vmem>>, vector<1x16xf32>,
    %swap3A_382 = vector.shape_cast %swap3A_381 : vector<1x16xf32> to vector<16xf32>
    %swap3A_383 = vector.shape_cast %broadcast_in_dim3A_0 : vector<16xf32> to vector<1x16xf32>
    tpu.vector_store %arg7[%swap3A_379, %swap3A_380], %swap3A_383 {strides = array<i32>} : memref<16x128xf32, #tpu.memory_space<vmem>>, vector<1x16xf32>,
    %swap3A_384 = arith.constant 8 : i32
    %swap3A_385 = arith.index_cast %swap3A_384 : i32 to index
    %swap3A_386 = arith.constant 0 : index
    %swap3A_387 = tpu.vector_load %arg7[%swap3A_385, %swap3A_386] {strides = array<i32>} : memref<16x128xf32, #tpu.memory_space<vmem>>, vector<1x16xf32>,
    %swap3A_388 = vector.shape_cast %swap3A_387 : vector<1x16xf32> to vector<16xf32>
    %swap3A_389 = vector.shape_cast %broadcast_in_dim3A_0 : vector<16xf32> to vector<1x16xf32>
    tpu.vector_store %arg7[%swap3A_385, %swap3A_386], %swap3A_389 {strides = array<i32>} : memref<16x128xf32, #tpu.memory_space<vmem>>, vector<1x16xf32>,
    %swap3A_390 = arith.constant 8 : i32
    %swap3A_391 = arith.index_cast %swap3A_390 : i32 to index
    %swap3A_392 = arith.constant 16 : index
    %swap3A_393 = tpu.vector_load %arg7[%swap3A_391, %swap3A_392] {strides = array<i32>} : memref<16x128xf32, #tpu.memory_space<vmem>>, vector<1x16xf32>,
    %swap3A_394 = vector.shape_cast %swap3A_393 : vector<1x16xf32> to vector<16xf32>
    %swap3A_395 = vector.shape_cast %broadcast_in_dim3A_0 : vector<16xf32> to vector<1x16xf32>
    tpu.vector_store %arg7[%swap3A_391, %swap3A_392], %swap3A_395 {strides = array<i32>} : memref<16x128xf32, #tpu.memory_space<vmem>>, vector<1x16xf32>,
    %swap3A_396 = arith.constant 8 : i32
    %swap3A_397 = arith.index_cast %swap3A_396 : i32 to index
    %swap3A_398 = arith.constant 32 : index
    %swap3A_399 = tpu.vector_load %arg7[%swap3A_397, %swap3A_398] {strides = array<i32>} : memref<16x128xf32, #tpu.memory_space<vmem>>, vector<1x16xf32>,
    %swap3A_400 = vector.shape_cast %swap3A_399 : vector<1x16xf32> to vector<16xf32>
    %swap3A_401 = vector.shape_cast %broadcast_in_dim3A_0 : vector<16xf32> to vector<1x16xf32>
    tpu.vector_store %arg7[%swap3A_397, %swap3A_398], %swap3A_401 {strides = array<i32>} : memref<16x128xf32, #tpu.memory_space<vmem>>, vector<1x16xf32>,
    %swap3A_402 = arith.constant 8 : i32
    %swap3A_403 = arith.index_cast %swap3A_402 : i32 to index
    %swap3A_404 = arith.constant 48 : index
    %swap3A_405 = tpu.vector_load %arg7[%swap3A_403, %swap3A_404] {strides = array<i32>} : memref<16x128xf32, #tpu.memory_space<vmem>>, vector<1x16xf32>,
    %swap3A_406 = vector.shape_cast %swap3A_405 : vector<1x16xf32> to vector<16xf32>
    %swap3A_407 = vector.shape_cast %broadcast_in_dim3A_0 : vector<16xf32> to vector<1x16xf32>
    tpu.vector_store %arg7[%swap3A_403, %swap3A_404], %swap3A_407 {strides = array<i32>} : memref<16x128xf32, #tpu.memory_space<vmem>>, vector<1x16xf32>,
    %swap3A_408 = arith.constant 8 : i32
    %swap3A_409 = arith.index_cast %swap3A_408 : i32 to index
    %swap3A_410 = arith.constant 64 : index
    %swap3A_411 = tpu.vector_load %arg7[%swap3A_409, %swap3A_410] {strides = array<i32>} : memref<16x128xf32, #tpu.memory_space<vmem>>, vector<1x16xf32>,
    %swap3A_412 = vector.shape_cast %swap3A_411 : vector<1x16xf32> to vector<16xf32>
    %swap3A_413 = vector.shape_cast %broadcast_in_dim3A_0 : vector<16xf32> to vector<1x16xf32>
    tpu.vector_store %arg7[%swap3A_409, %swap3A_410], %swap3A_413 {strides = array<i32>} : memref<16x128xf32, #tpu.memory_space<vmem>>, vector<1x16xf32>,
    %swap3A_414 = arith.constant 8 : i32
    %swap3A_415 = arith.index_cast %swap3A_414 : i32 to index
    %swap3A_416 = arith.constant 80 : index
    %swap3A_417 = tpu.vector_load %arg7[%swap3A_415, %swap3A_416] {strides = array<i32>} : memref<16x128xf32, #tpu.memory_space<vmem>>, vector<1x16xf32>,
    %swap3A_418 = vector.shape_cast %swap3A_417 : vector<1x16xf32> to vector<16xf32>
    %swap3A_419 = vector.shape_cast %broadcast_in_dim3A_0 : vector<16xf32> to vector<1x16xf32>
    tpu.vector_store %arg7[%swap3A_415, %swap3A_416], %swap3A_419 {strides = array<i32>} : memref<16x128xf32, #tpu.memory_space<vmem>>, vector<1x16xf32>,
    %swap3A_420 = arith.constant 8 : i32
    %swap3A_421 = arith.index_cast %swap3A_420 : i32 to index
    %swap3A_422 = arith.constant 96 : index
    %swap3A_423 = tpu.vector_load %arg7[%swap3A_421, %swap3A_422] {strides = array<i32>} : memref<16x128xf32, #tpu.memory_space<vmem>>, vector<1x16xf32>,
    %swap3A_424 = vector.shape_cast %swap3A_423 : vector<1x16xf32> to vector<16xf32>
    %swap3A_425 = vector.shape_cast %broadcast_in_dim3A_0 : vector<16xf32> to vector<1x16xf32>
    tpu.vector_store %arg7[%swap3A_421, %swap3A_422], %swap3A_425 {strides = array<i32>} : memref<16x128xf32, #tpu.memory_space<vmem>>, vector<1x16xf32>,
    %swap3A_426 = arith.constant 8 : i32
    %swap3A_427 = arith.index_cast %swap3A_426 : i32 to index
    %swap3A_428 = arith.constant 112 : index
    %swap3A_429 = tpu.vector_load %arg7[%swap3A_427, %swap3A_428] {strides = array<i32>} : memref<16x128xf32, #tpu.memory_space<vmem>>, vector<1x16xf32>,
    %swap3A_430 = vector.shape_cast %swap3A_429 : vector<1x16xf32> to vector<16xf32>
    %swap3A_431 = vector.shape_cast %broadcast_in_dim3A_0 : vector<16xf32> to vector<1x16xf32>
    tpu.vector_store %arg7[%swap3A_427, %swap3A_428], %swap3A_431 {strides = array<i32>} : memref<16x128xf32, #tpu.memory_space<vmem>>, vector<1x16xf32>,
    %swap3A_432 = arith.constant 9 : i32
    %swap3A_433 = arith.index_cast %swap3A_432 : i32 to index
    %swap3A_434 = arith.constant 0 : index
    %swap3A_435 = tpu.vector_load %arg7[%swap3A_433, %swap3A_434] {strides = array<i32>} : memref<16x128xf32, #tpu.memory_space<vmem>>, vector<1x16xf32>,
    %swap3A_436 = vector.shape_cast %swap3A_435 : vector<1x16xf32> to vector<16xf32>
    %swap3A_437 = vector.shape_cast %broadcast_in_dim3A_0 : vector<16xf32> to vector<1x16xf32>
    tpu.vector_store %arg7[%swap3A_433, %swap3A_434], %swap3A_437 {strides = array<i32>} : memref<16x128xf32, #tpu.memory_space<vmem>>, vector<1x16xf32>,
    %swap3A_438 = arith.constant 9 : i32
    %swap3A_439 = arith.index_cast %swap3A_438 : i32 to index
    %swap3A_440 = arith.constant 16 : index
    %swap3A_441 = tpu.vector_load %arg7[%swap3A_439, %swap3A_440] {strides = array<i32>} : memref<16x128xf32, #tpu.memory_space<vmem>>, vector<1x16xf32>,
    %swap3A_442 = vector.shape_cast %swap3A_441 : vector<1x16xf32> to vector<16xf32>
    %swap3A_443 = vector.shape_cast %broadcast_in_dim3A_0 : vector<16xf32> to vector<1x16xf32>
    tpu.vector_store %arg7[%swap3A_439, %swap3A_440], %swap3A_443 {strides = array<i32>} : memref<16x128xf32, #tpu.memory_space<vmem>>, vector<1x16xf32>,
    %swap3A_444 = arith.constant 9 : i32
    %swap3A_445 = arith.index_cast %swap3A_444 : i32 to index
    %swap3A_446 = arith.constant 32 : index
    %swap3A_447 = tpu.vector_load %arg7[%swap3A_445, %swap3A_446] {strides = array<i32>} : memref<16x128xf32, #tpu.memory_space<vmem>>, vector<1x16xf32>,
    %swap3A_448 = vector.shape_cast %swap3A_447 : vector<1x16xf32> to vector<16xf32>
    %swap3A_449 = vector.shape_cast %broadcast_in_dim3A_0 : vector<16xf32> to vector<1x16xf32>
    tpu.vector_store %arg7[%swap3A_445, %swap3A_446], %swap3A_449 {strides = array<i32>} : memref<16x128xf32, #tpu.memory_space<vmem>>, vector<1x16xf32>,
    %swap3A_450 = arith.constant 9 : i32
    %swap3A_451 = arith.index_cast %swap3A_450 : i32 to index
    %swap3A_452 = arith.constant 48 : index
    %swap3A_453 = tpu.vector_load %arg7[%swap3A_451, %swap3A_452] {strides = array<i32>} : memref<16x128xf32, #tpu.memory_space<vmem>>, vector<1x16xf32>,
    %swap3A_454 = vector.shape_cast %swap3A_453 : vector<1x16xf32> to vector<16xf32>
    %swap3A_455 = vector.shape_cast %broadcast_in_dim3A_0 : vector<16xf32> to vector<1x16xf32>
    tpu.vector_store %arg7[%swap3A_451, %swap3A_452], %swap3A_455 {strides = array<i32>} : memref<16x128xf32, #tpu.memory_space<vmem>>, vector<1x16xf32>,
    %swap3A_456 = arith.constant 9 : i32
    %swap3A_457 = arith.index_cast %swap3A_456 : i32 to index
    %swap3A_458 = arith.constant 64 : index
    %swap3A_459 = tpu.vector_load %arg7[%swap3A_457, %swap3A_458] {strides = array<i32>} : memref<16x128xf32, #tpu.memory_space<vmem>>, vector<1x16xf32>,
    %swap3A_460 = vector.shape_cast %swap3A_459 : vector<1x16xf32> to vector<16xf32>
    %swap3A_461 = vector.shape_cast %broadcast_in_dim3A_0 : vector<16xf32> to vector<1x16xf32>
    tpu.vector_store %arg7[%swap3A_457, %swap3A_458], %swap3A_461 {strides = array<i32>} : memref<16x128xf32, #tpu.memory_space<vmem>>, vector<1x16xf32>,
    %swap3A_462 = arith.constant 9 : i32
    %swap3A_463 = arith.index_cast %swap3A_462 : i32 to index
    %swap3A_464 = arith.constant 80 : index
    %swap3A_465 = tpu.vector_load %arg7[%swap3A_463, %swap3A_464] {strides = array<i32>} : memref<16x128xf32, #tpu.memory_space<vmem>>, vector<1x16xf32>,
    %swap3A_466 = vector.shape_cast %swap3A_465 : vector<1x16xf32> to vector<16xf32>
    %swap3A_467 = vector.shape_cast %broadcast_in_dim3A_0 : vector<16xf32> to vector<1x16xf32>
    tpu.vector_store %arg7[%swap3A_463, %swap3A_464], %swap3A_467 {strides = array<i32>} : memref<16x128xf32, #tpu.memory_space<vmem>>, vector<1x16xf32>,
    %swap3A_468 = arith.constant 9 : i32
    %swap3A_469 = arith.index_cast %swap3A_468 : i32 to index
    %swap3A_470 = arith.constant 96 : index
    %swap3A_471 = tpu.vector_load %arg7[%swap3A_469, %swap3A_470] {strides = array<i32>} : memref<16x128xf32, #tpu.memory_space<vmem>>, vector<1x16xf32>,
    %swap3A_472 = vector.shape_cast %swap3A_471 : vector<1x16xf32> to vector<16xf32>
    %swap3A_473 = vector.shape_cast %broadcast_in_dim3A_0 : vector<16xf32> to vector<1x16xf32>
    tpu.vector_store %arg7[%swap3A_469, %swap3A_470], %swap3A_473 {strides = array<i32>} : memref<16x128xf32, #tpu.memory_space<vmem>>, vector<1x16xf32>,
    %swap3A_474 = arith.constant 9 : i32
    %swap3A_475 = arith.index_cast %swap3A_474 : i32 to index
    %swap3A_476 = arith.constant 112 : index
    %swap3A_477 = tpu.vector_load %arg7[%swap3A_475, %swap3A_476] {strides = array<i32>} : memref<16x128xf32, #tpu.memory_space<vmem>>, vector<1x16xf32>,
    %swap3A_478 = vector.shape_cast %swap3A_477 : vector<1x16xf32> to vector<16xf32>
    %swap3A_479 = vector.shape_cast %broadcast_in_dim3A_0 : vector<16xf32> to vector<1x16xf32>
    tpu.vector_store %arg7[%swap3A_475, %swap3A_476], %swap3A_479 {strides = array<i32>} : memref<16x128xf32, #tpu.memory_space<vmem>>, vector<1x16xf32>,
    %swap3A_480 = arith.constant 10 : i32
    %swap3A_481 = arith.index_cast %swap3A_480 : i32 to index
    %swap3A_482 = arith.constant 0 : index
    %swap3A_483 = tpu.vector_load %arg7[%swap3A_481, %swap3A_482] {strides = array<i32>} : memref<16x128xf32, #tpu.memory_space<vmem>>, vector<1x16xf32>,
    %swap3A_484 = vector.shape_cast %swap3A_483 : vector<1x16xf32> to vector<16xf32>
    %swap3A_485 = vector.shape_cast %broadcast_in_dim3A_0 : vector<16xf32> to vector<1x16xf32>
    tpu.vector_store %arg7[%swap3A_481, %swap3A_482], %swap3A_485 {strides = array<i32>} : memref<16x128xf32, #tpu.memory_space<vmem>>, vector<1x16xf32>,
    %swap3A_486 = arith.constant 10 : i32
    %swap3A_487 = arith.index_cast %swap3A_486 : i32 to index
    %swap3A_488 = arith.constant 16 : index
    %swap3A_489 = tpu.vector_load %arg7[%swap3A_487, %swap3A_488] {strides = array<i32>} : memref<16x128xf32, #tpu.memory_space<vmem>>, vector<1x16xf32>,
    %swap3A_490 = vector.shape_cast %swap3A_489 : vector<1x16xf32> to vector<16xf32>
    %swap3A_491 = vector.shape_cast %broadcast_in_dim3A_0 : vector<16xf32> to vector<1x16xf32>
    tpu.vector_store %arg7[%swap3A_487, %swap3A_488], %swap3A_491 {strides = array<i32>} : memref<16x128xf32, #tpu.memory_space<vmem>>, vector<1x16xf32>,
    %swap3A_492 = arith.constant 10 : i32
    %swap3A_493 = arith.index_cast %swap3A_492 : i32 to index
    %swap3A_494 = arith.constant 32 : index
    %swap3A_495 = tpu.vector_load %arg7[%swap3A_493, %swap3A_494] {strides = array<i32>} : memref<16x128xf32, #tpu.memory_space<vmem>>, vector<1x16xf32>,
    %swap3A_496 = vector.shape_cast %swap3A_495 : vector<1x16xf32> to vector<16xf32>
    %swap3A_497 = vector.shape_cast %broadcast_in_dim3A_0 : vector<16xf32> to vector<1x16xf32>
    tpu.vector_store %arg7[%swap3A_493, %swap3A_494], %swap3A_497 {strides = array<i32>} : memref<16x128xf32, #tpu.memory_space<vmem>>, vector<1x16xf32>,
    %swap3A_498 = arith.constant 10 : i32
    %swap3A_499 = arith.index_cast %swap3A_498 : i32 to index
    %swap3A_500 = arith.constant 48 : index
    %swap3A_501 = tpu.vector_load %arg7[%swap3A_499, %swap3A_500] {strides = array<i32>} : memref<16x128xf32, #tpu.memory_space<vmem>>, vector<1x16xf32>,
    %swap3A_502 = vector.shape_cast %swap3A_501 : vector<1x16xf32> to vector<16xf32>
    %swap3A_503 = vector.shape_cast %broadcast_in_dim3A_0 : vector<16xf32> to vector<1x16xf32>
    tpu.vector_store %arg7[%swap3A_499, %swap3A_500], %swap3A_503 {strides = array<i32>} : memref<16x128xf32, #tpu.memory_space<vmem>>, vector<1x16xf32>,
    %swap3A_504 = arith.constant 10 : i32
    %swap3A_505 = arith.index_cast %swap3A_504 : i32 to index
    %swap3A_506 = arith.constant 64 : index
    %swap3A_507 = tpu.vector_load %arg7[%swap3A_505, %swap3A_506] {strides = array<i32>} : memref<16x128xf32, #tpu.memory_space<vmem>>, vector<1x16xf32>,
    %swap3A_508 = vector.shape_cast %swap3A_507 : vector<1x16xf32> to vector<16xf32>
    %swap3A_509 = vector.shape_cast %broadcast_in_dim3A_0 : vector<16xf32> to vector<1x16xf32>
    tpu.vector_store %arg7[%swap3A_505, %swap3A_506], %swap3A_509 {strides = array<i32>} : memref<16x128xf32, #tpu.memory_space<vmem>>, vector<1x16xf32>,
    %swap3A_510 = arith.constant 10 : i32
    %swap3A_511 = arith.index_cast %swap3A_510 : i32 to index
    %swap3A_512 = arith.constant 80 : index
    %swap3A_513 = tpu.vector_load %arg7[%swap3A_511, %swap3A_512] {strides = array<i32>} : memref<16x128xf32, #tpu.memory_space<vmem>>, vector<1x16xf32>,
    %swap3A_514 = vector.shape_cast %swap3A_513 : vector<1x16xf32> to vector<16xf32>
    %swap3A_515 = vector.shape_cast %broadcast_in_dim3A_0 : vector<16xf32> to vector<1x16xf32>
    tpu.vector_store %arg7[%swap3A_511, %swap3A_512], %swap3A_515 {strides = array<i32>} : memref<16x128xf32, #tpu.memory_space<vmem>>, vector<1x16xf32>,
    %swap3A_516 = arith.constant 10 : i32
    %swap3A_517 = arith.index_cast %swap3A_516 : i32 to index
    %swap3A_518 = arith.constant 96 : index
    %swap3A_519 = tpu.vector_load %arg7[%swap3A_517, %swap3A_518] {strides = array<i32>} : memref<16x128xf32, #tpu.memory_space<vmem>>, vector<1x16xf32>,
    %swap3A_520 = vector.shape_cast %swap3A_519 : vector<1x16xf32> to vector<16xf32>
    %swap3A_521 = vector.shape_cast %broadcast_in_dim3A_0 : vector<16xf32> to vector<1x16xf32>
    tpu.vector_store %arg7[%swap3A_517, %swap3A_518], %swap3A_521 {strides = array<i32>} : memref<16x128xf32, #tpu.memory_space<vmem>>, vector<1x16xf32>,
    %swap3A_522 = arith.constant 10 : i32
    %swap3A_523 = arith.index_cast %swap3A_522 : i32 to index
    %swap3A_524 = arith.constant 112 : index
    %swap3A_525 = tpu.vector_load %arg7[%swap3A_523, %swap3A_524] {strides = array<i32>} : memref<16x128xf32, #tpu.memory_space<vmem>>, vector<1x16xf32>,
    %swap3A_526 = vector.shape_cast %swap3A_525 : vector<1x16xf32> to vector<16xf32>
    %swap3A_527 = vector.shape_cast %broadcast_in_dim3A_0 : vector<16xf32> to vector<1x16xf32>
    tpu.vector_store %arg7[%swap3A_523, %swap3A_524], %swap3A_527 {strides = array<i32>} : memref<16x128xf32, #tpu.memory_space<vmem>>, vector<1x16xf32>,
    %swap3A_528 = arith.constant 11 : i32
    %swap3A_529 = arith.index_cast %swap3A_528 : i32 to index
    %swap3A_530 = arith.constant 0 : index
    %swap3A_531 = tpu.vector_load %arg7[%swap3A_529, %swap3A_530] {strides = array<i32>} : memref<16x128xf32, #tpu.memory_space<vmem>>, vector<1x16xf32>,
    %swap3A_532 = vector.shape_cast %swap3A_531 : vector<1x16xf32> to vector<16xf32>
    %swap3A_533 = vector.shape_cast %broadcast_in_dim3A_0 : vector<16xf32> to vector<1x16xf32>
    tpu.vector_store %arg7[%swap3A_529, %swap3A_530], %swap3A_533 {strides = array<i32>} : memref<16x128xf32, #tpu.memory_space<vmem>>, vector<1x16xf32>,
    %swap3A_534 = arith.constant 11 : i32
    %swap3A_535 = arith.index_cast %swap3A_534 : i32 to index
    %swap3A_536 = arith.constant 16 : index
    %swap3A_537 = tpu.vector_load %arg7[%swap3A_535, %swap3A_536] {strides = array<i32>} : memref<16x128xf32, #tpu.memory_space<vmem>>, vector<1x16xf32>,
    %swap3A_538 = vector.shape_cast %swap3A_537 : vector<1x16xf32> to vector<16xf32>
    %swap3A_539 = vector.shape_cast %broadcast_in_dim3A_0 : vector<16xf32> to vector<1x16xf32>
    tpu.vector_store %arg7[%swap3A_535, %swap3A_536], %swap3A_539 {strides = array<i32>} : memref<16x128xf32, #tpu.memory_space<vmem>>, vector<1x16xf32>,
    %swap3A_540 = arith.constant 11 : i32
    %swap3A_541 = arith.index_cast %swap3A_540 : i32 to index
    %swap3A_542 = arith.constant 32 : index
    %swap3A_543 = tpu.vector_load %arg7[%swap3A_541, %swap3A_542] {strides = array<i32>} : memref<16x128xf32, #tpu.memory_space<vmem>>, vector<1x16xf32>,
    %swap3A_544 = vector.shape_cast %swap3A_543 : vector<1x16xf32> to vector<16xf32>
    %swap3A_545 = vector.shape_cast %broadcast_in_dim3A_0 : vector<16xf32> to vector<1x16xf32>
    tpu.vector_store %arg7[%swap3A_541, %swap3A_542], %swap3A_545 {strides = array<i32>} : memref<16x128xf32, #tpu.memory_space<vmem>>, vector<1x16xf32>,
    %swap3A_546 = arith.constant 11 : i32
    %swap3A_547 = arith.index_cast %swap3A_546 : i32 to index
    %swap3A_548 = arith.constant 48 : index
    %swap3A_549 = tpu.vector_load %arg7[%swap3A_547, %swap3A_548] {strides = array<i32>} : memref<16x128xf32, #tpu.memory_space<vmem>>, vector<1x16xf32>,
    %swap3A_550 = vector.shape_cast %swap3A_549 : vector<1x16xf32> to vector<16xf32>
    %swap3A_551 = vector.shape_cast %broadcast_in_dim3A_0 : vector<16xf32> to vector<1x16xf32>
    tpu.vector_store %arg7[%swap3A_547, %swap3A_548], %swap3A_551 {strides = array<i32>} : memref<16x128xf32, #tpu.memory_space<vmem>>, vector<1x16xf32>,
    %swap3A_552 = arith.constant 11 : i32
    %swap3A_553 = arith.index_cast %swap3A_552 : i32 to index
    %swap3A_554 = arith.constant 64 : index
    %swap3A_555 = tpu.vector_load %arg7[%swap3A_553, %swap3A_554] {strides = array<i32>} : memref<16x128xf32, #tpu.memory_space<vmem>>, vector<1x16xf32>,
    %swap3A_556 = vector.shape_cast %swap3A_555 : vector<1x16xf32> to vector<16xf32>
    %swap3A_557 = vector.shape_cast %broadcast_in_dim3A_0 : vector<16xf32> to vector<1x16xf32>
    tpu.vector_store %arg7[%swap3A_553, %swap3A_554], %swap3A_557 {strides = array<i32>} : memref<16x128xf32, #tpu.memory_space<vmem>>, vector<1x16xf32>,
    %swap3A_558 = arith.constant 11 : i32
    %swap3A_559 = arith.index_cast %swap3A_558 : i32 to index
    %swap3A_560 = arith.constant 80 : index
    %swap3A_561 = tpu.vector_load %arg7[%swap3A_559, %swap3A_560] {strides = array<i32>} : memref<16x128xf32, #tpu.memory_space<vmem>>, vector<1x16xf32>,
    %swap3A_562 = vector.shape_cast %swap3A_561 : vector<1x16xf32> to vector<16xf32>
    %swap3A_563 = vector.shape_cast %broadcast_in_dim3A_0 : vector<16xf32> to vector<1x16xf32>
    tpu.vector_store %arg7[%swap3A_559, %swap3A_560], %swap3A_563 {strides = array<i32>} : memref<16x128xf32, #tpu.memory_space<vmem>>, vector<1x16xf32>,
    %swap3A_564 = arith.constant 11 : i32
    %swap3A_565 = arith.index_cast %swap3A_564 : i32 to index
    %swap3A_566 = arith.constant 96 : index
    %swap3A_567 = tpu.vector_load %arg7[%swap3A_565, %swap3A_566] {strides = array<i32>} : memref<16x128xf32, #tpu.memory_space<vmem>>, vector<1x16xf32>,
    %swap3A_568 = vector.shape_cast %swap3A_567 : vector<1x16xf32> to vector<16xf32>
    %swap3A_569 = vector.shape_cast %broadcast_in_dim3A_0 : vector<16xf32> to vector<1x16xf32>
    tpu.vector_store %arg7[%swap3A_565, %swap3A_566], %swap3A_569 {strides = array<i32>} : memref<16x128xf32, #tpu.memory_space<vmem>>, vector<1x16xf32>,
    %swap3A_570 = arith.constant 11 : i32
    %swap3A_571 = arith.index_cast %swap3A_570 : i32 to index
    %swap3A_572 = arith.constant 112 : index
    %swap3A_573 = tpu.vector_load %arg7[%swap3A_571, %swap3A_572] {strides = array<i32>} : memref<16x128xf32, #tpu.memory_space<vmem>>, vector<1x16xf32>,
    %swap3A_574 = vector.shape_cast %swap3A_573 : vector<1x16xf32> to vector<16xf32>
    %swap3A_575 = vector.shape_cast %broadcast_in_dim3A_0 : vector<16xf32> to vector<1x16xf32>
    tpu.vector_store %arg7[%swap3A_571, %swap3A_572], %swap3A_575 {strides = array<i32>} : memref<16x128xf32, #tpu.memory_space<vmem>>, vector<1x16xf32>,
    %swap3A_576 = arith.constant 12 : i32
    %swap3A_577 = arith.index_cast %swap3A_576 : i32 to index
    %swap3A_578 = arith.constant 0 : index
    %swap3A_579 = tpu.vector_load %arg7[%swap3A_577, %swap3A_578] {strides = array<i32>} : memref<16x128xf32, #tpu.memory_space<vmem>>, vector<1x16xf32>,
    %swap3A_580 = vector.shape_cast %swap3A_579 : vector<1x16xf32> to vector<16xf32>
    %swap3A_581 = vector.shape_cast %broadcast_in_dim3A_0 : vector<16xf32> to vector<1x16xf32>
    tpu.vector_store %arg7[%swap3A_577, %swap3A_578], %swap3A_581 {strides = array<i32>} : memref<16x128xf32, #tpu.memory_space<vmem>>, vector<1x16xf32>,
    %swap3A_582 = arith.constant 12 : i32
    %swap3A_583 = arith.index_cast %swap3A_582 : i32 to index
    %swap3A_584 = arith.constant 16 : index
    %swap3A_585 = tpu.vector_load %arg7[%swap3A_583, %swap3A_584] {strides = array<i32>} : memref<16x128xf32, #tpu.memory_space<vmem>>, vector<1x16xf32>,
    %swap3A_586 = vector.shape_cast %swap3A_585 : vector<1x16xf32> to vector<16xf32>
    %swap3A_587 = vector.shape_cast %broadcast_in_dim3A_0 : vector<16xf32> to vector<1x16xf32>
    tpu.vector_store %arg7[%swap3A_583, %swap3A_584], %swap3A_587 {strides = array<i32>} : memref<16x128xf32, #tpu.memory_space<vmem>>, vector<1x16xf32>,
    %swap3A_588 = arith.constant 12 : i32
    %swap3A_589 = arith.index_cast %swap3A_588 : i32 to index
    %swap3A_590 = arith.constant 32 : index
    %swap3A_591 = tpu.vector_load %arg7[%swap3A_589, %swap3A_590] {strides = array<i32>} : memref<16x128xf32, #tpu.memory_space<vmem>>, vector<1x16xf32>,
    %swap3A_592 = vector.shape_cast %swap3A_591 : vector<1x16xf32> to vector<16xf32>
    %swap3A_593 = vector.shape_cast %broadcast_in_dim3A_0 : vector<16xf32> to vector<1x16xf32>
    tpu.vector_store %arg7[%swap3A_589, %swap3A_590], %swap3A_593 {strides = array<i32>} : memref<16x128xf32, #tpu.memory_space<vmem>>, vector<1x16xf32>,
    %swap3A_594 = arith.constant 12 : i32
    %swap3A_595 = arith.index_cast %swap3A_594 : i32 to index
    %swap3A_596 = arith.constant 48 : index
    %swap3A_597 = tpu.vector_load %arg7[%swap3A_595, %swap3A_596] {strides = array<i32>} : memref<16x128xf32, #tpu.memory_space<vmem>>, vector<1x16xf32>,
    %swap3A_598 = vector.shape_cast %swap3A_597 : vector<1x16xf32> to vector<16xf32>
    %swap3A_599 = vector.shape_cast %broadcast_in_dim3A_0 : vector<16xf32> to vector<1x16xf32>
    tpu.vector_store %arg7[%swap3A_595, %swap3A_596], %swap3A_599 {strides = array<i32>} : memref<16x128xf32, #tpu.memory_space<vmem>>, vector<1x16xf32>,
    %swap3A_600 = arith.constant 12 : i32
    %swap3A_601 = arith.index_cast %swap3A_600 : i32 to index
    %swap3A_602 = arith.constant 64 : index
    %swap3A_603 = tpu.vector_load %arg7[%swap3A_601, %swap3A_602] {strides = array<i32>} : memref<16x128xf32, #tpu.memory_space<vmem>>, vector<1x16xf32>,
    %swap3A_604 = vector.shape_cast %swap3A_603 : vector<1x16xf32> to vector<16xf32>
    %swap3A_605 = vector.shape_cast %broadcast_in_dim3A_0 : vector<16xf32> to vector<1x16xf32>
    tpu.vector_store %arg7[%swap3A_601, %swap3A_602], %swap3A_605 {strides = array<i32>} : memref<16x128xf32, #tpu.memory_space<vmem>>, vector<1x16xf32>,
    %swap3A_606 = arith.constant 12 : i32
    %swap3A_607 = arith.index_cast %swap3A_606 : i32 to index
    %swap3A_608 = arith.constant 80 : index
    %swap3A_609 = tpu.vector_load %arg7[%swap3A_607, %swap3A_608] {strides = array<i32>} : memref<16x128xf32, #tpu.memory_space<vmem>>, vector<1x16xf32>,
    %swap3A_610 = vector.shape_cast %swap3A_609 : vector<1x16xf32> to vector<16xf32>
    %swap3A_611 = vector.shape_cast %broadcast_in_dim3A_0 : vector<16xf32> to vector<1x16xf32>
    tpu.vector_store %arg7[%swap3A_607, %swap3A_608], %swap3A_611 {strides = array<i32>} : memref<16x128xf32, #tpu.memory_space<vmem>>, vector<1x16xf32>,
    %swap3A_612 = arith.constant 12 : i32
    %swap3A_613 = arith.index_cast %swap3A_612 : i32 to index
    %swap3A_614 = arith.constant 96 : index
    %swap3A_615 = tpu.vector_load %arg7[%swap3A_613, %swap3A_614] {strides = array<i32>} : memref<16x128xf32, #tpu.memory_space<vmem>>, vector<1x16xf32>,
    %swap3A_616 = vector.shape_cast %swap3A_615 : vector<1x16xf32> to vector<16xf32>
    %swap3A_617 = vector.shape_cast %broadcast_in_dim3A_0 : vector<16xf32> to vector<1x16xf32>
    tpu.vector_store %arg7[%swap3A_613, %swap3A_614], %swap3A_617 {strides = array<i32>} : memref<16x128xf32, #tpu.memory_space<vmem>>, vector<1x16xf32>,
    %swap3A_618 = arith.constant 12 : i32
    %swap3A_619 = arith.index_cast %swap3A_618 : i32 to index
    %swap3A_620 = arith.constant 112 : index
    %swap3A_621 = tpu.vector_load %arg7[%swap3A_619, %swap3A_620] {strides = array<i32>} : memref<16x128xf32, #tpu.memory_space<vmem>>, vector<1x16xf32>,
    %swap3A_622 = vector.shape_cast %swap3A_621 : vector<1x16xf32> to vector<16xf32>
    %swap3A_623 = vector.shape_cast %broadcast_in_dim3A_0 : vector<16xf32> to vector<1x16xf32>
    tpu.vector_store %arg7[%swap3A_619, %swap3A_620], %swap3A_623 {strides = array<i32>} : memref<16x128xf32, #tpu.memory_space<vmem>>, vector<1x16xf32>,
    %swap3A_624 = arith.constant 13 : i32
    %swap3A_625 = arith.index_cast %swap3A_624 : i32 to index
    %swap3A_626 = arith.constant 0 : index
    %swap3A_627 = tpu.vector_load %arg7[%swap3A_625, %swap3A_626] {strides = array<i32>} : memref<16x128xf32, #tpu.memory_space<vmem>>, vector<1x16xf32>,
    %swap3A_628 = vector.shape_cast %swap3A_627 : vector<1x16xf32> to vector<16xf32>
    %swap3A_629 = vector.shape_cast %broadcast_in_dim3A_0 : vector<16xf32> to vector<1x16xf32>
    tpu.vector_store %arg7[%swap3A_625, %swap3A_626], %swap3A_629 {strides = array<i32>} : memref<16x128xf32, #tpu.memory_space<vmem>>, vector<1x16xf32>,
    %swap3A_630 = arith.constant 13 : i32
    %swap3A_631 = arith.index_cast %swap3A_630 : i32 to index
    %swap3A_632 = arith.constant 16 : index
    %swap3A_633 = tpu.vector_load %arg7[%swap3A_631, %swap3A_632] {strides = array<i32>} : memref<16x128xf32, #tpu.memory_space<vmem>>, vector<1x16xf32>,
    %swap3A_634 = vector.shape_cast %swap3A_633 : vector<1x16xf32> to vector<16xf32>
    %swap3A_635 = vector.shape_cast %broadcast_in_dim3A_0 : vector<16xf32> to vector<1x16xf32>
    tpu.vector_store %arg7[%swap3A_631, %swap3A_632], %swap3A_635 {strides = array<i32>} : memref<16x128xf32, #tpu.memory_space<vmem>>, vector<1x16xf32>,
    %swap3A_636 = arith.constant 13 : i32
    %swap3A_637 = arith.index_cast %swap3A_636 : i32 to index
    %swap3A_638 = arith.constant 32 : index
    %swap3A_639 = tpu.vector_load %arg7[%swap3A_637, %swap3A_638] {strides = array<i32>} : memref<16x128xf32, #tpu.memory_space<vmem>>, vector<1x16xf32>,
    %swap3A_640 = vector.shape_cast %swap3A_639 : vector<1x16xf32> to vector<16xf32>
    %swap3A_641 = vector.shape_cast %broadcast_in_dim3A_0 : vector<16xf32> to vector<1x16xf32>
    tpu.vector_store %arg7[%swap3A_637, %swap3A_638], %swap3A_641 {strides = array<i32>} : memref<16x128xf32, #tpu.memory_space<vmem>>, vector<1x16xf32>,
    %swap3A_642 = arith.constant 13 : i32
    %swap3A_643 = arith.index_cast %swap3A_642 : i32 to index
    %swap3A_644 = arith.constant 48 : index
    %swap3A_645 = tpu.vector_load %arg7[%swap3A_643, %swap3A_644] {strides = array<i32>} : memref<16x128xf32, #tpu.memory_space<vmem>>, vector<1x16xf32>,
    %swap3A_646 = vector.shape_cast %swap3A_645 : vector<1x16xf32> to vector<16xf32>
    %swap3A_647 = vector.shape_cast %broadcast_in_dim3A_0 : vector<16xf32> to vector<1x16xf32>
    tpu.vector_store %arg7[%swap3A_643, %swap3A_644], %swap3A_647 {strides = array<i32>} : memref<16x128xf32, #tpu.memory_space<vmem>>, vector<1x16xf32>,
    %swap3A_648 = arith.constant 13 : i32
    %swap3A_649 = arith.index_cast %swap3A_648 : i32 to index
    %swap3A_650 = arith.constant 64 : index
    %swap3A_651 = tpu.vector_load %arg7[%swap3A_649, %swap3A_650] {strides = array<i32>} : memref<16x128xf32, #tpu.memory_space<vmem>>, vector<1x16xf32>,
    %swap3A_652 = vector.shape_cast %swap3A_651 : vector<1x16xf32> to vector<16xf32>
    %swap3A_653 = vector.shape_cast %broadcast_in_dim3A_0 : vector<16xf32> to vector<1x16xf32>
    tpu.vector_store %arg7[%swap3A_649, %swap3A_650], %swap3A_653 {strides = array<i32>} : memref<16x128xf32, #tpu.memory_space<vmem>>, vector<1x16xf32>,
    %swap3A_654 = arith.constant 13 : i32
    %swap3A_655 = arith.index_cast %swap3A_654 : i32 to index
    %swap3A_656 = arith.constant 80 : index
    %swap3A_657 = tpu.vector_load %arg7[%swap3A_655, %swap3A_656] {strides = array<i32>} : memref<16x128xf32, #tpu.memory_space<vmem>>, vector<1x16xf32>,
    %swap3A_658 = vector.shape_cast %swap3A_657 : vector<1x16xf32> to vector<16xf32>
    %swap3A_659 = vector.shape_cast %broadcast_in_dim3A_0 : vector<16xf32> to vector<1x16xf32>
    tpu.vector_store %arg7[%swap3A_655, %swap3A_656], %swap3A_659 {strides = array<i32>} : memref<16x128xf32, #tpu.memory_space<vmem>>, vector<1x16xf32>,
    %swap3A_660 = arith.constant 13 : i32
    %swap3A_661 = arith.index_cast %swap3A_660 : i32 to index
    %swap3A_662 = arith.constant 96 : index
    %swap3A_663 = tpu.vector_load %arg7[%swap3A_661, %swap3A_662] {strides = array<i32>} : memref<16x128xf32, #tpu.memory_space<vmem>>, vector<1x16xf32>,
    %swap3A_664 = vector.shape_cast %swap3A_663 : vector<1x16xf32> to vector<16xf32>
    %swap3A_665 = vector.shape_cast %broadcast_in_dim3A_0 : vector<16xf32> to vector<1x16xf32>
    tpu.vector_store %arg7[%swap3A_661, %swap3A_662], %swap3A_665 {strides = array<i32>} : memref<16x128xf32, #tpu.memory_space<vmem>>, vector<1x16xf32>,
    %swap3A_666 = arith.constant 13 : i32
    %swap3A_667 = arith.index_cast %swap3A_666 : i32 to index
    %swap3A_668 = arith.constant 112 : index
    %swap3A_669 = tpu.vector_load %arg7[%swap3A_667, %swap3A_668] {strides = array<i32>} : memref<16x128xf32, #tpu.memory_space<vmem>>, vector<1x16xf32>,
    %swap3A_670 = vector.shape_cast %swap3A_669 : vector<1x16xf32> to vector<16xf32>
    %swap3A_671 = vector.shape_cast %broadcast_in_dim3A_0 : vector<16xf32> to vector<1x16xf32>
    tpu.vector_store %arg7[%swap3A_667, %swap3A_668], %swap3A_671 {strides = array<i32>} : memref<16x128xf32, #tpu.memory_space<vmem>>, vector<1x16xf32>,
    %swap3A_672 = arith.constant 14 : i32
    %swap3A_673 = arith.index_cast %swap3A_672 : i32 to index
    %swap3A_674 = arith.constant 0 : index
    %swap3A_675 = tpu.vector_load %arg7[%swap3A_673, %swap3A_674] {strides = array<i32>} : memref<16x128xf32, #tpu.memory_space<vmem>>, vector<1x16xf32>,
    %swap3A_676 = vector.shape_cast %swap3A_675 : vector<1x16xf32> to vector<16xf32>
    %swap3A_677 = vector.shape_cast %broadcast_in_dim3A_0 : vector<16xf32> to vector<1x16xf32>
    tpu.vector_store %arg7[%swap3A_673, %swap3A_674], %swap3A_677 {strides = array<i32>} : memref<16x128xf32, #tpu.memory_space<vmem>>, vector<1x16xf32>,
    %swap3A_678 = arith.constant 14 : i32
    %swap3A_679 = arith.index_cast %swap3A_678 : i32 to index
    %swap3A_680 = arith.constant 16 : index
    %swap3A_681 = tpu.vector_load %arg7[%swap3A_679, %swap3A_680] {strides = array<i32>} : memref<16x128xf32, #tpu.memory_space<vmem>>, vector<1x16xf32>,
    %swap3A_682 = vector.shape_cast %swap3A_681 : vector<1x16xf32> to vector<16xf32>
    %swap3A_683 = vector.shape_cast %broadcast_in_dim3A_0 : vector<16xf32> to vector<1x16xf32>
    tpu.vector_store %arg7[%swap3A_679, %swap3A_680], %swap3A_683 {strides = array<i32>} : memref<16x128xf32, #tpu.memory_space<vmem>>, vector<1x16xf32>,
    %swap3A_684 = arith.constant 14 : i32
    %swap3A_685 = arith.index_cast %swap3A_684 : i32 to index
    %swap3A_686 = arith.constant 32 : index
    %swap3A_687 = tpu.vector_load %arg7[%swap3A_685, %swap3A_686] {strides = array<i32>} : memref<16x128xf32, #tpu.memory_space<vmem>>, vector<1x16xf32>,
    %swap3A_688 = vector.shape_cast %swap3A_687 : vector<1x16xf32> to vector<16xf32>
    %swap3A_689 = vector.shape_cast %broadcast_in_dim3A_0 : vector<16xf32> to vector<1x16xf32>
    tpu.vector_store %arg7[%swap3A_685, %swap3A_686], %swap3A_689 {strides = array<i32>} : memref<16x128xf32, #tpu.memory_space<vmem>>, vector<1x16xf32>,
    %swap3A_690 = arith.constant 14 : i32
    %swap3A_691 = arith.index_cast %swap3A_690 : i32 to index
    %swap3A_692 = arith.constant 48 : index
    %swap3A_693 = tpu.vector_load %arg7[%swap3A_691, %swap3A_692] {strides = array<i32>} : memref<16x128xf32, #tpu.memory_space<vmem>>, vector<1x16xf32>,
    %swap3A_694 = vector.shape_cast %swap3A_693 : vector<1x16xf32> to vector<16xf32>
    %swap3A_695 = vector.shape_cast %broadcast_in_dim3A_0 : vector<16xf32> to vector<1x16xf32>
    tpu.vector_store %arg7[%swap3A_691, %swap3A_692], %swap3A_695 {strides = array<i32>} : memref<16x128xf32, #tpu.memory_space<vmem>>, vector<1x16xf32>,
    %swap3A_696 = arith.constant 14 : i32
    %swap3A_697 = arith.index_cast %swap3A_696 : i32 to index
    %swap3A_698 = arith.constant 64 : index
    %swap3A_699 = tpu.vector_load %arg7[%swap3A_697, %swap3A_698] {strides = array<i32>} : memref<16x128xf32, #tpu.memory_space<vmem>>, vector<1x16xf32>,
    %swap3A_700 = vector.shape_cast %swap3A_699 : vector<1x16xf32> to vector<16xf32>
    %swap3A_701 = vector.shape_cast %broadcast_in_dim3A_0 : vector<16xf32> to vector<1x16xf32>
    tpu.vector_store %arg7[%swap3A_697, %swap3A_698], %swap3A_701 {strides = array<i32>} : memref<16x128xf32, #tpu.memory_space<vmem>>, vector<1x16xf32>,
    %swap3A_702 = arith.constant 14 : i32
    %swap3A_703 = arith.index_cast %swap3A_702 : i32 to index
    %swap3A_704 = arith.constant 80 : index
    %swap3A_705 = tpu.vector_load %arg7[%swap3A_703, %swap3A_704] {strides = array<i32>} : memref<16x128xf32, #tpu.memory_space<vmem>>, vector<1x16xf32>,
    %swap3A_706 = vector.shape_cast %swap3A_705 : vector<1x16xf32> to vector<16xf32>
    %swap3A_707 = vector.shape_cast %broadcast_in_dim3A_0 : vector<16xf32> to vector<1x16xf32>
    tpu.vector_store %arg7[%swap3A_703, %swap3A_704], %swap3A_707 {strides = array<i32>} : memref<16x128xf32, #tpu.memory_space<vmem>>, vector<1x16xf32>,
    %swap3A_708 = arith.constant 14 : i32
    %swap3A_709 = arith.index_cast %swap3A_708 : i32 to index
    %swap3A_710 = arith.constant 96 : index
    %swap3A_711 = tpu.vector_load %arg7[%swap3A_709, %swap3A_710] {strides = array<i32>} : memref<16x128xf32, #tpu.memory_space<vmem>>, vector<1x16xf32>,
    %swap3A_712 = vector.shape_cast %swap3A_711 : vector<1x16xf32> to vector<16xf32>
    %swap3A_713 = vector.shape_cast %broadcast_in_dim3A_0 : vector<16xf32> to vector<1x16xf32>
    tpu.vector_store %arg7[%swap3A_709, %swap3A_710], %swap3A_713 {strides = array<i32>} : memref<16x128xf32, #tpu.memory_space<vmem>>, vector<1x16xf32>,
    %swap3A_714 = arith.constant 14 : i32
    %swap3A_715 = arith.index_cast %swap3A_714 : i32 to index
    %swap3A_716 = arith.constant 112 : index
    %swap3A_717 = tpu.vector_load %arg7[%swap3A_715, %swap3A_716] {strides = array<i32>} : memref<16x128xf32, #tpu.memory_space<vmem>>, vector<1x16xf32>,
    %swap3A_718 = vector.shape_cast %swap3A_717 : vector<1x16xf32> to vector<16xf32>
    %swap3A_719 = vector.shape_cast %broadcast_in_dim3A_0 : vector<16xf32> to vector<1x16xf32>
    tpu.vector_store %arg7[%swap3A_715, %swap3A_716], %swap3A_719 {strides = array<i32>} : memref<16x128xf32, #tpu.memory_space<vmem>>, vector<1x16xf32>,
    %swap3A_720 = arith.constant 15 : i32
    %swap3A_721 = arith.index_cast %swap3A_720 : i32 to index
    %swap3A_722 = arith.constant 0 : index
    %swap3A_723 = tpu.vector_load %arg7[%swap3A_721, %swap3A_722] {strides = array<i32>} : memref<16x128xf32, #tpu.memory_space<vmem>>, vector<1x16xf32>,
    %swap3A_724 = vector.shape_cast %swap3A_723 : vector<1x16xf32> to vector<16xf32>
    %swap3A_725 = vector.shape_cast %broadcast_in_dim3A_0 : vector<16xf32> to vector<1x16xf32>
    tpu.vector_store %arg7[%swap3A_721, %swap3A_722], %swap3A_725 {strides = array<i32>} : memref<16x128xf32, #tpu.memory_space<vmem>>, vector<1x16xf32>,
    %swap3A_726 = arith.constant 15 : i32
    %swap3A_727 = arith.index_cast %swap3A_726 : i32 to index
    %swap3A_728 = arith.constant 16 : index
    %swap3A_729 = tpu.vector_load %arg7[%swap3A_727, %swap3A_728] {strides = array<i32>} : memref<16x128xf32, #tpu.memory_space<vmem>>, vector<1x16xf32>,
    %swap3A_730 = vector.shape_cast %swap3A_729 : vector<1x16xf32> to vector<16xf32>
    %swap3A_731 = vector.shape_cast %broadcast_in_dim3A_0 : vector<16xf32> to vector<1x16xf32>
    tpu.vector_store %arg7[%swap3A_727, %swap3A_728], %swap3A_731 {strides = array<i32>} : memref<16x128xf32, #tpu.memory_space<vmem>>, vector<1x16xf32>,
    %swap3A_732 = arith.constant 15 : i32
    %swap3A_733 = arith.index_cast %swap3A_732 : i32 to index
    %swap3A_734 = arith.constant 32 : index
    %swap3A_735 = tpu.vector_load %arg7[%swap3A_733, %swap3A_734] {strides = array<i32>} : memref<16x128xf32, #tpu.memory_space<vmem>>, vector<1x16xf32>,
    %swap3A_736 = vector.shape_cast %swap3A_735 : vector<1x16xf32> to vector<16xf32>
    %swap3A_737 = vector.shape_cast %broadcast_in_dim3A_0 : vector<16xf32> to vector<1x16xf32>
    tpu.vector_store %arg7[%swap3A_733, %swap3A_734], %swap3A_737 {strides = array<i32>} : memref<16x128xf32, #tpu.memory_space<vmem>>, vector<1x16xf32>,
    %swap3A_738 = arith.constant 15 : i32
    %swap3A_739 = arith.index_cast %swap3A_738 : i32 to index
    %swap3A_740 = arith.constant 48 : index
    %swap3A_741 = tpu.vector_load %arg7[%swap3A_739, %swap3A_740] {strides = array<i32>} : memref<16x128xf32, #tpu.memory_space<vmem>>, vector<1x16xf32>,
    %swap3A_742 = vector.shape_cast %swap3A_741 : vector<1x16xf32> to vector<16xf32>
    %swap3A_743 = vector.shape_cast %broadcast_in_dim3A_0 : vector<16xf32> to vector<1x16xf32>
    tpu.vector_store %arg7[%swap3A_739, %swap3A_740], %swap3A_743 {strides = array<i32>} : memref<16x128xf32, #tpu.memory_space<vmem>>, vector<1x16xf32>,
    %swap3A_744 = arith.constant 15 : i32
    %swap3A_745 = arith.index_cast %swap3A_744 : i32 to index
    %swap3A_746 = arith.constant 64 : index
    %swap3A_747 = tpu.vector_load %arg7[%swap3A_745, %swap3A_746] {strides = array<i32>} : memref<16x128xf32, #tpu.memory_space<vmem>>, vector<1x16xf32>,
    %swap3A_748 = vector.shape_cast %swap3A_747 : vector<1x16xf32> to vector<16xf32>
    %swap3A_749 = vector.shape_cast %broadcast_in_dim3A_0 : vector<16xf32> to vector<1x16xf32>
    tpu.vector_store %arg7[%swap3A_745, %swap3A_746], %swap3A_749 {strides = array<i32>} : memref<16x128xf32, #tpu.memory_space<vmem>>, vector<1x16xf32>,
    %swap3A_750 = arith.constant 15 : i32
    %swap3A_751 = arith.index_cast %swap3A_750 : i32 to index
    %swap3A_752 = arith.constant 80 : index
    %swap3A_753 = tpu.vector_load %arg7[%swap3A_751, %swap3A_752] {strides = array<i32>} : memref<16x128xf32, #tpu.memory_space<vmem>>, vector<1x16xf32>,
    %swap3A_754 = vector.shape_cast %swap3A_753 : vector<1x16xf32> to vector<16xf32>
    %swap3A_755 = vector.shape_cast %broadcast_in_dim3A_0 : vector<16xf32> to vector<1x16xf32>
    tpu.vector_store %arg7[%swap3A_751, %swap3A_752], %swap3A_755 {strides = array<i32>} : memref<16x128xf32, #tpu.memory_space<vmem>>, vector<1x16xf32>,
    %swap3A_756 = arith.constant 15 : i32
    %swap3A_757 = arith.index_cast %swap3A_756 : i32 to index
    %swap3A_758 = arith.constant 96 : index
    %swap3A_759 = tpu.vector_load %arg7[%swap3A_757, %swap3A_758] {strides = array<i32>} : memref<16x128xf32, #tpu.memory_space<vmem>>, vector<1x16xf32>,
    %swap3A_760 = vector.shape_cast %swap3A_759 : vector<1x16xf32> to vector<16xf32>
    %swap3A_761 = vector.shape_cast %broadcast_in_dim3A_0 : vector<16xf32> to vector<1x16xf32>
    tpu.vector_store %arg7[%swap3A_757, %swap3A_758], %swap3A_761 {strides = array<i32>} : memref<16x128xf32, #tpu.memory_space<vmem>>, vector<1x16xf32>,
    %swap3A_762 = arith.constant 15 : i32
    %swap3A_763 = arith.index_cast %swap3A_762 : i32 to index
    %swap3A_764 = arith.constant 112 : index
    %swap3A_765 = tpu.vector_load %arg7[%swap3A_763, %swap3A_764] {strides = array<i32>} : memref<16x128xf32, #tpu.memory_space<vmem>>, vector<1x16xf32>,
    %swap3A_766 = vector.shape_cast %swap3A_765 : vector<1x16xf32> to vector<16xf32>
    %swap3A_767 = vector.shape_cast %broadcast_in_dim3A_0 : vector<16xf32> to vector<1x16xf32>
    tpu.vector_store %arg7[%swap3A_763, %swap3A_764], %swap3A_767 {strides = array<i32>} : memref<16x128xf32, #tpu.memory_space<vmem>>, vector<1x16xf32>,
    %mul3A = arith.constant 640 : i32
    %mul3A_768 = arith.muli %arg1, %mul3A : i32
    %multiple_of3A = tpu.assume_multiple %mul3A_768, 640 : i32
    %mul3A_769 = arith.constant 10000 : i32
    %mul3A_770 = arith.muli %arg1, %mul3A_769 : i32
    %multiple_of3A_771 = tpu.assume_multiple %mul3A_770, 8 : i32
    %mul3A_772 = arith.constant 1 : i32
    %mul3A_773 = arith.muli %arg0, %mul3A_772 : i32
    %add3A = arith.constant 0 : i32
    %add3A_774 = arith.addi %mul3A_773, %add3A : i32
    %mul3A_775 = arith.constant 10240 : i32
    %mul3A_776 = arith.muli %add3A_774, %mul3A_775 : i32
    %multiple_of3A_777 = tpu.assume_multiple %mul3A_776, 10240 : i32
    %scan3A = arith.constant 0 : i32
    %scan3A_778 = arith.constant 0 : i32
    %scan3A_779 = arith.constant 40 : i32
    %scan3A_780 = arith.addi %scan3A_778, %scan3A_779 : i32
    %scan3A_781 = arith.constant 1 : i32
    scf.for %scan3A_806 = %scan3A_778 to %scan3A_780 step %scan3A_781  : i32 {
      %mul3A_807 = arith.constant 16 : i32
      %mul3A_808 = arith.muli %scan3A_806, %mul3A_807 : i32
      %add3A_809 = arith.addi %multiple_of3A, %mul3A_808 : i32
      "tpu.region"() ({
        %run_scoped3A = tpu.sem_alloc : memref<!tpu.dma_semaphore, #tpu.memory_space<semaphore_mem>>
        %dma_start3A_810 = arith.constant 0 : i32
        %dma_start3A_811 = tpu.memref_slice %arg6[%add3A_809, %dma_start3A_810] : memref<10240x128xf32, #tpu.memory_space<vmem_shared>> -> memref<16x128xf32, #tpu.memory_space<vmem_shared>>
        %dma_start3A_812 = arith.constant 0 : i32
        %dma_start3A_813 = tpu.memref_slice %arg6[%add3A_809, %dma_start3A_812] : memref<10240x128xf32, #tpu.memory_space<vmem_shared>> -> memref<16x128xf32, #tpu.memory_space<vmem_shared>>
        tpu.enqueue_dma source(%arg7 : memref<16x128xf32, #tpu.memory_space<vmem>>) target(%dma_start3A_813 : memref<16x128xf32, #tpu.memory_space<vmem_shared>>) target_semaphore(%run_scoped3A : memref<!tpu.dma_semaphore, #tpu.memory_space<semaphore_mem>>)
        %dma_wait3A_814 = arith.constant 0 : i32
        %dma_wait3A_815 = tpu.memref_slice %arg6[%add3A_809, %dma_wait3A_814] : memref<10240x128xf32, #tpu.memory_space<vmem_shared>> -> memref<16x128xf32, #tpu.memory_space<vmem_shared>>
        %dma_wait3A_816 = arith.constant 0 : i32
        %dma_wait3A_817 = tpu.memref_slice %arg6[%add3A_809, %dma_wait3A_816] : memref<10240x128xf32, #tpu.memory_space<vmem_shared>> -> memref<16x128xf32, #tpu.memory_space<vmem_shared>>
        tpu.wait_dma2 semaphore(%run_scoped3A : memref<!tpu.dma_semaphore, #tpu.memory_space<semaphore_mem>>) src(%arg7 : memref<16x128xf32, #tpu.memory_space<vmem>>) dst(%dma_wait3A_817 : memref<16x128xf32, #tpu.memory_space<vmem_shared>>)
        tpu.yield
      }) : () -> ()
    }
    %scan3A_782 = arith.constant 40 : i32
    %barrier3A = arith.constant 0 : index
    tpu.barrier barrier_id(%barrier3A)
    %mul3A_783 = arith.constant 160000 : i32
    %mul3A_784 = arith.muli %add3A_774, %mul3A_783 : i32
    %mul3A_785 = arith.constant 10000 : i32
    %mul3A_786 = arith.muli %arg1, %mul3A_785 : i32
    %add3A_787 = arith.addi %mul3A_784, %mul3A_786 : i32
    %scan3A_788 = arith.constant 0 : i32
    %scan3A_789 = arith.constant 0 : i32
    %scan3A_790 = arith.constant 78 : i32
    %scan3A_791 = arith.addi %scan3A_789, %scan3A_790 : i32
    %scan3A_792 = arith.constant 1 : i32
    scf.for %scan3A_806 = %scan3A_789 to %scan3A_791 step %scan3A_792  : i32 {
      %mul3A_807 = arith.constant 128 : i32
      %mul3A_808 = arith.muli %scan3A_806, %mul3A_807 : i32
      %add3A_809 = arith.addi %add3A_787, %mul3A_808 : i32
      %multiple_of3A_810 = tpu.assume_multiple %add3A_809, 8 : i32
      %mul3A_811 = arith.constant 128 : i32
      %mul3A_812 = arith.muli %scan3A_806, %mul3A_811 : i32
      %add3A_813 = arith.addi %multiple_of3A_771, %mul3A_812 : i32
      %multiple_of3A_814 = tpu.assume_multiple %add3A_813, 8 : i32
      "tpu.region"() ({
        %run_scoped3A = tpu.sem_alloc : memref<!tpu.dma_semaphore, #tpu.memory_space<semaphore_mem>>
        %dma_start3A_821 = tpu.memref_slice %arg3[%multiple_of3A_810] : memref<320000xi32, #tpu.memory_space<hbm>> -> memref<128xi32, #tpu.memory_space<hbm>>
        %dma_start3A_822 = tpu.memref_slice %arg3[%multiple_of3A_810] : memref<320000xi32, #tpu.memory_space<hbm>> -> memref<128xi32, #tpu.memory_space<hbm>>
        tpu.enqueue_dma source(%dma_start3A_822 : memref<128xi32, #tpu.memory_space<hbm>>) target(%arg8 : memref<128xi32, #tpu.memory_space<vmem>>) target_semaphore(%run_scoped3A : memref<!tpu.dma_semaphore, #tpu.memory_space<semaphore_mem>>)
        %dma_wait3A_823 = tpu.memref_slice %arg3[%multiple_of3A_810] : memref<320000xi32, #tpu.memory_space<hbm>> -> memref<128xi32, #tpu.memory_space<hbm>>
        %dma_wait3A_824 = tpu.memref_slice %arg3[%multiple_of3A_810] : memref<320000xi32, #tpu.memory_space<hbm>> -> memref<128xi32, #tpu.memory_space<hbm>>
        tpu.wait_dma2 semaphore(%run_scoped3A : memref<!tpu.dma_semaphore, #tpu.memory_space<semaphore_mem>>) src(%dma_wait3A_824 : memref<128xi32, #tpu.memory_space<hbm>>) dst(%arg8 : memref<128xi32, #tpu.memory_space<vmem>>)
        tpu.yield
      }) : () -> ()
      "tpu.region"() ({
        %run_scoped3A = tpu.sem_alloc : memref<!tpu.dma_semaphore, #tpu.memory_space<semaphore_mem>>
        %dma_start3A_821 = tpu.memref_slice %arg4[%multiple_of3A_814] : memref<160000xi32, #tpu.memory_space<hbm>> -> memref<128xi32, #tpu.memory_space<hbm>>
        %dma_start3A_822 = tpu.memref_slice %arg4[%multiple_of3A_814] : memref<160000xi32, #tpu.memory_space<hbm>> -> memref<128xi32, #tpu.memory_space<hbm>>
        tpu.enqueue_dma source(%dma_start3A_822 : memref<128xi32, #tpu.memory_space<hbm>>) target(%arg9 : memref<128xi32, #tpu.memory_space<vmem>>) target_semaphore(%run_scoped3A : memref<!tpu.dma_semaphore, #tpu.memory_space<semaphore_mem>>)
        %dma_wait3A_823 = tpu.memref_slice %arg4[%multiple_of3A_814] : memref<160000xi32, #tpu.memory_space<hbm>> -> memref<128xi32, #tpu.memory_space<hbm>>
        %dma_wait3A_824 = tpu.memref_slice %arg4[%multiple_of3A_814] : memref<160000xi32, #tpu.memory_space<hbm>> -> memref<128xi32, #tpu.memory_space<hbm>>
        tpu.wait_dma2 semaphore(%run_scoped3A : memref<!tpu.dma_semaphore, #tpu.memory_space<semaphore_mem>>) src(%dma_wait3A_824 : memref<128xi32, #tpu.memory_space<hbm>>) dst(%arg9 : memref<128xi32, #tpu.memory_space<vmem>>)
        tpu.yield
      }) : () -> ()
      %dma_start3A_815 = arith.constant 0 : i32
      %dma_start3A_816 = arith.constant 0 : i32
      %dma_start3A_817 = tpu.memref_slice %arg2[%dma_start3A_815, %dma_start3A_816] : memref<20480x128xf32, #tpu.memory_space<hbm>> -> memref<20480x128xf32, #tpu.memory_space<hbm>>
      tpu.enqueue_indirect_dma source(%dma_start3A_817 : memref<20480x128xf32, #tpu.memory_space<hbm>>) target(%arg10 : memref<128x128xf32, #tpu.memory_space<vmem>>) offsets(%arg8 : memref<128xi32, #tpu.memory_space<vmem>>) semaphore(%arg14 : memref<!tpu.dma_semaphore, #tpu.memory_space<semaphore_mem>>)
      %dma_wait3A_818 = arith.constant 0 : i32
      %dma_wait3A_819 = arith.constant 0 : i32
      %dma_wait3A_820 = tpu.memref_slice %arg2[%dma_wait3A_818, %dma_wait3A_819] : memref<20480x128xf32, #tpu.memory_space<hbm>> -> memref<20480x128xf32, #tpu.memory_space<hbm>>
      tpu.wait_indirect_dma semaphore(%arg14 : memref<!tpu.dma_semaphore, #tpu.memory_space<semaphore_mem>>) src(%dma_wait3A_820 : memref<20480x128xf32, #tpu.memory_space<hbm>>) dst(%arg10 : memref<128x128xf32, #tpu.memory_space<vmem>>)
      "tpu.region"() ({
        %run_scoped3A = tpu.sem_alloc : memref<!tpu.dma_semaphore, #tpu.memory_space<semaphore_mem>>
        %dma_start3A_821 = arith.constant 0 : i32
        %dma_start3A_822 = arith.constant 0 : i32
        %dma_start3A_823 = tpu.memref_slice %arg6[%dma_start3A_821, %dma_start3A_822] : memref<10240x128xf32, #tpu.memory_space<vmem_shared>> -> memref<10240x128xf32, #tpu.memory_space<vmem_shared>>
        tpu.enqueue_indirect_dma source(%arg10 : memref<128x128xf32, #tpu.memory_space<vmem>>) target(%dma_start3A_823 : memref<10240x128xf32, #tpu.memory_space<vmem_shared>>) offsets(%arg9 : memref<128xi32, #tpu.memory_space<vmem>>) semaphore(%run_scoped3A : memref<!tpu.dma_semaphore, #tpu.memory_space<semaphore_mem>>) {add = true}
        %dma_wait3A_824 = arith.constant 0 : i32
        %dma_wait3A_825 = arith.constant 0 : i32
        %dma_wait3A_826 = tpu.memref_slice %arg6[%dma_wait3A_824, %dma_wait3A_825] : memref<10240x128xf32, #tpu.memory_space<vmem_shared>> -> memref<10240x128xf32, #tpu.memory_space<vmem_shared>>
        tpu.wait_indirect_dma semaphore(%run_scoped3A : memref<!tpu.dma_semaphore, #tpu.memory_space<semaphore_mem>>) src(%arg10 : memref<128x128xf32, #tpu.memory_space<vmem>>) dst(%dma_wait3A_826 : memref<10240x128xf32, #tpu.memory_space<vmem_shared>>)
        tpu.yield
      }) : () -> ()
    }
    %scan3A_793 = arith.constant 78 : i32
    %add3A_794 = arith.constant 9984 : i32
    %add3A_795 = arith.addi %add3A_787, %add3A_794 : i32
    %multiple_of3A_796 = tpu.assume_multiple %add3A_795, 8 : i32
    %add3A_797 = arith.constant 9984 : i32
    %add3A_798 = arith.addi %multiple_of3A_771, %add3A_797 : i32
    %multiple_of3A_799 = tpu.assume_multiple %add3A_798, 8 : i32
    "tpu.region"() ({
      %run_scoped3A = tpu.sem_alloc : memref<!tpu.dma_semaphore, #tpu.memory_space<semaphore_mem>>
      %dma_start3A_806 = tpu.memref_slice %arg3[%multiple_of3A_796] : memref<320000xi32, #tpu.memory_space<hbm>> -> memref<16xi32, #tpu.memory_space<hbm>>
      %dma_start3A_807 = tpu.memref_slice %arg3[%multiple_of3A_796] : memref<320000xi32, #tpu.memory_space<hbm>> -> memref<16xi32, #tpu.memory_space<hbm>>
      tpu.enqueue_dma source(%dma_start3A_807 : memref<16xi32, #tpu.memory_space<hbm>>) target(%arg11 : memref<16xi32, #tpu.memory_space<vmem>>) target_semaphore(%run_scoped3A : memref<!tpu.dma_semaphore, #tpu.memory_space<semaphore_mem>>)
      %dma_wait3A_808 = tpu.memref_slice %arg3[%multiple_of3A_796] : memref<320000xi32, #tpu.memory_space<hbm>> -> memref<16xi32, #tpu.memory_space<hbm>>
      %dma_wait3A_809 = tpu.memref_slice %arg3[%multiple_of3A_796] : memref<320000xi32, #tpu.memory_space<hbm>> -> memref<16xi32, #tpu.memory_space<hbm>>
      tpu.wait_dma2 semaphore(%run_scoped3A : memref<!tpu.dma_semaphore, #tpu.memory_space<semaphore_mem>>) src(%dma_wait3A_809 : memref<16xi32, #tpu.memory_space<hbm>>) dst(%arg11 : memref<16xi32, #tpu.memory_space<vmem>>)
      tpu.yield
    }) : () -> ()
    "tpu.region"() ({
      %run_scoped3A = tpu.sem_alloc : memref<!tpu.dma_semaphore, #tpu.memory_space<semaphore_mem>>
      %dma_start3A_806 = tpu.memref_slice %arg4[%multiple_of3A_799] : memref<160000xi32, #tpu.memory_space<hbm>> -> memref<16xi32, #tpu.memory_space<hbm>>
      %dma_start3A_807 = tpu.memref_slice %arg4[%multiple_of3A_799] : memref<160000xi32, #tpu.memory_space<hbm>> -> memref<16xi32, #tpu.memory_space<hbm>>
      tpu.enqueue_dma source(%dma_start3A_807 : memref<16xi32, #tpu.memory_space<hbm>>) target(%arg12 : memref<16xi32, #tpu.memory_space<vmem>>) target_semaphore(%run_scoped3A : memref<!tpu.dma_semaphore, #tpu.memory_space<semaphore_mem>>)
      %dma_wait3A_808 = tpu.memref_slice %arg4[%multiple_of3A_799] : memref<160000xi32, #tpu.memory_space<hbm>> -> memref<16xi32, #tpu.memory_space<hbm>>
      %dma_wait3A_809 = tpu.memref_slice %arg4[%multiple_of3A_799] : memref<160000xi32, #tpu.memory_space<hbm>> -> memref<16xi32, #tpu.memory_space<hbm>>
      tpu.wait_dma2 semaphore(%run_scoped3A : memref<!tpu.dma_semaphore, #tpu.memory_space<semaphore_mem>>) src(%dma_wait3A_809 : memref<16xi32, #tpu.memory_space<hbm>>) dst(%arg12 : memref<16xi32, #tpu.memory_space<vmem>>)
      tpu.yield
    }) : () -> ()
    %dma_start3A = arith.constant 0 : i32
    %dma_start3A_800 = arith.constant 0 : i32
    %dma_start3A_801 = tpu.memref_slice %arg2[%dma_start3A, %dma_start3A_800] : memref<20480x128xf32, #tpu.memory_space<hbm>> -> memref<20480x128xf32, #tpu.memory_space<hbm>>
    tpu.enqueue_indirect_dma source(%dma_start3A_801 : memref<20480x128xf32, #tpu.memory_space<hbm>>) target(%arg13 : memref<16x128xf32, #tpu.memory_space<vmem>>) offsets(%arg11 : memref<16xi32, #tpu.memory_space<vmem>>) semaphore(%arg14 : memref<!tpu.dma_semaphore, #tpu.memory_space<semaphore_mem>>)
    %dma_wait3A = arith.constant 0 : i32
    %dma_wait3A_802 = arith.constant 0 : i32
    %dma_wait3A_803 = tpu.memref_slice %arg2[%dma_wait3A, %dma_wait3A_802] : memref<20480x128xf32, #tpu.memory_space<hbm>> -> memref<20480x128xf32, #tpu.memory_space<hbm>>
    tpu.wait_indirect_dma semaphore(%arg14 : memref<!tpu.dma_semaphore, #tpu.memory_space<semaphore_mem>>) src(%dma_wait3A_803 : memref<20480x128xf32, #tpu.memory_space<hbm>>) dst(%arg13 : memref<16x128xf32, #tpu.memory_space<vmem>>)
    "tpu.region"() ({
      %run_scoped3A = tpu.sem_alloc : memref<!tpu.dma_semaphore, #tpu.memory_space<semaphore_mem>>
      %dma_start3A_806 = arith.constant 0 : i32
      %dma_start3A_807 = arith.constant 0 : i32
      %dma_start3A_808 = tpu.memref_slice %arg6[%dma_start3A_806, %dma_start3A_807] : memref<10240x128xf32, #tpu.memory_space<vmem_shared>> -> memref<10240x128xf32, #tpu.memory_space<vmem_shared>>
      tpu.enqueue_indirect_dma source(%arg13 : memref<16x128xf32, #tpu.memory_space<vmem>>) target(%dma_start3A_808 : memref<10240x128xf32, #tpu.memory_space<vmem_shared>>) offsets(%arg12 : memref<16xi32, #tpu.memory_space<vmem>>) semaphore(%run_scoped3A : memref<!tpu.dma_semaphore, #tpu.memory_space<semaphore_mem>>) {add = true}
      %dma_wait3A_809 = arith.constant 0 : i32
      %dma_wait3A_810 = arith.constant 0 : i32
      %dma_wait3A_811 = tpu.memref_slice %arg6[%dma_wait3A_809, %dma_wait3A_810] : memref<10240x128xf32, #tpu.memory_space<vmem_shared>> -> memref<10240x128xf32, #tpu.memory_space<vmem_shared>>
      tpu.wait_indirect_dma semaphore(%run_scoped3A : memref<!tpu.dma_semaphore, #tpu.memory_space<semaphore_mem>>) src(%arg13 : memref<16x128xf32, #tpu.memory_space<vmem>>) dst(%dma_wait3A_811 : memref<10240x128xf32, #tpu.memory_space<vmem_shared>>)
      tpu.yield
    }) : () -> ()
    %barrier3A_804 = arith.constant 0 : index
    tpu.barrier barrier_id(%barrier3A_804)
    %add3A_805 = arith.addi %multiple_of3A_777, %multiple_of3A : i32
    "tpu.region"() ({
      %run_scoped3A = tpu.sem_alloc : memref<!tpu.dma_semaphore, #tpu.memory_space<semaphore_mem>>
      %dma_start3A_806 = arith.constant 0 : i32
      %dma_start3A_807 = tpu.memref_slice %arg5[%add3A_805, %dma_start3A_806] : memref<20480x128xf32, #tpu.memory_space<hbm>> -> memref<640x128xf32, #tpu.memory_space<hbm>>
      %dma_start3A_808 = arith.constant 0 : i32
      %dma_start3A_809 = tpu.memref_slice %arg6[%multiple_of3A, %dma_start3A_808] : memref<10240x128xf32, #tpu.memory_space<vmem_shared>> -> memref<640x128xf32, #tpu.memory_space<vmem_shared>>
      tpu.enqueue_dma source(%dma_start3A_809 : memref<640x128xf32, #tpu.memory_space<vmem_shared>>) target(%dma_start3A_807 : memref<640x128xf32, #tpu.memory_space<hbm>>) target_semaphore(%run_scoped3A : memref<!tpu.dma_semaphore, #tpu.memory_space<semaphore_mem>>)
      %dma_wait3A_810 = arith.constant 0 : i32
      %dma_wait3A_811 = tpu.memref_slice %arg5[%add3A_805, %dma_wait3A_810] : memref<20480x128xf32, #tpu.memory_space<hbm>> -> memref<640x128xf32, #tpu.memory_space<hbm>>
      %dma_wait3A_812 = arith.constant 0 : i32
      %dma_wait3A_813 = tpu.memref_slice %arg6[%multiple_of3A, %dma_wait3A_812] : memref<10240x128xf32, #tpu.memory_space<vmem_shared>> -> memref<640x128xf32, #tpu.memory_space<vmem_shared>>
      tpu.wait_dma2 semaphore(%run_scoped3A : memref<!tpu.dma_semaphore, #tpu.memory_space<semaphore_mem>>) src(%dma_wait3A_813 : memref<640x128xf32, #tpu.memory_space<vmem_shared>>) dst(%dma_wait3A_811 : memref<640x128xf32, #tpu.memory_space<hbm>>)
      tpu.yield
    }) : () -> ()
    return
  }
}

module attributes {stable_mosaic.version = 14 : i64} {
  func.func @_k1_body(%arg0: i32, %arg1: i32, %arg2: memref<512x128xf32, #tpu.memory_space<vmem>>, %arg3: memref<128x128xf32, #tpu.memory_space<vmem>>, %arg4: memref<512x1xf32, #tpu.memory_space<vmem>>, %arg5: memref<512x1xf32, #tpu.memory_space<vmem>>, %arg6: memref<512x128xf32, #tpu.memory_space<vmem>>, %arg7: memref<512x1xf32, #tpu.memory_space<vmem>>) attributes {dimension_semantics = [#tpu.dimension_semantics<arbitrary>, #tpu.dimension_semantics<arbitrary>], iteration_bounds = array<i64: 20, 2>, scalar_prefetch = 0 : i64, scratch_operands = 0 : i64, tpu.core_type = #tpu.core_type<tc>, window_params = [{transform_indices = @transform_0, window_bounds = array<i64: 512, 128>}, {transform_indices = @transform_1, window_bounds = array<i64: 128, 128>}, {transform_indices = @transform_2, window_bounds = array<i64: 512, 1>}, {transform_indices = @transform_3, window_bounds = array<i64: 512, 1>}, {transform_indices = @transform_4, window_bounds = array<i64: 512, 128>}, {transform_indices = @transform_5, window_bounds = array<i64: 512, 1>}]} {
    %get3A = arith.constant 0 : index
    %get3A_0 = arith.constant 0 : index
    %get3A_1 = vector.load %arg4[%get3A, %get3A_0] : memref<512x1xf32, #tpu.memory_space<vmem>>, vector<512x1xf32>
    %get3A_2 = arith.constant 0 : index
    %get3A_3 = arith.constant 0 : index
    %get3A_4 = vector.load %arg5[%get3A_2, %get3A_3] : memref<512x1xf32, #tpu.memory_space<vmem>>, vector<512x1xf32>
    %add3A = arith.addf %get3A_1, %get3A_4 : vector<512x1xf32>
    %add3A_5 = arith.constant 1.000000e+00 : f32
    %add3A_6 = vector.broadcast %add3A_5 : f32 to vector<512x1xf32>
    %add3A_7 = arith.addf %add3A, %add3A_6 : vector<512x1xf32>
    %rsqrt3A = math.rsqrt %add3A_7 : vector<512x1xf32>
    %get3A_8 = arith.constant 0 : index
    %get3A_9 = arith.constant 0 : index
    %get3A_10 = vector.load %arg2[%get3A_8, %get3A_9] : memref<512x128xf32, #tpu.memory_space<vmem>>, vector<512x128xf32>
    %get3A_11 = arith.constant 0 : index
    %get3A_12 = arith.constant 0 : index
    %get3A_13 = vector.load %arg3[%get3A_11, %get3A_12] : memref<128x128xf32, #tpu.memory_space<vmem>>, vector<128x128xf32>
    %dot_general3A = arith.constant dense<0.000000e+00> : vector<512x128xf32>
    %dot_general3A_14 = tpu.matmul %get3A_10, %get3A_13, %dot_general3A {dimension_numbers = #tpu.dot_dimension_numbers<[1], [0], [0], [1], [0, 0, 1, 1], [], []>, transpose_lhs_hint = false} : vector<512x128xf32>, vector<128x128xf32>, vector<512x128xf32> -> vector<512x128xf32>
    %mul3A = vector.broadcast %rsqrt3A : vector<512x1xf32> to vector<512x128xf32>
    %mul3A_15 = arith.mulf %dot_general3A_14, %mul3A : vector<512x128xf32>
    %swap3A = arith.constant 0 : index
    %swap3A_16 = arith.constant 0 : index
    %swap3A_17 = vector.load %arg6[%swap3A, %swap3A_16] : memref<512x128xf32, #tpu.memory_space<vmem>>, vector<512x128xf32>
    tpu.vector_store %arg6[%swap3A, %swap3A_16], %mul3A_15 {strides = array<i32>} : memref<512x128xf32, #tpu.memory_space<vmem>>, vector<512x128xf32>,
    %swap3A_18 = arith.constant 0 : index
    %swap3A_19 = arith.constant 0 : index
    %swap3A_20 = vector.load %arg7[%swap3A_18, %swap3A_19] : memref<512x1xf32, #tpu.memory_space<vmem>>, vector<512x1xf32>
    tpu.vector_store %arg7[%swap3A_18, %swap3A_19], %rsqrt3A {strides = array<i32>} : memref<512x1xf32, #tpu.memory_space<vmem>>, vector<512x1xf32>,
    return
  }
  func.func @transform_0(%arg0: i32, %arg1: i32) -> (i32, i32) {
    %c0_i32 = arith.constant 0 : i32
    %c0_i32_0 = arith.constant 0 : i32
    return %arg0, %c0_i32 : i32, i32
  }
  func.func @transform_1(%arg0: i32, %arg1: i32) -> (i32, i32) {
    %c0_i32 = arith.constant 0 : i32
    %c0_i32_0 = arith.constant 0 : i32
    return %arg1, %c0_i32 : i32, i32
  }
  func.func @transform_2(%arg0: i32, %arg1: i32) -> (i32, i32) {
    %c0_i32 = arith.constant 0 : i32
    %c0_i32_0 = arith.constant 0 : i32
    return %arg0, %c0_i32 : i32, i32
  }
  func.func @transform_3(%arg0: i32, %arg1: i32) -> (i32, i32) {
    %c0_i32 = arith.constant 0 : i32
    %c0_i32_0 = arith.constant 0 : i32
    return %arg0, %c0_i32 : i32, i32
  }
  func.func @transform_4(%arg0: i32, %arg1: i32) -> (i32, i32) {
    %mul3A = arith.constant 20 : i32
    %mul3A_0 = arith.muli %arg1, %mul3A : i32
    %add3A = arith.addi %mul3A_0, %arg0 : i32
    %c0_i32 = arith.constant 0 : i32
    %c0_i32_1 = arith.constant 0 : i32
    return %add3A, %c0_i32 : i32, i32
  }
  func.func @transform_5(%arg0: i32, %arg1: i32) -> (i32, i32) {
    %c0_i32 = arith.constant 0 : i32
    %c0_i32_0 = arith.constant 0 : i32
    return %arg0, %c0_i32 : i32, i32
  }
}

module attributes {stable_mosaic.version = 14 : i64} {
  func.func @_k23_body(%arg0: i32, %arg1: i32, %arg2: memref<512x128xf32, #tpu.memory_space<vmem>>, %arg3: memref<512x128xf32, #tpu.memory_space<vmem>>, %arg4: memref<512x128xf32, #tpu.memory_space<vmem>>, %arg5: memref<512x128xf32, #tpu.memory_space<vmem>>, %arg6: memref<512x1xf32, #tpu.memory_space<vmem>>, %arg7: memref<1x256xf32, #tpu.memory_space<vmem>>, %arg8: memref<256x128xf32, #tpu.memory_space<vmem>>, %arg9: memref<512x128xf32, #tpu.memory_space<vmem>>) attributes {dimension_semantics = [#tpu.dimension_semantics<arbitrary>, #tpu.dimension_semantics<arbitrary>], iteration_bounds = array<i64: 20, 4>, scalar_prefetch = 0 : i64, scratch_operands = 0 : i64, tpu.core_type = #tpu.core_type<tc>, window_params = [{transform_indices = @transform_0, window_bounds = array<i64: 512, 128>}, {transform_indices = @transform_1, window_bounds = array<i64: 512, 128>}, {transform_indices = @transform_2, window_bounds = array<i64: 512, 128>}, {transform_indices = @transform_3, window_bounds = array<i64: 512, 128>}, {transform_indices = @transform_4, window_bounds = array<i64: 512, 1>}, {pipeline_mode = #tpu.pipeline_mode<synchronous>, transform_indices = @transform_5, window_bounds = array<i64: 1, 256>}, {transform_indices = @transform_6, window_bounds = array<i64: 256, 128>}, {transform_indices = @transform_7, window_bounds = array<i64: 512, 128>}]} {
    %get3A = arith.constant 0 : index
    %get3A_0 = arith.constant 0 : index
    %get3A_1 = vector.load %arg6[%get3A, %get3A_0] : memref<512x1xf32, #tpu.memory_space<vmem>>, vector<512x1xf32>
    %get3A_2 = arith.constant 0 : index
    %get3A_3 = arith.constant 0 : index
    %get3A_4 = vector.load %arg2[%get3A_2, %get3A_3] : memref<512x128xf32, #tpu.memory_space<vmem>>, vector<512x128xf32>
    %get3A_5 = arith.constant 0 : index
    %get3A_6 = arith.constant 0 : index
    %get3A_7 = vector.load %arg4[%get3A_5, %get3A_6] : memref<512x128xf32, #tpu.memory_space<vmem>>, vector<512x128xf32>
    %add3A = arith.addf %get3A_4, %get3A_7 : vector<512x128xf32>
    %get3A_8 = arith.constant 0 : index
    %get3A_9 = arith.constant 0 : index
    %get3A_10 = vector.load %arg3[%get3A_8, %get3A_9] : memref<512x128xf32, #tpu.memory_space<vmem>>, vector<512x128xf32>
    %get3A_11 = arith.constant 0 : index
    %get3A_12 = arith.constant 0 : index
    %get3A_13 = vector.load %arg5[%get3A_11, %get3A_12] : memref<512x128xf32, #tpu.memory_space<vmem>>, vector<512x128xf32>
    %add3A_14 = arith.addf %get3A_10, %get3A_13 : vector<512x128xf32>
    %concatenate3A = tpu.concatenate %add3A, %add3A_14 in 1 : vector<512x128xf32>, vector<512x128xf32> -> vector<512x256xf32>
    %mul3A = vector.broadcast %get3A_1 : vector<512x1xf32> to vector<512x256xf32>
    %mul3A_15 = arith.mulf %mul3A, %concatenate3A : vector<512x256xf32>
    %get3A_16 = arith.constant 0 : index
    %get3A_17 = arith.constant 0 : index
    %get3A_18 = vector.load %arg7[%get3A_16, %get3A_17] : memref<1x256xf32, #tpu.memory_space<vmem>>, vector<1x256xf32>
    %add3A_19 = vector.broadcast %get3A_18 : vector<1x256xf32> to vector<512x256xf32>
    %add3A_20 = arith.addf %mul3A_15, %add3A_19 : vector<512x256xf32>
    %max3A = arith.constant 0.000000e+00 : f32
    %max3A_21 = vector.broadcast %max3A : f32 to vector<512x256xf32>
    %max3A_22 = arith.maximumf %add3A_20, %max3A_21 : vector<512x256xf32>
    %get3A_23 = arith.constant 0 : index
    %get3A_24 = arith.constant 0 : index
    %get3A_25 = vector.load %arg8[%get3A_23, %get3A_24] : memref<256x128xf32, #tpu.memory_space<vmem>>, vector<256x128xf32>
    %dot_general3A = arith.constant dense<0.000000e+00> : vector<512x128xf32>
    %dot_general3A_26 = tpu.matmul %max3A_22, %get3A_25, %dot_general3A {dimension_numbers = #tpu.dot_dimension_numbers<[1], [0], [0], [1], [0, 0, 1, 1], [], []>, transpose_lhs_hint = false} : vector<512x256xf32>, vector<256x128xf32>, vector<512x128xf32> -> vector<512x128xf32>
    %mul3A_27 = vector.broadcast %get3A_1 : vector<512x1xf32> to vector<512x128xf32>
    %mul3A_28 = arith.mulf %dot_general3A_26, %mul3A_27 : vector<512x128xf32>
    %swap3A = arith.constant 0 : index
    %swap3A_29 = arith.constant 0 : index
    %swap3A_30 = vector.load %arg9[%swap3A, %swap3A_29] : memref<512x128xf32, #tpu.memory_space<vmem>>, vector<512x128xf32>
    tpu.vector_store %arg9[%swap3A, %swap3A_29], %mul3A_28 {strides = array<i32>} : memref<512x128xf32, #tpu.memory_space<vmem>>, vector<512x128xf32>,
    return
  }
  func.func @transform_0(%arg0: i32, %arg1: i32) -> (i32, i32) {
    %add3A = arith.constant 0 : i32
    %add3A_0 = arith.addi %add3A, %arg0 : i32
    %c0_i32 = arith.constant 0 : i32
    %c0_i32_1 = arith.constant 0 : i32
    return %add3A_0, %c0_i32 : i32, i32
  }
  func.func @transform_1(%arg0: i32, %arg1: i32) -> (i32, i32) {
    %add3A = arith.constant 20 : i32
    %add3A_0 = arith.addi %add3A, %arg0 : i32
    %c0_i32 = arith.constant 0 : i32
    %c0_i32_1 = arith.constant 0 : i32
    return %add3A_0, %c0_i32 : i32, i32
  }
  func.func @transform_2(%arg0: i32, %arg1: i32) -> (i32, i32) {
    %add3A = arith.constant 0 : i32
    %add3A_0 = arith.addi %add3A, %arg0 : i32
    %c0_i32 = arith.constant 0 : i32
    %c0_i32_1 = arith.constant 0 : i32
    return %add3A_0, %c0_i32 : i32, i32
  }
  func.func @transform_3(%arg0: i32, %arg1: i32) -> (i32, i32) {
    %add3A = arith.constant 20 : i32
    %add3A_0 = arith.addi %add3A, %arg0 : i32
    %c0_i32 = arith.constant 0 : i32
    %c0_i32_1 = arith.constant 0 : i32
    return %add3A_0, %c0_i32 : i32, i32
  }
  func.func @transform_4(%arg0: i32, %arg1: i32) -> (i32, i32) {
    %c0_i32 = arith.constant 0 : i32
    %c0_i32_0 = arith.constant 0 : i32
    return %arg0, %c0_i32 : i32, i32
  }
  func.func @transform_5(%arg0: i32, %arg1: i32) -> (i32, i32) {
    %c0_i32 = arith.constant 0 : i32
    %c0_i32_0 = arith.constant 0 : i32
    %c0_i32_1 = arith.constant 0 : i32
    return %c0_i32, %c0_i32_0 : i32, i32
  }
  func.func @transform_6(%arg0: i32, %arg1: i32) -> (i32, i32) {
    %c0_i32 = arith.constant 0 : i32
    %c0_i32_0 = arith.constant 0 : i32
    return %arg1, %c0_i32 : i32, i32
  }
  func.func @transform_7(%arg0: i32, %arg1: i32) -> (i32, i32) {
    %mul3A = arith.constant 20 : i32
    %mul3A_0 = arith.muli %arg1, %mul3A : i32
    %add3A = arith.addi %mul3A_0, %arg0 : i32
    %c0_i32 = arith.constant 0 : i32
    %c0_i32_1 = arith.constant 0 : i32
    return %add3A, %c0_i32 : i32, i32
  }
}

module attributes {stable_mosaic.version = 14 : i64} {
  func.func @_k23_body(%arg0: i32, %arg1: i32, %arg2: memref<512x128xf32, #tpu.memory_space<vmem>>, %arg3: memref<512x128xf32, #tpu.memory_space<vmem>>, %arg4: memref<512x128xf32, #tpu.memory_space<vmem>>, %arg5: memref<512x128xf32, #tpu.memory_space<vmem>>, %arg6: memref<512x128xf32, #tpu.memory_space<vmem>>, %arg7: memref<512x128xf32, #tpu.memory_space<vmem>>, %arg8: memref<512x128xf32, #tpu.memory_space<vmem>>, %arg9: memref<512x128xf32, #tpu.memory_space<vmem>>, %arg10: memref<512x1xf32, #tpu.memory_space<vmem>>, %arg11: memref<1x512xf32, #tpu.memory_space<vmem>>, %arg12: memref<512x128xf32, #tpu.memory_space<vmem>>, %arg13: memref<512x128xf32, #tpu.memory_space<vmem>>) attributes {dimension_semantics = [#tpu.dimension_semantics<arbitrary>, #tpu.dimension_semantics<arbitrary>], iteration_bounds = array<i64: 20, 4>, scalar_prefetch = 0 : i64, scratch_operands = 0 : i64, tpu.core_type = #tpu.core_type<tc>, window_params = [{transform_indices = @transform_0, window_bounds = array<i64: 512, 128>}, {transform_indices = @transform_1, window_bounds = array<i64: 512, 128>}, {transform_indices = @transform_2, window_bounds = array<i64: 512, 128>}, {transform_indices = @transform_3, window_bounds = array<i64: 512, 128>}, {transform_indices = @transform_4, window_bounds = array<i64: 512, 128>}, {transform_indices = @transform_5, window_bounds = array<i64: 512, 128>}, {transform_indices = @transform_6, window_bounds = array<i64: 512, 128>}, {transform_indices = @transform_7, window_bounds = array<i64: 512, 128>}, {transform_indices = @transform_8, window_bounds = array<i64: 512, 1>}, {pipeline_mode = #tpu.pipeline_mode<synchronous>, transform_indices = @transform_9, window_bounds = array<i64: 1, 512>}, {transform_indices = @transform_10, window_bounds = array<i64: 512, 128>}, {transform_indices = @transform_11, window_bounds = array<i64: 512, 128>}]} {
    %get3A = arith.constant 0 : index
    %get3A_0 = arith.constant 0 : index
    %get3A_1 = vector.load %arg10[%get3A, %get3A_0] : memref<512x1xf32, #tpu.memory_space<vmem>>, vector<512x1xf32>
    %get3A_2 = arith.constant 0 : index
    %get3A_3 = arith.constant 0 : index
    %get3A_4 = vector.load %arg2[%get3A_2, %get3A_3] : memref<512x128xf32, #tpu.memory_space<vmem>>, vector<512x128xf32>
    %get3A_5 = arith.constant 0 : index
    %get3A_6 = arith.constant 0 : index
    %get3A_7 = vector.load %arg6[%get3A_5, %get3A_6] : memref<512x128xf32, #tpu.memory_space<vmem>>, vector<512x128xf32>
    %add3A = arith.addf %get3A_4, %get3A_7 : vector<512x128xf32>
    %get3A_8 = arith.constant 0 : index
    %get3A_9 = arith.constant 0 : index
    %get3A_10 = vector.load %arg3[%get3A_8, %get3A_9] : memref<512x128xf32, #tpu.memory_space<vmem>>, vector<512x128xf32>
    %get3A_11 = arith.constant 0 : index
    %get3A_12 = arith.constant 0 : index
    %get3A_13 = vector.load %arg7[%get3A_11, %get3A_12] : memref<512x128xf32, #tpu.memory_space<vmem>>, vector<512x128xf32>
    %add3A_14 = arith.addf %get3A_10, %get3A_13 : vector<512x128xf32>
    %get3A_15 = arith.constant 0 : index
    %get3A_16 = arith.constant 0 : index
    %get3A_17 = vector.load %arg4[%get3A_15, %get3A_16] : memref<512x128xf32, #tpu.memory_space<vmem>>, vector<512x128xf32>
    %get3A_18 = arith.constant 0 : index
    %get3A_19 = arith.constant 0 : index
    %get3A_20 = vector.load %arg8[%get3A_18, %get3A_19] : memref<512x128xf32, #tpu.memory_space<vmem>>, vector<512x128xf32>
    %add3A_21 = arith.addf %get3A_17, %get3A_20 : vector<512x128xf32>
    %get3A_22 = arith.constant 0 : index
    %get3A_23 = arith.constant 0 : index
    %get3A_24 = vector.load %arg5[%get3A_22, %get3A_23] : memref<512x128xf32, #tpu.memory_space<vmem>>, vector<512x128xf32>
    %get3A_25 = arith.constant 0 : index
    %get3A_26 = arith.constant 0 : index
    %get3A_27 = vector.load %arg9[%get3A_25, %get3A_26] : memref<512x128xf32, #tpu.memory_space<vmem>>, vector<512x128xf32>
    %add3A_28 = arith.addf %get3A_24, %get3A_27 : vector<512x128xf32>
    %concatenate3A = tpu.concatenate %add3A, %add3A_14, %add3A_21, %add3A_28 in 1 : vector<512x128xf32>, vector<512x128xf32>, vector<512x128xf32>, vector<512x128xf32> -> vector<512x512xf32>
    %mul3A = vector.broadcast %get3A_1 : vector<512x1xf32> to vector<512x512xf32>
    %mul3A_29 = arith.mulf %mul3A, %concatenate3A : vector<512x512xf32>
    %get3A_30 = arith.constant 0 : index
    %get3A_31 = arith.constant 0 : index
    %get3A_32 = vector.load %arg11[%get3A_30, %get3A_31] : memref<1x512xf32, #tpu.memory_space<vmem>>, vector<1x512xf32>
    %add3A_33 = vector.broadcast %get3A_32 : vector<1x512xf32> to vector<512x512xf32>
    %add3A_34 = arith.addf %mul3A_29, %add3A_33 : vector<512x512xf32>
    %max3A = arith.constant 0.000000e+00 : f32
    %max3A_35 = vector.broadcast %max3A : f32 to vector<512x512xf32>
    %max3A_36 = arith.maximumf %add3A_34, %max3A_35 : vector<512x512xf32>
    %get3A_37 = arith.constant 0 : index
    %get3A_38 = arith.constant 0 : index
    %get3A_39 = vector.load %arg12[%get3A_37, %get3A_38] : memref<512x128xf32, #tpu.memory_space<vmem>>, vector<512x128xf32>
    %dot_general3A = arith.constant dense<0.000000e+00> : vector<512x128xf32>
    %dot_general3A_40 = tpu.matmul %max3A_36, %get3A_39, %dot_general3A {dimension_numbers = #tpu.dot_dimension_numbers<[1], [0], [0], [1], [0, 0, 1, 1], [], []>, transpose_lhs_hint = false} : vector<512x512xf32>, vector<512x128xf32>, vector<512x128xf32> -> vector<512x128xf32>
    %mul3A_41 = vector.broadcast %get3A_1 : vector<512x1xf32> to vector<512x128xf32>
    %mul3A_42 = arith.mulf %dot_general3A_40, %mul3A_41 : vector<512x128xf32>
    %swap3A = arith.constant 0 : index
    %swap3A_43 = arith.constant 0 : index
    %swap3A_44 = vector.load %arg13[%swap3A, %swap3A_43] : memref<512x128xf32, #tpu.memory_space<vmem>>, vector<512x128xf32>
    tpu.vector_store %arg13[%swap3A, %swap3A_43], %mul3A_42 {strides = array<i32>} : memref<512x128xf32, #tpu.memory_space<vmem>>, vector<512x128xf32>,
    return
  }
  func.func @transform_0(%arg0: i32, %arg1: i32) -> (i32, i32) {
    %add3A = arith.constant 0 : i32
    %add3A_0 = arith.addi %add3A, %arg0 : i32
    %c0_i32 = arith.constant 0 : i32
    %c0_i32_1 = arith.constant 0 : i32
    return %add3A_0, %c0_i32 : i32, i32
  }
  func.func @transform_1(%arg0: i32, %arg1: i32) -> (i32, i32) {
    %add3A = arith.constant 20 : i32
    %add3A_0 = arith.addi %add3A, %arg0 : i32
    %c0_i32 = arith.constant 0 : i32
    %c0_i32_1 = arith.constant 0 : i32
    return %add3A_0, %c0_i32 : i32, i32
  }
  func.func @transform_2(%arg0: i32, %arg1: i32) -> (i32, i32) {
    %add3A = arith.constant 40 : i32
    %add3A_0 = arith.addi %add3A, %arg0 : i32
    %c0_i32 = arith.constant 0 : i32
    %c0_i32_1 = arith.constant 0 : i32
    return %add3A_0, %c0_i32 : i32, i32
  }
  func.func @transform_3(%arg0: i32, %arg1: i32) -> (i32, i32) {
    %add3A = arith.constant 60 : i32
    %add3A_0 = arith.addi %add3A, %arg0 : i32
    %c0_i32 = arith.constant 0 : i32
    %c0_i32_1 = arith.constant 0 : i32
    return %add3A_0, %c0_i32 : i32, i32
  }
  func.func @transform_4(%arg0: i32, %arg1: i32) -> (i32, i32) {
    %add3A = arith.constant 0 : i32
    %add3A_0 = arith.addi %add3A, %arg0 : i32
    %c0_i32 = arith.constant 0 : i32
    %c0_i32_1 = arith.constant 0 : i32
    return %add3A_0, %c0_i32 : i32, i32
  }
  func.func @transform_5(%arg0: i32, %arg1: i32) -> (i32, i32) {
    %add3A = arith.constant 20 : i32
    %add3A_0 = arith.addi %add3A, %arg0 : i32
    %c0_i32 = arith.constant 0 : i32
    %c0_i32_1 = arith.constant 0 : i32
    return %add3A_0, %c0_i32 : i32, i32
  }
  func.func @transform_6(%arg0: i32, %arg1: i32) -> (i32, i32) {
    %add3A = arith.constant 40 : i32
    %add3A_0 = arith.addi %add3A, %arg0 : i32
    %c0_i32 = arith.constant 0 : i32
    %c0_i32_1 = arith.constant 0 : i32
    return %add3A_0, %c0_i32 : i32, i32
  }
  func.func @transform_7(%arg0: i32, %arg1: i32) -> (i32, i32) {
    %add3A = arith.constant 60 : i32
    %add3A_0 = arith.addi %add3A, %arg0 : i32
    %c0_i32 = arith.constant 0 : i32
    %c0_i32_1 = arith.constant 0 : i32
    return %add3A_0, %c0_i32 : i32, i32
  }
  func.func @transform_8(%arg0: i32, %arg1: i32) -> (i32, i32) {
    %c0_i32 = arith.constant 0 : i32
    %c0_i32_0 = arith.constant 0 : i32
    return %arg0, %c0_i32 : i32, i32
  }
  func.func @transform_9(%arg0: i32, %arg1: i32) -> (i32, i32) {
    %c0_i32 = arith.constant 0 : i32
    %c0_i32_0 = arith.constant 0 : i32
    %c0_i32_1 = arith.constant 0 : i32
    return %c0_i32, %c0_i32_0 : i32, i32
  }
  func.func @transform_10(%arg0: i32, %arg1: i32) -> (i32, i32) {
    %c0_i32 = arith.constant 0 : i32
    %c0_i32_0 = arith.constant 0 : i32
    return %arg1, %c0_i32 : i32, i32
  }
  func.func @transform_11(%arg0: i32, %arg1: i32) -> (i32, i32) {
    %mul3A = arith.constant 20 : i32
    %mul3A_0 = arith.muli %arg1, %mul3A : i32
    %add3A = arith.addi %mul3A_0, %arg0 : i32
    %c0_i32 = arith.constant 0 : i32
    %c0_i32_1 = arith.constant 0 : i32
    return %add3A, %c0_i32 : i32, i32
  }
}

module attributes {stable_mosaic.version = 14 : i64} {
  func.func @_k4_body(%arg0: i32, %arg1: memref<512x128xf32, #tpu.memory_space<vmem>>, %arg2: memref<512x128xf32, #tpu.memory_space<vmem>>, %arg3: memref<512x128xf32, #tpu.memory_space<vmem>>, %arg4: memref<512x128xf32, #tpu.memory_space<vmem>>, %arg5: memref<512x128xf32, #tpu.memory_space<vmem>>, %arg6: memref<512x128xf32, #tpu.memory_space<vmem>>, %arg7: memref<512x128xf32, #tpu.memory_space<vmem>>, %arg8: memref<512x128xf32, #tpu.memory_space<vmem>>, %arg9: memref<512x1xf32, #tpu.memory_space<vmem>>, %arg10: memref<1x512xf32, #tpu.memory_space<vmem>>, %arg11: memref<1x512xi32, #tpu.memory_space<vmem>>, %arg12: memref<512x16xf32, #tpu.memory_space<vmem>>, %arg13: memref<1x16xf32, #tpu.memory_space<vmem>>, %arg14: memref<64x16xf32, #tpu.memory_space<vmem>>, %arg15: memref<64x512xf32, #tpu.memory_space<vmem>>, %arg16: memref<64x128xf32, #tpu.memory_space<vmem>>) attributes {dimension_semantics = [#tpu.dimension_semantics<arbitrary>], iteration_bounds = array<i64: 20>, scalar_prefetch = 0 : i64, scratch_operands = 2 : i64, tpu.core_type = #tpu.core_type<tc>, window_params = [{transform_indices = @transform_0, window_bounds = array<i64: 512, 128>}, {transform_indices = @transform_1, window_bounds = array<i64: 512, 128>}, {transform_indices = @transform_2, window_bounds = array<i64: 512, 128>}, {transform_indices = @transform_3, window_bounds = array<i64: 512, 128>}, {transform_indices = @transform_4, window_bounds = array<i64: 512, 128>}, {transform_indices = @transform_5, window_bounds = array<i64: 512, 128>}, {transform_indices = @transform_6, window_bounds = array<i64: 512, 128>}, {transform_indices = @transform_7, window_bounds = array<i64: 512, 128>}, {transform_indices = @transform_8, window_bounds = array<i64: 512, 1>}, {pipeline_mode = #tpu.pipeline_mode<synchronous>, transform_indices = @transform_9, window_bounds = array<i64: 1, 512>}, {transform_indices = @transform_10, window_bounds = array<i64: 1, 512>}, {pipeline_mode = #tpu.pipeline_mode<synchronous>, transform_indices = @transform_11, window_bounds = array<i64: 512, 16>}, {pipeline_mode = #tpu.pipeline_mode<synchronous>, transform_indices = @transform_12, window_bounds = array<i64: 1, 16>}, {pipeline_mode = #tpu.pipeline_mode<synchronous>, transform_indices = @transform_13, window_bounds = array<i64: 64, 16>}]} {
    %eq3A = arith.constant 0 : i32
    %eq3A_0 = arith.cmpi eq, %arg0, %eq3A : i32
    %convert_element_type3A = arith.extui %eq3A_0 : i1 to i32
    %cond3A = arith.constant 0 : i32
    %cond3A_1 = arith.cmpi ne, %convert_element_type3A, %cond3A : i32
    scf.if %cond3A_1 {
      %broadcast_in_dim3A_66 = arith.constant 0.000000e+00 : f32
      %broadcast_in_dim3A_67 = vector.broadcast %broadcast_in_dim3A_66 : f32 to vector<64x512xf32>
      %swap3A_68 = arith.constant 0 : index
      %swap3A_69 = arith.constant 0 : index
      %swap3A_70 = vector.load %arg15[%swap3A_68, %swap3A_69] : memref<64x512xf32, #tpu.memory_space<vmem>>, vector<64x512xf32>
      tpu.vector_store %arg15[%swap3A_68, %swap3A_69], %broadcast_in_dim3A_67 {strides = array<i32>} : memref<64x512xf32, #tpu.memory_space<vmem>>, vector<64x512xf32>,
      %broadcast_in_dim3A_71 = arith.constant 0.000000e+00 : f32
      %broadcast_in_dim3A_72 = vector.broadcast %broadcast_in_dim3A_71 : f32 to vector<64x128xf32>
      %swap3A_73 = arith.constant 0 : index
      %swap3A_74 = arith.constant 0 : index
      %swap3A_75 = vector.load %arg16[%swap3A_73, %swap3A_74] : memref<64x128xf32, #tpu.memory_space<vmem>>, vector<64x128xf32>
      tpu.vector_store %arg16[%swap3A_73, %swap3A_74], %broadcast_in_dim3A_72 {strides = array<i32>} : memref<64x128xf32, #tpu.memory_space<vmem>>, vector<64x128xf32>,
    } else {
    }
    %get3A = arith.constant 0 : index
    %get3A_2 = arith.constant 0 : index
    %get3A_3 = vector.load %arg9[%get3A, %get3A_2] : memref<512x1xf32, #tpu.memory_space<vmem>>, vector<512x1xf32>
    %get3A_4 = arith.constant 0 : index
    %get3A_5 = arith.constant 0 : index
    %get3A_6 = vector.load %arg1[%get3A_4, %get3A_5] : memref<512x128xf32, #tpu.memory_space<vmem>>, vector<512x128xf32>
    %get3A_7 = arith.constant 0 : index
    %get3A_8 = arith.constant 0 : index
    %get3A_9 = vector.load %arg5[%get3A_7, %get3A_8] : memref<512x128xf32, #tpu.memory_space<vmem>>, vector<512x128xf32>
    %add3A = arith.addf %get3A_6, %get3A_9 : vector<512x128xf32>
    %get3A_10 = arith.constant 0 : index
    %get3A_11 = arith.constant 0 : index
    %get3A_12 = vector.load %arg2[%get3A_10, %get3A_11] : memref<512x128xf32, #tpu.memory_space<vmem>>, vector<512x128xf32>
    %get3A_13 = arith.constant 0 : index
    %get3A_14 = arith.constant 0 : index
    %get3A_15 = vector.load %arg6[%get3A_13, %get3A_14] : memref<512x128xf32, #tpu.memory_space<vmem>>, vector<512x128xf32>
    %add3A_16 = arith.addf %get3A_12, %get3A_15 : vector<512x128xf32>
    %get3A_17 = arith.constant 0 : index
    %get3A_18 = arith.constant 0 : index
    %get3A_19 = vector.load %arg3[%get3A_17, %get3A_18] : memref<512x128xf32, #tpu.memory_space<vmem>>, vector<512x128xf32>
    %get3A_20 = arith.constant 0 : index
    %get3A_21 = arith.constant 0 : index
    %get3A_22 = vector.load %arg7[%get3A_20, %get3A_21] : memref<512x128xf32, #tpu.memory_space<vmem>>, vector<512x128xf32>
    %add3A_23 = arith.addf %get3A_19, %get3A_22 : vector<512x128xf32>
    %get3A_24 = arith.constant 0 : index
    %get3A_25 = arith.constant 0 : index
    %get3A_26 = vector.load %arg4[%get3A_24, %get3A_25] : memref<512x128xf32, #tpu.memory_space<vmem>>, vector<512x128xf32>
    %get3A_27 = arith.constant 0 : index
    %get3A_28 = arith.constant 0 : index
    %get3A_29 = vector.load %arg8[%get3A_27, %get3A_28] : memref<512x128xf32, #tpu.memory_space<vmem>>, vector<512x128xf32>
    %add3A_30 = arith.addf %get3A_26, %get3A_29 : vector<512x128xf32>
    %concatenate3A = tpu.concatenate %add3A, %add3A_16, %add3A_23, %add3A_30 in 1 : vector<512x128xf32>, vector<512x128xf32>, vector<512x128xf32>, vector<512x128xf32> -> vector<512x512xf32>
    %mul3A = vector.broadcast %get3A_3 : vector<512x1xf32> to vector<512x512xf32>
    %mul3A_31 = arith.mulf %mul3A, %concatenate3A : vector<512x512xf32>
    %get3A_32 = arith.constant 0 : index
    %get3A_33 = arith.constant 0 : index
    %get3A_34 = vector.load %arg10[%get3A_32, %get3A_33] : memref<1x512xf32, #tpu.memory_space<vmem>>, vector<1x512xf32>
    %add3A_35 = vector.broadcast %get3A_34 : vector<1x512xf32> to vector<512x512xf32>
    %add3A_36 = arith.addf %mul3A_31, %add3A_35 : vector<512x512xf32>
    %get3A_37 = arith.constant 0 : index
    %get3A_38 = arith.constant 0 : index
    %get3A_39 = vector.load %arg11[%get3A_37, %get3A_38] : memref<1x512xi32, #tpu.memory_space<vmem>>, vector<1x512xi32>
    %iota3A = tpu.iota {dimensions = array<i32: 0>} : vector<64x512xi32>
    %eq3A_40 = vector.broadcast %get3A_39 : vector<1x512xi32> to vector<64x512xi32>
    %eq3A_41 = arith.cmpi eq, %iota3A, %eq3A_40 : vector<64x512xi32>
    %convert_element_type3A_42 = arith.extui %eq3A_41 : vector<64x512xi1> to vector<64x512xi32>
    %convert_element_type3A_43 = arith.sitofp %convert_element_type3A_42 : vector<64x512xi32> to vector<64x512xf32>
    %get3A_44 = arith.constant 0 : index
    %get3A_45 = arith.constant 0 : index
    %get3A_46 = vector.load %arg15[%get3A_44, %get3A_45] : memref<64x512xf32, #tpu.memory_space<vmem>>, vector<64x512xf32>
    %dot_general3A = arith.constant dense<0.000000e+00> : vector<64x512xf32>
    %dot_general3A_47 = tpu.matmul %convert_element_type3A_43, %add3A_36, %dot_general3A {dimension_numbers = #tpu.dot_dimension_numbers<[1], [0], [0], [1], [0, 0, 1, 1], [], []>, transpose_lhs_hint = false} : vector<64x512xf32>, vector<512x512xf32>, vector<64x512xf32> -> vector<64x512xf32>
    %add3A_48 = arith.addf %get3A_46, %dot_general3A_47 : vector<64x512xf32>
    %swap3A = arith.constant 0 : index
    %swap3A_49 = arith.constant 0 : index
    %swap3A_50 = vector.load %arg15[%swap3A, %swap3A_49] : memref<64x512xf32, #tpu.memory_space<vmem>>, vector<64x512xf32>
    tpu.vector_store %arg15[%swap3A, %swap3A_49], %add3A_48 {strides = array<i32>} : memref<64x512xf32, #tpu.memory_space<vmem>>, vector<64x512xf32>,
    %get3A_51 = arith.constant 0 : index
    %get3A_52 = arith.constant 0 : index
    %get3A_53 = vector.load %arg16[%get3A_51, %get3A_52] : memref<64x128xf32, #tpu.memory_space<vmem>>, vector<64x128xf32>
    %reduce_sum3A = arith.constant dense<0.000000e+00> : vector<64xf32>
    %reduce_sum3A_54 = vector.multi_reduction <add>, %convert_element_type3A_43, %reduce_sum3A [1] : vector<64x512xf32> to vector<64xf32>
    %broadcast_in_dim3A = vector.shape_cast %reduce_sum3A_54 : vector<64xf32> to vector<64x1xf32>
    %broadcast_in_dim3A_55 = vector.shape_cast %broadcast_in_dim3A : vector<64x1xf32> to vector<64x1xf32>
    %broadcast_in_dim3A_56 = vector.broadcast %broadcast_in_dim3A_55 : vector<64x1xf32> to vector<64x128xf32>
    %add3A_57 = arith.addf %get3A_53, %broadcast_in_dim3A_56 : vector<64x128xf32>
    %swap3A_58 = arith.constant 0 : index
    %swap3A_59 = arith.constant 0 : index
    %swap3A_60 = vector.load %arg16[%swap3A_58, %swap3A_59] : memref<64x128xf32, #tpu.memory_space<vmem>>, vector<64x128xf32>
    tpu.vector_store %arg16[%swap3A_58, %swap3A_59], %add3A_57 {strides = array<i32>} : memref<64x128xf32, #tpu.memory_space<vmem>>, vector<64x128xf32>,
    %eq3A_61 = arith.constant 19 : i32
    %eq3A_62 = arith.cmpi eq, %arg0, %eq3A_61 : i32
    %convert_element_type3A_63 = arith.extui %eq3A_62 : i1 to i32
    %cond3A_64 = arith.constant 0 : i32
    %cond3A_65 = arith.cmpi ne, %convert_element_type3A_63, %cond3A_64 : i32
    scf.if %cond3A_65 {
      %get3A_66 = arith.constant 0 : index
      %get3A_67 = arith.constant 0 : index
      %get3A_68 = vector.load %arg15[%get3A_66, %get3A_67] : memref<64x512xf32, #tpu.memory_space<vmem>>, vector<64x512xf32>
      %get3A_69 = arith.constant 0 : index
      %get3A_70 = arith.constant 0 : index
      %get3A_71 = vector.load %arg16[%get3A_69, %get3A_70] : memref<64x128xf32, #tpu.memory_space<vmem>>, vector<64x1xf32>
      %max3A = arith.constant 1.000000e+00 : f32
      %max3A_72 = vector.broadcast %max3A : f32 to vector<64x1xf32>
      %max3A_73 = arith.maximumf %get3A_71, %max3A_72 : vector<64x1xf32>
      %div3A = vector.broadcast %max3A_73 : vector<64x1xf32> to vector<64x512xf32>
      %div3A_74 = arith.divf %get3A_68, %div3A : vector<64x512xf32>
      %get3A_75 = arith.constant 0 : index
      %get3A_76 = arith.constant 0 : index
      %get3A_77 = vector.load %arg12[%get3A_75, %get3A_76] : memref<512x16xf32, #tpu.memory_space<vmem>>, vector<512x16xf32>
      %dot_general3A_78 = arith.constant dense<0.000000e+00> : vector<64x16xf32>
      %dot_general3A_79 = tpu.matmul %div3A_74, %get3A_77, %dot_general3A_78 {dimension_numbers = #tpu.dot_dimension_numbers<[1], [0], [0], [1], [0, 0, 1, 1], [], []>, transpose_lhs_hint = false} : vector<64x512xf32>, vector<512x16xf32>, vector<64x16xf32> -> vector<64x16xf32>
      %get3A_80 = arith.constant 0 : index
      %get3A_81 = arith.constant 0 : index
      %get3A_82 = vector.load %arg13[%get3A_80, %get3A_81] : memref<1x16xf32, #tpu.memory_space<vmem>>, vector<1x16xf32>
      %add3A_83 = vector.broadcast %get3A_82 : vector<1x16xf32> to vector<64x16xf32>
      %add3A_84 = arith.addf %dot_general3A_79, %add3A_83 : vector<64x16xf32>
      %swap3A_85 = arith.constant 0 : index
      %swap3A_86 = arith.constant 0 : index
      %swap3A_87 = vector.load %arg14[%swap3A_85, %swap3A_86] : memref<64x16xf32, #tpu.memory_space<vmem>>, vector<64x16xf32>
      tpu.vector_store %arg14[%swap3A_85, %swap3A_86], %add3A_84 {strides = array<i32>} : memref<64x16xf32, #tpu.memory_space<vmem>>, vector<64x16xf32>,
    } else {
    }
    return
  }
  func.func @transform_0(%arg0: i32) -> (i32, i32) {
    %add3A = arith.constant 0 : i32
    %add3A_0 = arith.addi %add3A, %arg0 : i32
    %c0_i32 = arith.constant 0 : i32
    %c0_i32_1 = arith.constant 0 : i32
    return %add3A_0, %c0_i32 : i32, i32
  }
  func.func @transform_1(%arg0: i32) -> (i32, i32) {
    %add3A = arith.constant 20 : i32
    %add3A_0 = arith.addi %add3A, %arg0 : i32
    %c0_i32 = arith.constant 0 : i32
    %c0_i32_1 = arith.constant 0 : i32
    return %add3A_0, %c0_i32 : i32, i32
  }
  func.func @transform_2(%arg0: i32) -> (i32, i32) {
    %add3A = arith.constant 40 : i32
    %add3A_0 = arith.addi %add3A, %arg0 : i32
    %c0_i32 = arith.constant 0 : i32
    %c0_i32_1 = arith.constant 0 : i32
    return %add3A_0, %c0_i32 : i32, i32
  }
  func.func @transform_3(%arg0: i32) -> (i32, i32) {
    %add3A = arith.constant 60 : i32
    %add3A_0 = arith.addi %add3A, %arg0 : i32
    %c0_i32 = arith.constant 0 : i32
    %c0_i32_1 = arith.constant 0 : i32
    return %add3A_0, %c0_i32 : i32, i32
  }
  func.func @transform_4(%arg0: i32) -> (i32, i32) {
    %add3A = arith.constant 0 : i32
    %add3A_0 = arith.addi %add3A, %arg0 : i32
    %c0_i32 = arith.constant 0 : i32
    %c0_i32_1 = arith.constant 0 : i32
    return %add3A_0, %c0_i32 : i32, i32
  }
  func.func @transform_5(%arg0: i32) -> (i32, i32) {
    %add3A = arith.constant 20 : i32
    %add3A_0 = arith.addi %add3A, %arg0 : i32
    %c0_i32 = arith.constant 0 : i32
    %c0_i32_1 = arith.constant 0 : i32
    return %add3A_0, %c0_i32 : i32, i32
  }
  func.func @transform_6(%arg0: i32) -> (i32, i32) {
    %add3A = arith.constant 40 : i32
    %add3A_0 = arith.addi %add3A, %arg0 : i32
    %c0_i32 = arith.constant 0 : i32
    %c0_i32_1 = arith.constant 0 : i32
    return %add3A_0, %c0_i32 : i32, i32
  }
  func.func @transform_7(%arg0: i32) -> (i32, i32) {
    %add3A = arith.constant 60 : i32
    %add3A_0 = arith.addi %add3A, %arg0 : i32
    %c0_i32 = arith.constant 0 : i32
    %c0_i32_1 = arith.constant 0 : i32
    return %add3A_0, %c0_i32 : i32, i32
  }
  func.func @transform_8(%arg0: i32) -> (i32, i32) {
    %c0_i32 = arith.constant 0 : i32
    %c0_i32_0 = arith.constant 0 : i32
    return %arg0, %c0_i32 : i32, i32
  }
  func.func @transform_9(%arg0: i32) -> (i32, i32) {
    %c0_i32 = arith.constant 0 : i32
    %c0_i32_0 = arith.constant 0 : i32
    %c0_i32_1 = arith.constant 0 : i32
    return %c0_i32, %c0_i32_0 : i32, i32
  }
  func.func @transform_10(%arg0: i32) -> (i32, i32) {
    %c0_i32 = arith.constant 0 : i32
    %c0_i32_0 = arith.constant 0 : i32
    return %c0_i32, %arg0 : i32, i32
  }
  func.func @transform_11(%arg0: i32) -> (i32, i32) {
    %c0_i32 = arith.constant 0 : i32
    %c0_i32_0 = arith.constant 0 : i32
    %c0_i32_1 = arith.constant 0 : i32
    return %c0_i32, %c0_i32_0 : i32, i32
  }
  func.func @transform_12(%arg0: i32) -> (i32, i32) {
    %c0_i32 = arith.constant 0 : i32
    %c0_i32_0 = arith.constant 0 : i32
    %c0_i32_1 = arith.constant 0 : i32
    return %c0_i32, %c0_i32_0 : i32, i32
  }
  func.func @transform_13(%arg0: i32) -> (i32, i32) {
    %c0_i32 = arith.constant 0 : i32
    %c0_i32_0 = arith.constant 0 : i32
    %c0_i32_1 = arith.constant 0 : i32
    return %c0_i32, %c0_i32_0 : i32, i32
  }
}

</mosaic_0001>

<sc_bundles>
// kernel: kernel.10.cloned.1.call-start
scs
__scs_entry_jumppad:
0x0: {  	(pc) =	sbr.rel $0x88, $3  }
0x1: {  	(tag) =	ssettag $0x0;
	lr =	simm.s32 $0x1  }
0x2: {  	[smem:$0x3F96] =	sst lr;
	_ =	strace $0xD0000000  }
0x3: {  	_ = 	snop  }
0x4: {  	_ = 	snop  }
0x5: {  	_ = 	snop  }
0x6: {  	_ = 	snop  }
0x7: {  	_ = 	snop  }
__scs_overlays_trampoline_lowered:
0x8: {  	[smem:$0x3FA5] =	sst s0  }
0x9: {  	[smem:$0x3FA6] =	sst s1  }
0xa: {  	[smem:$0x3FA7] =	sst s2  }
0xb: {  	[smem:$0x3FA8] =	sst s3  }
0xc: {  	[smem:$0x3FA9] =	sst s4  }
0xd: {  	[smem:$0x3FAA] =	sst s5  }
0xe: {  	[smem:$0x3FAB] =	sst s6  }
0xf: {  	[smem:$0x3FAC] =	sst s7  }
0x10: {  	[smem:$0x3FAD] =	sst s8  }
0x11: {  	[smem:$0x3FAE] =	sst s9;
	s0 =	simm.s32 @!p0 $0x0  }
0x12: {  	s1 =	sld [smem:$0x3F94];
	s0 =	simm.s32 @p0 $0x1  }
0x13: {  	[smem:$0x3FAF] =	sst s0;
	s0 =	simm.s32 @!p1 $0x0  }
0x14: {  	s2 =	sld [smem:$0x3F93];
	s0 =	simm.s32 @p1 $0x1  }
0x15: {  	[smem:$0x3FB0] =	sst s0;
	s0 =	simm.s32 @!p2 $0x0  }
0x16: {  	s3 =	sld [smem:$0x3FDB];
	s0 =	simm.s32 @p2 $0x1  }
0x17: {  	s4 =	simm.s32 $0x1BF5;
	[smem:$0x3FB2] =	sst s0  }
0x18: {  	s0 =	sld [smem:$0x3F95];
	_ =	swait.ge [sflag:s4], $0x0  }
0x19: {  	s7 =	sld [smem:$0x3F96]  }
0x1a: {  	s8 =	sadd.s32 $0xFFFFE003, lr  }
0x1b: {  	s9 =	sadd.s32 $0xFFFFFEF7, lr;
	s5 =	simm.s32 $0xFFFFFFFF;
	p2 =	slt.u32 s8, $0xFFFFF086  }
0x1c: {  	p1 =	slt.u32 s9, $0xF7A;
	s5 =	simm.s32 @!p2 $0x0  }
0x1d: {  	s5 =	simm.s32 @p1 $0x1;
	p0 =	seq.s32 s7, s2  }
0x1e: {  	s7 =	smul.u32 @!p0 $0xF7A, s2;
	p2 =	seq.s32 @!p0 s5, $0x0  }
0x1f: {  	s9 =	smul.u32 $0xF7A, s1;
	s8 =	simm.s32 @!p0 $0x1BF5;
	p2 =	por !p2, p0  }
0x20: {  	[sflag:s8] =	ssyncset.s32 @!p0 $0xFFFFF086;
	s6 =	sadd.s32 @!p0 s3, s7;
	s7 =	simm.s32 @!p0 $0x108  }
0x21: {  	s3 =	sadd.s32 s3, s9;
	s6 =	sadd.s32 @!p0 $0x88, s6;
	s7 =	simm.s32 @p2 $0x1082  }
0x22: {  	[simem:s7], [sflag:s8] =	dma.local @!p0 [hbm:s6], $0xF7A  }
0x23: {  	s9 =	sor.u32 $0xD0000000, s2;
	s6 =	simm.s32 $0x108;
	_ =	swait.ge @!p0 [sflag:s8], $0x0  }
0x24: {  	s3 =	sadd.s32 $0x88, s3;
	s6 =	simm.s32 @!p1 $0x1082;
	[sflag:s4] =	ssyncset.s32 $0xFFFFF086  }
0x25: {  	[simem:s6], [sflag:s4] =	dma.local [hbm:s3], $0xF7A  }
0x26: {  	[smem:$0x3F96] =	sst s1;
	(tag) =	ssettag s2;
	_ =	strace s9  }
0x27: {  	s1 =	sld [smem:$0x3FA6]  }
0x28: {  	s2 =	sld [smem:$0x3FA7]  }
0x29: {  	s4 =	sld [smem:$0x3FA9]  }
0x2a: {  	p0 =	seq.s32 s5, $0x0;
	s5 =	sld [smem:$0x3FAA]  }
0x2b: {  	s6 =	sld [smem:$0x3FAB]  }
0x2c: {  	s7 =	sld [smem:$0x3FAC]  }
0x2d: {  	s3 =	simm.s32 $0x108;
	s8 =	sld [smem:$0x3FAD]  }
0x2e: {  	s3 =	simm.s32 @!p0 $0x1082;
	s9 =	sld [smem:$0x3FAE]  }
0x2f: {  	lr =	sadd.s32 s0, s3;
	s0 =	sld [smem:$0x3FA5]  }
0x30: {  	s3 =	sld [smem:$0x3FA8]  }
0x31: {  	[smem:$0x3FB1] =	sst s10  }
0x32: {  	s10 =	sld [smem:$0x3FAF];
	_ =	sdelay $0x3  }
0x33: {  	p0 =	seq.s32 s10, $0x1;
	s10 =	sld [smem:$0x3FB1];
	_ =	sdelay $0x3  }
0x34: {  	[smem:$0x3FB1] =	sst s10  }
0x35: {  	s10 =	sld [smem:$0x3FB0];
	_ =	sdelay $0x3  }
0x36: {  	p1 =	seq.s32 s10, $0x1;
	s10 =	sld [smem:$0x3FB1];
	_ =	sdelay $0x3  }
0x37: {  	[smem:$0x3FB1] =	sst s10  }
0x38: {  	s10 =	sld [smem:$0x3FB2]  }
0x39: {  	_ = 	snop;
	(pc) =	sbr.ind lr, $3  }
0x3a: {  	_ = 	snop  }
0x3b: {  	_ = 	snop  }
0x3c: {  	p2 =	seq.s32 s10, $0x1;
	s10 =	sld [smem:$0x3FB1]  }
0x3d: {  	_ =	shalt  }
0x3e: {  	_ =	shalt  }
0x3f: {  	_ =	shalt  }
0x40: {  	_ =	shalt  }
0x41: {  	_ =	shalt  }
0x42: {  	_ =	shalt  }
0x43: {  	_ =	shalt  }
0x44: {  	_ =	shalt  }
0x45: {  	_ =	shalt  }
0x46: {  	_ =	shalt  }
0x47: {  	_ =	shalt  }
0x48: {  	_ =	shalt  }
0x49: {  	_ =	shalt  }
0x4a: {  	_ =	shalt  }
0x4b: {  	_ =	shalt  }
0x4c: {  	_ =	shalt  }
0x4d: {  	_ =	shalt  }
0x4e: {  	_ =	shalt  }
0x4f: {  	_ =	shalt  }
0x50: {  	_ =	shalt  }
0x51: {  	_ =	shalt  }
0x52: {  	_ =	shalt  }
0x53: {  	_ =	shalt  }
0x54: {  	_ =	shalt  }
0x55: {  	_ =	shalt  }
0x56: {  	_ =	shalt  }
0x57: {  	_ =	shalt  }
0x58: {  	_ =	shalt  }
0x59: {  	_ =	shalt  }
0x5a: {  	_ =	shalt  }
0x5b: {  	_ =	shalt  }
0x5c: {  	_ =	shalt  }
0x5d: {  	_ =	shalt  }
0x5e: {  	_ =	shalt  }
0x5f: {  	_ =	shalt  }
0x60: {  	_ =	shalt  }
0x61: {  	_ =	shalt  }
0x62: {  	_ =	shalt  }
0x63: {  	_ =	shalt  }
0x64: {  	_ =	shalt  }
0x65: {  	_ =	shalt  }
0x66: {  	_ =	shalt  }
0x67: {  	_ =	shalt  }
0x68: {  	_ =	shalt  }
0x69: {  	_ =	shalt  }
0x6a: {  	_ =	shalt  }
0x6b: {  	_ =	shalt  }
0x6c: {  	_ =	shalt  }
0x6d: {  	_ =	shalt  }
0x6e: {  	_ =	shalt  }
0x6f: {  	_ =	shalt  }
0x70: {  	_ =	shalt  }
0x71: {  	_ =	shalt  }
0x72: {  	_ =	shalt  }
0x73: {  	_ =	shalt  }
0x74: {  	_ =	shalt  }
0x75: {  	_ =	shalt  }
0x76: {  	_ =	shalt  }
0x77: {  	_ =	shalt  }
0x78: {  	_ =	shalt  }
0x79: {  	_ =	shalt  }
0x7a: {  	_ =	shalt  }
0x7b: {  	_ =	shalt  }
0x7c: {  	_ =	shalt  }
0x7d: {  	_ =	shalt  }
0x7e: {  	_ =	shalt  }
0x7f: {  	_ =	shalt  }
0x80: {  	_ =	shalt  }
0x81: {  	_ =	shalt  }
0x82: {  	_ =	shalt  }
0x83: {  	_ =	shalt  }
0x84: {  	_ =	shalt  }
0x85: {  	_ =	shalt  }
0x86: {  	_ =	shalt  }
0x87: {  	_ =	shalt  }
.Lfunc_end0:
.L_simem_size_0:
called_computation_lowered:
.L_overlay_start_0:
0x88: {  	s2 =	sld [smem:$0x3FD9]  }
0x89: {  	s3 =	sld [smem:$0x3FFE];
	_ =	sdelay $0x1  }
0x8a: {  	s1 =	srdreg.scid  }
0x8b: {  	s0 =	sand.u32 $0x1, s1  }
0x8c: {  	s16 =	sshll.u32 s0, $0xA;
	s2 =	sadd.s32 s3, s2  }
0x8d: {  	s2 =	sadd.s32 s2, s16  }
0x8e: {  	[smem:$0x3FBD] =	sst s2  }
0x8f: {  	_ = 	snop  }
0x90: {  	(tm) =	ssettm $0x1  }
0x91: {  	s17 =	sld [smem:$0x3FFB];
	_ =	sdelay $0x3  }
0x92: {  	_ =	strace s17  }
0x93: {  	s2 =	sld [smem:$0x3FFC];
	_ =	sdelay $0x3  }
0x94: {  	_ =	strace s2  }
0x95: {  	s2 =	sld [smem:$0x3FFD];
	_ =	sdelay $0x3  }
0x96: {  	_ =	strace s2  }
0x97: {  	_ =	strace $0x8FFFFFFF  }
0x98: {  	s18 =	sld [smem:$0x3FDB];
	_ =	sdelay $0x1  }
0x99: {  	s19 =	simm.s32 $_scs_section_size  }
0x9a: {  	s4 =	simm.s32 $_size__tile_overlayer_lowered;
	s5 =	simm.s32 $_tile_overlayer_lowered  }
0x9b: {  	s22 =	simm.s32 $0x1BFF;
	s21 =	sshll.u32 s5, $0x1;
	s2 =	sadd.s32 s19, s18  }
0x9c: {  	s6 =	simm.s32 $0x0;
	s20 =	sshll.u32 s4, $0x1;
	s4 =	sadd.s32 s21, s2  }
0x9d: {  	[timem:s6], [sflag:s22] =	dma.local [hbm:s4], s20  }
0x9e: {  	_ =	swait.ge [sflag:s22], s20  }
0x9f: {  	s3 =	ssub.s32 $0x0, s20;
	[sflag:s22] =	ssyncset.done $0x0  }
0xa0: {  	[sflag:s22] =	ssyncadd.s32 s3;
	_ =	sdelay $0x1  }
0xa1: {  	s23 =	simm.s32 $0x1B8B  }
0xa2: {  	_ =	swait.ge [sflag:s23], $0x1  }
0xa3: {  	[sflag:s23] =	ssyncset.done $0x0  }
0xa4: {  	s25 =	simm.s32 $0x1B8E;
	s24 =	sld [smem:$0x3FFE];
	[sflag:s23] =	ssyncadd.s32 $0xFFFFFFFF  }
0xa5: {  	s26 =	simm.s32 $execute0_lowered;
	[smem:$0x3FD2] =	sst s25  }
0xa6: {  	s4 =	sshll.u32 s26, $0x1;
	_ =	strace $0x80000046;
	[dreg:$0x1] =	wrdreg $0xFFFFFFFF  }
0xa7: {  	s28 =	simm.s32 $_size_execute0_lowered;
	s2 =	sadd.s32 s2, s4;
	[dreg:$0x0] =	wrdreg $0x0  }
0xa8: {  	s4 =	sshll.u32 s28, $0x1;
	[dreg:$0x2] =	wrdreg s2  }
0xa9: {  	[dreg:$0x3] =	wrdreg s4  }
0xaa: {  	[dreg:$0x4] =	wrdreg $0xC0  }
0xab: {  	_ =	task [dreg:s6], $0x5FFFF  }
0xac: {  	[dreg:$0x1] =	wrdreg $0xFFFFFFFF  }
0xad: {  	[dreg:$0x0] =	wrdreg $0x60  }
0xae: {  	[dreg:$0x2] =	wrdreg s24  }
0xaf: {  	[dreg:$0x3] =	wrdreg $0x0  }
0xb0: {  	[dreg:$0x4] =	wrdreg $0x9  }
0xb1: {  	_ =	task.clear_ibuf [dreg:s6], $0x5FFFF;
	_ =	strace $0x90000046  }
0xb2: {  	s29 =	simm.s32 $0x9;
	_ =	strace $0x80000048  }
0xb3: {  	_ =	swait.ge [sflag:s29], $0x1  }
0xb4: {  	[sflag:s29] =	ssyncadd.s32 $0xFFFFFFFF  }
0xb5: {  	_ =	strace $0x90000048  }
0xb6: {  	_ =	sfence  }
0xb7: {  	s30 =	sld [smem:$0x0];
	_ =	sdelay $0x2  }
0xb8: {  	s31 =	sshll.u32 s1, $0xD;
	s1 =	sshrl.u32 s1, $0x2  }
0xb9: {  	s3 =	sand.u32 $0x4000, s31;
	s1 =	sadd.s32 s1, s30  }
0xba: {  	s0 =	sor.u32 s3, s0;
	s1 =	sshll.u32 s1, $0x11  }
0xbb: {  	s0 =	sor.u32 s1, s0  }
0xbc: {  	s0 =	sadd.s32 $0x8F2B, s0  }
0xbd: {  	[sflag:s0] =	ssyncadd.remote.s32 $0x1  }
0xbe: {  	_ =	sfence.sel $0xFFFF  }
0xbf: {  	[dreg:$0x0] =	wrdreg $0xFFFFFFFF;
	(pc) =	sbr.abs _section_cstart, $3  }
0xc0: {  	[dreg:$0x1] =	wrdreg $0xFFFFFFFF  }
0xc1: {  	_ =	task.clear_ibuf [dreg:s6], $0x2FFFF;
	_ =	strace $0x9FFFFFFF  }
0xc2: {  	(tm) =	ssettm $0x7FFFFFFF  }
0xc3: {  	_ =	shalt  }
tec
execute0_lowered:
.L_overlay_start_1:
0x0: {  	(tag) =	ssettag $0x1  }
0x1: {  	s4 =	rddreg [dreg:$0x0]  }
0x2: {  	s2 =	rddreg [dreg:$0x1]  }
0x3: {  	s0 =	srdreg.scid;
	s1 =	rddreg [dreg:$0x2];
	s3 =	simm.s32 $0x0  }
0x4: {  	s10 =	simm.s32 $0x1;
	s11 =	simm.s32 $0x580;
	s5 =	sand.u32 $0x1, s0  }
0x5: {  	s12 =	simm.s32 $0x80;
	s0 =	stileid.u32;
	s6 =	smul.u32 $0x13880, s5  }
0x6: {  	s13 =	simm.s32 $0x500;
	s14 =	simm.s32 $0x600;
	s7 =	smul.u32 $0x1388, s0  }
0x7: {  	s15 =	simm.s32 $0x8;
	s18 =	simm.s32 $0x0;
	s8 =	smul.u32 $0x280, s0  }
0x8: {  	[smem:$0x7FF] =	sst s3;
	s9 =	smul.u32 $0x2800, s5;
	s5 =	ssub.s32 $0x2, s5  }
0x9: {  	_ =	strace $0x80000047;
	s16 =	sshll.u32 s0, $0x6;
	s31 =	sshrl.u32 s5, $0x1  }
0xa: {  	s16 =	sor.u32 $0x1C01, s16;
	s6 =	sadd.s32 s7, s6;
	s28 =	sadd.s32 s8, s9  }
0xb: {  	s7 =	ssub.s32 s5, s31;
	s9 =	simm.s32 $0x280;
	s6 =	sshrl.u32 s6, $0x3  }
0xc: {  	s30 =	sshrl.u32 s28, $0x3;
	s7 =	smax.u32 s7, $0x1;
	s29 =	sadd.s32 s6, s4  }
0xd: {  	s6 =	sadd.s32 s30, s4;
	s4 =	sadd.s32 s8, s2;
	s5 =	sadd.s32 $0x2670, s29  }
0xe: {  	v0 =	vimm.f32 $0.0e+00;
	v1 =	vimm.f32 $1.000000000e+00;
	s6 =	sadd.s32 $0x7400, s6;
	s8 =	sadd.s32 $0x2400, s29;
	s17 =	sshrl.u32 s4, $0x3  }
.LBB2_1:
0xf: {  	[tilespmem:$0x280] =	vst v0  }
0x10: {  	[tilespmem:$0x290] =	vst v0  }
0x11: {  	[tilespmem:$0x2A0] =	vst v0  }
0x12: {  	[tilespmem:$0x2B0] =	vst v0  }
0x13: {  	[tilespmem:$0x2C0] =	vst v0  }
0x14: {  	[tilespmem:$0x2D0] =	vst v0  }
0x15: {  	[tilespmem:$0x2E0] =	vst v0  }
0x16: {  	[tilespmem:$0x2F0] =	vst v0  }
0x17: {  	[tilespmem:$0x300] =	vst v0  }
0x18: {  	[tilespmem:$0x310] =	vst v0  }
0x19: {  	[tilespmem:$0x320] =	vst v0  }
0x1a: {  	[tilespmem:$0x330] =	vst v0  }
0x1b: {  	[tilespmem:$0x340] =	vst v0  }
0x1c: {  	[tilespmem:$0x350] =	vst v0  }
0x1d: {  	[tilespmem:$0x360] =	vst v0  }
0x1e: {  	[tilespmem:$0x370] =	vst v0  }
0x1f: {  	[tilespmem:$0x380] =	vst v0  }
0x20: {  	[tilespmem:$0x390] =	vst v0  }
0x21: {  	[tilespmem:$0x3A0] =	vst v0  }
0x22: {  	[tilespmem:$0x3B0] =	vst v0  }
0x23: {  	[tilespmem:$0x3C0] =	vst v0  }
0x24: {  	[tilespmem:$0x3D0] =	vst v0  }
0x25: {  	[tilespmem:$0x3E0] =	vst v0  }
0x26: {  	[tilespmem:$0x3F0] =	vst v0  }
0x27: {  	[tilespmem:$0x400] =	vst v0  }
0x28: {  	[tilespmem:$0x410] =	vst v0  }
0x29: {  	[tilespmem:$0x420] =	vst v0  }
0x2a: {  	[tilespmem:$0x430] =	vst v0  }
0x2b: {  	[tilespmem:$0x440] =	vst v0  }
0x2c: {  	[tilespmem:$0x450] =	vst v0  }
0x2d: {  	[tilespmem:$0x460] =	vst v0  }
0x2e: {  	[tilespmem:$0x470] =	vst v0  }
0x2f: {  	[tilespmem:$0x480] =	vst v0  }
0x30: {  	[tilespmem:$0x490] =	vst v0  }
0x31: {  	[tilespmem:$0x4A0] =	vst v0  }
0x32: {  	[tilespmem:$0x4B0] =	vst v0  }
0x33: {  	[tilespmem:$0x4C0] =	vst v0  }
0x34: {  	[tilespmem:$0x4D0] =	vst v0  }
0x35: {  	[tilespmem:$0x4E0] =	vst v0  }
0x36: {  	[tilespmem:$0x4F0] =	vst v0  }
0x37: {  	[tilespmem:$0x500] =	vst v1  }
0x38: {  	[tilespmem:$0x510] =	vst v1  }
0x39: {  	[tilespmem:$0x520] =	vst v1  }
0x3a: {  	[tilespmem:$0x530] =	vst v1  }
0x3b: {  	[tilespmem:$0x540] =	vst v1  }
0x3c: {  	[tilespmem:$0x550] =	vst v1  }
0x3d: {  	[tilespmem:$0x560] =	vst v1  }
0x3e: {  	[tilespmem:$0x570] =	vst v1  }
0x3f: {  	[spmem:s4] =	stream.linear.scatter [tilespmem:s9], [sflag:$0x1], $0x280, $0x38;
	[tilespmem:$0x680] =	vst v63  }
0x40: {  	_ =	swait.ge [sflag:s10], $0x280  }
0x41: {  	[sflag:s10] =	ssyncset.done $0x0  }
0x42: {  	[sflag:s10] =	ssyncadd.s32 $0xFFFFFD80  }
0x43: {  	s19 =	sadd.s32 $0x0, s8;
	[bflag:$0x0] =	sbarrier.arrive $0xFFFF  }
0x44: {  	[tilespmem:s11], [sflag:$0x1] =	stream.linear.gather [hbm4b:s19+s3], $0x80, $0x38;
	[tilespmem:$0x680] =	vst v63  }
0x45: {  	_ =	swait.ge [sflag:s10], $0x80  }
0x46: {  	[sflag:s10] =	ssyncset.done $0x0  }
0x47: {  	[sflag:s10] =	ssyncadd.s32 $0xFFFFFF80  }
0x48: {  	[spmem:s2] =	stream.indirect.scatter.add.f32 [tilespmem:s13], [sflag:$0x1], $0x1, s11, s12, $0xb8;
	[tilespmem:$0x680] =	vst v63  }
0x49: {  	_ =	swait.ge [sflag:s10], $0x80  }
0x4a: {  	s20 =	simm.s32 $0x20;
	s19 =	simm.s32 $0x10;
	[sflag:s10] =	ssyncset.done $0x0  }
.LBB2_2:
0x4b: {  	s21 =	sadd.s32 s19, s8  }
0x4c: {  	[sflag:s10] =	ssyncadd.s32 $0xFFFFFF80;
	s19 =	smov.u32 s20;
	s22 =	sadd.s32 $0x10, s20  }
0x4d: {  	[tilespmem:s11], [sflag:$0x1] =	stream.linear.gather [hbm4b:s21+s3], $0x80, $0x38;
	[tilespmem:$0x680] =	vst v63  }
0x4e: {  	p0 =	sne.s32 s20, $0x260;
	_ =	swait.ge [sflag:s10], $0x80  }
.Ltmp0:
0x4f: {  	[sflag:s10] =	ssyncset.done $0x0;
	(pc) =	sbr.rel @p0 .LBB2_2-.Ltmp0, $4  }
0x50: {  	[sflag:s10] =	ssyncadd.s32 $0xFFFFFF80  }
0x51: {  	[spmem:s2] =	stream.indirect.scatter.add.f32 [tilespmem:s13], [sflag:$0x1], $0x1, s11, s12, $0xb8;
	[tilespmem:$0x680] =	vst v63  }
0x52: {  	_ =	swait.ge [sflag:s10], $0x80  }
0x53: {  	s20 =	smov.u32 s22;
	[sflag:s10] =	ssyncset.done $0x0  }
0x54: {  	s19 =	sadd.s32 s19, s8;
	[sflag:s10] =	ssyncadd.s32 $0xFFFFFF80  }
0x55: {  	[tilespmem:s11], [sflag:$0x1] =	stream.linear.gather [hbm4b:s19+s3], $0x80, $0x38;
	[tilespmem:$0x680] =	vst v63  }
0x56: {  	_ =	swait.ge [sflag:s10], $0x80  }
0x57: {  	[sflag:s10] =	ssyncset.done $0x0  }
0x58: {  	[sflag:s10] =	ssyncadd.s32 $0xFFFFFF80  }
0x59: {  	[spmem:s2] =	stream.indirect.scatter.add.f32 [tilespmem:s13], [sflag:$0x1], $0x1, s11, s12, $0xb8;
	[tilespmem:$0x680] =	vst v63  }
0x5a: {  	_ =	swait.ge [sflag:s10], $0x80  }
0x5b: {  	[sflag:s10] =	ssyncset.done $0x0  }
0x5c: {  	[sflag:s10] =	ssyncadd.s32 $0xFFFFFF80  }
0x5d: {  	[tilespmem:s14], [sflag:$0x1] =	stream.linear.gather [hbm4b:s5+s3], $0x8, $0x38;
	[tilespmem:$0x680] =	vst v63  }
0x5e: {  	_ =	swait.ge [sflag:s10], $0x8  }
0x5f: {  	[sflag:s10] =	ssyncset.done $0x0  }
0x60: {  	[sflag:s10] =	ssyncadd.s32 $0xFFFFFFF8  }
0x61: {  	[spmem:s2] =	stream.indirect.scatter.add.f32 [tilespmem:s13], [sflag:$0x1], $0x1, s14, s15, $0xb8;
	[tilespmem:$0x680] =	vst v63  }
0x62: {  	_ =	swait.ge [sflag:s10], $0x8  }
0x63: {  	s18 =	sadd.s32 $0x1, s18;
	[sflag:s10] =	ssyncset.done $0x0  }
0x64: {  	p0 =	sne.s32 s18, s7;
	[sflag:s10] =	ssyncadd.s32 $0xFFFFFFF8  }
.Ltmp1:
0x65: {  	[bflag:$0x0] =	sbarrier.arrive $0xFFFF;
	(pc) =	sbr.rel @p0 .LBB2_1-.Ltmp1, $4  }
0x66: {  	[hbm:s6], [sflag:s16] =	dma.local [spmem:s17], $0x50  }
0x67: {  	_ =	swait.ge [sflag:s10], $0x50  }
0x68: {  	[sflag:s10] =	ssyncset.done $0x0  }
0x69: {  	[sflag:s10] =	ssyncadd.s32 $0xFFFFFFB0  }
0x6a: {  	_ =	sfence.sel $0x180000  }
0x6b: {  	[bflag:$0x0] =	sbarrier.arrive $0xFFFF  }
0x6c: {  	p0 =	sne.s32 s0, $0x0;
	_ =	strace $0x90000047  }
0x6d: {  	s0 =	sadd.s32 @!p0 $0x100000, s1;
	[bflag:$0x2] =	sbarrier.arrive $0xFFFF  }
0x6e: {  	[sflag:s0] =	ssyncadd.tile.s32 @!p0 $0x1;
	_ =	shalt  }
.Lfunc_end2:
_tile_overlayer_lowered:
.L_overlay_start_2:
0x6f: {  	(tag) =	ssettag $0x2  }
0x70: {  	s0 =	rddreg [dreg:$0x0];
	s2 =	stileid.u32  }
0x71: {  	s1 =	rddreg [dreg:$0x1];
	p0 =	sne.s32 s2, $0x0  }
0x72: {  	s3 =	rddreg [dreg:$0x2];
	[bflag:$0x3] =	sbarrier.arrive $0xFFFF;
	s2 =	simm.s32 @!p0 $0x1C01  }
0x73: {  	[timem:s3], [sflag:s2] =	dma.local @!p0 [hbm:s0], s1  }
0x74: {  	s0 =	simm.s32 @!p0 $0x1  }
0x75: {  	_ =	swait.ge @!p0 [sflag:s0], s1  }
0x76: {  	s1 =	ssub.s32 @!p0 $0x0, s1;
	[sflag:s0] =	ssyncset.done @!p0 $0x0  }
0x77: {  	[sflag:s0] =	ssyncadd.s32 @!p0 s1  }
0x78: {  	[bflag:$0x3] =	sbarrier.arrive $0xFFFF  }
0x79: {  	_ =	shalt  }

// kernel: kernel.13.cloned.1.call-start
scs
__scs_entry_jumppad:
0x0: {  	(pc) =	sbr.rel $0x88, $3  }
0x1: {  	(tag) =	ssettag $0x0;
	lr =	simm.s32 $0x1  }
0x2: {  	[smem:$0x3F96] =	sst lr;
	_ =	strace $0xD0000000  }
0x3: {  	_ = 	snop  }
0x4: {  	_ = 	snop  }
0x5: {  	_ = 	snop  }
0x6: {  	_ = 	snop  }
0x7: {  	_ = 	snop  }
__scs_overlays_trampoline_lowered:
0x8: {  	[smem:$0x3FA5] =	sst s0  }
0x9: {  	[smem:$0x3FA6] =	sst s1  }
0xa: {  	[smem:$0x3FA7] =	sst s2  }
0xb: {  	[smem:$0x3FA8] =	sst s3  }
0xc: {  	[smem:$0x3FA9] =	sst s4  }
0xd: {  	[smem:$0x3FAA] =	sst s5  }
0xe: {  	[smem:$0x3FAB] =	sst s6  }
0xf: {  	[smem:$0x3FAC] =	sst s7  }
0x10: {  	[smem:$0x3FAD] =	sst s8  }
0x11: {  	[smem:$0x3FAE] =	sst s9;
	s0 =	simm.s32 @!p0 $0x0  }
0x12: {  	s1 =	sld [smem:$0x3F94];
	s0 =	simm.s32 @p0 $0x1  }
0x13: {  	[smem:$0x3FAF] =	sst s0;
	s0 =	simm.s32 @!p1 $0x0  }
0x14: {  	s2 =	sld [smem:$0x3F93];
	s0 =	simm.s32 @p1 $0x1  }
0x15: {  	[smem:$0x3FB0] =	sst s0;
	s0 =	simm.s32 @!p2 $0x0  }
0x16: {  	s3 =	sld [smem:$0x3FDB];
	s0 =	simm.s32 @p2 $0x1  }
0x17: {  	s4 =	simm.s32 $0x1BF5;
	[smem:$0x3FB2] =	sst s0  }
0x18: {  	s0 =	sld [smem:$0x3F95];
	_ =	swait.ge [sflag:s4], $0x0  }
0x19: {  	s7 =	sld [smem:$0x3F96]  }
0x1a: {  	s8 =	sadd.s32 $0xFFFFE003, lr  }
0x1b: {  	s9 =	sadd.s32 $0xFFFFFEF7, lr;
	s5 =	simm.s32 $0xFFFFFFFF;
	p2 =	slt.u32 s8, $0xFFFFF086  }
0x1c: {  	p1 =	slt.u32 s9, $0xF7A;
	s5 =	simm.s32 @!p2 $0x0  }
0x1d: {  	s5 =	simm.s32 @p1 $0x1;
	p0 =	seq.s32 s7, s2  }
0x1e: {  	s7 =	smul.u32 @!p0 $0xF7A, s2;
	p2 =	seq.s32 @!p0 s5, $0x0  }
0x1f: {  	s9 =	smul.u32 $0xF7A, s1;
	s8 =	simm.s32 @!p0 $0x1BF5;
	p2 =	por !p2, p0  }
0x20: {  	[sflag:s8] =	ssyncset.s32 @!p0 $0xFFFFF086;
	s6 =	sadd.s32 @!p0 s3, s7;
	s7 =	simm.s32 @!p0 $0x108  }
0x21: {  	s3 =	sadd.s32 s3, s9;
	s6 =	sadd.s32 @!p0 $0x88, s6;
	s7 =	simm.s32 @p2 $0x1082  }
0x22: {  	[simem:s7], [sflag:s8] =	dma.local @!p0 [hbm:s6], $0xF7A  }
0x23: {  	s9 =	sor.u32 $0xD0000000, s2;
	s6 =	simm.s32 $0x108;
	_ =	swait.ge @!p0 [sflag:s8], $0x0  }
0x24: {  	s3 =	sadd.s32 $0x88, s3;
	s6 =	simm.s32 @!p1 $0x1082;
	[sflag:s4] =	ssyncset.s32 $0xFFFFF086  }
0x25: {  	[simem:s6], [sflag:s4] =	dma.local [hbm:s3], $0xF7A  }
0x26: {  	[smem:$0x3F96] =	sst s1;
	(tag) =	ssettag s2;
	_ =	strace s9  }
0x27: {  	s1 =	sld [smem:$0x3FA6]  }
0x28: {  	s2 =	sld [smem:$0x3FA7]  }
0x29: {  	s4 =	sld [smem:$0x3FA9]  }
0x2a: {  	p0 =	seq.s32 s5, $0x0;
	s5 =	sld [smem:$0x3FAA]  }
0x2b: {  	s6 =	sld [smem:$0x3FAB]  }
0x2c: {  	s7 =	sld [smem:$0x3FAC]  }
0x2d: {  	s3 =	simm.s32 $0x108;
	s8 =	sld [smem:$0x3FAD]  }
0x2e: {  	s3 =	simm.s32 @!p0 $0x1082;
	s9 =	sld [smem:$0x3FAE]  }
0x2f: {  	lr =	sadd.s32 s0, s3;
	s0 =	sld [smem:$0x3FA5]  }
0x30: {  	s3 =	sld [smem:$0x3FA8]  }
0x31: {  	[smem:$0x3FB1] =	sst s10  }
0x32: {  	s10 =	sld [smem:$0x3FAF];
	_ =	sdelay $0x3  }
0x33: {  	p0 =	seq.s32 s10, $0x1;
	s10 =	sld [smem:$0x3FB1];
	_ =	sdelay $0x3  }
0x34: {  	[smem:$0x3FB1] =	sst s10  }
0x35: {  	s10 =	sld [smem:$0x3FB0];
	_ =	sdelay $0x3  }
0x36: {  	p1 =	seq.s32 s10, $0x1;
	s10 =	sld [smem:$0x3FB1];
	_ =	sdelay $0x3  }
0x37: {  	[smem:$0x3FB1] =	sst s10  }
0x38: {  	s10 =	sld [smem:$0x3FB2]  }
0x39: {  	_ = 	snop;
	(pc) =	sbr.ind lr, $3  }
0x3a: {  	_ = 	snop  }
0x3b: {  	_ = 	snop  }
0x3c: {  	p2 =	seq.s32 s10, $0x1;
	s10 =	sld [smem:$0x3FB1]  }
0x3d: {  	_ =	shalt  }
0x3e: {  	_ =	shalt  }
0x3f: {  	_ =	shalt  }
0x40: {  	_ =	shalt  }
0x41: {  	_ =	shalt  }
0x42: {  	_ =	shalt  }
0x43: {  	_ =	shalt  }
0x44: {  	_ =	shalt  }
0x45: {  	_ =	shalt  }
0x46: {  	_ =	shalt  }
0x47: {  	_ =	shalt  }
0x48: {  	_ =	shalt  }
0x49: {  	_ =	shalt  }
0x4a: {  	_ =	shalt  }
0x4b: {  	_ =	shalt  }
0x4c: {  	_ =	shalt  }
0x4d: {  	_ =	shalt  }
0x4e: {  	_ =	shalt  }
0x4f: {  	_ =	shalt  }
0x50: {  	_ =	shalt  }
0x51: {  	_ =	shalt  }
0x52: {  	_ =	shalt  }
0x53: {  	_ =	shalt  }
0x54: {  	_ =	shalt  }
0x55: {  	_ =	shalt  }
0x56: {  	_ =	shalt  }
0x57: {  	_ =	shalt  }
0x58: {  	_ =	shalt  }
0x59: {  	_ =	shalt  }
0x5a: {  	_ =	shalt  }
0x5b: {  	_ =	shalt  }
0x5c: {  	_ =	shalt  }
0x5d: {  	_ =	shalt  }
0x5e: {  	_ =	shalt  }
0x5f: {  	_ =	shalt  }
0x60: {  	_ =	shalt  }
0x61: {  	_ =	shalt  }
0x62: {  	_ =	shalt  }
0x63: {  	_ =	shalt  }
0x64: {  	_ =	shalt  }
0x65: {  	_ =	shalt  }
0x66: {  	_ =	shalt  }
0x67: {  	_ =	shalt  }
0x68: {  	_ =	shalt  }
0x69: {  	_ =	shalt  }
0x6a: {  	_ =	shalt  }
0x6b: {  	_ =	shalt  }
0x6c: {  	_ =	shalt  }
0x6d: {  	_ =	shalt  }
0x6e: {  	_ =	shalt  }
0x6f: {  	_ =	shalt  }
0x70: {  	_ =	shalt  }
0x71: {  	_ =	shalt  }
0x72: {  	_ =	shalt  }
0x73: {  	_ =	shalt  }
0x74: {  	_ =	shalt  }
0x75: {  	_ =	shalt  }
0x76: {  	_ =	shalt  }
0x77: {  	_ =	shalt  }
0x78: {  	_ =	shalt  }
0x79: {  	_ =	shalt  }
0x7a: {  	_ =	shalt  }
0x7b: {  	_ =	shalt  }
0x7c: {  	_ =	shalt  }
0x7d: {  	_ =	shalt  }
0x7e: {  	_ =	shalt  }
0x7f: {  	_ =	shalt  }
0x80: {  	_ =	shalt  }
0x81: {  	_ =	shalt  }
0x82: {  	_ =	shalt  }
0x83: {  	_ =	shalt  }
0x84: {  	_ =	shalt  }
0x85: {  	_ =	shalt  }
0x86: {  	_ =	shalt  }
0x87: {  	_ =	shalt  }
.Lfunc_end0:
.L_simem_size_0:
called_computation.1_lowered:
.L_overlay_start_0:
0x88: {  	s2 =	sld [smem:$0x3FD9]  }
0x89: {  	s3 =	sld [smem:$0x3FFE];
	_ =	sdelay $0x1  }
0x8a: {  	s1 =	srdreg.scid  }
0x8b: {  	s0 =	sand.u32 $0x1, s1  }
0x8c: {  	s16 =	sshll.u32 s0, $0xA;
	s2 =	sadd.s32 s3, s2  }
0x8d: {  	s2 =	sadd.s32 s2, s16  }
0x8e: {  	[smem:$0x3FBD] =	sst s2  }
0x8f: {  	_ = 	snop  }
0x90: {  	(tm) =	ssettm $0x1  }
0x91: {  	s17 =	sld [smem:$0x3FFB];
	_ =	sdelay $0x3  }
0x92: {  	_ =	strace s17  }
0x93: {  	s2 =	sld [smem:$0x3FFC];
	_ =	sdelay $0x3  }
0x94: {  	_ =	strace s2  }
0x95: {  	s2 =	sld [smem:$0x3FFD];
	_ =	sdelay $0x3  }
0x96: {  	_ =	strace s2  }
0x97: {  	_ =	strace $0x8FFFFFFF  }
0x98: {  	s18 =	sld [smem:$0x3FDB];
	_ =	sdelay $0x1  }
0x99: {  	s19 =	simm.s32 $_scs_section_size  }
0x9a: {  	s4 =	simm.s32 $_size__tile_overlayer_lowered;
	s5 =	simm.s32 $_tile_overlayer_lowered  }
0x9b: {  	s22 =	simm.s32 $0x1BFF;
	s21 =	sshll.u32 s5, $0x1;
	s2 =	sadd.s32 s19, s18  }
0x9c: {  	s6 =	simm.s32 $0x0;
	s20 =	sshll.u32 s4, $0x1;
	s4 =	sadd.s32 s21, s2  }
0x9d: {  	[timem:s6], [sflag:s22] =	dma.local [hbm:s4], s20  }
0x9e: {  	_ =	swait.ge [sflag:s22], s20  }
0x9f: {  	s3 =	ssub.s32 $0x0, s20;
	[sflag:s22] =	ssyncset.done $0x0  }
0xa0: {  	[sflag:s22] =	ssyncadd.s32 s3;
	_ =	sdelay $0x1  }
0xa1: {  	s23 =	simm.s32 $0x1B8B  }
0xa2: {  	_ =	swait.ge [sflag:s23], $0x1  }
0xa3: {  	[sflag:s23] =	ssyncset.done $0x0  }
0xa4: {  	s25 =	simm.s32 $0x1B8E;
	s24 =	sld [smem:$0x3FFE];
	[sflag:s23] =	ssyncadd.s32 $0xFFFFFFFF  }
0xa5: {  	s26 =	simm.s32 $execute0_lowered;
	[smem:$0x3FD2] =	sst s25  }
0xa6: {  	s4 =	sshll.u32 s26, $0x1;
	_ =	strace $0x80000049;
	[dreg:$0x1] =	wrdreg $0xFFFFFFFF  }
0xa7: {  	s28 =	simm.s32 $_size_execute0_lowered;
	s2 =	sadd.s32 s2, s4;
	[dreg:$0x0] =	wrdreg $0x0  }
0xa8: {  	s4 =	sshll.u32 s28, $0x1;
	[dreg:$0x2] =	wrdreg s2  }
0xa9: {  	[dreg:$0x3] =	wrdreg s4  }
0xaa: {  	[dreg:$0x4] =	wrdreg $0xC0  }
0xab: {  	_ =	task [dreg:s6], $0x5FFFF  }
0xac: {  	[dreg:$0x1] =	wrdreg $0xFFFFFFFF  }
0xad: {  	[dreg:$0x0] =	wrdreg $0x60  }
0xae: {  	[dreg:$0x2] =	wrdreg s24  }
0xaf: {  	[dreg:$0x3] =	wrdreg $0x0  }
0xb0: {  	[dreg:$0x4] =	wrdreg $0x9  }
0xb1: {  	_ =	task.clear_ibuf [dreg:s6], $0x5FFFF;
	_ =	strace $0x90000049  }
0xb2: {  	s29 =	simm.s32 $0x9;
	_ =	strace $0x8000004B  }
0xb3: {  	_ =	swait.ge [sflag:s29], $0x1  }
0xb4: {  	[sflag:s29] =	ssyncadd.s32 $0xFFFFFFFF  }
0xb5: {  	_ =	strace $0x9000004B  }
0xb6: {  	_ =	sfence  }
0xb7: {  	s30 =	sld [smem:$0x0];
	_ =	sdelay $0x2  }
0xb8: {  	s31 =	sshll.u32 s1, $0xD;
	s1 =	sshrl.u32 s1, $0x2  }
0xb9: {  	s3 =	sand.u32 $0x4000, s31;
	s1 =	sadd.s32 s1, s30  }
0xba: {  	s0 =	sor.u32 s3, s0;
	s1 =	sshll.u32 s1, $0x11  }
0xbb: {  	s0 =	sor.u32 s1, s0  }
0xbc: {  	s0 =	sadd.s32 $0x8F2B, s0  }
0xbd: {  	[sflag:s0] =	ssyncadd.remote.s32 $0x1  }
0xbe: {  	_ =	sfence.sel $0xFFFF  }
0xbf: {  	[dreg:$0x0] =	wrdreg $0xFFFFFFFF;
	(pc) =	sbr.abs _section_cstart, $3  }
0xc0: {  	[dreg:$0x1] =	wrdreg $0xFFFFFFFF  }
0xc1: {  	_ =	task.clear_ibuf [dreg:s6], $0x2FFFF;
	_ =	strace $0x9FFFFFFF  }
0xc2: {  	(tm) =	ssettm $0x7FFFFFFF  }
0xc3: {  	_ =	shalt  }
tec
execute0_lowered:
.L_overlay_start_1:
0x0: {  	(tag) =	ssettag $0x1  }
0x1: {  	s1 =	srdreg.scid;
	s5 =	rddreg [dreg:$0x0]  }
0x2: {  	s0 =	stileid.u32;
	s2 =	rddreg [dreg:$0x1];
	s3 =	simm.s32 $0x0  }
0x3: {  	s14 =	simm.s32 $0x14800;
	s15 =	simm.s32 $0x14880;
	s16 =	simm.s32 $0x80  }
0x4: {  	s17 =	simm.s32 $0x14900;
	s18 =	simm.s32 $0x1;
	s7 =	smul.u32 $0x2710, s0  }
0x5: {  	s19 =	simm.s32 $0x18900;
	s20 =	simm.s32 $0x18980;
	s8 =	smul.u32 $0x2800, s0  }
0x6: {  	s21 =	simm.s32 $0x10;
	s22 =	simm.s32 $0x18A00;
	s26 =	smul.u32 $0x50000, s0  }
0x7: {  	s6 =	sand.u32 $0x1, s1;
	s1 =	rddreg [dreg:$0x2];
	s13 =	smul.u32 $0x4E2, s0  }
0x8: {  	s23 =	simm.s32 $0x0;
	[smem:$0x7FF] =	sst s3;
	s4 =	smul.u32 $0x27100, s6  }
0x9: {  	s12 =	sadd.s32 $0x2400, s5;
	s10 =	smul.u32 $0x28000, s6;
	s6 =	ssub.s32 $0x2, s6  }
0xa: {  	_ =	strace $0x8000004A;
	s28 =	sshrl.u32 s6, $0x1;
	s30 =	sshrl.u32 s26, $0x2  }
0xb: {  	s31 =	sshrl.u32 s7, $0x3;
	s4 =	sadd.s32 s7, s4;
	s8 =	sadd.s32 s8, s10  }
0xc: {  	s29 =	ssub.s32 s6, s28;
	s7 =	sadd.s32 s12, s31;
	s9 =	sshrl.u32 s4, $0x3  }
0xd: {  	s4 =	sadd.s32 $0x11C00, s5;
	s8 =	sadd.s32 s8, s5;
	s7 =	sadd.s32 $0x4E0, s7  }
0xe: {  	s11 =	sadd.s32 s9, s5;
	s5 =	sadd.s32 s30, s2;
	s8 =	sadd.s32 $0x61C00, s8  }
0xf: {  	s9 =	smax.u32 s29, $0x1;
	s6 =	sadd.s32 $0x82E0, s11;
	s10 =	sadd.s32 $0x7E00, s11  }
0x10: {  	v0 =	vimm.f32 $0.0e+00;
	s11 =	sadd.s32 s13, s12;
	s12 =	simm.s32 $0x14000;
	s13 =	simm.s32 $0x2  }
.LBB2_1:
0x11: {  	[tilespmem:$0x14000] =	vst v0  }
0x12: {  	[tilespmem:$0x14010] =	vst v0  }
0x13: {  	[tilespmem:$0x14020] =	vst v0  }
0x14: {  	[tilespmem:$0x14030] =	vst v0  }
0x15: {  	[tilespmem:$0x14040] =	vst v0  }
0x16: {  	[tilespmem:$0x14050] =	vst v0  }
0x17: {  	[tilespmem:$0x14060] =	vst v0  }
0x18: {  	[tilespmem:$0x14070] =	vst v0  }
0x19: {  	[tilespmem:$0x14080] =	vst v0  }
0x1a: {  	[tilespmem:$0x14090] =	vst v0  }
0x1b: {  	[tilespmem:$0x140A0] =	vst v0  }
0x1c: {  	[tilespmem:$0x140B0] =	vst v0  }
0x1d: {  	[tilespmem:$0x140C0] =	vst v0  }
0x1e: {  	[tilespmem:$0x140D0] =	vst v0  }
0x1f: {  	[tilespmem:$0x140E0] =	vst v0  }
0x20: {  	[tilespmem:$0x140F0] =	vst v0  }
0x21: {  	[tilespmem:$0x14100] =	vst v0  }
0x22: {  	[tilespmem:$0x14110] =	vst v0  }
0x23: {  	[tilespmem:$0x14120] =	vst v0  }
0x24: {  	[tilespmem:$0x14130] =	vst v0  }
0x25: {  	[tilespmem:$0x14140] =	vst v0  }
0x26: {  	[tilespmem:$0x14150] =	vst v0  }
0x27: {  	[tilespmem:$0x14160] =	vst v0  }
0x28: {  	[tilespmem:$0x14170] =	vst v0  }
0x29: {  	[tilespmem:$0x14180] =	vst v0  }
0x2a: {  	[tilespmem:$0x14190] =	vst v0  }
0x2b: {  	[tilespmem:$0x141A0] =	vst v0  }
0x2c: {  	[tilespmem:$0x141B0] =	vst v0  }
0x2d: {  	[tilespmem:$0x141C0] =	vst v0  }
0x2e: {  	[tilespmem:$0x141D0] =	vst v0  }
0x2f: {  	[tilespmem:$0x141E0] =	vst v0  }
0x30: {  	[tilespmem:$0x141F0] =	vst v0  }
0x31: {  	[tilespmem:$0x14200] =	vst v0  }
0x32: {  	[tilespmem:$0x14210] =	vst v0  }
0x33: {  	[tilespmem:$0x14220] =	vst v0  }
0x34: {  	[tilespmem:$0x14230] =	vst v0  }
0x35: {  	[tilespmem:$0x14240] =	vst v0  }
0x36: {  	[tilespmem:$0x14250] =	vst v0  }
0x37: {  	[tilespmem:$0x14260] =	vst v0  }
0x38: {  	[tilespmem:$0x14270] =	vst v0  }
0x39: {  	[tilespmem:$0x14280] =	vst v0  }
0x3a: {  	[tilespmem:$0x14290] =	vst v0  }
0x3b: {  	[tilespmem:$0x142A0] =	vst v0  }
0x3c: {  	[tilespmem:$0x142B0] =	vst v0  }
0x3d: {  	[tilespmem:$0x142C0] =	vst v0  }
0x3e: {  	[tilespmem:$0x142D0] =	vst v0  }
0x3f: {  	[tilespmem:$0x142E0] =	vst v0  }
0x40: {  	[tilespmem:$0x142F0] =	vst v0  }
0x41: {  	[tilespmem:$0x14300] =	vst v0  }
0x42: {  	[tilespmem:$0x14310] =	vst v0  }
0x43: {  	[tilespmem:$0x14320] =	vst v0  }
0x44: {  	[tilespmem:$0x14330] =	vst v0  }
0x45: {  	[tilespmem:$0x14340] =	vst v0  }
0x46: {  	[tilespmem:$0x14350] =	vst v0  }
0x47: {  	[tilespmem:$0x14360] =	vst v0  }
0x48: {  	[tilespmem:$0x14370] =	vst v0  }
0x49: {  	[tilespmem:$0x14380] =	vst v0  }
0x4a: {  	[tilespmem:$0x14390] =	vst v0  }
0x4b: {  	[tilespmem:$0x143A0] =	vst v0  }
0x4c: {  	[tilespmem:$0x143B0] =	vst v0  }
0x4d: {  	[tilespmem:$0x143C0] =	vst v0  }
0x4e: {  	[tilespmem:$0x143D0] =	vst v0  }
0x4f: {  	[tilespmem:$0x143E0] =	vst v0  }
0x50: {  	[tilespmem:$0x143F0] =	vst v0  }
0x51: {  	[tilespmem:$0x14400] =	vst v0  }
0x52: {  	[tilespmem:$0x14410] =	vst v0  }
0x53: {  	[tilespmem:$0x14420] =	vst v0  }
0x54: {  	[tilespmem:$0x14430] =	vst v0  }
0x55: {  	[tilespmem:$0x14440] =	vst v0  }
0x56: {  	[tilespmem:$0x14450] =	vst v0  }
0x57: {  	[tilespmem:$0x14460] =	vst v0  }
0x58: {  	[tilespmem:$0x14470] =	vst v0  }
0x59: {  	[tilespmem:$0x14480] =	vst v0  }
0x5a: {  	[tilespmem:$0x14490] =	vst v0  }
0x5b: {  	[tilespmem:$0x144A0] =	vst v0  }
0x5c: {  	[tilespmem:$0x144B0] =	vst v0  }
0x5d: {  	[tilespmem:$0x144C0] =	vst v0  }
0x5e: {  	[tilespmem:$0x144D0] =	vst v0  }
0x5f: {  	[tilespmem:$0x144E0] =	vst v0  }
0x60: {  	[tilespmem:$0x144F0] =	vst v0  }
0x61: {  	[tilespmem:$0x14500] =	vst v0  }
0x62: {  	[tilespmem:$0x14510] =	vst v0  }
0x63: {  	[tilespmem:$0x14520] =	vst v0  }
0x64: {  	[tilespmem:$0x14530] =	vst v0  }
0x65: {  	[tilespmem:$0x14540] =	vst v0  }
0x66: {  	[tilespmem:$0x14550] =	vst v0  }
0x67: {  	[tilespmem:$0x14560] =	vst v0  }
0x68: {  	[tilespmem:$0x14570] =	vst v0  }
0x69: {  	[tilespmem:$0x14580] =	vst v0  }
0x6a: {  	[tilespmem:$0x14590] =	vst v0  }
0x6b: {  	[tilespmem:$0x145A0] =	vst v0  }
0x6c: {  	[tilespmem:$0x145B0] =	vst v0  }
0x6d: {  	[tilespmem:$0x145C0] =	vst v0  }
0x6e: {  	[tilespmem:$0x145D0] =	vst v0  }
0x6f: {  	[tilespmem:$0x145E0] =	vst v0  }
0x70: {  	[tilespmem:$0x145F0] =	vst v0  }
0x71: {  	[tilespmem:$0x14600] =	vst v0  }
0x72: {  	[tilespmem:$0x14610] =	vst v0  }
0x73: {  	[tilespmem:$0x14620] =	vst v0  }
0x74: {  	[tilespmem:$0x14630] =	vst v0  }
0x75: {  	[tilespmem:$0x14640] =	vst v0  }
0x76: {  	[tilespmem:$0x14650] =	vst v0  }
0x77: {  	[tilespmem:$0x14660] =	vst v0  }
0x78: {  	[tilespmem:$0x14670] =	vst v0  }
0x79: {  	[tilespmem:$0x14680] =	vst v0  }
0x7a: {  	[tilespmem:$0x14690] =	vst v0  }
0x7b: {  	[tilespmem:$0x146A0] =	vst v0  }
0x7c: {  	[tilespmem:$0x146B0] =	vst v0  }
0x7d: {  	[tilespmem:$0x146C0] =	vst v0  }
0x7e: {  	[tilespmem:$0x146D0] =	vst v0  }
0x7f: {  	[tilespmem:$0x146E0] =	vst v0  }
0x80: {  	[tilespmem:$0x146F0] =	vst v0  }
0x81: {  	[tilespmem:$0x14700] =	vst v0  }
0x82: {  	[tilespmem:$0x14710] =	vst v0  }
0x83: {  	[tilespmem:$0x14720] =	vst v0  }
0x84: {  	[tilespmem:$0x14730] =	vst v0  }
0x85: {  	[tilespmem:$0x14740] =	vst v0  }
0x86: {  	[tilespmem:$0x14750] =	vst v0  }
0x87: {  	[tilespmem:$0x14760] =	vst v0  }
0x88: {  	[tilespmem:$0x14770] =	vst v0  }
0x89: {  	[tilespmem:$0x14780] =	vst v0  }
0x8a: {  	[tilespmem:$0x14790] =	vst v0  }
0x8b: {  	[tilespmem:$0x147A0] =	vst v0  }
0x8c: {  	[tilespmem:$0x147B0] =	vst v0  }
0x8d: {  	[tilespmem:$0x147C0] =	vst v0  }
0x8e: {  	[tilespmem:$0x147D0] =	vst v0  }
0x8f: {  	[tilespmem:$0x147E0] =	vst v0  }
0x90: {  	[tilespmem:$0x147F0] =	vst v0;
	s24 =	sadd.s32 $0x0, s5  }
0x91: {  	[spmem:s24] =	stream.linear.scatter [tilespmem:s12], [sflag:$0x2], $0x800, $0x38;
	[tilespmem:$0x19200] =	vst v63  }
0x92: {  	s24 =	simm.s32 $0x2000;
	_ =	swait.ge [sflag:s13], $0x800  }
.LBB2_2:
0x93: {  	s25 =	sshra.s32 s24, $0x2;
	[sflag:s13] =	ssyncset.done $0x0;
	p0 =	sne.s32 s24, $0x4E000  }
.Ltmp0:
0x94: {  	s25 =	sadd.s32 s25, s5;
	[sflag:s13] =	ssyncadd.s32 $0xFFFFF800;
	(pc) =	sbr.rel @p0 .LBB2_2-.Ltmp0, $3  }
0x95: {  	[spmem:s25] =	stream.linear.scatter [tilespmem:s12], [sflag:$0x2], $0x800, $0x38;
	[tilespmem:$0x19200] =	vst v63  }
0x96: {  	s24 =	sadd.s32 $0x2000, s24;
	_ =	sdelay $0x1  }
0x97: {  	_ =	swait.ge [sflag:s13], $0x800  }
0x98: {  	[sflag:s13] =	ssyncset.done $0x0  }
0x99: {  	[sflag:s13] =	ssyncadd.s32 $0xFFFFF800  }
0x9a: {  	s24 =	sadd.s32 $0x0, s10;
	[bflag:$0x0] =	sbarrier.arrive $0xFFFF  }
0x9b: {  	[tilespmem:s14], [sflag:$0x2] =	stream.linear.gather [hbm4b:s24+s3], $0x80, $0x38;
	[tilespmem:$0x19200] =	vst v63  }
0x9c: {  	_ =	swait.ge [sflag:s13], $0x80  }
0x9d: {  	[sflag:s13] =	ssyncset.done $0x0  }
0x9e: {  	s31 =	sadd.s32 $0x0, s11;
	[sflag:s13] =	ssyncadd.s32 $0xFFFFFF80  }
0x9f: {  	[tilespmem:s15], [sflag:$0x2] =	stream.linear.gather [hbm4b:s31+s3], $0x80, $0x38;
	[tilespmem:$0x19200] =	vst v63  }
0xa0: {  	_ =	swait.ge [sflag:s13], $0x80  }
0xa1: {  	[sflag:s13] =	ssyncset.done $0x0  }
0xa2: {  	[sflag:s13] =	ssyncadd.s32 $0xFFFFFF80  }
0xa3: {  	[tilespmem:s17], [sflag:$0x1] =	stream.indirect.gather [hbm4b:s4+s16], $0x80, s14, s16, $0xb8;
	[tilespmem:$0x19200] =	vst v63  }
0xa4: {  	_ =	swait.ge [sflag:s18], $0x4000  }
0xa5: {  	[sflag:s18] =	ssyncset.done $0x0  }
0xa6: {  	[sflag:s18] =	ssyncadd.s32 $0xFFFFC000  }
0xa7: {  	[spmem:s2] =	stream.indirect.scatter.add.f32 [tilespmem:s17], [sflag:$0x2], $0x80, s15, s16, $0xb8;
	[tilespmem:$0x19200] =	vst v63  }
0xa8: {  	_ =	swait.ge [sflag:s13], $0x4000  }
0xa9: {  	s25 =	simm.s32 $0x20;
	s24 =	simm.s32 $0x10;
	[sflag:s13] =	ssyncset.done $0x0  }
.LBB2_4:
0xaa: {  	s26 =	sadd.s32 s24, s10  }
0xab: {  	[sflag:s13] =	ssyncadd.s32 $0xFFFFC000;
	s28 =	smov.u32 s25;
	s29 =	sadd.s32 $0x10, s25  }
0xac: {  	[tilespmem:s14], [sflag:$0x2] =	stream.linear.gather [hbm4b:s26+s3], $0x80, $0x38;
	[tilespmem:$0x19200] =	vst v63  }
0xad: {  	p0 =	sne.s32 s25, $0x4D0;
	_ =	swait.ge [sflag:s13], $0x80  }
0xae: {  	[sflag:s13] =	ssyncset.done $0x0  }
0xaf: {  	s25 =	sadd.s32 s24, s11;
	s24 =	smov.u32 s28;
	[sflag:s13] =	ssyncadd.s32 $0xFFFFFF80  }
0xb0: {  	[tilespmem:s15], [sflag:$0x2] =	stream.linear.gather [hbm4b:s25+s3], $0x80, $0x38;
	[tilespmem:$0x19200] =	vst v63  }
0xb1: {  	_ =	swait.ge [sflag:s13], $0x80  }
0xb2: {  	[sflag:s13] =	ssyncset.done $0x0  }
0xb3: {  	[sflag:s13] =	ssyncadd.s32 $0xFFFFFF80  }
0xb4: {  	[tilespmem:s17], [sflag:$0x1] =	stream.indirect.gather [hbm4b:s4+s16], $0x80, s14, s16, $0xb8;
	[tilespmem:$0x19200] =	vst v63  }
0xb5: {  	_ =	swait.ge [sflag:s18], $0x4000  }
.Ltmp1:
0xb6: {  	[sflag:s18] =	ssyncset.done $0x0;
	(pc) =	sbr.rel @p0 .LBB2_4-.Ltmp1, $4  }
0xb7: {  	[sflag:s18] =	ssyncadd.s32 $0xFFFFC000  }
0xb8: {  	[spmem:s2] =	stream.indirect.scatter.add.f32 [tilespmem:s17], [sflag:$0x2], $0x80, s15, s16, $0xb8;
	[tilespmem:$0x19200] =	vst v63  }
0xb9: {  	_ =	swait.ge [sflag:s13], $0x4000  }
0xba: {  	s25 =	smov.u32 s29;
	[sflag:s13] =	ssyncset.done $0x0  }
0xbb: {  	s25 =	sadd.s32 s24, s10;
	[sflag:s13] =	ssyncadd.s32 $0xFFFFC000  }
0xbc: {  	[tilespmem:s14], [sflag:$0x2] =	stream.linear.gather [hbm4b:s25+s3], $0x80, $0x38;
	[tilespmem:$0x19200] =	vst v63  }
0xbd: {  	_ =	swait.ge [sflag:s13], $0x80  }
0xbe: {  	[sflag:s13] =	ssyncset.done $0x0  }
0xbf: {  	s29 =	sadd.s32 s24, s11;
	[sflag:s13] =	ssyncadd.s32 $0xFFFFFF80  }
0xc0: {  	[tilespmem:s15], [sflag:$0x2] =	stream.linear.gather [hbm4b:s29+s3], $0x80, $0x38;
	[tilespmem:$0x19200] =	vst v63  }
0xc1: {  	_ =	swait.ge [sflag:s13], $0x80  }
0xc2: {  	[sflag:s13] =	ssyncset.done $0x0  }
0xc3: {  	[sflag:s13] =	ssyncadd.s32 $0xFFFFFF80  }
0xc4: {  	[tilespmem:s17], [sflag:$0x1] =	stream.indirect.gather [hbm4b:s4+s16], $0x80, s14, s16, $0xb8;
	[tilespmem:$0x19200] =	vst v63  }
0xc5: {  	_ =	swait.ge [sflag:s18], $0x4000  }
0xc6: {  	[sflag:s18] =	ssyncset.done $0x0  }
0xc7: {  	[sflag:s18] =	ssyncadd.s32 $0xFFFFC000  }
0xc8: {  	[spmem:s2] =	stream.indirect.scatter.add.f32 [tilespmem:s17], [sflag:$0x2], $0x80, s15, s16, $0xb8;
	[tilespmem:$0x19200] =	vst v63  }
0xc9: {  	_ =	swait.ge [sflag:s13], $0x4000  }
0xca: {  	[sflag:s13] =	ssyncset.done $0x0  }
0xcb: {  	[sflag:s13] =	ssyncadd.s32 $0xFFFFC000  }
0xcc: {  	[tilespmem:s19], [sflag:$0x2] =	stream.linear.gather [hbm4b:s6+s3], $0x10, $0x38;
	[tilespmem:$0x19200] =	vst v63  }
0xcd: {  	_ =	swait.ge [sflag:s13], $0x10  }
0xce: {  	[sflag:s13] =	ssyncset.done $0x0  }
0xcf: {  	[sflag:s13] =	ssyncadd.s32 $0xFFFFFFF0  }
0xd0: {  	[tilespmem:s20], [sflag:$0x2] =	stream.linear.gather [hbm4b:s7+s3], $0x10, $0x38;
	[tilespmem:$0x19200] =	vst v63  }
0xd1: {  	_ =	swait.ge [sflag:s13], $0x10  }
0xd2: {  	[sflag:s13] =	ssyncset.done $0x0  }
0xd3: {  	[sflag:s13] =	ssyncadd.s32 $0xFFFFFFF0  }
0xd4: {  	[tilespmem:s22], [sflag:$0x1] =	stream.indirect.gather [hbm4b:s4+s21], $0x80, s19, s21, $0xb8;
	[tilespmem:$0x19200] =	vst v63  }
0xd5: {  	_ =	swait.ge [sflag:s18], $0x800  }
0xd6: {  	[sflag:s18] =	ssyncset.done $0x0  }
0xd7: {  	[sflag:s18] =	ssyncadd.s32 $0xFFFFF800  }
0xd8: {  	[spmem:s2] =	stream.indirect.scatter.add.f32 [tilespmem:s22], [sflag:$0x2], $0x80, s20, s21, $0xb8;
	[tilespmem:$0x19200] =	vst v63  }
0xd9: {  	_ =	swait.ge [sflag:s13], $0x800  }
0xda: {  	s30 =	sshll.u32 s0, $0x6;
	s23 =	sadd.s32 $0x1, s23;
	[sflag:s13] =	ssyncset.done $0x0  }
0xdb: {  	s31 =	sshrl.u32 s5, $0x3;
	p0 =	sne.s32 s23, s9;
	[sflag:s13] =	ssyncadd.s32 $0xFFFFF800  }
.Ltmp2:
0xdc: {  	s24 =	sor.u32 $0x1C02, s30;
	[bflag:$0x0] =	sbarrier.arrive $0xFFFF;
	(pc) =	sbr.rel @p0 .LBB2_1-.Ltmp2, $4  }
0xdd: {  	[hbm:s8], [sflag:s24] =	dma.local [spmem:s31], $0x2800  }
0xde: {  	_ =	swait.ge [sflag:s13], $0x2800  }
0xdf: {  	[sflag:s13] =	ssyncset.done $0x0  }
0xe0: {  	[sflag:s13] =	ssyncadd.s32 $0xFFFFD800  }
0xe1: {  	_ =	sfence.sel $0x180000  }
0xe2: {  	[bflag:$0x0] =	sbarrier.arrive $0xFFFF  }
0xe3: {  	p0 =	sne.s32 s0, $0x0;
	_ =	strace $0x9000004A  }
0xe4: {  	s0 =	sadd.s32 @!p0 $0x100000, s1;
	[bflag:$0x2] =	sbarrier.arrive $0xFFFF  }
0xe5: {  	[sflag:s0] =	ssyncadd.tile.s32 @!p0 $0x1;
	_ =	shalt  }
.Lfunc_end2:
_tile_overlayer_lowered:
.L_overlay_start_2:
0xe6: {  	(tag) =	ssettag $0x2  }
0xe7: {  	s0 =	rddreg [dreg:$0x0];
	s2 =	stileid.u32  }
0xe8: {  	s1 =	rddreg [dreg:$0x1];
	p0 =	sne.s32 s2, $0x0  }
0xe9: {  	s3 =	rddreg [dreg:$0x2];
	[bflag:$0x3] =	sbarrier.arrive $0xFFFF;
	s2 =	simm.s32 @!p0 $0x1C02  }
0xea: {  	[timem:s3], [sflag:s2] =	dma.local @!p0 [hbm:s0], s1  }
0xeb: {  	s0 =	simm.s32 @!p0 $0x2  }
0xec: {  	_ =	swait.ge @!p0 [sflag:s0], s1  }
0xed: {  	s1 =	ssub.s32 @!p0 $0x0, s1;
	[sflag:s0] =	ssyncset.done @!p0 $0x0  }
0xee: {  	[sflag:s0] =	ssyncadd.s32 @!p0 s1  }
0xef: {  	[bflag:$0x3] =	sbarrier.arrive $0xFFFF  }
0xf0: {  	_ =	shalt  }

// kernel: kernel.16.cloned.1.call-start
scs
__scs_entry_jumppad:
0x0: {  	(pc) =	sbr.rel $0x88, $3  }
0x1: {  	(tag) =	ssettag $0x0;
	lr =	simm.s32 $0x1  }
0x2: {  	[smem:$0x3F96] =	sst lr;
	_ =	strace $0xD0000000  }
0x3: {  	_ = 	snop  }
0x4: {  	_ = 	snop  }
0x5: {  	_ = 	snop  }
0x6: {  	_ = 	snop  }
0x7: {  	_ = 	snop  }
__scs_overlays_trampoline_lowered:
0x8: {  	[smem:$0x3FA5] =	sst s0  }
0x9: {  	[smem:$0x3FA6] =	sst s1  }
0xa: {  	[smem:$0x3FA7] =	sst s2  }
0xb: {  	[smem:$0x3FA8] =	sst s3  }
0xc: {  	[smem:$0x3FA9] =	sst s4  }
0xd: {  	[smem:$0x3FAA] =	sst s5  }
0xe: {  	[smem:$0x3FAB] =	sst s6  }
0xf: {  	[smem:$0x3FAC] =	sst s7  }
0x10: {  	[smem:$0x3FAD] =	sst s8  }
0x11: {  	[smem:$0x3FAE] =	sst s9;
	s0 =	simm.s32 @!p0 $0x0  }
0x12: {  	s1 =	sld [smem:$0x3F94];
	s0 =	simm.s32 @p0 $0x1  }
0x13: {  	[smem:$0x3FAF] =	sst s0;
	s0 =	simm.s32 @!p1 $0x0  }
0x14: {  	s2 =	sld [smem:$0x3F93];
	s0 =	simm.s32 @p1 $0x1  }
0x15: {  	[smem:$0x3FB0] =	sst s0;
	s0 =	simm.s32 @!p2 $0x0  }
0x16: {  	s3 =	sld [smem:$0x3FDB];
	s0 =	simm.s32 @p2 $0x1  }
0x17: {  	s4 =	simm.s32 $0x1BF5;
	[smem:$0x3FB2] =	sst s0  }
0x18: {  	s0 =	sld [smem:$0x3F95];
	_ =	swait.ge [sflag:s4], $0x0  }
0x19: {  	s7 =	sld [smem:$0x3F96]  }
0x1a: {  	s8 =	sadd.s32 $0xFFFFE003, lr  }
0x1b: {  	s9 =	sadd.s32 $0xFFFFFEF7, lr;
	s5 =	simm.s32 $0xFFFFFFFF;
	p2 =	slt.u32 s8, $0xFFFFF086  }
0x1c: {  	p1 =	slt.u32 s9, $0xF7A;
	s5 =	simm.s32 @!p2 $0x0  }
0x1d: {  	s5 =	simm.s32 @p1 $0x1;
	p0 =	seq.s32 s7, s2  }
0x1e: {  	s7 =	smul.u32 @!p0 $0xF7A, s2;
	p2 =	seq.s32 @!p0 s5, $0x0  }
0x1f: {  	s9 =	smul.u32 $0xF7A, s1;
	s8 =	simm.s32 @!p0 $0x1BF5;
	p2 =	por !p2, p0  }
0x20: {  	[sflag:s8] =	ssyncset.s32 @!p0 $0xFFFFF086;
	s6 =	sadd.s32 @!p0 s3, s7;
	s7 =	simm.s32 @!p0 $0x108  }
0x21: {  	s3 =	sadd.s32 s3, s9;
	s6 =	sadd.s32 @!p0 $0x88, s6;
	s7 =	simm.s32 @p2 $0x1082  }
0x22: {  	[simem:s7], [sflag:s8] =	dma.local @!p0 [hbm:s6], $0xF7A  }
0x23: {  	s9 =	sor.u32 $0xD0000000, s2;
	s6 =	simm.s32 $0x108;
	_ =	swait.ge @!p0 [sflag:s8], $0x0  }
0x24: {  	s3 =	sadd.s32 $0x88, s3;
	s6 =	simm.s32 @!p1 $0x1082;
	[sflag:s4] =	ssyncset.s32 $0xFFFFF086  }
0x25: {  	[simem:s6], [sflag:s4] =	dma.local [hbm:s3], $0xF7A  }
0x26: {  	[smem:$0x3F96] =	sst s1;
	(tag) =	ssettag s2;
	_ =	strace s9  }
0x27: {  	s1 =	sld [smem:$0x3FA6]  }
0x28: {  	s2 =	sld [smem:$0x3FA7]  }
0x29: {  	s4 =	sld [smem:$0x3FA9]  }
0x2a: {  	p0 =	seq.s32 s5, $0x0;
	s5 =	sld [smem:$0x3FAA]  }
0x2b: {  	s6 =	sld [smem:$0x3FAB]  }
0x2c: {  	s7 =	sld [smem:$0x3FAC]  }
0x2d: {  	s3 =	simm.s32 $0x108;
	s8 =	sld [smem:$0x3FAD]  }
0x2e: {  	s3 =	simm.s32 @!p0 $0x1082;
	s9 =	sld [smem:$0x3FAE]  }
0x2f: {  	lr =	sadd.s32 s0, s3;
	s0 =	sld [smem:$0x3FA5]  }
0x30: {  	s3 =	sld [smem:$0x3FA8]  }
0x31: {  	[smem:$0x3FB1] =	sst s10  }
0x32: {  	s10 =	sld [smem:$0x3FAF];
	_ =	sdelay $0x3  }
0x33: {  	p0 =	seq.s32 s10, $0x1;
	s10 =	sld [smem:$0x3FB1];
	_ =	sdelay $0x3  }
0x34: {  	[smem:$0x3FB1] =	sst s10  }
0x35: {  	s10 =	sld [smem:$0x3FB0];
	_ =	sdelay $0x3  }
0x36: {  	p1 =	seq.s32 s10, $0x1;
	s10 =	sld [smem:$0x3FB1];
	_ =	sdelay $0x3  }
0x37: {  	[smem:$0x3FB1] =	sst s10  }
0x38: {  	s10 =	sld [smem:$0x3FB2]  }
0x39: {  	_ = 	snop;
	(pc) =	sbr.ind lr, $3  }
0x3a: {  	_ = 	snop  }
0x3b: {  	_ = 	snop  }
0x3c: {  	p2 =	seq.s32 s10, $0x1;
	s10 =	sld [smem:$0x3FB1]  }
0x3d: {  	_ =	shalt  }
0x3e: {  	_ =	shalt  }
0x3f: {  	_ =	shalt  }
0x40: {  	_ =	shalt  }
0x41: {  	_ =	shalt  }
0x42: {  	_ =	shalt  }
0x43: {  	_ =	shalt  }
0x44: {  	_ =	shalt  }
0x45: {  	_ =	shalt  }
0x46: {  	_ =	shalt  }
0x47: {  	_ =	shalt  }
0x48: {  	_ =	shalt  }
0x49: {  	_ =	shalt  }
0x4a: {  	_ =	shalt  }
0x4b: {  	_ =	shalt  }
0x4c: {  	_ =	shalt  }
0x4d: {  	_ =	shalt  }
0x4e: {  	_ =	shalt  }
0x4f: {  	_ =	shalt  }
0x50: {  	_ =	shalt  }
0x51: {  	_ =	shalt  }
0x52: {  	_ =	shalt  }
0x53: {  	_ =	shalt  }
0x54: {  	_ =	shalt  }
0x55: {  	_ =	shalt  }
0x56: {  	_ =	shalt  }
0x57: {  	_ =	shalt  }
0x58: {  	_ =	shalt  }
0x59: {  	_ =	shalt  }
0x5a: {  	_ =	shalt  }
0x5b: {  	_ =	shalt  }
0x5c: {  	_ =	shalt  }
0x5d: {  	_ =	shalt  }
0x5e: {  	_ =	shalt  }
0x5f: {  	_ =	shalt  }
0x60: {  	_ =	shalt  }
0x61: {  	_ =	shalt  }
0x62: {  	_ =	shalt  }
0x63: {  	_ =	shalt  }
0x64: {  	_ =	shalt  }
0x65: {  	_ =	shalt  }
0x66: {  	_ =	shalt  }
0x67: {  	_ =	shalt  }
0x68: {  	_ =	shalt  }
0x69: {  	_ =	shalt  }
0x6a: {  	_ =	shalt  }
0x6b: {  	_ =	shalt  }
0x6c: {  	_ =	shalt  }
0x6d: {  	_ =	shalt  }
0x6e: {  	_ =	shalt  }
0x6f: {  	_ =	shalt  }
0x70: {  	_ =	shalt  }
0x71: {  	_ =	shalt  }
0x72: {  	_ =	shalt  }
0x73: {  	_ =	shalt  }
0x74: {  	_ =	shalt  }
0x75: {  	_ =	shalt  }
0x76: {  	_ =	shalt  }
0x77: {  	_ =	shalt  }
0x78: {  	_ =	shalt  }
0x79: {  	_ =	shalt  }
0x7a: {  	_ =	shalt  }
0x7b: {  	_ =	shalt  }
0x7c: {  	_ =	shalt  }
0x7d: {  	_ =	shalt  }
0x7e: {  	_ =	shalt  }
0x7f: {  	_ =	shalt  }
0x80: {  	_ =	shalt  }
0x81: {  	_ =	shalt  }
0x82: {  	_ =	shalt  }
0x83: {  	_ =	shalt  }
0x84: {  	_ =	shalt  }
0x85: {  	_ =	shalt  }
0x86: {  	_ =	shalt  }
0x87: {  	_ =	shalt  }
.Lfunc_end0:
.L_simem_size_0:
called_computation.2_lowered:
.L_overlay_start_0:
0x88: {  	s2 =	sld [smem:$0x3FD9]  }
0x89: {  	s3 =	sld [smem:$0x3FFE];
	_ =	sdelay $0x1  }
0x8a: {  	s1 =	srdreg.scid  }
0x8b: {  	s0 =	sand.u32 $0x1, s1  }
0x8c: {  	s16 =	sshll.u32 s0, $0xA;
	s2 =	sadd.s32 s3, s2  }
0x8d: {  	s2 =	sadd.s32 s2, s16  }
0x8e: {  	[smem:$0x3FBD] =	sst s2  }
0x8f: {  	_ = 	snop  }
0x90: {  	(tm) =	ssettm $0x1  }
0x91: {  	s17 =	sld [smem:$0x3FFB];
	_ =	sdelay $0x3  }
0x92: {  	_ =	strace s17  }
0x93: {  	s2 =	sld [smem:$0x3FFC];
	_ =	sdelay $0x3  }
0x94: {  	_ =	strace s2  }
0x95: {  	s2 =	sld [smem:$0x3FFD];
	_ =	sdelay $0x3  }
0x96: {  	_ =	strace s2  }
0x97: {  	_ =	strace $0x8FFFFFFF  }
0x98: {  	s18 =	sld [smem:$0x3FDB];
	_ =	sdelay $0x1  }
0x99: {  	s19 =	simm.s32 $_scs_section_size  }
0x9a: {  	s4 =	simm.s32 $_size__tile_overlayer_lowered;
	s5 =	simm.s32 $_tile_overlayer_lowered  }
0x9b: {  	s22 =	simm.s32 $0x1BFF;
	s21 =	sshll.u32 s5, $0x1;
	s2 =	sadd.s32 s19, s18  }
0x9c: {  	s6 =	simm.s32 $0x0;
	s20 =	sshll.u32 s4, $0x1;
	s4 =	sadd.s32 s21, s2  }
0x9d: {  	[timem:s6], [sflag:s22] =	dma.local [hbm:s4], s20  }
0x9e: {  	_ =	swait.ge [sflag:s22], s20  }
0x9f: {  	s3 =	ssub.s32 $0x0, s20;
	[sflag:s22] =	ssyncset.done $0x0  }
0xa0: {  	[sflag:s22] =	ssyncadd.s32 s3;
	_ =	sdelay $0x1  }
0xa1: {  	s23 =	simm.s32 $0x1B8B  }
0xa2: {  	_ =	swait.ge [sflag:s23], $0x1  }
0xa3: {  	[sflag:s23] =	ssyncset.done $0x0  }
0xa4: {  	s25 =	simm.s32 $0x1B8E;
	s24 =	sld [smem:$0x3FFE];
	[sflag:s23] =	ssyncadd.s32 $0xFFFFFFFF  }
0xa5: {  	s26 =	simm.s32 $execute0_lowered;
	[smem:$0x3FD2] =	sst s25  }
0xa6: {  	s4 =	sshll.u32 s26, $0x1;
	_ =	strace $0x8000004C;
	[dreg:$0x1] =	wrdreg $0xFFFFFFFF  }
0xa7: {  	s28 =	simm.s32 $_size_execute0_lowered;
	s2 =	sadd.s32 s2, s4;
	[dreg:$0x0] =	wrdreg $0x0  }
0xa8: {  	s4 =	sshll.u32 s28, $0x1;
	[dreg:$0x2] =	wrdreg s2  }
0xa9: {  	[dreg:$0x3] =	wrdreg s4  }
0xaa: {  	[dreg:$0x4] =	wrdreg $0xC0  }
0xab: {  	_ =	task [dreg:s6], $0x5FFFF  }
0xac: {  	[dreg:$0x1] =	wrdreg $0xFFFFFFFF  }
0xad: {  	[dreg:$0x0] =	wrdreg $0x60  }
0xae: {  	[dreg:$0x2] =	wrdreg s24  }
0xaf: {  	[dreg:$0x3] =	wrdreg $0x0  }
0xb0: {  	[dreg:$0x4] =	wrdreg $0x9  }
0xb1: {  	_ =	task.clear_ibuf [dreg:s6], $0x5FFFF;
	_ =	strace $0x9000004C  }
0xb2: {  	s29 =	simm.s32 $0x9;
	_ =	strace $0x8000004E  }
0xb3: {  	_ =	swait.ge [sflag:s29], $0x1  }
0xb4: {  	[sflag:s29] =	ssyncadd.s32 $0xFFFFFFFF  }
0xb5: {  	_ =	strace $0x9000004E  }
0xb6: {  	_ =	sfence  }
0xb7: {  	s30 =	sld [smem:$0x0];
	_ =	sdelay $0x2  }
0xb8: {  	s31 =	sshll.u32 s1, $0xD;
	s1 =	sshrl.u32 s1, $0x2  }
0xb9: {  	s3 =	sand.u32 $0x4000, s31;
	s1 =	sadd.s32 s1, s30  }
0xba: {  	s0 =	sor.u32 s3, s0;
	s1 =	sshll.u32 s1, $0x11  }
0xbb: {  	s0 =	sor.u32 s1, s0  }
0xbc: {  	s0 =	sadd.s32 $0x8F2B, s0  }
0xbd: {  	[sflag:s0] =	ssyncadd.remote.s32 $0x1  }
0xbe: {  	_ =	sfence.sel $0xFFFF  }
0xbf: {  	[dreg:$0x0] =	wrdreg $0xFFFFFFFF;
	(pc) =	sbr.abs _section_cstart, $3  }
0xc0: {  	[dreg:$0x1] =	wrdreg $0xFFFFFFFF  }
0xc1: {  	_ =	task.clear_ibuf [dreg:s6], $0x2FFFF;
	_ =	strace $0x9FFFFFFF  }
0xc2: {  	(tm) =	ssettm $0x7FFFFFFF  }
0xc3: {  	_ =	shalt  }
tec
execute0_lowered:
.L_overlay_start_1:
0x0: {  	(tag) =	ssettag $0x1  }
0x1: {  	s5 =	rddreg [dreg:$0x0];
	s0 =	stileid.u32  }
0x2: {  	s1 =	rddreg [dreg:$0x1];
	s10 =	smul.u32 $0x280, s0  }
0x3: {  	s3 =	simm.s32 $0x0;
	s6 =	srdreg.scid;
	s8 =	smul.u32 $0x2710, s0  }
0x4: {  	[smem:$0x7FF] =	sst s3;
	s4 =	sadd.s32 $0xC5600, s5;
	s12 =	smul.u32 $0x50000, s0  }
0x5: {  	s14 =	sadd.s32 $0xB1C00, s5;
	s6 =	sand.u32 $0x1, s6;
	s30 =	smul.u32 $0x4E2, s0  }
0x6: {  	s13 =	sadd.s32 $0x2400, s5;
	s11 =	sadd.s32 $0x7400, s5;
	s9 =	smul.u32 $0x4E200, s6  }
0x7: {  	_ =	strace $0x8000004D;
	s7 =	ssub.s32 $0x2, s6;
	s16 =	smul.u32 $0x5000, s6  }
0x8: {  	s22 =	sshllo.u32 s6, $0x1;
	s19 =	sshrl.u32 s7, $0x1;
	s20 =	sshrl.u32 s12, $0x2  }
0x9: {  	s23 =	sshrl.u32 s8, $0x3;
	s18 =	smul.u32 $0x27100, s22;
	s15 =	ssub.s32 s7, s19  }
0xa: {  	s17 =	sadd.s32 s8, s9;
	s6 =	sadd.s32 s20, s1;
	s12 =	sadd.s32 s13, s23  }
0xb: {  	s16 =	sadd.s32 s10, s16;
	s19 =	smul.u32 $0x2800, s22;
	s13 =	sadd.s32 s30, s13  }
0xc: {  	s20 =	simm.s32 $0x14900;
	s22 =	simm.s32 $0x18900;
	s23 =	simm.s32 $0x18980  }
0xd: {  	s21 =	sshrl.u32 s17, $0x3;
	s24 =	sadd.s32 s8, s18;
	s8 =	sadd.s32 $0x4E0, s12  }
0xe: {  	s25 =	sshll.u32 s16, $0x4;
	s17 =	sadd.s32 $0x27100, s17;
	s12 =	smax.u32 s15, $0x1  }
0xf: {  	s15 =	simm.s32 $0x14000;
	s16 =	simm.s32 $0x2;
	s18 =	simm.s32 $0x14880  }
0x10: {  	s5 =	sadd.s32 s21, s14;
	s26 =	sshrl.u32 s24, $0x3;
	s9 =	sadd.s32 s11, s25  }
0x11: {  	s10 =	sadd.s32 s10, s19;
	s31 =	sshrl.u32 s17, $0x3;
	s17 =	simm.s32 $0x14800  }
0x12: {  	s19 =	simm.s32 $0x80;
	s21 =	simm.s32 $0x1;
	s24 =	simm.s32 $0x10  }
0x13: {  	s25 =	simm.s32 $0x18A00;
	s2 =	sadd.s32 $0x4E0, s5;
	s28 =	sadd.s32 s14, s26  }
0x14: {  	s29 =	sshll.u32 s10, $0x4;
	s14 =	sadd.s32 s31, s14;
	s26 =	simm.s32 $0x0  }
0x15: {  	v0 =	vimm.f32 $0.0e+00;
	[dreg:$0x3] =	wrdreg s2;
	s10 =	sadd.s32 $0x4E0, s28;
	s11 =	sadd.s32 s11, s29  }
.LBB2_1:
0x16: {  	[tilespmem:$0x14000] =	vst v0  }
0x17: {  	[tilespmem:$0x14010] =	vst v0  }
0x18: {  	[tilespmem:$0x14020] =	vst v0  }
0x19: {  	[tilespmem:$0x14030] =	vst v0  }
0x1a: {  	[tilespmem:$0x14040] =	vst v0  }
0x1b: {  	[tilespmem:$0x14050] =	vst v0  }
0x1c: {  	[tilespmem:$0x14060] =	vst v0  }
0x1d: {  	[tilespmem:$0x14070] =	vst v0  }
0x1e: {  	[tilespmem:$0x14080] =	vst v0  }
0x1f: {  	[tilespmem:$0x14090] =	vst v0  }
0x20: {  	[tilespmem:$0x140A0] =	vst v0  }
0x21: {  	[tilespmem:$0x140B0] =	vst v0  }
0x22: {  	[tilespmem:$0x140C0] =	vst v0  }
0x23: {  	[tilespmem:$0x140D0] =	vst v0  }
0x24: {  	[tilespmem:$0x140E0] =	vst v0  }
0x25: {  	[tilespmem:$0x140F0] =	vst v0  }
0x26: {  	[tilespmem:$0x14100] =	vst v0  }
0x27: {  	[tilespmem:$0x14110] =	vst v0  }
0x28: {  	[tilespmem:$0x14120] =	vst v0  }
0x29: {  	[tilespmem:$0x14130] =	vst v0  }
0x2a: {  	[tilespmem:$0x14140] =	vst v0  }
0x2b: {  	[tilespmem:$0x14150] =	vst v0  }
0x2c: {  	[tilespmem:$0x14160] =	vst v0  }
0x2d: {  	[tilespmem:$0x14170] =	vst v0  }
0x2e: {  	[tilespmem:$0x14180] =	vst v0  }
0x2f: {  	[tilespmem:$0x14190] =	vst v0  }
0x30: {  	[tilespmem:$0x141A0] =	vst v0  }
0x31: {  	[tilespmem:$0x141B0] =	vst v0  }
0x32: {  	[tilespmem:$0x141C0] =	vst v0  }
0x33: {  	[tilespmem:$0x141D0] =	vst v0  }
0x34: {  	[tilespmem:$0x141E0] =	vst v0  }
0x35: {  	[tilespmem:$0x141F0] =	vst v0  }
0x36: {  	[tilespmem:$0x14200] =	vst v0  }
0x37: {  	[tilespmem:$0x14210] =	vst v0  }
0x38: {  	[tilespmem:$0x14220] =	vst v0  }
0x39: {  	[tilespmem:$0x14230] =	vst v0  }
0x3a: {  	[tilespmem:$0x14240] =	vst v0  }
0x3b: {  	[tilespmem:$0x14250] =	vst v0  }
0x3c: {  	[tilespmem:$0x14260] =	vst v0  }
0x3d: {  	[tilespmem:$0x14270] =	vst v0  }
0x3e: {  	[tilespmem:$0x14280] =	vst v0  }
0x3f: {  	[tilespmem:$0x14290] =	vst v0  }
0x40: {  	[tilespmem:$0x142A0] =	vst v0  }
0x41: {  	[tilespmem:$0x142B0] =	vst v0  }
0x42: {  	[tilespmem:$0x142C0] =	vst v0  }
0x43: {  	[tilespmem:$0x142D0] =	vst v0  }
0x44: {  	[tilespmem:$0x142E0] =	vst v0  }
0x45: {  	[tilespmem:$0x142F0] =	vst v0  }
0x46: {  	[tilespmem:$0x14300] =	vst v0  }
0x47: {  	[tilespmem:$0x14310] =	vst v0  }
0x48: {  	[tilespmem:$0x14320] =	vst v0  }
0x49: {  	[tilespmem:$0x14330] =	vst v0  }
0x4a: {  	[tilespmem:$0x14340] =	vst v0  }
0x4b: {  	[tilespmem:$0x14350] =	vst v0  }
0x4c: {  	[tilespmem:$0x14360] =	vst v0  }
0x4d: {  	[tilespmem:$0x14370] =	vst v0  }
0x4e: {  	[tilespmem:$0x14380] =	vst v0  }
0x4f: {  	[tilespmem:$0x14390] =	vst v0  }
0x50: {  	[tilespmem:$0x143A0] =	vst v0  }
0x51: {  	[tilespmem:$0x143B0] =	vst v0  }
0x52: {  	[tilespmem:$0x143C0] =	vst v0  }
0x53: {  	[tilespmem:$0x143D0] =	vst v0  }
0x54: {  	[tilespmem:$0x143E0] =	vst v0  }
0x55: {  	[tilespmem:$0x143F0] =	vst v0  }
0x56: {  	[tilespmem:$0x14400] =	vst v0  }
0x57: {  	[tilespmem:$0x14410] =	vst v0  }
0x58: {  	[tilespmem:$0x14420] =	vst v0  }
0x59: {  	[tilespmem:$0x14430] =	vst v0  }
0x5a: {  	[tilespmem:$0x14440] =	vst v0  }
0x5b: {  	[tilespmem:$0x14450] =	vst v0  }
0x5c: {  	[tilespmem:$0x14460] =	vst v0  }
0x5d: {  	[tilespmem:$0x14470] =	vst v0  }
0x5e: {  	[tilespmem:$0x14480] =	vst v0  }
0x5f: {  	[tilespmem:$0x14490] =	vst v0  }
0x60: {  	[tilespmem:$0x144A0] =	vst v0  }
0x61: {  	[tilespmem:$0x144B0] =	vst v0  }
0x62: {  	[tilespmem:$0x144C0] =	vst v0  }
0x63: {  	[tilespmem:$0x144D0] =	vst v0  }
0x64: {  	[tilespmem:$0x144E0] =	vst v0  }
0x65: {  	[tilespmem:$0x144F0] =	vst v0  }
0x66: {  	[tilespmem:$0x14500] =	vst v0  }
0x67: {  	[tilespmem:$0x14510] =	vst v0  }
0x68: {  	[tilespmem:$0x14520] =	vst v0  }
0x69: {  	[tilespmem:$0x14530] =	vst v0  }
0x6a: {  	[tilespmem:$0x14540] =	vst v0  }
0x6b: {  	[tilespmem:$0x14550] =	vst v0  }
0x6c: {  	[tilespmem:$0x14560] =	vst v0  }
0x6d: {  	[tilespmem:$0x14570] =	vst v0  }
0x6e: {  	[tilespmem:$0x14580] =	vst v0  }
0x6f: {  	[tilespmem:$0x14590] =	vst v0  }
0x70: {  	[tilespmem:$0x145A0] =	vst v0  }
0x71: {  	[tilespmem:$0x145B0] =	vst v0  }
0x72: {  	[tilespmem:$0x145C0] =	vst v0  }
0x73: {  	[tilespmem:$0x145D0] =	vst v0  }
0x74: {  	[tilespmem:$0x145E0] =	vst v0  }
0x75: {  	[tilespmem:$0x145F0] =	vst v0  }
0x76: {  	[tilespmem:$0x14600] =	vst v0  }
0x77: {  	[tilespmem:$0x14610] =	vst v0  }
0x78: {  	[tilespmem:$0x14620] =	vst v0  }
0x79: {  	[tilespmem:$0x14630] =	vst v0  }
0x7a: {  	[tilespmem:$0x14640] =	vst v0  }
0x7b: {  	[tilespmem:$0x14650] =	vst v0  }
0x7c: {  	[tilespmem:$0x14660] =	vst v0  }
0x7d: {  	[tilespmem:$0x14670] =	vst v0  }
0x7e: {  	[tilespmem:$0x14680] =	vst v0  }
0x7f: {  	[tilespmem:$0x14690] =	vst v0  }
0x80: {  	[tilespmem:$0x146A0] =	vst v0  }
0x81: {  	[tilespmem:$0x146B0] =	vst v0  }
0x82: {  	[tilespmem:$0x146C0] =	vst v0  }
0x83: {  	[tilespmem:$0x146D0] =	vst v0  }
0x84: {  	[tilespmem:$0x146E0] =	vst v0  }
0x85: {  	[tilespmem:$0x146F0] =	vst v0  }
0x86: {  	[tilespmem:$0x14700] =	vst v0  }
0x87: {  	[tilespmem:$0x14710] =	vst v0  }
0x88: {  	[tilespmem:$0x14720] =	vst v0  }
0x89: {  	[tilespmem:$0x14730] =	vst v0  }
0x8a: {  	[tilespmem:$0x14740] =	vst v0  }
0x8b: {  	[tilespmem:$0x14750] =	vst v0  }
0x8c: {  	[tilespmem:$0x14760] =	vst v0  }
0x8d: {  	[tilespmem:$0x14770] =	vst v0  }
0x8e: {  	[tilespmem:$0x14780] =	vst v0  }
0x8f: {  	[tilespmem:$0x14790] =	vst v0  }
0x90: {  	[tilespmem:$0x147A0] =	vst v0  }
0x91: {  	[tilespmem:$0x147B0] =	vst v0  }
0x92: {  	[tilespmem:$0x147C0] =	vst v0  }
0x93: {  	[tilespmem:$0x147D0] =	vst v0  }
0x94: {  	[tilespmem:$0x147E0] =	vst v0  }
0x95: {  	[tilespmem:$0x147F0] =	vst v0;
	s28 =	sadd.s32 $0x0, s6  }
0x96: {  	[spmem:s28] =	stream.linear.scatter [tilespmem:s15], [sflag:$0x2], $0x800, $0x38;
	[tilespmem:$0x19200] =	vst v63  }
0x97: {  	s28 =	simm.s32 $0x2000;
	_ =	swait.ge [sflag:s16], $0x800  }
.LBB2_2:
0x98: {  	s29 =	sshra.s32 s28, $0x2;
	[sflag:s16] =	ssyncset.done $0x0;
	p0 =	sne.s32 s28, $0x4E000  }
.Ltmp0:
0x99: {  	s29 =	sadd.s32 s29, s6;
	[sflag:s16] =	ssyncadd.s32 $0xFFFFF800;
	(pc) =	sbr.rel @p0 .LBB2_2-.Ltmp0, $3  }
0x9a: {  	[spmem:s29] =	stream.linear.scatter [tilespmem:s15], [sflag:$0x2], $0x800, $0x38;
	[tilespmem:$0x19200] =	vst v63  }
0x9b: {  	s28 =	sadd.s32 $0x2000, s28;
	_ =	sdelay $0x1  }
0x9c: {  	_ =	swait.ge [sflag:s16], $0x800  }
0x9d: {  	[sflag:s16] =	ssyncset.done $0x0  }
0x9e: {  	[sflag:s16] =	ssyncadd.s32 $0xFFFFF800  }
0x9f: {  	s28 =	sadd.s32 $0x0, s5;
	[bflag:$0x0] =	sbarrier.arrive $0xFFFF  }
0xa0: {  	[tilespmem:s17], [sflag:$0x2] =	stream.linear.gather [hbm4b:s28+s3], $0x80, $0x38;
	[tilespmem:$0x19200] =	vst v63  }
0xa1: {  	_ =	swait.ge [sflag:s16], $0x80  }
0xa2: {  	[sflag:s16] =	ssyncset.done $0x0  }
0xa3: {  	s28 =	sadd.s32 $0x0, s13;
	[sflag:s16] =	ssyncadd.s32 $0xFFFFFF80  }
0xa4: {  	[tilespmem:s18], [sflag:$0x2] =	stream.linear.gather [hbm4b:s28+s3], $0x80, $0x38;
	[tilespmem:$0x19200] =	vst v63  }
0xa5: {  	_ =	swait.ge [sflag:s16], $0x80  }
0xa6: {  	[sflag:s16] =	ssyncset.done $0x0  }
0xa7: {  	[sflag:s16] =	ssyncadd.s32 $0xFFFFFF80  }
0xa8: {  	[tilespmem:s20], [sflag:$0x1] =	stream.indirect.gather [hbm4b:s4+s19], $0x80, s17, s19, $0xb8;
	[tilespmem:$0x19200] =	vst v63  }
0xa9: {  	_ =	swait.ge [sflag:s21], $0x4000  }
0xaa: {  	[sflag:s21] =	ssyncset.done $0x0  }
0xab: {  	[sflag:s21] =	ssyncadd.s32 $0xFFFFC000  }
0xac: {  	[spmem:s1] =	stream.indirect.scatter.add.f32 [tilespmem:s20], [sflag:$0x2], $0x80, s18, s19, $0xb8;
	[tilespmem:$0x19200] =	vst v63  }
0xad: {  	_ =	swait.ge [sflag:s16], $0x4000  }
0xae: {  	s29 =	simm.s32 $0x20;
	s28 =	simm.s32 $0x10;
	[sflag:s16] =	ssyncset.done $0x0  }
.LBB2_4:
0xaf: {  	s30 =	sadd.s32 s28, s5  }
0xb0: {  	[sflag:s16] =	ssyncadd.s32 $0xFFFFC000;
	s31 =	smov.u32 s29;
	s0 =	sadd.s32 $0x10, s29  }
0xb1: {  	[tilespmem:s17], [sflag:$0x2] =	stream.linear.gather [hbm4b:s30+s3], $0x80, $0x38;
	[tilespmem:$0x19200] =	vst v63  }
0xb2: {  	p0 =	sne.s32 s29, $0x4D0;
	_ =	swait.ge [sflag:s16], $0x80  }
0xb3: {  	[sflag:s16] =	ssyncset.done $0x0  }
0xb4: {  	s29 =	sadd.s32 s28, s13;
	s28 =	smov.u32 s31;
	[sflag:s16] =	ssyncadd.s32 $0xFFFFFF80  }
0xb5: {  	[tilespmem:s18], [sflag:$0x2] =	stream.linear.gather [hbm4b:s29+s3], $0x80, $0x38;
	[tilespmem:$0x19200] =	vst v63  }
0xb6: {  	_ =	swait.ge [sflag:s16], $0x80  }
0xb7: {  	[sflag:s16] =	ssyncset.done $0x0  }
0xb8: {  	[sflag:s16] =	ssyncadd.s32 $0xFFFFFF80  }
0xb9: {  	[tilespmem:s20], [sflag:$0x1] =	stream.indirect.gather [hbm4b:s4+s19], $0x80, s17, s19, $0xb8;
	[tilespmem:$0x19200] =	vst v63  }
0xba: {  	_ =	swait.ge [sflag:s21], $0x4000  }
.Ltmp1:
0xbb: {  	[sflag:s21] =	ssyncset.done $0x0;
	(pc) =	sbr.rel @p0 .LBB2_4-.Ltmp1, $4  }
0xbc: {  	[sflag:s21] =	ssyncadd.s32 $0xFFFFC000  }
0xbd: {  	[spmem:s1] =	stream.indirect.scatter.add.f32 [tilespmem:s20], [sflag:$0x2], $0x80, s18, s19, $0xb8;
	[tilespmem:$0x19200] =	vst v63  }
0xbe: {  	_ =	swait.ge [sflag:s16], $0x4000  }
0xbf: {  	s29 =	smov.u32 s0;
	[sflag:s16] =	ssyncset.done $0x0  }
0xc0: {  	s0 =	sadd.s32 s28, s5;
	[sflag:s16] =	ssyncadd.s32 $0xFFFFC000  }
0xc1: {  	[tilespmem:s17], [sflag:$0x2] =	stream.linear.gather [hbm4b:s0+s3], $0x80, $0x38;
	[tilespmem:$0x19200] =	vst v63  }
0xc2: {  	_ =	swait.ge [sflag:s16], $0x80  }
0xc3: {  	[sflag:s16] =	ssyncset.done $0x0  }
0xc4: {  	s7 =	sadd.s32 s28, s13;
	[sflag:s16] =	ssyncadd.s32 $0xFFFFFF80  }
0xc5: {  	[tilespmem:s18], [sflag:$0x2] =	stream.linear.gather [hbm4b:s7+s3], $0x80, $0x38;
	[tilespmem:$0x19200] =	vst v63  }
0xc6: {  	_ =	swait.ge [sflag:s16], $0x80  }
0xc7: {  	[sflag:s16] =	ssyncset.done $0x0  }
0xc8: {  	[sflag:s16] =	ssyncadd.s32 $0xFFFFFF80  }
0xc9: {  	[tilespmem:s20], [sflag:$0x1] =	stream.indirect.gather [hbm4b:s4+s19], $0x80, s17, s19, $0xb8;
	[tilespmem:$0x19200] =	vst v63  }
0xca: {  	_ =	swait.ge [sflag:s21], $0x4000  }
0xcb: {  	[sflag:s21] =	ssyncset.done $0x0  }
0xcc: {  	[sflag:s21] =	ssyncadd.s32 $0xFFFFC000  }
0xcd: {  	[spmem:s1] =	stream.indirect.scatter.add.f32 [tilespmem:s20], [sflag:$0x2], $0x80, s18, s19, $0xb8;
	[tilespmem:$0x19200] =	vst v63  }
0xce: {  	_ =	swait.ge [sflag:s16], $0x4000  }
0xcf: {  	[sflag:s16] =	ssyncset.done $0x0  }
0xd0: {  	s31 =	simm.s32 $0x0;
	s2 =	rddreg [dreg:$0x3];
	[sflag:s16] =	ssyncadd.s32 $0xFFFFC000  }
0xd1: {  	[tilespmem:s22], [sflag:$0x2] =	stream.linear.gather [hbm4b:s2+s31], $0x10, $0x38;
	[tilespmem:$0x19200] =	vst v63  }
0xd2: {  	_ =	swait.ge [sflag:s16], $0x10  }
0xd3: {  	[sflag:s16] =	ssyncset.done $0x0  }
0xd4: {  	[sflag:s16] =	ssyncadd.s32 $0xFFFFFFF0  }
0xd5: {  	[tilespmem:s23], [sflag:$0x2] =	stream.linear.gather [hbm4b:s8+s31], $0x10, $0x38;
	[tilespmem:$0x19200] =	vst v63  }
0xd6: {  	_ =	swait.ge [sflag:s16], $0x10  }
0xd7: {  	[sflag:s16] =	ssyncset.done $0x0  }
0xd8: {  	[sflag:s16] =	ssyncadd.s32 $0xFFFFFFF0  }
0xd9: {  	[tilespmem:s25], [sflag:$0x1] =	stream.indirect.gather [hbm4b:s4+s24], $0x80, s22, s24, $0xb8;
	[tilespmem:$0x19200] =	vst v63  }
0xda: {  	_ =	swait.ge [sflag:s21], $0x800  }
0xdb: {  	[sflag:s21] =	ssyncset.done $0x0  }
0xdc: {  	[sflag:s21] =	ssyncadd.s32 $0xFFFFF800  }
0xdd: {  	[spmem:s1] =	stream.indirect.scatter.add.f32 [tilespmem:s25], [sflag:$0x2], $0x80, s23, s24, $0xb8;
	[tilespmem:$0x19200] =	vst v63  }
0xde: {  	_ =	swait.ge [sflag:s16], $0x800  }
0xdf: {  	s7 =	stileid.u32;
	[sflag:s16] =	ssyncset.done $0x0  }
0xe0: {  	s0 =	sshll.u32 s7, $0x6;
	[sflag:s16] =	ssyncadd.s32 $0xFFFFF800  }
0xe1: {  	s29 =	sshrl.u32 s6, $0x3;
	s28 =	sor.u32 $0x1C02, s0;
	[bflag:$0x0] =	sbarrier.arrive $0xFFFF  }
0xe2: {  	[hbm:s9], [sflag:s28] =	dma.local [spmem:s29], $0x2800  }
0xe3: {  	_ =	swait.ge [sflag:s16], $0x2800  }
0xe4: {  	[sflag:s16] =	ssyncset.done $0x0  }
0xe5: {  	[sflag:s16] =	ssyncadd.s32 $0xFFFFD800  }
0xe6: {  	s31 =	sadd.s32 $0x0, s6;
	[bflag:$0x0] =	sbarrier.arrive $0xFFFF  }
0xe7: {  	[spmem:s31] =	stream.linear.scatter [tilespmem:s15], [sflag:$0x2], $0x800, $0x38;
	[tilespmem:$0x19200] =	vst v63  }
0xe8: {  	s30 =	simm.s32 $0x2000;
	_ =	swait.ge [sflag:s16], $0x800  }
.LBB2_6:
0xe9: {  	s0 =	sshra.s32 s30, $0x2;
	[sflag:s16] =	ssyncset.done $0x0;
	p0 =	sne.s32 s30, $0x4E000  }
.Ltmp2:
0xea: {  	s0 =	sadd.s32 s0, s6;
	[sflag:s16] =	ssyncadd.s32 $0xFFFFF800;
	(pc) =	sbr.rel @p0 .LBB2_6-.Ltmp2, $3  }
0xeb: {  	[spmem:s0] =	stream.linear.scatter [tilespmem:s15], [sflag:$0x2], $0x800, $0x38;
	[tilespmem:$0x19200] =	vst v63  }
0xec: {  	s30 =	sadd.s32 $0x2000, s30;
	_ =	sdelay $0x1  }
0xed: {  	_ =	swait.ge [sflag:s16], $0x800  }
0xee: {  	[sflag:s16] =	ssyncset.done $0x0  }
0xef: {  	[sflag:s16] =	ssyncadd.s32 $0xFFFFF800  }
0xf0: {  	s0 =	sadd.s32 $0x0, s14;
	[bflag:$0x0] =	sbarrier.arrive $0xFFFF  }
0xf1: {  	[tilespmem:s17], [sflag:$0x2] =	stream.linear.gather [hbm4b:s0+s3], $0x80, $0x38;
	[tilespmem:$0x19200] =	vst v63  }
0xf2: {  	_ =	swait.ge [sflag:s16], $0x80  }
0xf3: {  	[sflag:s16] =	ssyncset.done $0x0  }
0xf4: {  	s7 =	sadd.s32 $0x0, s13;
	[sflag:s16] =	ssyncadd.s32 $0xFFFFFF80  }
0xf5: {  	[tilespmem:s18], [sflag:$0x2] =	stream.linear.gather [hbm4b:s7+s3], $0x80, $0x38;
	[tilespmem:$0x19200] =	vst v63  }
0xf6: {  	_ =	swait.ge [sflag:s16], $0x80  }
0xf7: {  	[sflag:s16] =	ssyncset.done $0x0  }
0xf8: {  	[sflag:s16] =	ssyncadd.s32 $0xFFFFFF80  }
0xf9: {  	[tilespmem:s20], [sflag:$0x1] =	stream.indirect.gather [hbm4b:s4+s19], $0x80, s17, s19, $0xb8;
	[tilespmem:$0x19200] =	vst v63  }
0xfa: {  	_ =	swait.ge [sflag:s21], $0x4000  }
0xfb: {  	[sflag:s21] =	ssyncset.done $0x0  }
0xfc: {  	[sflag:s21] =	ssyncadd.s32 $0xFFFFC000  }
0xfd: {  	[spmem:s1] =	stream.indirect.scatter.add.f32 [tilespmem:s20], [sflag:$0x2], $0x80, s18, s19, $0xb8;
	[tilespmem:$0x19200] =	vst v63  }
0xfe: {  	_ =	swait.ge [sflag:s16], $0x4000  }
0xff: {  	s30 =	simm.s32 $0x10;
	s31 =	simm.s32 $0x20;
	[sflag:s16] =	ssyncset.done $0x0  }
.LBB2_8:
0x100: {  	s0 =	sadd.s32 s30, s14  }
0x101: {  	[sflag:s16] =	ssyncadd.s32 $0xFFFFC000;
	s2 =	smov.u32 s31;
	s7 =	sadd.s32 $0x10, s31  }
0x102: {  	[tilespmem:s17], [sflag:$0x2] =	stream.linear.gather [hbm4b:s0+s3], $0x80, $0x38;
	[tilespmem:$0x19200] =	vst v63  }
0x103: {  	p0 =	sne.s32 s31, $0x4D0;
	_ =	swait.ge [sflag:s16], $0x80  }
0x104: {  	[sflag:s16] =	ssyncset.done $0x0  }
0x105: {  	s0 =	sadd.s32 s30, s13;
	s30 =	smov.u32 s2;
	[sflag:s16] =	ssyncadd.s32 $0xFFFFFF80  }
0x106: {  	[tilespmem:s18], [sflag:$0x2] =	stream.linear.gather [hbm4b:s0+s3], $0x80, $0x38;
	[tilespmem:$0x19200] =	vst v63  }
0x107: {  	_ =	swait.ge [sflag:s16], $0x80  }
0x108: {  	[sflag:s16] =	ssyncset.done $0x0  }
0x109: {  	[sflag:s16] =	ssyncadd.s32 $0xFFFFFF80  }
0x10a: {  	[tilespmem:s20], [sflag:$0x1] =	stream.indirect.gather [hbm4b:s4+s19], $0x80, s17, s19, $0xb8;
	[tilespmem:$0x19200] =	vst v63  }
0x10b: {  	_ =	swait.ge [sflag:s21], $0x4000  }
.Ltmp3:
0x10c: {  	[sflag:s21] =	ssyncset.done $0x0;
	(pc) =	sbr.rel @p0 .LBB2_8-.Ltmp3, $4  }
0x10d: {  	[sflag:s21] =	ssyncadd.s32 $0xFFFFC000  }
0x10e: {  	[spmem:s1] =	stream.indirect.scatter.add.f32 [tilespmem:s20], [sflag:$0x2], $0x80, s18, s19, $0xb8;
	[tilespmem:$0x19200] =	vst v63  }
0x10f: {  	_ =	swait.ge [sflag:s16], $0x4000  }
0x110: {  	s31 =	smov.u32 s7;
	[sflag:s16] =	ssyncset.done $0x0  }
0x111: {  	s0 =	sadd.s32 s30, s14;
	[sflag:s16] =	ssyncadd.s32 $0xFFFFC000  }
0x112: {  	[tilespmem:s17], [sflag:$0x2] =	stream.linear.gather [hbm4b:s0+s3], $0x80, $0x38;
	[tilespmem:$0x19200] =	vst v63  }
0x113: {  	_ =	swait.ge [sflag:s16], $0x80  }
0x114: {  	[sflag:s16] =	ssyncset.done $0x0  }
0x115: {  	s31 =	sadd.s32 s30, s13;
	[sflag:s16] =	ssyncadd.s32 $0xFFFFFF80  }
0x116: {  	[tilespmem:s18], [sflag:$0x2] =	stream.linear.gather [hbm4b:s31+s3], $0x80, $0x38;
	[tilespmem:$0x19200] =	vst v63  }
0x117: {  	_ =	swait.ge [sflag:s16], $0x80  }
0x118: {  	[sflag:s16] =	ssyncset.done $0x0  }
0x119: {  	[sflag:s16] =	ssyncadd.s32 $0xFFFFFF80  }
0x11a: {  	[tilespmem:s20], [sflag:$0x1] =	stream.indirect.gather [hbm4b:s4+s19], $0x80, s17, s19, $0xb8;
	[tilespmem:$0x19200] =	vst v63  }
0x11b: {  	_ =	swait.ge [sflag:s21], $0x4000  }
0x11c: {  	[sflag:s21] =	ssyncset.done $0x0  }
0x11d: {  	[sflag:s21] =	ssyncadd.s32 $0xFFFFC000  }
0x11e: {  	[spmem:s1] =	stream.indirect.scatter.add.f32 [tilespmem:s20], [sflag:$0x2], $0x80, s18, s19, $0xb8;
	[tilespmem:$0x19200] =	vst v63  }
0x11f: {  	_ =	swait.ge [sflag:s16], $0x4000  }
0x120: {  	[sflag:s16] =	ssyncset.done $0x0  }
0x121: {  	[sflag:s16] =	ssyncadd.s32 $0xFFFFC000  }
0x122: {  	[tilespmem:s22], [sflag:$0x2] =	stream.linear.gather [hbm4b:s10+s3], $0x10, $0x38;
	[tilespmem:$0x19200] =	vst v63  }
0x123: {  	_ =	swait.ge [sflag:s16], $0x10  }
0x124: {  	[sflag:s16] =	ssyncset.done $0x0  }
0x125: {  	[sflag:s16] =	ssyncadd.s32 $0xFFFFFFF0  }
0x126: {  	[tilespmem:s23], [sflag:$0x2] =	stream.linear.gather [hbm4b:s8+s3], $0x10, $0x38;
	[tilespmem:$0x19200] =	vst v63  }
0x127: {  	_ =	swait.ge [sflag:s16], $0x10  }
0x128: {  	[sflag:s16] =	ssyncset.done $0x0  }
0x129: {  	[sflag:s16] =	ssyncadd.s32 $0xFFFFFFF0  }
0x12a: {  	[tilespmem:s25], [sflag:$0x1] =	stream.indirect.gather [hbm4b:s4+s24], $0x80, s22, s24, $0xb8;
	[tilespmem:$0x19200] =	vst v63  }
0x12b: {  	_ =	swait.ge [sflag:s21], $0x800  }
0x12c: {  	[sflag:s21] =	ssyncset.done $0x0  }
0x12d: {  	[sflag:s21] =	ssyncadd.s32 $0xFFFFF800  }
0x12e: {  	[spmem:s1] =	stream.indirect.scatter.add.f32 [tilespmem:s25], [sflag:$0x2], $0x80, s23, s24, $0xb8;
	[tilespmem:$0x19200] =	vst v63  }
0x12f: {  	_ =	swait.ge [sflag:s16], $0x800  }
0x130: {  	s26 =	sadd.s32 $0x1, s26;
	[sflag:s16] =	ssyncset.done $0x0  }
0x131: {  	p0 =	sne.s32 s26, s12;
	[sflag:s16] =	ssyncadd.s32 $0xFFFFF800  }
.Ltmp4:
0x132: {  	[bflag:$0x0] =	sbarrier.arrive $0xFFFF;
	(pc) =	sbr.rel @p0 .LBB2_1-.Ltmp4, $4  }
0x133: {  	[hbm:s11], [sflag:s28] =	dma.local [spmem:s29], $0x2800  }
0x134: {  	_ =	swait.ge [sflag:s16], $0x2800  }
0x135: {  	[sflag:s16] =	ssyncset.done $0x0  }
0x136: {  	[sflag:s16] =	ssyncadd.s32 $0xFFFFD800  }
0x137: {  	_ =	sfence.sel $0x180000  }
0x138: {  	[bflag:$0x0] =	sbarrier.arrive $0xFFFF  }
0x139: {  	_ =	strace $0x9000004D  }
0x13a: {  	s0 =	stileid.u32;
	[bflag:$0x2] =	sbarrier.arrive $0xFFFF  }
0x13b: {  	p0 =	sne.s32 s0, $0x0;
	s0 =	rddreg [dreg:$0x2]  }
0x13c: {  	s0 =	sadd.s32 @!p0 $0x100000, s0  }
0x13d: {  	[sflag:s0] =	ssyncadd.tile.s32 @!p0 $0x1;
	_ =	shalt  }
.Lfunc_end2:
_tile_overlayer_lowered:
.L_overlay_start_2:
0x13e: {  	(tag) =	ssettag $0x2  }
0x13f: {  	s0 =	rddreg [dreg:$0x0];
	s2 =	stileid.u32  }
0x140: {  	s1 =	rddreg [dreg:$0x1];
	p0 =	sne.s32 s2, $0x0  }
0x141: {  	s3 =	rddreg [dreg:$0x2];
	[bflag:$0x3] =	sbarrier.arrive $0xFFFF;
	s2 =	simm.s32 @!p0 $0x1C02  }
0x142: {  	[timem:s3], [sflag:s2] =	dma.local @!p0 [hbm:s0], s1  }
0x143: {  	s0 =	simm.s32 @!p0 $0x2  }
0x144: {  	_ =	swait.ge @!p0 [sflag:s0], s1  }
0x145: {  	s1 =	ssub.s32 @!p0 $0x0, s1;
	[sflag:s0] =	ssyncset.done @!p0 $0x0  }
0x146: {  	[sflag:s0] =	ssyncadd.s32 @!p0 s1  }
0x147: {  	[bflag:$0x3] =	sbarrier.arrive $0xFFFF  }
0x148: {  	_ =	shalt  }

// kernel: kernel.19.cloned.1.call-start
scs
__scs_entry_jumppad:
0x0: {  	(pc) =	sbr.rel $0x88, $3  }
0x1: {  	(tag) =	ssettag $0x0;
	lr =	simm.s32 $0x1  }
0x2: {  	[smem:$0x3F96] =	sst lr;
	_ =	strace $0xD0000000  }
0x3: {  	_ = 	snop  }
0x4: {  	_ = 	snop  }
0x5: {  	_ = 	snop  }
0x6: {  	_ = 	snop  }
0x7: {  	_ = 	snop  }
__scs_overlays_trampoline_lowered:
0x8: {  	[smem:$0x3FA5] =	sst s0  }
0x9: {  	[smem:$0x3FA6] =	sst s1  }
0xa: {  	[smem:$0x3FA7] =	sst s2  }
0xb: {  	[smem:$0x3FA8] =	sst s3  }
0xc: {  	[smem:$0x3FA9] =	sst s4  }
0xd: {  	[smem:$0x3FAA] =	sst s5  }
0xe: {  	[smem:$0x3FAB] =	sst s6  }
0xf: {  	[smem:$0x3FAC] =	sst s7  }
0x10: {  	[smem:$0x3FAD] =	sst s8  }
0x11: {  	[smem:$0x3FAE] =	sst s9;
	s0 =	simm.s32 @!p0 $0x0  }
0x12: {  	s1 =	sld [smem:$0x3F94];
	s0 =	simm.s32 @p0 $0x1  }
0x13: {  	[smem:$0x3FAF] =	sst s0;
	s0 =	simm.s32 @!p1 $0x0  }
0x14: {  	s2 =	sld [smem:$0x3F93];
	s0 =	simm.s32 @p1 $0x1  }
0x15: {  	[smem:$0x3FB0] =	sst s0;
	s0 =	simm.s32 @!p2 $0x0  }
0x16: {  	s3 =	sld [smem:$0x3FDB];
	s0 =	simm.s32 @p2 $0x1  }
0x17: {  	s4 =	simm.s32 $0x1BF5;
	[smem:$0x3FB2] =	sst s0  }
0x18: {  	s0 =	sld [smem:$0x3F95];
	_ =	swait.ge [sflag:s4], $0x0  }
0x19: {  	s7 =	sld [smem:$0x3F96]  }
0x1a: {  	s8 =	sadd.s32 $0xFFFFE003, lr  }
0x1b: {  	s9 =	sadd.s32 $0xFFFFFEF7, lr;
	s5 =	simm.s32 $0xFFFFFFFF;
	p2 =	slt.u32 s8, $0xFFFFF086  }
0x1c: {  	p1 =	slt.u32 s9, $0xF7A;
	s5 =	simm.s32 @!p2 $0x0  }
0x1d: {  	s5 =	simm.s32 @p1 $0x1;
	p0 =	seq.s32 s7, s2  }
0x1e: {  	s7 =	smul.u32 @!p0 $0xF7A, s2;
	p2 =	seq.s32 @!p0 s5, $0x0  }
0x1f: {  	s9 =	smul.u32 $0xF7A, s1;
	s8 =	simm.s32 @!p0 $0x1BF5;
	p2 =	por !p2, p0  }
0x20: {  	[sflag:s8] =	ssyncset.s32 @!p0 $0xFFFFF086;
	s6 =	sadd.s32 @!p0 s3, s7;
	s7 =	simm.s32 @!p0 $0x108  }
0x21: {  	s3 =	sadd.s32 s3, s9;
	s6 =	sadd.s32 @!p0 $0x88, s6;
	s7 =	simm.s32 @p2 $0x1082  }
0x22: {  	[simem:s7], [sflag:s8] =	dma.local @!p0 [hbm:s6], $0xF7A  }
0x23: {  	s9 =	sor.u32 $0xD0000000, s2;
	s6 =	simm.s32 $0x108;
	_ =	swait.ge @!p0 [sflag:s8], $0x0  }
0x24: {  	s3 =	sadd.s32 $0x88, s3;
	s6 =	simm.s32 @!p1 $0x1082;
	[sflag:s4] =	ssyncset.s32 $0xFFFFF086  }
0x25: {  	[simem:s6], [sflag:s4] =	dma.local [hbm:s3], $0xF7A  }
0x26: {  	[smem:$0x3F96] =	sst s1;
	(tag) =	ssettag s2;
	_ =	strace s9  }
0x27: {  	s1 =	sld [smem:$0x3FA6]  }
0x28: {  	s2 =	sld [smem:$0x3FA7]  }
0x29: {  	s4 =	sld [smem:$0x3FA9]  }
0x2a: {  	p0 =	seq.s32 s5, $0x0;
	s5 =	sld [smem:$0x3FAA]  }
0x2b: {  	s6 =	sld [smem:$0x3FAB]  }
0x2c: {  	s7 =	sld [smem:$0x3FAC]  }
0x2d: {  	s3 =	simm.s32 $0x108;
	s8 =	sld [smem:$0x3FAD]  }
0x2e: {  	s3 =	simm.s32 @!p0 $0x1082;
	s9 =	sld [smem:$0x3FAE]  }
0x2f: {  	lr =	sadd.s32 s0, s3;
	s0 =	sld [smem:$0x3FA5]  }
0x30: {  	s3 =	sld [smem:$0x3FA8]  }
0x31: {  	[smem:$0x3FB1] =	sst s10  }
0x32: {  	s10 =	sld [smem:$0x3FAF];
	_ =	sdelay $0x3  }
0x33: {  	p0 =	seq.s32 s10, $0x1;
	s10 =	sld [smem:$0x3FB1];
	_ =	sdelay $0x3  }
0x34: {  	[smem:$0x3FB1] =	sst s10  }
0x35: {  	s10 =	sld [smem:$0x3FB0];
	_ =	sdelay $0x3  }
0x36: {  	p1 =	seq.s32 s10, $0x1;
	s10 =	sld [smem:$0x3FB1];
	_ =	sdelay $0x3  }
0x37: {  	[smem:$0x3FB1] =	sst s10  }
0x38: {  	s10 =	sld [smem:$0x3FB2]  }
0x39: {  	_ = 	snop;
	(pc) =	sbr.ind lr, $3  }
0x3a: {  	_ = 	snop  }
0x3b: {  	_ = 	snop  }
0x3c: {  	p2 =	seq.s32 s10, $0x1;
	s10 =	sld [smem:$0x3FB1]  }
0x3d: {  	_ =	shalt  }
0x3e: {  	_ =	shalt  }
0x3f: {  	_ =	shalt  }
0x40: {  	_ =	shalt  }
0x41: {  	_ =	shalt  }
0x42: {  	_ =	shalt  }
0x43: {  	_ =	shalt  }
0x44: {  	_ =	shalt  }
0x45: {  	_ =	shalt  }
0x46: {  	_ =	shalt  }
0x47: {  	_ =	shalt  }
0x48: {  	_ =	shalt  }
0x49: {  	_ =	shalt  }
0x4a: {  	_ =	shalt  }
0x4b: {  	_ =	shalt  }
0x4c: {  	_ =	shalt  }
0x4d: {  	_ =	shalt  }
0x4e: {  	_ =	shalt  }
0x4f: {  	_ =	shalt  }
0x50: {  	_ =	shalt  }
0x51: {  	_ =	shalt  }
0x52: {  	_ =	shalt  }
0x53: {  	_ =	shalt  }
0x54: {  	_ =	shalt  }
0x55: {  	_ =	shalt  }
0x56: {  	_ =	shalt  }
0x57: {  	_ =	shalt  }
0x58: {  	_ =	shalt  }
0x59: {  	_ =	shalt  }
0x5a: {  	_ =	shalt  }
0x5b: {  	_ =	shalt  }
0x5c: {  	_ =	shalt  }
0x5d: {  	_ =	shalt  }
0x5e: {  	_ =	shalt  }
0x5f: {  	_ =	shalt  }
0x60: {  	_ =	shalt  }
0x61: {  	_ =	shalt  }
0x62: {  	_ =	shalt  }
0x63: {  	_ =	shalt  }
0x64: {  	_ =	shalt  }
0x65: {  	_ =	shalt  }
0x66: {  	_ =	shalt  }
0x67: {  	_ =	shalt  }
0x68: {  	_ =	shalt  }
0x69: {  	_ =	shalt  }
0x6a: {  	_ =	shalt  }
0x6b: {  	_ =	shalt  }
0x6c: {  	_ =	shalt  }
0x6d: {  	_ =	shalt  }
0x6e: {  	_ =	shalt  }
0x6f: {  	_ =	shalt  }
0x70: {  	_ =	shalt  }
0x71: {  	_ =	shalt  }
0x72: {  	_ =	shalt  }
0x73: {  	_ =	shalt  }
0x74: {  	_ =	shalt  }
0x75: {  	_ =	shalt  }
0x76: {  	_ =	shalt  }
0x77: {  	_ =	shalt  }
0x78: {  	_ =	shalt  }
0x79: {  	_ =	shalt  }
0x7a: {  	_ =	shalt  }
0x7b: {  	_ =	shalt  }
0x7c: {  	_ =	shalt  }
0x7d: {  	_ =	shalt  }
0x7e: {  	_ =	shalt  }
0x7f: {  	_ =	shalt  }
0x80: {  	_ =	shalt  }
0x81: {  	_ =	shalt  }
0x82: {  	_ =	shalt  }
0x83: {  	_ =	shalt  }
0x84: {  	_ =	shalt  }
0x85: {  	_ =	shalt  }
0x86: {  	_ =	shalt  }
0x87: {  	_ =	shalt  }
.Lfunc_end0:
.L_simem_size_0:
called_computation.3_lowered:
.L_overlay_start_0:
0x88: {  	s2 =	sld [smem:$0x3FD9]  }
0x89: {  	s3 =	sld [smem:$0x3FFE];
	_ =	sdelay $0x1  }
0x8a: {  	s1 =	srdreg.scid  }
0x8b: {  	s0 =	sand.u32 $0x1, s1  }
0x8c: {  	s16 =	sshll.u32 s0, $0xA;
	s2 =	sadd.s32 s3, s2  }
0x8d: {  	s2 =	sadd.s32 s2, s16  }
0x8e: {  	[smem:$0x3FBD] =	sst s2  }
0x8f: {  	_ = 	snop  }
0x90: {  	(tm) =	ssettm $0x1  }
0x91: {  	s17 =	sld [smem:$0x3FFB];
	_ =	sdelay $0x3  }
0x92: {  	_ =	strace s17  }
0x93: {  	s2 =	sld [smem:$0x3FFC];
	_ =	sdelay $0x3  }
0x94: {  	_ =	strace s2  }
0x95: {  	s2 =	sld [smem:$0x3FFD];
	_ =	sdelay $0x3  }
0x96: {  	_ =	strace s2  }
0x97: {  	_ =	strace $0x8FFFFFFF  }
0x98: {  	s18 =	sld [smem:$0x3FDB];
	_ =	sdelay $0x1  }
0x99: {  	s19 =	simm.s32 $_scs_section_size  }
0x9a: {  	s4 =	simm.s32 $_size__tile_overlayer_lowered;
	s5 =	simm.s32 $_tile_overlayer_lowered  }
0x9b: {  	s22 =	simm.s32 $0x1BFF;
	s21 =	sshll.u32 s5, $0x1;
	s2 =	sadd.s32 s19, s18  }
0x9c: {  	s6 =	simm.s32 $0x0;
	s20 =	sshll.u32 s4, $0x1;
	s4 =	sadd.s32 s21, s2  }
0x9d: {  	[timem:s6], [sflag:s22] =	dma.local [hbm:s4], s20  }
0x9e: {  	_ =	swait.ge [sflag:s22], s20  }
0x9f: {  	s3 =	ssub.s32 $0x0, s20;
	[sflag:s22] =	ssyncset.done $0x0  }
0xa0: {  	[sflag:s22] =	ssyncadd.s32 s3;
	_ =	sdelay $0x1  }
0xa1: {  	s23 =	simm.s32 $0x1B8B  }
0xa2: {  	_ =	swait.ge [sflag:s23], $0x1  }
0xa3: {  	[sflag:s23] =	ssyncset.done $0x0  }
0xa4: {  	s25 =	simm.s32 $0x1B8E;
	s24 =	sld [smem:$0x3FFE];
	[sflag:s23] =	ssyncadd.s32 $0xFFFFFFFF  }
0xa5: {  	s26 =	simm.s32 $execute0_lowered;
	[smem:$0x3FD2] =	sst s25  }
0xa6: {  	s4 =	sshll.u32 s26, $0x1;
	_ =	strace $0x8000004F;
	[dreg:$0x1] =	wrdreg $0xFFFFFFFF  }
0xa7: {  	s28 =	simm.s32 $_size_execute0_lowered;
	s2 =	sadd.s32 s2, s4;
	[dreg:$0x0] =	wrdreg $0x0  }
0xa8: {  	s4 =	sshll.u32 s28, $0x1;
	[dreg:$0x2] =	wrdreg s2  }
0xa9: {  	[dreg:$0x3] =	wrdreg s4  }
0xaa: {  	[dreg:$0x4] =	wrdreg $0xC0  }
0xab: {  	_ =	task [dreg:s6], $0x5FFFF  }
0xac: {  	[dreg:$0x1] =	wrdreg $0xFFFFFFFF  }
0xad: {  	[dreg:$0x0] =	wrdreg $0x60  }
0xae: {  	[dreg:$0x2] =	wrdreg s24  }
0xaf: {  	[dreg:$0x3] =	wrdreg $0x0  }
0xb0: {  	[dreg:$0x4] =	wrdreg $0x9  }
0xb1: {  	_ =	task.clear_ibuf [dreg:s6], $0x5FFFF;
	_ =	strace $0x9000004F  }
0xb2: {  	s29 =	simm.s32 $0x9;
	_ =	strace $0x80000051  }
0xb3: {  	_ =	swait.ge [sflag:s29], $0x1  }
0xb4: {  	[sflag:s29] =	ssyncadd.s32 $0xFFFFFFFF  }
0xb5: {  	_ =	strace $0x90000051  }
0xb6: {  	_ =	sfence  }
0xb7: {  	s30 =	sld [smem:$0x0];
	_ =	sdelay $0x2  }
0xb8: {  	s31 =	sshll.u32 s1, $0xD;
	s1 =	sshrl.u32 s1, $0x2  }
0xb9: {  	s3 =	sand.u32 $0x4000, s31;
	s1 =	sadd.s32 s1, s30  }
0xba: {  	s0 =	sor.u32 s3, s0;
	s1 =	sshll.u32 s1, $0x11  }
0xbb: {  	s0 =	sor.u32 s1, s0  }
0xbc: {  	s0 =	sadd.s32 $0x8F2B, s0  }
0xbd: {  	[sflag:s0] =	ssyncadd.remote.s32 $0x1  }
0xbe: {  	_ =	sfence.sel $0xFFFF  }
0xbf: {  	[dreg:$0x0] =	wrdreg $0xFFFFFFFF;
	(pc) =	sbr.abs _section_cstart, $3  }
0xc0: {  	[dreg:$0x1] =	wrdreg $0xFFFFFFFF  }
0xc1: {  	_ =	task.clear_ibuf [dreg:s6], $0x2FFFF;
	_ =	strace $0x9FFFFFFF  }
0xc2: {  	(tm) =	ssettm $0x7FFFFFFF  }
0xc3: {  	_ =	shalt  }
tec
execute0_lowered:
.L_overlay_start_1:
0x0: {  	(tag) =	ssettag $0x1  }
0x1: {  	s5 =	rddreg [dreg:$0x0];
	s0 =	stileid.u32  }
0x2: {  	s1 =	rddreg [dreg:$0x1];
	s10 =	smul.u32 $0x280, s0  }
0x3: {  	s3 =	simm.s32 $0x0;
	s6 =	srdreg.scid;
	s8 =	smul.u32 $0x2710, s0  }
0x4: {  	[smem:$0x7FF] =	sst s3;
	s4 =	sadd.s32 $0x165600, s5;
	s12 =	smul.u32 $0x50000, s0  }
0x5: {  	s14 =	sadd.s32 $0xB1C00, s5;
	s6 =	sand.u32 $0x1, s6;
	s30 =	smul.u32 $0x4E2, s0  }
0x6: {  	s13 =	sadd.s32 $0x2400, s5;
	s11 =	sadd.s32 $0xC5600, s5;
	s9 =	smul.u32 $0x4E200, s6  }
0x7: {  	_ =	strace $0x80000050;
	s7 =	ssub.s32 $0x2, s6;
	s16 =	smul.u32 $0x5000, s6  }
0x8: {  	s22 =	sshllo.u32 s6, $0x1;
	s19 =	sshrl.u32 s7, $0x1;
	s20 =	sshrl.u32 s12, $0x2  }
0x9: {  	s23 =	sshrl.u32 s8, $0x3;
	s18 =	smul.u32 $0x27100, s22;
	s15 =	ssub.s32 s7, s19  }
0xa: {  	s17 =	sadd.s32 s8, s9;
	s6 =	sadd.s32 s20, s1;
	s12 =	sadd.s32 s13, s23  }
0xb: {  	s16 =	sadd.s32 s10, s16;
	s19 =	smul.u32 $0x2800, s22;
	s13 =	sadd.s32 s30, s13  }
0xc: {  	s20 =	simm.s32 $0x14900;
	s22 =	simm.s32 $0x18900;
	s23 =	simm.s32 $0x18980  }
0xd: {  	s21 =	sshrl.u32 s17, $0x3;
	s24 =	sadd.s32 s8, s18;
	s8 =	sadd.s32 $0x4E0, s12  }
0xe: {  	s25 =	sshll.u32 s16, $0x4;
	s17 =	sadd.s32 $0x27100, s17;
	s12 =	smax.u32 s15, $0x1  }
0xf: {  	s15 =	simm.s32 $0x14000;
	s16 =	simm.s32 $0x2;
	s18 =	simm.s32 $0x14880  }
0x10: {  	s5 =	sadd.s32 s21, s14;
	s26 =	sshrl.u32 s24, $0x3;
	s9 =	sadd.s32 s11, s25  }
0x11: {  	s10 =	sadd.s32 s10, s19;
	s31 =	sshrl.u32 s17, $0x3;
	s17 =	simm.s32 $0x14800  }
0x12: {  	s19 =	simm.s32 $0x80;
	s21 =	simm.s32 $0x1;
	s24 =	simm.s32 $0x10  }
0x13: {  	s25 =	simm.s32 $0x18A00;
	s2 =	sadd.s32 $0x4E0, s5;
	s28 =	sadd.s32 s14, s26  }
0x14: {  	s29 =	sshll.u32 s10, $0x4;
	s14 =	sadd.s32 s31, s14;
	s26 =	simm.s32 $0x0  }
0x15: {  	v0 =	vimm.f32 $0.0e+00;
	[dreg:$0x3] =	wrdreg s2;
	s10 =	sadd.s32 $0x4E0, s28;
	s11 =	sadd.s32 s11, s29  }
.LBB2_1:
0x16: {  	[tilespmem:$0x14000] =	vst v0  }
0x17: {  	[tilespmem:$0x14010] =	vst v0  }
0x18: {  	[tilespmem:$0x14020] =	vst v0  }
0x19: {  	[tilespmem:$0x14030] =	vst v0  }
0x1a: {  	[tilespmem:$0x14040] =	vst v0  }
0x1b: {  	[tilespmem:$0x14050] =	vst v0  }
0x1c: {  	[tilespmem:$0x14060] =	vst v0  }
0x1d: {  	[tilespmem:$0x14070] =	vst v0  }
0x1e: {  	[tilespmem:$0x14080] =	vst v0  }
0x1f: {  	[tilespmem:$0x14090] =	vst v0  }
0x20: {  	[tilespmem:$0x140A0] =	vst v0  }
0x21: {  	[tilespmem:$0x140B0] =	vst v0  }
0x22: {  	[tilespmem:$0x140C0] =	vst v0  }
0x23: {  	[tilespmem:$0x140D0] =	vst v0  }
0x24: {  	[tilespmem:$0x140E0] =	vst v0  }
0x25: {  	[tilespmem:$0x140F0] =	vst v0  }
0x26: {  	[tilespmem:$0x14100] =	vst v0  }
0x27: {  	[tilespmem:$0x14110] =	vst v0  }
0x28: {  	[tilespmem:$0x14120] =	vst v0  }
0x29: {  	[tilespmem:$0x14130] =	vst v0  }
0x2a: {  	[tilespmem:$0x14140] =	vst v0  }
0x2b: {  	[tilespmem:$0x14150] =	vst v0  }
0x2c: {  	[tilespmem:$0x14160] =	vst v0  }
0x2d: {  	[tilespmem:$0x14170] =	vst v0  }
0x2e: {  	[tilespmem:$0x14180] =	vst v0  }
0x2f: {  	[tilespmem:$0x14190] =	vst v0  }
0x30: {  	[tilespmem:$0x141A0] =	vst v0  }
0x31: {  	[tilespmem:$0x141B0] =	vst v0  }
0x32: {  	[tilespmem:$0x141C0] =	vst v0  }
0x33: {  	[tilespmem:$0x141D0] =	vst v0  }
0x34: {  	[tilespmem:$0x141E0] =	vst v0  }
0x35: {  	[tilespmem:$0x141F0] =	vst v0  }
0x36: {  	[tilespmem:$0x14200] =	vst v0  }
0x37: {  	[tilespmem:$0x14210] =	vst v0  }
0x38: {  	[tilespmem:$0x14220] =	vst v0  }
0x39: {  	[tilespmem:$0x14230] =	vst v0  }
0x3a: {  	[tilespmem:$0x14240] =	vst v0  }
0x3b: {  	[tilespmem:$0x14250] =	vst v0  }
0x3c: {  	[tilespmem:$0x14260] =	vst v0  }
0x3d: {  	[tilespmem:$0x14270] =	vst v0  }
0x3e: {  	[tilespmem:$0x14280] =	vst v0  }
0x3f: {  	[tilespmem:$0x14290] =	vst v0  }
0x40: {  	[tilespmem:$0x142A0] =	vst v0  }
0x41: {  	[tilespmem:$0x142B0] =	vst v0  }
0x42: {  	[tilespmem:$0x142C0] =	vst v0  }
0x43: {  	[tilespmem:$0x142D0] =	vst v0  }
0x44: {  	[tilespmem:$0x142E0] =	vst v0  }
0x45: {  	[tilespmem:$0x142F0] =	vst v0  }
0x46: {  	[tilespmem:$0x14300] =	vst v0  }
0x47: {  	[tilespmem:$0x14310] =	vst v0  }
0x48: {  	[tilespmem:$0x14320] =	vst v0  }
0x49: {  	[tilespmem:$0x14330] =	vst v0  }
0x4a: {  	[tilespmem:$0x14340] =	vst v0  }
0x4b: {  	[tilespmem:$0x14350] =	vst v0  }
0x4c: {  	[tilespmem:$0x14360] =	vst v0  }
0x4d: {  	[tilespmem:$0x14370] =	vst v0  }
0x4e: {  	[tilespmem:$0x14380] =	vst v0  }
0x4f: {  	[tilespmem:$0x14390] =	vst v0  }
0x50: {  	[tilespmem:$0x143A0] =	vst v0  }
0x51: {  	[tilespmem:$0x143B0] =	vst v0  }
0x52: {  	[tilespmem:$0x143C0] =	vst v0  }
0x53: {  	[tilespmem:$0x143D0] =	vst v0  }
0x54: {  	[tilespmem:$0x143E0] =	vst v0  }
0x55: {  	[tilespmem:$0x143F0] =	vst v0  }
0x56: {  	[tilespmem:$0x14400] =	vst v0  }
0x57: {  	[tilespmem:$0x14410] =	vst v0  }
0x58: {  	[tilespmem:$0x14420] =	vst v0  }
0x59: {  	[tilespmem:$0x14430] =	vst v0  }
0x5a: {  	[tilespmem:$0x14440] =	vst v0  }
0x5b: {  	[tilespmem:$0x14450] =	vst v0  }
0x5c: {  	[tilespmem:$0x14460] =	vst v0  }
0x5d: {  	[tilespmem:$0x14470] =	vst v0  }
0x5e: {  	[tilespmem:$0x14480] =	vst v0  }
0x5f: {  	[tilespmem:$0x14490] =	vst v0  }
0x60: {  	[tilespmem:$0x144A0] =	vst v0  }
0x61: {  	[tilespmem:$0x144B0] =	vst v0  }
0x62: {  	[tilespmem:$0x144C0] =	vst v0  }
0x63: {  	[tilespmem:$0x144D0] =	vst v0  }
0x64: {  	[tilespmem:$0x144E0] =	vst v0  }
0x65: {  	[tilespmem:$0x144F0] =	vst v0  }
0x66: {  	[tilespmem:$0x14500] =	vst v0  }
0x67: {  	[tilespmem:$0x14510] =	vst v0  }
0x68: {  	[tilespmem:$0x14520] =	vst v0  }
0x69: {  	[tilespmem:$0x14530] =	vst v0  }
0x6a: {  	[tilespmem:$0x14540] =	vst v0  }
0x6b: {  	[tilespmem:$0x14550] =	vst v0  }
0x6c: {  	[tilespmem:$0x14560] =	vst v0  }
0x6d: {  	[tilespmem:$0x14570] =	vst v0  }
0x6e: {  	[tilespmem:$0x14580] =	vst v0  }
0x6f: {  	[tilespmem:$0x14590] =	vst v0  }
0x70: {  	[tilespmem:$0x145A0] =	vst v0  }
0x71: {  	[tilespmem:$0x145B0] =	vst v0  }
0x72: {  	[tilespmem:$0x145C0] =	vst v0  }
0x73: {  	[tilespmem:$0x145D0] =	vst v0  }
0x74: {  	[tilespmem:$0x145E0] =	vst v0  }
0x75: {  	[tilespmem:$0x145F0] =	vst v0  }
0x76: {  	[tilespmem:$0x14600] =	vst v0  }
0x77: {  	[tilespmem:$0x14610] =	vst v0  }
0x78: {  	[tilespmem:$0x14620] =	vst v0  }
0x79: {  	[tilespmem:$0x14630] =	vst v0  }
0x7a: {  	[tilespmem:$0x14640] =	vst v0  }
0x7b: {  	[tilespmem:$0x14650] =	vst v0  }
0x7c: {  	[tilespmem:$0x14660] =	vst v0  }
0x7d: {  	[tilespmem:$0x14670] =	vst v0  }
0x7e: {  	[tilespmem:$0x14680] =	vst v0  }
0x7f: {  	[tilespmem:$0x14690] =	vst v0  }
0x80: {  	[tilespmem:$0x146A0] =	vst v0  }
0x81: {  	[tilespmem:$0x146B0] =	vst v0  }
0x82: {  	[tilespmem:$0x146C0] =	vst v0  }
0x83: {  	[tilespmem:$0x146D0] =	vst v0  }
0x84: {  	[tilespmem:$0x146E0] =	vst v0  }
0x85: {  	[tilespmem:$0x146F0] =	vst v0  }
0x86: {  	[tilespmem:$0x14700] =	vst v0  }
0x87: {  	[tilespmem:$0x14710] =	vst v0  }
0x88: {  	[tilespmem:$0x14720] =	vst v0  }
0x89: {  	[tilespmem:$0x14730] =	vst v0  }
0x8a: {  	[tilespmem:$0x14740] =	vst v0  }
0x8b: {  	[tilespmem:$0x14750] =	vst v0  }
0x8c: {  	[tilespmem:$0x14760] =	vst v0  }
0x8d: {  	[tilespmem:$0x14770] =	vst v0  }
0x8e: {  	[tilespmem:$0x14780] =	vst v0  }
0x8f: {  	[tilespmem:$0x14790] =	vst v0  }
0x90: {  	[tilespmem:$0x147A0] =	vst v0  }
0x91: {  	[tilespmem:$0x147B0] =	vst v0  }
0x92: {  	[tilespmem:$0x147C0] =	vst v0  }
0x93: {  	[tilespmem:$0x147D0] =	vst v0  }
0x94: {  	[tilespmem:$0x147E0] =	vst v0  }
0x95: {  	[tilespmem:$0x147F0] =	vst v0;
	s28 =	sadd.s32 $0x0, s6  }
0x96: {  	[spmem:s28] =	stream.linear.scatter [tilespmem:s15], [sflag:$0x2], $0x800, $0x38;
	[tilespmem:$0x19200] =	vst v63  }
0x97: {  	s28 =	simm.s32 $0x2000;
	_ =	swait.ge [sflag:s16], $0x800  }
.LBB2_2:
0x98: {  	s29 =	sshra.s32 s28, $0x2;
	[sflag:s16] =	ssyncset.done $0x0;
	p0 =	sne.s32 s28, $0x4E000  }
.Ltmp0:
0x99: {  	s29 =	sadd.s32 s29, s6;
	[sflag:s16] =	ssyncadd.s32 $0xFFFFF800;
	(pc) =	sbr.rel @p0 .LBB2_2-.Ltmp0, $3  }
0x9a: {  	[spmem:s29] =	stream.linear.scatter [tilespmem:s15], [sflag:$0x2], $0x800, $0x38;
	[tilespmem:$0x19200] =	vst v63  }
0x9b: {  	s28 =	sadd.s32 $0x2000, s28;
	_ =	sdelay $0x1  }
0x9c: {  	_ =	swait.ge [sflag:s16], $0x800  }
0x9d: {  	[sflag:s16] =	ssyncset.done $0x0  }
0x9e: {  	[sflag:s16] =	ssyncadd.s32 $0xFFFFF800  }
0x9f: {  	s28 =	sadd.s32 $0x0, s5;
	[bflag:$0x0] =	sbarrier.arrive $0xFFFF  }
0xa0: {  	[tilespmem:s17], [sflag:$0x2] =	stream.linear.gather [hbm4b:s28+s3], $0x80, $0x38;
	[tilespmem:$0x19200] =	vst v63  }
0xa1: {  	_ =	swait.ge [sflag:s16], $0x80  }
0xa2: {  	[sflag:s16] =	ssyncset.done $0x0  }
0xa3: {  	s28 =	sadd.s32 $0x0, s13;
	[sflag:s16] =	ssyncadd.s32 $0xFFFFFF80  }
0xa4: {  	[tilespmem:s18], [sflag:$0x2] =	stream.linear.gather [hbm4b:s28+s3], $0x80, $0x38;
	[tilespmem:$0x19200] =	vst v63  }
0xa5: {  	_ =	swait.ge [sflag:s16], $0x80  }
0xa6: {  	[sflag:s16] =	ssyncset.done $0x0  }
0xa7: {  	[sflag:s16] =	ssyncadd.s32 $0xFFFFFF80  }
0xa8: {  	[tilespmem:s20], [sflag:$0x1] =	stream.indirect.gather [hbm4b:s4+s19], $0x80, s17, s19, $0xb8;
	[tilespmem:$0x19200] =	vst v63  }
0xa9: {  	_ =	swait.ge [sflag:s21], $0x4000  }
0xaa: {  	[sflag:s21] =	ssyncset.done $0x0  }
0xab: {  	[sflag:s21] =	ssyncadd.s32 $0xFFFFC000  }
0xac: {  	[spmem:s1] =	stream.indirect.scatter.add.f32 [tilespmem:s20], [sflag:$0x2], $0x80, s18, s19, $0xb8;
	[tilespmem:$0x19200] =	vst v63  }
0xad: {  	_ =	swait.ge [sflag:s16], $0x4000  }
0xae: {  	s29 =	simm.s32 $0x20;
	s28 =	simm.s32 $0x10;
	[sflag:s16] =	ssyncset.done $0x0  }
.LBB2_4:
0xaf: {  	s30 =	sadd.s32 s28, s5  }
0xb0: {  	[sflag:s16] =	ssyncadd.s32 $0xFFFFC000;
	s31 =	smov.u32 s29;
	s0 =	sadd.s32 $0x10, s29  }
0xb1: {  	[tilespmem:s17], [sflag:$0x2] =	stream.linear.gather [hbm4b:s30+s3], $0x80, $0x38;
	[tilespmem:$0x19200] =	vst v63  }
0xb2: {  	p0 =	sne.s32 s29, $0x4D0;
	_ =	swait.ge [sflag:s16], $0x80  }
0xb3: {  	[sflag:s16] =	ssyncset.done $0x0  }
0xb4: {  	s29 =	sadd.s32 s28, s13;
	s28 =	smov.u32 s31;
	[sflag:s16] =	ssyncadd.s32 $0xFFFFFF80  }
0xb5: {  	[tilespmem:s18], [sflag:$0x2] =	stream.linear.gather [hbm4b:s29+s3], $0x80, $0x38;
	[tilespmem:$0x19200] =	vst v63  }
0xb6: {  	_ =	swait.ge [sflag:s16], $0x80  }
0xb7: {  	[sflag:s16] =	ssyncset.done $0x0  }
0xb8: {  	[sflag:s16] =	ssyncadd.s32 $0xFFFFFF80  }
0xb9: {  	[tilespmem:s20], [sflag:$0x1] =	stream.indirect.gather [hbm4b:s4+s19], $0x80, s17, s19, $0xb8;
	[tilespmem:$0x19200] =	vst v63  }
0xba: {  	_ =	swait.ge [sflag:s21], $0x4000  }
.Ltmp1:
0xbb: {  	[sflag:s21] =	ssyncset.done $0x0;
	(pc) =	sbr.rel @p0 .LBB2_4-.Ltmp1, $4  }
0xbc: {  	[sflag:s21] =	ssyncadd.s32 $0xFFFFC000  }
0xbd: {  	[spmem:s1] =	stream.indirect.scatter.add.f32 [tilespmem:s20], [sflag:$0x2], $0x80, s18, s19, $0xb8;
	[tilespmem:$0x19200] =	vst v63  }
0xbe: {  	_ =	swait.ge [sflag:s16], $0x4000  }
0xbf: {  	s29 =	smov.u32 s0;
	[sflag:s16] =	ssyncset.done $0x0  }
0xc0: {  	s0 =	sadd.s32 s28, s5;
	[sflag:s16] =	ssyncadd.s32 $0xFFFFC000  }
0xc1: {  	[tilespmem:s17], [sflag:$0x2] =	stream.linear.gather [hbm4b:s0+s3], $0x80, $0x38;
	[tilespmem:$0x19200] =	vst v63  }
0xc2: {  	_ =	swait.ge [sflag:s16], $0x80  }
0xc3: {  	[sflag:s16] =	ssyncset.done $0x0  }
0xc4: {  	s7 =	sadd.s32 s28, s13;
	[sflag:s16] =	ssyncadd.s32 $0xFFFFFF80  }
0xc5: {  	[tilespmem:s18], [sflag:$0x2] =	stream.linear.gather [hbm4b:s7+s3], $0x80, $0x38;
	[tilespmem:$0x19200] =	vst v63  }
0xc6: {  	_ =	swait.ge [sflag:s16], $0x80  }
0xc7: {  	[sflag:s16] =	ssyncset.done $0x0  }
0xc8: {  	[sflag:s16] =	ssyncadd.s32 $0xFFFFFF80  }
0xc9: {  	[tilespmem:s20], [sflag:$0x1] =	stream.indirect.gather [hbm4b:s4+s19], $0x80, s17, s19, $0xb8;
	[tilespmem:$0x19200] =	vst v63  }
0xca: {  	_ =	swait.ge [sflag:s21], $0x4000  }
0xcb: {  	[sflag:s21] =	ssyncset.done $0x0  }
0xcc: {  	[sflag:s21] =	ssyncadd.s32 $0xFFFFC000  }
0xcd: {  	[spmem:s1] =	stream.indirect.scatter.add.f32 [tilespmem:s20], [sflag:$0x2], $0x80, s18, s19, $0xb8;
	[tilespmem:$0x19200] =	vst v63  }
0xce: {  	_ =	swait.ge [sflag:s16], $0x4000  }
0xcf: {  	[sflag:s16] =	ssyncset.done $0x0  }
0xd0: {  	s31 =	simm.s32 $0x0;
	s2 =	rddreg [dreg:$0x3];
	[sflag:s16] =	ssyncadd.s32 $0xFFFFC000  }
0xd1: {  	[tilespmem:s22], [sflag:$0x2] =	stream.linear.gather [hbm4b:s2+s31], $0x10, $0x38;
	[tilespmem:$0x19200] =	vst v63  }
0xd2: {  	_ =	swait.ge [sflag:s16], $0x10  }
0xd3: {  	[sflag:s16] =	ssyncset.done $0x0  }
0xd4: {  	[sflag:s16] =	ssyncadd.s32 $0xFFFFFFF0  }
0xd5: {  	[tilespmem:s23], [sflag:$0x2] =	stream.linear.gather [hbm4b:s8+s31], $0x10, $0x38;
	[tilespmem:$0x19200] =	vst v63  }
0xd6: {  	_ =	swait.ge [sflag:s16], $0x10  }
0xd7: {  	[sflag:s16] =	ssyncset.done $0x0  }
0xd8: {  	[sflag:s16] =	ssyncadd.s32 $0xFFFFFFF0  }
0xd9: {  	[tilespmem:s25], [sflag:$0x1] =	stream.indirect.gather [hbm4b:s4+s24], $0x80, s22, s24, $0xb8;
	[tilespmem:$0x19200] =	vst v63  }
0xda: {  	_ =	swait.ge [sflag:s21], $0x800  }
0xdb: {  	[sflag:s21] =	ssyncset.done $0x0  }
0xdc: {  	[sflag:s21] =	ssyncadd.s32 $0xFFFFF800  }
0xdd: {  	[spmem:s1] =	stream.indirect.scatter.add.f32 [tilespmem:s25], [sflag:$0x2], $0x80, s23, s24, $0xb8;
	[tilespmem:$0x19200] =	vst v63  }
0xde: {  	_ =	swait.ge [sflag:s16], $0x800  }
0xdf: {  	s7 =	stileid.u32;
	[sflag:s16] =	ssyncset.done $0x0  }
0xe0: {  	s0 =	sshll.u32 s7, $0x6;
	[sflag:s16] =	ssyncadd.s32 $0xFFFFF800  }
0xe1: {  	s29 =	sshrl.u32 s6, $0x3;
	s28 =	sor.u32 $0x1C02, s0;
	[bflag:$0x0] =	sbarrier.arrive $0xFFFF  }
0xe2: {  	[hbm:s9], [sflag:s28] =	dma.local [spmem:s29], $0x2800  }
0xe3: {  	_ =	swait.ge [sflag:s16], $0x2800  }
0xe4: {  	[sflag:s16] =	ssyncset.done $0x0  }
0xe5: {  	[sflag:s16] =	ssyncadd.s32 $0xFFFFD800  }
0xe6: {  	s31 =	sadd.s32 $0x0, s6;
	[bflag:$0x0] =	sbarrier.arrive $0xFFFF  }
0xe7: {  	[spmem:s31] =	stream.linear.scatter [tilespmem:s15], [sflag:$0x2], $0x800, $0x38;
	[tilespmem:$0x19200] =	vst v63  }
0xe8: {  	s30 =	simm.s32 $0x2000;
	_ =	swait.ge [sflag:s16], $0x800  }
.LBB2_6:
0xe9: {  	s0 =	sshra.s32 s30, $0x2;
	[sflag:s16] =	ssyncset.done $0x0;
	p0 =	sne.s32 s30, $0x4E000  }
.Ltmp2:
0xea: {  	s0 =	sadd.s32 s0, s6;
	[sflag:s16] =	ssyncadd.s32 $0xFFFFF800;
	(pc) =	sbr.rel @p0 .LBB2_6-.Ltmp2, $3  }
0xeb: {  	[spmem:s0] =	stream.linear.scatter [tilespmem:s15], [sflag:$0x2], $0x800, $0x38;
	[tilespmem:$0x19200] =	vst v63  }
0xec: {  	s30 =	sadd.s32 $0x2000, s30;
	_ =	sdelay $0x1  }
0xed: {  	_ =	swait.ge [sflag:s16], $0x800  }
0xee: {  	[sflag:s16] =	ssyncset.done $0x0  }
0xef: {  	[sflag:s16] =	ssyncadd.s32 $0xFFFFF800  }
0xf0: {  	s0 =	sadd.s32 $0x0, s14;
	[bflag:$0x0] =	sbarrier.arrive $0xFFFF  }
0xf1: {  	[tilespmem:s17], [sflag:$0x2] =	stream.linear.gather [hbm4b:s0+s3], $0x80, $0x38;
	[tilespmem:$0x19200] =	vst v63  }
0xf2: {  	_ =	swait.ge [sflag:s16], $0x80  }
0xf3: {  	[sflag:s16] =	ssyncset.done $0x0  }
0xf4: {  	s7 =	sadd.s32 $0x0, s13;
	[sflag:s16] =	ssyncadd.s32 $0xFFFFFF80  }
0xf5: {  	[tilespmem:s18], [sflag:$0x2] =	stream.linear.gather [hbm4b:s7+s3], $0x80, $0x38;
	[tilespmem:$0x19200] =	vst v63  }
0xf6: {  	_ =	swait.ge [sflag:s16], $0x80  }
0xf7: {  	[sflag:s16] =	ssyncset.done $0x0  }
0xf8: {  	[sflag:s16] =	ssyncadd.s32 $0xFFFFFF80  }
0xf9: {  	[tilespmem:s20], [sflag:$0x1] =	stream.indirect.gather [hbm4b:s4+s19], $0x80, s17, s19, $0xb8;
	[tilespmem:$0x19200] =	vst v63  }
0xfa: {  	_ =	swait.ge [sflag:s21], $0x4000  }
0xfb: {  	[sflag:s21] =	ssyncset.done $0x0  }
0xfc: {  	[sflag:s21] =	ssyncadd.s32 $0xFFFFC000  }
0xfd: {  	[spmem:s1] =	stream.indirect.scatter.add.f32 [tilespmem:s20], [sflag:$0x2], $0x80, s18, s19, $0xb8;
	[tilespmem:$0x19200] =	vst v63  }
0xfe: {  	_ =	swait.ge [sflag:s16], $0x4000  }
0xff: {  	s30 =	simm.s32 $0x10;
	s31 =	simm.s32 $0x20;
	[sflag:s16] =	ssyncset.done $0x0  }
.LBB2_8:
0x100: {  	s0 =	sadd.s32 s30, s14  }
0x101: {  	[sflag:s16] =	ssyncadd.s32 $0xFFFFC000;
	s2 =	smov.u32 s31;
	s7 =	sadd.s32 $0x10, s31  }
0x102: {  	[tilespmem:s17], [sflag:$0x2] =	stream.linear.gather [hbm4b:s0+s3], $0x80, $0x38;
	[tilespmem:$0x19200] =	vst v63  }
0x103: {  	p0 =	sne.s32 s31, $0x4D0;
	_ =	swait.ge [sflag:s16], $0x80  }
0x104: {  	[sflag:s16] =	ssyncset.done $0x0  }
0x105: {  	s0 =	sadd.s32 s30, s13;
	s30 =	smov.u32 s2;
	[sflag:s16] =	ssyncadd.s32 $0xFFFFFF80  }
0x106: {  	[tilespmem:s18], [sflag:$0x2] =	stream.linear.gather [hbm4b:s0+s3], $0x80, $0x38;
	[tilespmem:$0x19200] =	vst v63  }
0x107: {  	_ =	swait.ge [sflag:s16], $0x80  }
0x108: {  	[sflag:s16] =	ssyncset.done $0x0  }
0x109: {  	[sflag:s16] =	ssyncadd.s32 $0xFFFFFF80  }
0x10a: {  	[tilespmem:s20], [sflag:$0x1] =	stream.indirect.gather [hbm4b:s4+s19], $0x80, s17, s19, $0xb8;
	[tilespmem:$0x19200] =	vst v63  }
0x10b: {  	_ =	swait.ge [sflag:s21], $0x4000  }
.Ltmp3:
0x10c: {  	[sflag:s21] =	ssyncset.done $0x0;
	(pc) =	sbr.rel @p0 .LBB2_8-.Ltmp3, $4  }
0x10d: {  	[sflag:s21] =	ssyncadd.s32 $0xFFFFC000  }
0x10e: {  	[spmem:s1] =	stream.indirect.scatter.add.f32 [tilespmem:s20], [sflag:$0x2], $0x80, s18, s19, $0xb8;
	[tilespmem:$0x19200] =	vst v63  }
0x10f: {  	_ =	swait.ge [sflag:s16], $0x4000  }
0x110: {  	s31 =	smov.u32 s7;
	[sflag:s16] =	ssyncset.done $0x0  }
0x111: {  	s0 =	sadd.s32 s30, s14;
	[sflag:s16] =	ssyncadd.s32 $0xFFFFC000  }
0x112: {  	[tilespmem:s17], [sflag:$0x2] =	stream.linear.gather [hbm4b:s0+s3], $0x80, $0x38;
	[tilespmem:$0x19200] =	vst v63  }
0x113: {  	_ =	swait.ge [sflag:s16], $0x80  }
0x114: {  	[sflag:s16] =	ssyncset.done $0x0  }
0x115: {  	s31 =	sadd.s32 s30, s13;
	[sflag:s16] =	ssyncadd.s32 $0xFFFFFF80  }
0x116: {  	[tilespmem:s18], [sflag:$0x2] =	stream.linear.gather [hbm4b:s31+s3], $0x80, $0x38;
	[tilespmem:$0x19200] =	vst v63  }
0x117: {  	_ =	swait.ge [sflag:s16], $0x80  }
0x118: {  	[sflag:s16] =	ssyncset.done $0x0  }
0x119: {  	[sflag:s16] =	ssyncadd.s32 $0xFFFFFF80  }
0x11a: {  	[tilespmem:s20], [sflag:$0x1] =	stream.indirect.gather [hbm4b:s4+s19], $0x80, s17, s19, $0xb8;
	[tilespmem:$0x19200] =	vst v63  }
0x11b: {  	_ =	swait.ge [sflag:s21], $0x4000  }
0x11c: {  	[sflag:s21] =	ssyncset.done $0x0  }
0x11d: {  	[sflag:s21] =	ssyncadd.s32 $0xFFFFC000  }
0x11e: {  	[spmem:s1] =	stream.indirect.scatter.add.f32 [tilespmem:s20], [sflag:$0x2], $0x80, s18, s19, $0xb8;
	[tilespmem:$0x19200] =	vst v63  }
0x11f: {  	_ =	swait.ge [sflag:s16], $0x4000  }
0x120: {  	[sflag:s16] =	ssyncset.done $0x0  }
0x121: {  	[sflag:s16] =	ssyncadd.s32 $0xFFFFC000  }
0x122: {  	[tilespmem:s22], [sflag:$0x2] =	stream.linear.gather [hbm4b:s10+s3], $0x10, $0x38;
	[tilespmem:$0x19200] =	vst v63  }
0x123: {  	_ =	swait.ge [sflag:s16], $0x10  }
0x124: {  	[sflag:s16] =	ssyncset.done $0x0  }
0x125: {  	[sflag:s16] =	ssyncadd.s32 $0xFFFFFFF0  }
0x126: {  	[tilespmem:s23], [sflag:$0x2] =	stream.linear.gather [hbm4b:s8+s3], $0x10, $0x38;
	[tilespmem:$0x19200] =	vst v63  }
0x127: {  	_ =	swait.ge [sflag:s16], $0x10  }
0x128: {  	[sflag:s16] =	ssyncset.done $0x0  }
0x129: {  	[sflag:s16] =	ssyncadd.s32 $0xFFFFFFF0  }
0x12a: {  	[tilespmem:s25], [sflag:$0x1] =	stream.indirect.gather [hbm4b:s4+s24], $0x80, s22, s24, $0xb8;
	[tilespmem:$0x19200] =	vst v63  }
0x12b: {  	_ =	swait.ge [sflag:s21], $0x800  }
0x12c: {  	[sflag:s21] =	ssyncset.done $0x0  }
0x12d: {  	[sflag:s21] =	ssyncadd.s32 $0xFFFFF800  }
0x12e: {  	[spmem:s1] =	stream.indirect.scatter.add.f32 [tilespmem:s25], [sflag:$0x2], $0x80, s23, s24, $0xb8;
	[tilespmem:$0x19200] =	vst v63  }
0x12f: {  	_ =	swait.ge [sflag:s16], $0x800  }
0x130: {  	s26 =	sadd.s32 $0x1, s26;
	[sflag:s16] =	ssyncset.done $0x0  }
0x131: {  	p0 =	sne.s32 s26, s12;
	[sflag:s16] =	ssyncadd.s32 $0xFFFFF800  }
.Ltmp4:
0x132: {  	[bflag:$0x0] =	sbarrier.arrive $0xFFFF;
	(pc) =	sbr.rel @p0 .LBB2_1-.Ltmp4, $4  }
0x133: {  	[hbm:s11], [sflag:s28] =	dma.local [spmem:s29], $0x2800  }
0x134: {  	_ =	swait.ge [sflag:s16], $0x2800  }
0x135: {  	[sflag:s16] =	ssyncset.done $0x0  }
0x136: {  	[sflag:s16] =	ssyncadd.s32 $0xFFFFD800  }
0x137: {  	_ =	sfence.sel $0x180000  }
0x138: {  	[bflag:$0x0] =	sbarrier.arrive $0xFFFF  }
0x139: {  	_ =	strace $0x90000050  }
0x13a: {  	s0 =	stileid.u32;
	[bflag:$0x2] =	sbarrier.arrive $0xFFFF  }
0x13b: {  	p0 =	sne.s32 s0, $0x0;
	s0 =	rddreg [dreg:$0x2]  }
0x13c: {  	s0 =	sadd.s32 @!p0 $0x100000, s0  }
0x13d: {  	[sflag:s0] =	ssyncadd.tile.s32 @!p0 $0x1;
	_ =	shalt  }
.Lfunc_end2:
_tile_overlayer_lowered:
.L_overlay_start_2:
0x13e: {  	(tag) =	ssettag $0x2  }
0x13f: {  	s0 =	rddreg [dreg:$0x0];
	s2 =	stileid.u32  }
0x140: {  	s1 =	rddreg [dreg:$0x1];
	p0 =	sne.s32 s2, $0x0  }
0x141: {  	s3 =	rddreg [dreg:$0x2];
	[bflag:$0x3] =	sbarrier.arrive $0xFFFF;
	s2 =	simm.s32 @!p0 $0x1C02  }
0x142: {  	[timem:s3], [sflag:s2] =	dma.local @!p0 [hbm:s0], s1  }
0x143: {  	s0 =	simm.s32 @!p0 $0x2  }
0x144: {  	_ =	swait.ge @!p0 [sflag:s0], s1  }
0x145: {  	s1 =	ssub.s32 @!p0 $0x0, s1;
	[sflag:s0] =	ssyncset.done @!p0 $0x0  }
0x146: {  	[sflag:s0] =	ssyncadd.s32 @!p0 s1  }
0x147: {  	[bflag:$0x3] =	sbarrier.arrive $0xFFFF  }
0x148: {  	_ =	shalt  }

</sc_bundles>
